<compile_context>
chip_gen: v7x
topology: tpu7x:2x2x1
jax: 0.10.2.dev20260603
libtpu: 0.0.44.dev20260713+nightly
codegen_flags: <defaults>
</compile_context>

<pallas_src>
import jax
import jax.numpy as jnp
from jax import lax
from jax.experimental import pallas as pl
from jax.experimental.pallas import tpu as pltpu
from jax.experimental.pallas import tpu_sc as plsc

N_PRED = 20000
M_GT = 1000
M_PAD = 1024
N_PAD = 20480

N_TC = 15360
BN = 1536
NSTEPS = N_TC // (2 * BN)
SC_ROWS = 160

NC = 2
NS = 16
NW = NC * NS
N_SC = N_PAD - N_TC
CH = N_SC // NW
GT_VREGS = M_PAD // 16


def _tc_body(pred_ref, gtT_ref, sc_ref, prob_ref, t_ref, acc_ref):
    i = pl.program_id(0)

    @pl.when(i == 0)
    def _init():
        acc_ref[...] = jnp.zeros_like(acc_ref)
        prob_ref[0, 0] = jnp.max(sc_ref[...])

    pred = pred_ref[...]
    px0 = pred[:, 0:1]
    py0 = pred[:, 1:2]
    px1 = pred[:, 2:3]
    py1 = pred[:, 3:4]

    g = gtT_ref[...]
    gx0 = g[0:1, :]
    gy0 = g[1:2, :]
    gx1 = g[2:3, :]
    gy1 = g[3:4, :]
    mask = (gx0 + gy0 + gx1 + gy1) != 0.0
    gx0 = jnp.where(mask, gx0, -2.0)
    gy0 = jnp.where(mask, gy0, -2.0)
    gx1 = jnp.where(mask, gx1, -1.0)
    gy1 = jnp.where(mask, gy1, -1.0)

    iw = jnp.maximum(jnp.minimum(px1, gx1) - jnp.maximum(px0, gx0), 0.0)
    ih = jnp.maximum(jnp.minimum(py1, gy1) - jnp.maximum(py0, gy0), 0.0)
    inter = iw * ih
    ap = (px1 - px0) * (py1 - py0)
    ag = (gx1 - gx0) * (gy1 - gy0)
    t = inter / (ap + ag)
    acc_ref[...] = jnp.maximum(acc_ref[...],
                               jnp.max(t, axis=0, keepdims=True))

    @pl.when(i == NSTEPS - 1)
    def _fin():
        t_ref[0, 0] = jnp.max(acc_ref[...])


def _run_tc(pred_p, gtT, sc_p, half):
    return pl.pallas_call(
        _tc_body,
        grid=(NSTEPS,),
        in_specs=[
            pl.BlockSpec((BN, 4), lambda i, h=half: (i + h * NSTEPS, 0)),
            pl.BlockSpec((8, M_PAD), lambda i: (0, 0)),
            pl.BlockSpec((SC_ROWS, 128), lambda i: (0, 0)),
        ],
        out_specs=[
            pl.BlockSpec(memory_space=pltpu.SMEM),
            pl.BlockSpec(memory_space=pltpu.SMEM),
        ],
        out_shape=[
            jax.ShapeDtypeStruct((1, 1), jnp.float32),
            jax.ShapeDtypeStruct((1, 1), jnp.float32),
        ],
        scratch_shapes=[pltpu.VMEM((1, M_PAD), jnp.float32)],
        compiler_params=pltpu.CompilerParams(
            dimension_semantics=("arbitrary",)),
        cost_estimate=pl.CostEstimate(
            flops=6 * N_TC * M_PAD, transcendentals=N_TC * M_PAD // 2,
            bytes_accessed=N_TC * 8 + M_PAD * 32 + SC_ROWS * 512),
    )(pred_p, gtT, sc_p)


def _sc_body(px0_h, py0_h, px1_h, py1_h, gt_h,
             t_out,
             px0_v, py0_v, px1_v, py1_v, gt_v, ag_v, ap_v, st_v):
    c = lax.axis_index("c")
    s = lax.axis_index("s")
    wid = s * NC + c
    base = wid * CH

    pltpu.sync_copy(px0_h.at[pl.ds(base, CH)], px0_v)
    pltpu.sync_copy(py0_h.at[pl.ds(base, CH)], py0_v)
    pltpu.sync_copy(px1_h.at[pl.ds(base, CH)], px1_v)
    pltpu.sync_copy(py1_h.at[pl.ds(base, CH)], py1_v)
    pltpu.sync_copy(gt_h, gt_v)

    def _prep(j, carry):
        sl = pl.ds(j * 16, 16)
        gx0 = gt_v[0, sl]
        gy0 = gt_v[1, sl]
        gx1 = gt_v[2, sl]
        gy1 = gt_v[3, sl]
        mask = (gx0 + gy0 + gx1 + gy1) != 0.0
        gx0 = jnp.where(mask, gx0, -2.0)
        gy0 = jnp.where(mask, gy0, -2.0)
        gx1 = jnp.where(mask, gx1, -1.0)
        gy1 = jnp.where(mask, gy1, -1.0)
        gt_v[0, sl] = gx0
        gt_v[1, sl] = gy0
        gt_v[2, sl] = gx1
        gt_v[3, sl] = gy1
        ag_v[sl] = (gx1 - gx0) * (gy1 - gy0)
        return carry
    lax.fori_loop(0, GT_VREGS, _prep, 0)

    def _aprep(k, carry):
        sl = pl.ds(k * 16, 16)
        ap_v[sl] = (px1_v[sl] - px0_v[sl]) * (py1_v[sl] - py0_v[sl])
        return carry
    lax.fori_loop(0, CH // 16, _aprep, 0)

    G = 8
    NCHUNK = GT_VREGS // G

    def _gt_chunk(cc, t_accG):
        gbase = cc * (G * 16)
        gx0 = [gt_v[0, pl.ds(gbase + r * 16, 16)] for r in range(G)]
        gy0 = [gt_v[1, pl.ds(gbase + r * 16, 16)] for r in range(G)]
        gx1 = [gt_v[2, pl.ds(gbase + r * 16, 16)] for r in range(G)]
        gy1 = [gt_v[3, pl.ds(gbase + r * 16, 16)] for r in range(G)]
        ag = [ag_v[pl.ds(gbase + r * 16, 16)] for r in range(G)]

        def _pred_chunk(k, accG):
            sk = pl.ds(k * 16, 16)
            xv0 = px0_v[sk]
            yv0 = py0_v[sk]
            xv1 = px1_v[sk]
            yv1 = py1_v[sk]
            apv = ap_v[sk]
            accs = list(accG)
            for u in range(16):
                x0 = xv0[u]
                y0 = yv0[u]
                x1 = xv1[u]
                y1 = yv1[u]
                ap = apv[u]
                for r in range(G):
                    iw = jnp.maximum(
                        jnp.minimum(gx1[r], x1) - jnp.maximum(gx0[r], x0),
                        0.0)
                    ih = jnp.maximum(
                        jnp.minimum(gy1[r], y1) - jnp.maximum(gy0[r], y0),
                        0.0)
                    t = (iw * ih) / (ag[r] + ap)
                    accs[r] = jnp.maximum(accs[r], t)
            return tuple(accs)

        return lax.fori_loop(0, CH // 16, _pred_chunk, t_accG)

    z = jnp.zeros((16,), jnp.float32)
    tG = lax.fori_loop(0, NCHUNK, _gt_chunk, (z,) * G)
    t_acc = tG[0]
    for r in range(1, G):
        t_acc = jnp.maximum(t_acc, tG[r])

    st_v[0, :] = t_acc
    pltpu.sync_copy(st_v.at[0], t_out.at[wid])


def _run_sc(px0, py0, px1, py1, gtc):
    f32 = jnp.float32
    mesh = plsc.VectorSubcoreMesh(core_axis_name="c", subcore_axis_name="s")
    return pl.kernel(
        _sc_body,
        out_type=jax.ShapeDtypeStruct((NW, 16), f32),
        mesh=mesh,
        scratch_types=[
            pltpu.VMEM((CH,), f32),
            pltpu.VMEM((CH,), f32),
            pltpu.VMEM((CH,), f32),
            pltpu.VMEM((CH,), f32),
            pltpu.VMEM((4, M_PAD), f32),
            pltpu.VMEM((M_PAD,), f32),
            pltpu.VMEM((CH,), f32),
            pltpu.VMEM((1, 16), f32),
        ],
        cost_estimate=pl.CostEstimate(
            flops=12 * N_SC * M_PAD, transcendentals=N_SC * M_PAD,
            bytes_accessed=N_SC * 16 + M_PAD * 16),
    )(px0, py0, px1, py1, gtc)


@jax.jit
def kernel(pred_boxes, scores, gt_boxes):
    n = pred_boxes.shape[0]
    m = gt_boxes.shape[0]
    f32 = jnp.float32
    gtT = jnp.zeros((8, M_PAD), f32).at[:4, :m].set(gt_boxes.T)
    sc_p = jnp.full((SC_ROWS * 128,), -jnp.inf, f32).at[:n].set(scores)
    sc_p = sc_p.reshape(SC_ROWS, 128)

    pad_pred = jnp.broadcast_to(
        jnp.array([-4.0, -4.0, -3.0, -3.0], f32), (N_PAD - n, 4))
    predT_sc = jnp.concatenate([pred_boxes[N_TC:], pad_pred], axis=0).T

    t_part = _run_sc(predT_sc[0], predT_sc[1], predT_sc[2], predT_sc[3], gtT[:4])
    prob, t_a = _run_tc(pred_boxes, gtT, sc_p, 0)
    _, t_b = _run_tc(pred_boxes, gtT, sc_p, 1)

    t = jnp.maximum(jnp.maximum(t_a[0, 0], t_b[0, 0]), jnp.max(t_part))
    return (prob[0, 0], t / (1.0 - t))

# --- scband reference (transcript-rebuilt; emitter-appended) ---
"""Pipeline reference for scband-max-extractor-52501680227023 (READ-ONLY COPY).

The authoritative reference and input builder live on the scoring server;
editing this copy changes nothing except your own understanding.
"""

import jax, jax.numpy as jnp
import numpy as np

N_PRED = 20000
M_GT = 1000
IMG = 512.0

def _make_boxes(key, n):
    raw = jax.random.uniform(key, (n, 4), dtype=jnp.float32) * IMG
    lo = jnp.minimum(raw[:, :2], raw[:, 2:])
    hi = jnp.maximum(raw[:, :2], raw[:, 2:])
    return jnp.concatenate([lo, hi], axis=-1)

def setup_inputs(seed: int = 0) -> dict:
    key = jax.random.key(seed)
    k1, k2, k3 = jax.random.split(key, 3)
    pred_boxes = _make_boxes(k1, N_PRED)
    gt_boxes = _make_boxes(k3, M_GT)
    scores = jax.random.uniform(k2, (N_PRED,), dtype=jnp.float32)
    return {"pred_boxes": pred_boxes, "scores": scores, "gt_boxes": gt_boxes}

def reference(pred_boxes, scores, gt_boxes):
    # mask out all-zero (padding) gt boxes, as in the original forward
    gt_mask = jnp.sum(gt_boxes, axis=-1) != 0  # [M]
    # pairwise intersection, vectorizing the original per-pred-box loop
    ixmin = jnp.maximum(gt_boxes[None, :, 0], pred_boxes[:, None, 0])  # [N, M]
    iymin = jnp.maximum(gt_boxes[None, :, 1], pred_boxes[:, None, 1])
    ixmax = jnp.minimum(gt_boxes[None, :, 2], pred_boxes[:, None, 2])
    iymax = jnp.minimum(gt_boxes[None, :, 3], pred_boxes[:, None, 3])
    iw = jnp.maximum(ixmax - ixmin, 0.0)
    ih = jnp.maximum(iymax - iymin, 0.0)
    inters = iw * ih
    area_pred = (pred_boxes[:, 2] - pred_boxes[:, 0]) * (pred_boxes[:, 3] - pred_boxes[:, 1])
    area_gt = (gt_boxes[:, 2] - gt_boxes[:, 0]) * (gt_boxes[:, 3] - gt_boxes[:, 1])
    uni = area_pred[:, None] + area_gt[None, :] - inters
    overlaps = inters / uni
    overlaps = jnp.where(gt_mask[None, :], overlaps, 0.0)
    max_iou_t = jnp.max(overlaps)
    max_prob_t = jnp.max(scores)
    return (max_prob_t, max_iou_t)

if __name__ == "__main__":
    import jax
    _d = setup_inputs()
    print(jax.jit(kernel)(*tuple(_d.values())))

</pallas_src>

<mosaic_0001>
#map = affine_map<(d0, d1) -> (0)>
#map1 = affine_map<(d0, d1) -> (0, 0)>
module attributes {stable_mosaic.version = 14 : i64} {
  func.func @_sc_body(%arg0: i32, %arg1: i32, %arg2: memref<5120xf32, #tpu.memory_space<hbm>>, %arg3: memref<5120xf32, #tpu.memory_space<hbm>>, %arg4: memref<5120xf32, #tpu.memory_space<hbm>>, %arg5: memref<5120xf32, #tpu.memory_space<hbm>>, %arg6: memref<4x1024xf32, #tpu.memory_space<hbm>>, %arg7: memref<32x16xf32, #tpu.memory_space<hbm>>, %arg8: memref<160xf32, #tpu.memory_space<vmem>>, %arg9: memref<160xf32, #tpu.memory_space<vmem>>, %arg10: memref<160xf32, #tpu.memory_space<vmem>>, %arg11: memref<160xf32, #tpu.memory_space<vmem>>, %arg12: memref<4x1024xf32, #tpu.memory_space<vmem>>, %arg13: memref<1024xf32, #tpu.memory_space<vmem>>, %arg14: memref<160xf32, #tpu.memory_space<vmem>>, %arg15: memref<1x16xf32, #tpu.memory_space<vmem>>) attributes {dimension_semantics = [#tpu.dimension_semantics<core_parallel>, #tpu.dimension_semantics<subcore_parallel>], iteration_bounds = array<i64: 2, 16>, scalar_prefetch = 0 : i64, scratch_operands = 8 : i64, tpu.core_type = #tpu.core_type<sc_vector_subcore>, window_params = [{transform_indices = #map}, {transform_indices = #map}, {transform_indices = #map}, {transform_indices = #map}, {transform_indices = #map1}, {transform_indices = #map1}]} {
    %mul3A = arith.constant 2 : i32
    %mul3A_0 = arith.muli %arg1, %mul3A : i32
    %add3A = arith.addi %mul3A_0, %arg0 : i32
    %mul3A_1 = arith.constant 160 : i32
    %mul3A_2 = arith.muli %add3A, %mul3A_1 : i32
    "tpu.region"() ({
      %run_scoped3A_32 = tpu.sem_alloc : memref<!tpu.dma_semaphore, #tpu.memory_space<semaphore_mem>>
      %dma_start3A = tpu.memref_slice %arg2[%mul3A_2] : memref<5120xf32, #tpu.memory_space<hbm>> -> memref<160xf32, #tpu.memory_space<hbm>>
      %dma_start3A_33 = tpu.memref_slice %arg2[%mul3A_2] : memref<5120xf32, #tpu.memory_space<hbm>> -> memref<160xf32, #tpu.memory_space<hbm>>
      tpu.enqueue_dma source(%dma_start3A_33 : memref<160xf32, #tpu.memory_space<hbm>>) target(%arg8 : memref<160xf32, #tpu.memory_space<vmem>>) target_semaphore(%run_scoped3A_32 : memref<!tpu.dma_semaphore, #tpu.memory_space<semaphore_mem>>)
      %dma_wait3A = tpu.memref_slice %arg2[%mul3A_2] : memref<5120xf32, #tpu.memory_space<hbm>> -> memref<160xf32, #tpu.memory_space<hbm>>
      %dma_wait3A_34 = tpu.memref_slice %arg2[%mul3A_2] : memref<5120xf32, #tpu.memory_space<hbm>> -> memref<160xf32, #tpu.memory_space<hbm>>
      tpu.wait_dma2 semaphore(%run_scoped3A_32 : memref<!tpu.dma_semaphore, #tpu.memory_space<semaphore_mem>>) src(%dma_wait3A_34 : memref<160xf32, #tpu.memory_space<hbm>>) dst(%arg8 : memref<160xf32, #tpu.memory_space<vmem>>)
      tpu.yield
    }) : () -> ()
    "tpu.region"() ({
      %run_scoped3A_32 = tpu.sem_alloc : memref<!tpu.dma_semaphore, #tpu.memory_space<semaphore_mem>>
      %dma_start3A = tpu.memref_slice %arg3[%mul3A_2] : memref<5120xf32, #tpu.memory_space<hbm>> -> memref<160xf32, #tpu.memory_space<hbm>>
      %dma_start3A_33 = tpu.memref_slice %arg3[%mul3A_2] : memref<5120xf32, #tpu.memory_space<hbm>> -> memref<160xf32, #tpu.memory_space<hbm>>
      tpu.enqueue_dma source(%dma_start3A_33 : memref<160xf32, #tpu.memory_space<hbm>>) target(%arg9 : memref<160xf32, #tpu.memory_space<vmem>>) target_semaphore(%run_scoped3A_32 : memref<!tpu.dma_semaphore, #tpu.memory_space<semaphore_mem>>)
      %dma_wait3A = tpu.memref_slice %arg3[%mul3A_2] : memref<5120xf32, #tpu.memory_space<hbm>> -> memref<160xf32, #tpu.memory_space<hbm>>
      %dma_wait3A_34 = tpu.memref_slice %arg3[%mul3A_2] : memref<5120xf32, #tpu.memory_space<hbm>> -> memref<160xf32, #tpu.memory_space<hbm>>
      tpu.wait_dma2 semaphore(%run_scoped3A_32 : memref<!tpu.dma_semaphore, #tpu.memory_space<semaphore_mem>>) src(%dma_wait3A_34 : memref<160xf32, #tpu.memory_space<hbm>>) dst(%arg9 : memref<160xf32, #tpu.memory_space<vmem>>)
      tpu.yield
    }) : () -> ()
    "tpu.region"() ({
      %run_scoped3A_32 = tpu.sem_alloc : memref<!tpu.dma_semaphore, #tpu.memory_space<semaphore_mem>>
      %dma_start3A = tpu.memref_slice %arg4[%mul3A_2] : memref<5120xf32, #tpu.memory_space<hbm>> -> memref<160xf32, #tpu.memory_space<hbm>>
      %dma_start3A_33 = tpu.memref_slice %arg4[%mul3A_2] : memref<5120xf32, #tpu.memory_space<hbm>> -> memref<160xf32, #tpu.memory_space<hbm>>
      tpu.enqueue_dma source(%dma_start3A_33 : memref<160xf32, #tpu.memory_space<hbm>>) target(%arg10 : memref<160xf32, #tpu.memory_space<vmem>>) target_semaphore(%run_scoped3A_32 : memref<!tpu.dma_semaphore, #tpu.memory_space<semaphore_mem>>)
      %dma_wait3A = tpu.memref_slice %arg4[%mul3A_2] : memref<5120xf32, #tpu.memory_space<hbm>> -> memref<160xf32, #tpu.memory_space<hbm>>
      %dma_wait3A_34 = tpu.memref_slice %arg4[%mul3A_2] : memref<5120xf32, #tpu.memory_space<hbm>> -> memref<160xf32, #tpu.memory_space<hbm>>
      tpu.wait_dma2 semaphore(%run_scoped3A_32 : memref<!tpu.dma_semaphore, #tpu.memory_space<semaphore_mem>>) src(%dma_wait3A_34 : memref<160xf32, #tpu.memory_space<hbm>>) dst(%arg10 : memref<160xf32, #tpu.memory_space<vmem>>)
      tpu.yield
    }) : () -> ()
    "tpu.region"() ({
      %run_scoped3A_32 = tpu.sem_alloc : memref<!tpu.dma_semaphore, #tpu.memory_space<semaphore_mem>>
      %dma_start3A = tpu.memref_slice %arg5[%mul3A_2] : memref<5120xf32, #tpu.memory_space<hbm>> -> memref<160xf32, #tpu.memory_space<hbm>>
      %dma_start3A_33 = tpu.memref_slice %arg5[%mul3A_2] : memref<5120xf32, #tpu.memory_space<hbm>> -> memref<160xf32, #tpu.memory_space<hbm>>
      tpu.enqueue_dma source(%dma_start3A_33 : memref<160xf32, #tpu.memory_space<hbm>>) target(%arg11 : memref<160xf32, #tpu.memory_space<vmem>>) target_semaphore(%run_scoped3A_32 : memref<!tpu.dma_semaphore, #tpu.memory_space<semaphore_mem>>)
      %dma_wait3A = tpu.memref_slice %arg5[%mul3A_2] : memref<5120xf32, #tpu.memory_space<hbm>> -> memref<160xf32, #tpu.memory_space<hbm>>
      %dma_wait3A_34 = tpu.memref_slice %arg5[%mul3A_2] : memref<5120xf32, #tpu.memory_space<hbm>> -> memref<160xf32, #tpu.memory_space<hbm>>
      tpu.wait_dma2 semaphore(%run_scoped3A_32 : memref<!tpu.dma_semaphore, #tpu.memory_space<semaphore_mem>>) src(%dma_wait3A_34 : memref<160xf32, #tpu.memory_space<hbm>>) dst(%arg11 : memref<160xf32, #tpu.memory_space<vmem>>)
      tpu.yield
    }) : () -> ()
    "tpu.region"() ({
      %run_scoped3A_32 = tpu.sem_alloc : memref<!tpu.dma_semaphore, #tpu.memory_space<semaphore_mem>>
      tpu.enqueue_dma source(%arg6 : memref<4x1024xf32, #tpu.memory_space<hbm>>) target(%arg12 : memref<4x1024xf32, #tpu.memory_space<vmem>>) target_semaphore(%run_scoped3A_32 : memref<!tpu.dma_semaphore, #tpu.memory_space<semaphore_mem>>)
      tpu.wait_dma2 semaphore(%run_scoped3A_32 : memref<!tpu.dma_semaphore, #tpu.memory_space<semaphore_mem>>) src(%arg6 : memref<4x1024xf32, #tpu.memory_space<hbm>>) dst(%arg12 : memref<4x1024xf32, #tpu.memory_space<vmem>>)
      tpu.yield
    }) : () -> ()
    %scan3A = arith.constant 0 : i32
    %scan3A_3 = arith.constant 0 : i32
    %scan3A_4 = arith.constant 64 : i32
    %scan3A_5 = arith.addi %scan3A_3, %scan3A_4 : i32
    %scan3A_6 = arith.constant 1 : i32
    scf.for %scan3A_32 = %scan3A_3 to %scan3A_5 step %scan3A_6  : i32 {
      %mul3A_33 = arith.constant 16 : i32
      %mul3A_34 = arith.muli %scan3A_32, %mul3A_33 : i32
      %get3A = arith.constant 0 : i32
      %get3A_35 = arith.index_cast %get3A : i32 to index
      %get3A_36 = arith.index_cast %mul3A_34 : i32 to index
      %get3A_37 = tpu.vector_load %arg12[%get3A_35, %get3A_36] {strides = array<i32>} : memref<4x1024xf32, #tpu.memory_space<vmem>>, vector<1x16xf32>,
      %get3A_38 = vector.shape_cast %get3A_37 : vector<1x16xf32> to vector<16xf32>
      %get3A_39 = arith.constant 1 : i32
      %get3A_40 = arith.index_cast %get3A_39 : i32 to index
      %get3A_41 = arith.index_cast %mul3A_34 : i32 to index
      %get3A_42 = tpu.vector_load %arg12[%get3A_40, %get3A_41] {strides = array<i32>} : memref<4x1024xf32, #tpu.memory_space<vmem>>, vector<1x16xf32>,
      %get3A_43 = vector.shape_cast %get3A_42 : vector<1x16xf32> to vector<16xf32>
      %get3A_44 = arith.constant 2 : i32
      %get3A_45 = arith.index_cast %get3A_44 : i32 to index
      %get3A_46 = arith.index_cast %mul3A_34 : i32 to index
      %get3A_47 = tpu.vector_load %arg12[%get3A_45, %get3A_46] {strides = array<i32>} : memref<4x1024xf32, #tpu.memory_space<vmem>>, vector<1x16xf32>,
      %get3A_48 = vector.shape_cast %get3A_47 : vector<1x16xf32> to vector<16xf32>
      %get3A_49 = arith.constant 3 : i32
      %get3A_50 = arith.index_cast %get3A_49 : i32 to index
      %get3A_51 = arith.index_cast %mul3A_34 : i32 to index
      %get3A_52 = tpu.vector_load %arg12[%get3A_50, %get3A_51] {strides = array<i32>} : memref<4x1024xf32, #tpu.memory_space<vmem>>, vector<1x16xf32>,
      %get3A_53 = vector.shape_cast %get3A_52 : vector<1x16xf32> to vector<16xf32>
      %add3A_54 = arith.addf %get3A_38, %get3A_43 : vector<16xf32>
      %add3A_55 = arith.addf %add3A_54, %get3A_48 : vector<16xf32>
      %add3A_56 = arith.addf %add3A_55, %get3A_53 : vector<16xf32>
      %ne3A = arith.constant 0.000000e+00 : f32
      %ne3A_57 = vector.broadcast %ne3A : f32 to vector<16xf32>
      %ne3A_58 = arith.cmpf one, %add3A_56, %ne3A_57 : vector<16xf32>
      %jit3A = arith.constant -2.000000e+00 : f32
      %broadcast_in_dim3A_59 = vector.broadcast %jit3A : f32 to vector<16xf32>
      %select_n3A = arith.select %ne3A_58, %get3A_38, %broadcast_in_dim3A_59 : vector<16xi1>, vector<16xf32>
      %jit3A_60 = arith.constant -2.000000e+00 : f32
      %broadcast_in_dim3A_61 = vector.broadcast %jit3A_60 : f32 to vector<16xf32>
      %select_n3A_62 = arith.select %ne3A_58, %get3A_43, %broadcast_in_dim3A_61 : vector<16xi1>, vector<16xf32>
      %jit3A_63 = arith.constant -1.000000e+00 : f32
      %broadcast_in_dim3A_64 = vector.broadcast %jit3A_63 : f32 to vector<16xf32>
      %select_n3A_65 = arith.select %ne3A_58, %get3A_48, %broadcast_in_dim3A_64 : vector<16xi1>, vector<16xf32>
      %jit3A_66 = arith.constant -1.000000e+00 : f32
      %broadcast_in_dim3A_67 = vector.broadcast %jit3A_66 : f32 to vector<16xf32>
      %select_n3A_68 = arith.select %ne3A_58, %get3A_53, %broadcast_in_dim3A_67 : vector<16xi1>, vector<16xf32>
      %swap3A_69 = arith.constant 0 : i32
      %swap3A_70 = arith.index_cast %swap3A_69 : i32 to index
      %swap3A_71 = arith.index_cast %mul3A_34 : i32 to index
      %swap3A_72 = tpu.vector_load %arg12[%swap3A_70, %swap3A_71] {strides = array<i32>} : memref<4x1024xf32, #tpu.memory_space<vmem>>, vector<1x16xf32>,
      %swap3A_73 = vector.shape_cast %swap3A_72 : vector<1x16xf32> to vector<16xf32>
      %swap3A_74 = vector.shape_cast %select_n3A : vector<16xf32> to vector<1x16xf32>
      tpu.vector_store %arg12[%swap3A_70, %swap3A_71], %swap3A_74 {strides = array<i32>} : memref<4x1024xf32, #tpu.memory_space<vmem>>, vector<1x16xf32>,
      %swap3A_75 = arith.constant 1 : i32
      %swap3A_76 = arith.index_cast %swap3A_75 : i32 to index
      %swap3A_77 = arith.index_cast %mul3A_34 : i32 to index
      %swap3A_78 = tpu.vector_load %arg12[%swap3A_76, %swap3A_77] {strides = array<i32>} : memref<4x1024xf32, #tpu.memory_space<vmem>>, vector<1x16xf32>,
      %swap3A_79 = vector.shape_cast %swap3A_78 : vector<1x16xf32> to vector<16xf32>
      %swap3A_80 = vector.shape_cast %select_n3A_62 : vector<16xf32> to vector<1x16xf32>
      tpu.vector_store %arg12[%swap3A_76, %swap3A_77], %swap3A_80 {strides = array<i32>} : memref<4x1024xf32, #tpu.memory_space<vmem>>, vector<1x16xf32>,
      %swap3A_81 = arith.constant 2 : i32
      %swap3A_82 = arith.index_cast %swap3A_81 : i32 to index
      %swap3A_83 = arith.index_cast %mul3A_34 : i32 to index
      %swap3A_84 = tpu.vector_load %arg12[%swap3A_82, %swap3A_83] {strides = array<i32>} : memref<4x1024xf32, #tpu.memory_space<vmem>>, vector<1x16xf32>,
      %swap3A_85 = vector.shape_cast %swap3A_84 : vector<1x16xf32> to vector<16xf32>
      %swap3A_86 = vector.shape_cast %select_n3A_65 : vector<16xf32> to vector<1x16xf32>
      tpu.vector_store %arg12[%swap3A_82, %swap3A_83], %swap3A_86 {strides = array<i32>} : memref<4x1024xf32, #tpu.memory_space<vmem>>, vector<1x16xf32>,
      %swap3A_87 = arith.constant 3 : i32
      %swap3A_88 = arith.index_cast %swap3A_87 : i32 to index
      %swap3A_89 = arith.index_cast %mul3A_34 : i32 to index
      %swap3A_90 = tpu.vector_load %arg12[%swap3A_88, %swap3A_89] {strides = array<i32>} : memref<4x1024xf32, #tpu.memory_space<vmem>>, vector<1x16xf32>,
      %swap3A_91 = vector.shape_cast %swap3A_90 : vector<1x16xf32> to vector<16xf32>
      %swap3A_92 = vector.shape_cast %select_n3A_68 : vector<16xf32> to vector<1x16xf32>
      tpu.vector_store %arg12[%swap3A_88, %swap3A_89], %swap3A_92 {strides = array<i32>} : memref<4x1024xf32, #tpu.memory_space<vmem>>, vector<1x16xf32>,
      %sub3A = arith.subf %select_n3A_65, %select_n3A : vector<16xf32>
      %sub3A_93 = arith.subf %select_n3A_68, %select_n3A_62 : vector<16xf32>
      %mul3A_94 = arith.mulf %sub3A, %sub3A_93 : vector<16xf32>
      %swap3A_95 = arith.index_cast %mul3A_34 : i32 to index
      %swap3A_96 = tpu.vector_load %arg13[%swap3A_95] {strides = array<i32>} : memref<1024xf32, #tpu.memory_space<vmem>>, vector<16xf32>,
      %swap3A_97 = vector.shape_cast %swap3A_96 : vector<16xf32> to vector<16xf32>
      %swap3A_98 = vector.shape_cast %mul3A_94 : vector<16xf32> to vector<16xf32>
      tpu.vector_store %arg13[%swap3A_95], %swap3A_98 {strides = array<i32>} : memref<1024xf32, #tpu.memory_space<vmem>>, vector<16xf32>,
    }
    %scan3A_7 = arith.constant 64 : i32
    %scan3A_8 = arith.constant 0 : i32
    %scan3A_9 = arith.constant 0 : i32
    %scan3A_10 = arith.constant 10 : i32
    %scan3A_11 = arith.addi %scan3A_9, %scan3A_10 : i32
    %scan3A_12 = arith.constant 1 : i32
    scf.for %scan3A_32 = %scan3A_9 to %scan3A_11 step %scan3A_12  : i32 {
      %mul3A_33 = arith.constant 16 : i32
      %mul3A_34 = arith.muli %scan3A_32, %mul3A_33 : i32
      %get3A = arith.index_cast %mul3A_34 : i32 to index
      %get3A_35 = tpu.vector_load %arg10[%get3A] {strides = array<i32>} : memref<160xf32, #tpu.memory_space<vmem>>, vector<16xf32>,
      %get3A_36 = vector.shape_cast %get3A_35 : vector<16xf32> to vector<16xf32>
      %get3A_37 = arith.index_cast %mul3A_34 : i32 to index
      %get3A_38 = tpu.vector_load %arg8[%get3A_37] {strides = array<i32>} : memref<160xf32, #tpu.memory_space<vmem>>, vector<16xf32>,
      %get3A_39 = vector.shape_cast %get3A_38 : vector<16xf32> to vector<16xf32>
      %sub3A = arith.subf %get3A_36, %get3A_39 : vector<16xf32>
      %get3A_40 = arith.index_cast %mul3A_34 : i32 to index
      %get3A_41 = tpu.vector_load %arg11[%get3A_40] {strides = array<i32>} : memref<160xf32, #tpu.memory_space<vmem>>, vector<16xf32>,
      %get3A_42 = vector.shape_cast %get3A_41 : vector<16xf32> to vector<16xf32>
      %get3A_43 = arith.index_cast %mul3A_34 : i32 to index
      %get3A_44 = tpu.vector_load %arg9[%get3A_43] {strides = array<i32>} : memref<160xf32, #tpu.memory_space<vmem>>, vector<16xf32>,
      %get3A_45 = vector.shape_cast %get3A_44 : vector<16xf32> to vector<16xf32>
      %sub3A_46 = arith.subf %get3A_42, %get3A_45 : vector<16xf32>
      %mul3A_47 = arith.mulf %sub3A, %sub3A_46 : vector<16xf32>
      %swap3A_48 = arith.index_cast %mul3A_34 : i32 to index
      %swap3A_49 = tpu.vector_load %arg14[%swap3A_48] {strides = array<i32>} : memref<160xf32, #tpu.memory_space<vmem>>, vector<16xf32>,
      %swap3A_50 = vector.shape_cast %swap3A_49 : vector<16xf32> to vector<16xf32>
      %swap3A_51 = vector.shape_cast %mul3A_47 : vector<16xf32> to vector<16xf32>
      tpu.vector_store %arg14[%swap3A_48], %swap3A_51 {strides = array<i32>} : memref<160xf32, #tpu.memory_space<vmem>>, vector<16xf32>,
    }
    %scan3A_13 = arith.constant 10 : i32
    %broadcast_in_dim3A = arith.constant 0.000000e+00 : f32
    %broadcast_in_dim3A_14 = vector.broadcast %broadcast_in_dim3A : f32 to vector<16xf32>
    %scan3A_15 = arith.constant 0 : i32
    %scan3A_16 = arith.constant 8 : i32
    %scan3A_17 = arith.addi %scan3A_15, %scan3A_16 : i32
    %scan3A_18 = arith.constant 1 : i32
    %scan3A_19:8 = scf.for %scan3A_32 = %scan3A_15 to %scan3A_17 step %scan3A_18 iter_args(%scan3A_33 = %broadcast_in_dim3A_14, %scan3A_34 = %broadcast_in_dim3A_14, %scan3A_35 = %broadcast_in_dim3A_14, %scan3A_36 = %broadcast_in_dim3A_14, %scan3A_37 = %broadcast_in_dim3A_14, %scan3A_38 = %broadcast_in_dim3A_14, %scan3A_39 = %broadcast_in_dim3A_14, %scan3A_40 = %broadcast_in_dim3A_14) -> (vector<16xf32>, vector<16xf32>, vector<16xf32>, vector<16xf32>, vector<16xf32>, vector<16xf32>, vector<16xf32>, vector<16xf32>)  : i32 {
      %mul3A_41 = arith.constant 128 : i32
      %mul3A_42 = arith.muli %scan3A_32, %mul3A_41 : i32
      %add3A_43 = arith.constant 0 : i32
      %add3A_44 = arith.addi %mul3A_42, %add3A_43 : i32
      %get3A = arith.constant 0 : i32
      %get3A_45 = arith.index_cast %get3A : i32 to index
      %get3A_46 = arith.index_cast %add3A_44 : i32 to index
      %get3A_47 = tpu.vector_load %arg12[%get3A_45, %get3A_46] {strides = array<i32>} : memref<4x1024xf32, #tpu.memory_space<vmem>>, vector<1x16xf32>,
      %get3A_48 = vector.shape_cast %get3A_47 : vector<1x16xf32> to vector<16xf32>
      %add3A_49 = arith.constant 16 : i32
      %add3A_50 = arith.addi %mul3A_42, %add3A_49 : i32
      %get3A_51 = arith.constant 0 : i32
      %get3A_52 = arith.index_cast %get3A_51 : i32 to index
      %get3A_53 = arith.index_cast %add3A_50 : i32 to index
      %get3A_54 = tpu.vector_load %arg12[%get3A_52, %get3A_53] {strides = array<i32>} : memref<4x1024xf32, #tpu.memory_space<vmem>>, vector<1x16xf32>,
      %get3A_55 = vector.shape_cast %get3A_54 : vector<1x16xf32> to vector<16xf32>
      %add3A_56 = arith.constant 32 : i32
      %add3A_57 = arith.addi %mul3A_42, %add3A_56 : i32
      %get3A_58 = arith.constant 0 : i32
      %get3A_59 = arith.index_cast %get3A_58 : i32 to index
      %get3A_60 = arith.index_cast %add3A_57 : i32 to index
      %get3A_61 = tpu.vector_load %arg12[%get3A_59, %get3A_60] {strides = array<i32>} : memref<4x1024xf32, #tpu.memory_space<vmem>>, vector<1x16xf32>,
      %get3A_62 = vector.shape_cast %get3A_61 : vector<1x16xf32> to vector<16xf32>
      %add3A_63 = arith.constant 48 : i32
      %add3A_64 = arith.addi %mul3A_42, %add3A_63 : i32
      %get3A_65 = arith.constant 0 : i32
      %get3A_66 = arith.index_cast %get3A_65 : i32 to index
      %get3A_67 = arith.index_cast %add3A_64 : i32 to index
      %get3A_68 = tpu.vector_load %arg12[%get3A_66, %get3A_67] {strides = array<i32>} : memref<4x1024xf32, #tpu.memory_space<vmem>>, vector<1x16xf32>,
      %get3A_69 = vector.shape_cast %get3A_68 : vector<1x16xf32> to vector<16xf32>
      %add3A_70 = arith.constant 64 : i32
      %add3A_71 = arith.addi %mul3A_42, %add3A_70 : i32
      %get3A_72 = arith.constant 0 : i32
      %get3A_73 = arith.index_cast %get3A_72 : i32 to index
      %get3A_74 = arith.index_cast %add3A_71 : i32 to index
      %get3A_75 = tpu.vector_load %arg12[%get3A_73, %get3A_74] {strides = array<i32>} : memref<4x1024xf32, #tpu.memory_space<vmem>>, vector<1x16xf32>,
      %get3A_76 = vector.shape_cast %get3A_75 : vector<1x16xf32> to vector<16xf32>
      %add3A_77 = arith.constant 80 : i32
      %add3A_78 = arith.addi %mul3A_42, %add3A_77 : i32
      %get3A_79 = arith.constant 0 : i32
      %get3A_80 = arith.index_cast %get3A_79 : i32 to index
      %get3A_81 = arith.index_cast %add3A_78 : i32 to index
      %get3A_82 = tpu.vector_load %arg12[%get3A_80, %get3A_81] {strides = array<i32>} : memref<4x1024xf32, #tpu.memory_space<vmem>>, vector<1x16xf32>,
      %get3A_83 = vector.shape_cast %get3A_82 : vector<1x16xf32> to vector<16xf32>
      %add3A_84 = arith.constant 96 : i32
      %add3A_85 = arith.addi %mul3A_42, %add3A_84 : i32
      %get3A_86 = arith.constant 0 : i32
      %get3A_87 = arith.index_cast %get3A_86 : i32 to index
      %get3A_88 = arith.index_cast %add3A_85 : i32 to index
      %get3A_89 = tpu.vector_load %arg12[%get3A_87, %get3A_88] {strides = array<i32>} : memref<4x1024xf32, #tpu.memory_space<vmem>>, vector<1x16xf32>,
      %get3A_90 = vector.shape_cast %get3A_89 : vector<1x16xf32> to vector<16xf32>
      %add3A_91 = arith.constant 112 : i32
      %add3A_92 = arith.addi %mul3A_42, %add3A_91 : i32
      %get3A_93 = arith.constant 0 : i32
      %get3A_94 = arith.index_cast %get3A_93 : i32 to index
      %get3A_95 = arith.index_cast %add3A_92 : i32 to index
      %get3A_96 = tpu.vector_load %arg12[%get3A_94, %get3A_95] {strides = array<i32>} : memref<4x1024xf32, #tpu.memory_space<vmem>>, vector<1x16xf32>,
      %get3A_97 = vector.shape_cast %get3A_96 : vector<1x16xf32> to vector<16xf32>
      %add3A_98 = arith.constant 0 : i32
      %add3A_99 = arith.addi %mul3A_42, %add3A_98 : i32
      %get3A_100 = arith.constant 1 : i32
      %get3A_101 = arith.index_cast %get3A_100 : i32 to index
      %get3A_102 = arith.index_cast %add3A_99 : i32 to index
      %get3A_103 = tpu.vector_load %arg12[%get3A_101, %get3A_102] {strides = array<i32>} : memref<4x1024xf32, #tpu.memory_space<vmem>>, vector<1x16xf32>,
      %get3A_104 = vector.shape_cast %get3A_103 : vector<1x16xf32> to vector<16xf32>
      %add3A_105 = arith.constant 16 : i32
      %add3A_106 = arith.addi %mul3A_42, %add3A_105 : i32
      %get3A_107 = arith.constant 1 : i32
      %get3A_108 = arith.index_cast %get3A_107 : i32 to index
      %get3A_109 = arith.index_cast %add3A_106 : i32 to index
      %get3A_110 = tpu.vector_load %arg12[%get3A_108, %get3A_109] {strides = array<i32>} : memref<4x1024xf32, #tpu.memory_space<vmem>>, vector<1x16xf32>,
      %get3A_111 = vector.shape_cast %get3A_110 : vector<1x16xf32> to vector<16xf32>
      %add3A_112 = arith.constant 32 : i32
      %add3A_113 = arith.addi %mul3A_42, %add3A_112 : i32
      %get3A_114 = arith.constant 1 : i32
      %get3A_115 = arith.index_cast %get3A_114 : i32 to index
      %get3A_116 = arith.index_cast %add3A_113 : i32 to index
      %get3A_117 = tpu.vector_load %arg12[%get3A_115, %get3A_116] {strides = array<i32>} : memref<4x1024xf32, #tpu.memory_space<vmem>>, vector<1x16xf32>,
      %get3A_118 = vector.shape_cast %get3A_117 : vector<1x16xf32> to vector<16xf32>
      %add3A_119 = arith.constant 48 : i32
      %add3A_120 = arith.addi %mul3A_42, %add3A_119 : i32
      %get3A_121 = arith.constant 1 : i32
      %get3A_122 = arith.index_cast %get3A_121 : i32 to index
      %get3A_123 = arith.index_cast %add3A_120 : i32 to index
      %get3A_124 = tpu.vector_load %arg12[%get3A_122, %get3A_123] {strides = array<i32>} : memref<4x1024xf32, #tpu.memory_space<vmem>>, vector<1x16xf32>,
      %get3A_125 = vector.shape_cast %get3A_124 : vector<1x16xf32> to vector<16xf32>
      %add3A_126 = arith.constant 64 : i32
      %add3A_127 = arith.addi %mul3A_42, %add3A_126 : i32
      %get3A_128 = arith.constant 1 : i32
      %get3A_129 = arith.index_cast %get3A_128 : i32 to index
      %get3A_130 = arith.index_cast %add3A_127 : i32 to index
      %get3A_131 = tpu.vector_load %arg12[%get3A_129, %get3A_130] {strides = array<i32>} : memref<4x1024xf32, #tpu.memory_space<vmem>>, vector<1x16xf32>,
      %get3A_132 = vector.shape_cast %get3A_131 : vector<1x16xf32> to vector<16xf32>
      %add3A_133 = arith.constant 80 : i32
      %add3A_134 = arith.addi %mul3A_42, %add3A_133 : i32
      %get3A_135 = arith.constant 1 : i32
      %get3A_136 = arith.index_cast %get3A_135 : i32 to index
      %get3A_137 = arith.index_cast %add3A_134 : i32 to index
      %get3A_138 = tpu.vector_load %arg12[%get3A_136, %get3A_137] {strides = array<i32>} : memref<4x1024xf32, #tpu.memory_space<vmem>>, vector<1x16xf32>,
      %get3A_139 = vector.shape_cast %get3A_138 : vector<1x16xf32> to vector<16xf32>
      %add3A_140 = arith.constant 96 : i32
      %add3A_141 = arith.addi %mul3A_42, %add3A_140 : i32
      %get3A_142 = arith.constant 1 : i32
      %get3A_143 = arith.index_cast %get3A_142 : i32 to index
      %get3A_144 = arith.index_cast %add3A_141 : i32 to index
      %get3A_145 = tpu.vector_load %arg12[%get3A_143, %get3A_144] {strides = array<i32>} : memref<4x1024xf32, #tpu.memory_space<vmem>>, vector<1x16xf32>,
      %get3A_146 = vector.shape_cast %get3A_145 : vector<1x16xf32> to vector<16xf32>
      %add3A_147 = arith.constant 112 : i32
      %add3A_148 = arith.addi %mul3A_42, %add3A_147 : i32
      %get3A_149 = arith.constant 1 : i32
      %get3A_150 = arith.index_cast %get3A_149 : i32 to index
      %get3A_151 = arith.index_cast %add3A_148 : i32 to index
      %get3A_152 = tpu.vector_load %arg12[%get3A_150, %get3A_151] {strides = array<i32>} : memref<4x1024xf32, #tpu.memory_space<vmem>>, vector<1x16xf32>,
      %get3A_153 = vector.shape_cast %get3A_152 : vector<1x16xf32> to vector<16xf32>
      %add3A_154 = arith.constant 0 : i32
      %add3A_155 = arith.addi %mul3A_42, %add3A_154 : i32
      %get3A_156 = arith.constant 2 : i32
      %get3A_157 = arith.index_cast %get3A_156 : i32 to index
      %get3A_158 = arith.index_cast %add3A_155 : i32 to index
      %get3A_159 = tpu.vector_load %arg12[%get3A_157, %get3A_158] {strides = array<i32>} : memref<4x1024xf32, #tpu.memory_space<vmem>>, vector<1x16xf32>,
      %get3A_160 = vector.shape_cast %get3A_159 : vector<1x16xf32> to vector<16xf32>
      %add3A_161 = arith.constant 16 : i32
      %add3A_162 = arith.addi %mul3A_42, %add3A_161 : i32
      %get3A_163 = arith.constant 2 : i32
      %get3A_164 = arith.index_cast %get3A_163 : i32 to index
      %get3A_165 = arith.index_cast %add3A_162 : i32 to index
      %get3A_166 = tpu.vector_load %arg12[%get3A_164, %get3A_165] {strides = array<i32>} : memref<4x1024xf32, #tpu.memory_space<vmem>>, vector<1x16xf32>,
      %get3A_167 = vector.shape_cast %get3A_166 : vector<1x16xf32> to vector<16xf32>
      %add3A_168 = arith.constant 32 : i32
      %add3A_169 = arith.addi %mul3A_42, %add3A_168 : i32
      %get3A_170 = arith.constant 2 : i32
      %get3A_171 = arith.index_cast %get3A_170 : i32 to index
      %get3A_172 = arith.index_cast %add3A_169 : i32 to index
      %get3A_173 = tpu.vector_load %arg12[%get3A_171, %get3A_172] {strides = array<i32>} : memref<4x1024xf32, #tpu.memory_space<vmem>>, vector<1x16xf32>,
      %get3A_174 = vector.shape_cast %get3A_173 : vector<1x16xf32> to vector<16xf32>
      %add3A_175 = arith.constant 48 : i32
      %add3A_176 = arith.addi %mul3A_42, %add3A_175 : i32
      %get3A_177 = arith.constant 2 : i32
      %get3A_178 = arith.index_cast %get3A_177 : i32 to index
      %get3A_179 = arith.index_cast %add3A_176 : i32 to index
      %get3A_180 = tpu.vector_load %arg12[%get3A_178, %get3A_179] {strides = array<i32>} : memref<4x1024xf32, #tpu.memory_space<vmem>>, vector<1x16xf32>,
      %get3A_181 = vector.shape_cast %get3A_180 : vector<1x16xf32> to vector<16xf32>
      %add3A_182 = arith.constant 64 : i32
      %add3A_183 = arith.addi %mul3A_42, %add3A_182 : i32
      %get3A_184 = arith.constant 2 : i32
      %get3A_185 = arith.index_cast %get3A_184 : i32 to index
      %get3A_186 = arith.index_cast %add3A_183 : i32 to index
      %get3A_187 = tpu.vector_load %arg12[%get3A_185, %get3A_186] {strides = array<i32>} : memref<4x1024xf32, #tpu.memory_space<vmem>>, vector<1x16xf32>,
      %get3A_188 = vector.shape_cast %get3A_187 : vector<1x16xf32> to vector<16xf32>
      %add3A_189 = arith.constant 80 : i32
      %add3A_190 = arith.addi %mul3A_42, %add3A_189 : i32
      %get3A_191 = arith.constant 2 : i32
      %get3A_192 = arith.index_cast %get3A_191 : i32 to index
      %get3A_193 = arith.index_cast %add3A_190 : i32 to index
      %get3A_194 = tpu.vector_load %arg12[%get3A_192, %get3A_193] {strides = array<i32>} : memref<4x1024xf32, #tpu.memory_space<vmem>>, vector<1x16xf32>,
      %get3A_195 = vector.shape_cast %get3A_194 : vector<1x16xf32> to vector<16xf32>
      %add3A_196 = arith.constant 96 : i32
      %add3A_197 = arith.addi %mul3A_42, %add3A_196 : i32
      %get3A_198 = arith.constant 2 : i32
      %get3A_199 = arith.index_cast %get3A_198 : i32 to index
      %get3A_200 = arith.index_cast %add3A_197 : i32 to index
      %get3A_201 = tpu.vector_load %arg12[%get3A_199, %get3A_200] {strides = array<i32>} : memref<4x1024xf32, #tpu.memory_space<vmem>>, vector<1x16xf32>,
      %get3A_202 = vector.shape_cast %get3A_201 : vector<1x16xf32> to vector<16xf32>
      %add3A_203 = arith.constant 112 : i32
      %add3A_204 = arith.addi %mul3A_42, %add3A_203 : i32
      %get3A_205 = arith.constant 2 : i32
      %get3A_206 = arith.index_cast %get3A_205 : i32 to index
      %get3A_207 = arith.index_cast %add3A_204 : i32 to index
      %get3A_208 = tpu.vector_load %arg12[%get3A_206, %get3A_207] {strides = array<i32>} : memref<4x1024xf32, #tpu.memory_space<vmem>>, vector<1x16xf32>,
      %get3A_209 = vector.shape_cast %get3A_208 : vector<1x16xf32> to vector<16xf32>
      %add3A_210 = arith.constant 0 : i32
      %add3A_211 = arith.addi %mul3A_42, %add3A_210 : i32
      %get3A_212 = arith.constant 3 : i32
      %get3A_213 = arith.index_cast %get3A_212 : i32 to index
      %get3A_214 = arith.index_cast %add3A_211 : i32 to index
      %get3A_215 = tpu.vector_load %arg12[%get3A_213, %get3A_214] {strides = array<i32>} : memref<4x1024xf32, #tpu.memory_space<vmem>>, vector<1x16xf32>,
      %get3A_216 = vector.shape_cast %get3A_215 : vector<1x16xf32> to vector<16xf32>
      %add3A_217 = arith.constant 16 : i32
      %add3A_218 = arith.addi %mul3A_42, %add3A_217 : i32
      %get3A_219 = arith.constant 3 : i32
      %get3A_220 = arith.index_cast %get3A_219 : i32 to index
      %get3A_221 = arith.index_cast %add3A_218 : i32 to index
      %get3A_222 = tpu.vector_load %arg12[%get3A_220, %get3A_221] {strides = array<i32>} : memref<4x1024xf32, #tpu.memory_space<vmem>>, vector<1x16xf32>,
      %get3A_223 = vector.shape_cast %get3A_222 : vector<1x16xf32> to vector<16xf32>
      %add3A_224 = arith.constant 32 : i32
      %add3A_225 = arith.addi %mul3A_42, %add3A_224 : i32
      %get3A_226 = arith.constant 3 : i32
      %get3A_227 = arith.index_cast %get3A_226 : i32 to index
      %get3A_228 = arith.index_cast %add3A_225 : i32 to index
      %get3A_229 = tpu.vector_load %arg12[%get3A_227, %get3A_228] {strides = array<i32>} : memref<4x1024xf32, #tpu.memory_space<vmem>>, vector<1x16xf32>,
      %get3A_230 = vector.shape_cast %get3A_229 : vector<1x16xf32> to vector<16xf32>
      %add3A_231 = arith.constant 48 : i32
      %add3A_232 = arith.addi %mul3A_42, %add3A_231 : i32
      %get3A_233 = arith.constant 3 : i32
      %get3A_234 = arith.index_cast %get3A_233 : i32 to index
      %get3A_235 = arith.index_cast %add3A_232 : i32 to index
      %get3A_236 = tpu.vector_load %arg12[%get3A_234, %get3A_235] {strides = array<i32>} : memref<4x1024xf32, #tpu.memory_space<vmem>>, vector<1x16xf32>,
      %get3A_237 = vector.shape_cast %get3A_236 : vector<1x16xf32> to vector<16xf32>
      %add3A_238 = arith.constant 64 : i32
      %add3A_239 = arith.addi %mul3A_42, %add3A_238 : i32
      %get3A_240 = arith.constant 3 : i32
      %get3A_241 = arith.index_cast %get3A_240 : i32 to index
      %get3A_242 = arith.index_cast %add3A_239 : i32 to index
      %get3A_243 = tpu.vector_load %arg12[%get3A_241, %get3A_242] {strides = array<i32>} : memref<4x1024xf32, #tpu.memory_space<vmem>>, vector<1x16xf32>,
      %get3A_244 = vector.shape_cast %get3A_243 : vector<1x16xf32> to vector<16xf32>
      %add3A_245 = arith.constant 80 : i32
      %add3A_246 = arith.addi %mul3A_42, %add3A_245 : i32
      %get3A_247 = arith.constant 3 : i32
      %get3A_248 = arith.index_cast %get3A_247 : i32 to index
      %get3A_249 = arith.index_cast %add3A_246 : i32 to index
      %get3A_250 = tpu.vector_load %arg12[%get3A_248, %get3A_249] {strides = array<i32>} : memref<4x1024xf32, #tpu.memory_space<vmem>>, vector<1x16xf32>,
      %get3A_251 = vector.shape_cast %get3A_250 : vector<1x16xf32> to vector<16xf32>
      %add3A_252 = arith.constant 96 : i32
      %add3A_253 = arith.addi %mul3A_42, %add3A_252 : i32
      %get3A_254 = arith.constant 3 : i32
      %get3A_255 = arith.index_cast %get3A_254 : i32 to index
      %get3A_256 = arith.index_cast %add3A_253 : i32 to index
      %get3A_257 = tpu.vector_load %arg12[%get3A_255, %get3A_256] {strides = array<i32>} : memref<4x1024xf32, #tpu.memory_space<vmem>>, vector<1x16xf32>,
      %get3A_258 = vector.shape_cast %get3A_257 : vector<1x16xf32> to vector<16xf32>
      %add3A_259 = arith.constant 112 : i32
      %add3A_260 = arith.addi %mul3A_42, %add3A_259 : i32
      %get3A_261 = arith.constant 3 : i32
      %get3A_262 = arith.index_cast %get3A_261 : i32 to index
      %get3A_263 = arith.index_cast %add3A_260 : i32 to index
      %get3A_264 = tpu.vector_load %arg12[%get3A_262, %get3A_263] {strides = array<i32>} : memref<4x1024xf32, #tpu.memory_space<vmem>>, vector<1x16xf32>,
      %get3A_265 = vector.shape_cast %get3A_264 : vector<1x16xf32> to vector<16xf32>
      %add3A_266 = arith.constant 0 : i32
      %add3A_267 = arith.addi %mul3A_42, %add3A_266 : i32
      %get3A_268 = arith.index_cast %add3A_267 : i32 to index
      %get3A_269 = tpu.vector_load %arg13[%get3A_268] {strides = array<i32>} : memref<1024xf32, #tpu.memory_space<vmem>>, vector<16xf32>,
      %get3A_270 = vector.shape_cast %get3A_269 : vector<16xf32> to vector<16xf32>
      %add3A_271 = arith.constant 16 : i32
      %add3A_272 = arith.addi %mul3A_42, %add3A_271 : i32
      %get3A_273 = arith.index_cast %add3A_272 : i32 to index
      %get3A_274 = tpu.vector_load %arg13[%get3A_273] {strides = array<i32>} : memref<1024xf32, #tpu.memory_space<vmem>>, vector<16xf32>,
      %get3A_275 = vector.shape_cast %get3A_274 : vector<16xf32> to vector<16xf32>
      %add3A_276 = arith.constant 32 : i32
      %add3A_277 = arith.addi %mul3A_42, %add3A_276 : i32
      %get3A_278 = arith.index_cast %add3A_277 : i32 to index
      %get3A_279 = tpu.vector_load %arg13[%get3A_278] {strides = array<i32>} : memref<1024xf32, #tpu.memory_space<vmem>>, vector<16xf32>,
      %get3A_280 = vector.shape_cast %get3A_279 : vector<16xf32> to vector<16xf32>
      %add3A_281 = arith.constant 48 : i32
      %add3A_282 = arith.addi %mul3A_42, %add3A_281 : i32
      %get3A_283 = arith.index_cast %add3A_282 : i32 to index
      %get3A_284 = tpu.vector_load %arg13[%get3A_283] {strides = array<i32>} : memref<1024xf32, #tpu.memory_space<vmem>>, vector<16xf32>,
      %get3A_285 = vector.shape_cast %get3A_284 : vector<16xf32> to vector<16xf32>
      %add3A_286 = arith.constant 64 : i32
      %add3A_287 = arith.addi %mul3A_42, %add3A_286 : i32
      %get3A_288 = arith.index_cast %add3A_287 : i32 to index
      %get3A_289 = tpu.vector_load %arg13[%get3A_288] {strides = array<i32>} : memref<1024xf32, #tpu.memory_space<vmem>>, vector<16xf32>,
      %get3A_290 = vector.shape_cast %get3A_289 : vector<16xf32> to vector<16xf32>
      %add3A_291 = arith.constant 80 : i32
      %add3A_292 = arith.addi %mul3A_42, %add3A_291 : i32
      %get3A_293 = arith.index_cast %add3A_292 : i32 to index
      %get3A_294 = tpu.vector_load %arg13[%get3A_293] {strides = array<i32>} : memref<1024xf32, #tpu.memory_space<vmem>>, vector<16xf32>,
      %get3A_295 = vector.shape_cast %get3A_294 : vector<16xf32> to vector<16xf32>
      %add3A_296 = arith.constant 96 : i32
      %add3A_297 = arith.addi %mul3A_42, %add3A_296 : i32
      %get3A_298 = arith.index_cast %add3A_297 : i32 to index
      %get3A_299 = tpu.vector_load %arg13[%get3A_298] {strides = array<i32>} : memref<1024xf32, #tpu.memory_space<vmem>>, vector<16xf32>,
      %get3A_300 = vector.shape_cast %get3A_299 : vector<16xf32> to vector<16xf32>
      %add3A_301 = arith.constant 112 : i32
      %add3A_302 = arith.addi %mul3A_42, %add3A_301 : i32
      %get3A_303 = arith.index_cast %add3A_302 : i32 to index
      %get3A_304 = tpu.vector_load %arg13[%get3A_303] {strides = array<i32>} : memref<1024xf32, #tpu.memory_space<vmem>>, vector<16xf32>,
      %get3A_305 = vector.shape_cast %get3A_304 : vector<16xf32> to vector<16xf32>
      %scan3A_306 = arith.constant 0 : i32
      %scan3A_307 = arith.constant 10 : i32
      %scan3A_308 = arith.addi %scan3A_306, %scan3A_307 : i32
      %scan3A_309 = arith.constant 1 : i32
      %scan3A_310:8 = scf.for %scan3A_312 = %scan3A_306 to %scan3A_308 step %scan3A_309 iter_args(%scan3A_313 = %scan3A_33, %scan3A_314 = %scan3A_34, %scan3A_315 = %scan3A_35, %scan3A_316 = %scan3A_36, %scan3A_317 = %scan3A_37, %scan3A_318 = %scan3A_38, %scan3A_319 = %scan3A_39, %scan3A_320 = %scan3A_40) -> (vector<16xf32>, vector<16xf32>, vector<16xf32>, vector<16xf32>, vector<16xf32>, vector<16xf32>, vector<16xf32>, vector<16xf32>)  : i32 {
        %mul3A_321 = arith.constant 16 : i32
        %mul3A_322 = arith.muli %scan3A_312, %mul3A_321 : i32
        %get3A_323 = arith.index_cast %mul3A_322 : i32 to index
        %get3A_324 = tpu.vector_load %arg8[%get3A_323] {strides = array<i32>} : memref<160xf32, #tpu.memory_space<vmem>>, vector<16xf32>,
        %get3A_325 = vector.shape_cast %get3A_324 : vector<16xf32> to vector<16xf32>
        %get3A_326 = arith.index_cast %mul3A_322 : i32 to index
        %get3A_327 = tpu.vector_load %arg9[%get3A_326] {strides = array<i32>} : memref<160xf32, #tpu.memory_space<vmem>>, vector<16xf32>,
        %get3A_328 = vector.shape_cast %get3A_327 : vector<16xf32> to vector<16xf32>
        %get3A_329 = arith.index_cast %mul3A_322 : i32 to index
        %get3A_330 = tpu.vector_load %arg10[%get3A_329] {strides = array<i32>} : memref<160xf32, #tpu.memory_space<vmem>>, vector<16xf32>,
        %get3A_331 = vector.shape_cast %get3A_330 : vector<16xf32> to vector<16xf32>
        %get3A_332 = arith.index_cast %mul3A_322 : i32 to index
        %get3A_333 = tpu.vector_load %arg11[%get3A_332] {strides = array<i32>} : memref<160xf32, #tpu.memory_space<vmem>>, vector<16xf32>,
        %get3A_334 = vector.shape_cast %get3A_333 : vector<16xf32> to vector<16xf32>
        %get3A_335 = arith.index_cast %mul3A_322 : i32 to index
        %get3A_336 = tpu.vector_load %arg14[%get3A_335] {strides = array<i32>} : memref<160xf32, #tpu.memory_space<vmem>>, vector<16xf32>,
        %get3A_337 = vector.shape_cast %get3A_336 : vector<16xf32> to vector<16xf32>
        %slice3A = vector.extract_strided_slice %get3A_325 {offsets = [0], sizes = [1], strides = [1]} : vector<16xf32> to vector<1xf32>
        %squeeze3A = vector.extract %slice3A[0] : f32 from vector<1xf32>
        %slice3A_338 = vector.extract_strided_slice %get3A_328 {offsets = [0], sizes = [1], strides = [1]} : vector<16xf32> to vector<1xf32>
        %squeeze3A_339 = vector.extract %slice3A_338[0] : f32 from vector<1xf32>
        %slice3A_340 = vector.extract_strided_slice %get3A_331 {offsets = [0], sizes = [1], strides = [1]} : vector<16xf32> to vector<1xf32>
        %squeeze3A_341 = vector.extract %slice3A_340[0] : f32 from vector<1xf32>
        %slice3A_342 = vector.extract_strided_slice %get3A_334 {offsets = [0], sizes = [1], strides = [1]} : vector<16xf32> to vector<1xf32>
        %squeeze3A_343 = vector.extract %slice3A_342[0] : f32 from vector<1xf32>
        %slice3A_344 = vector.extract_strided_slice %get3A_337 {offsets = [0], sizes = [1], strides = [1]} : vector<16xf32> to vector<1xf32>
        %squeeze3A_345 = vector.extract %slice3A_344[0] : f32 from vector<1xf32>
        %min3A = vector.broadcast %squeeze3A_341 : f32 to vector<16xf32>
        %min3A_346 = arith.minimumf %get3A_160, %min3A : vector<16xf32>
        %max3A_347 = vector.broadcast %squeeze3A : f32 to vector<16xf32>
        %max3A_348 = arith.maximumf %get3A_48, %max3A_347 : vector<16xf32>
        %sub3A = arith.subf %min3A_346, %max3A_348 : vector<16xf32>
        %max3A_349 = arith.constant 0.000000e+00 : f32
        %max3A_350 = vector.broadcast %max3A_349 : f32 to vector<16xf32>
        %max3A_351 = arith.maximumf %sub3A, %max3A_350 : vector<16xf32>
        %min3A_352 = vector.broadcast %squeeze3A_343 : f32 to vector<16xf32>
        %min3A_353 = arith.minimumf %get3A_216, %min3A_352 : vector<16xf32>
        %max3A_354 = vector.broadcast %squeeze3A_339 : f32 to vector<16xf32>
        %max3A_355 = arith.maximumf %get3A_104, %max3A_354 : vector<16xf32>
        %sub3A_356 = arith.subf %min3A_353, %max3A_355 : vector<16xf32>
        %max3A_357 = arith.constant 0.000000e+00 : f32
        %max3A_358 = vector.broadcast %max3A_357 : f32 to vector<16xf32>
        %max3A_359 = arith.maximumf %sub3A_356, %max3A_358 : vector<16xf32>
        %mul3A_360 = arith.mulf %max3A_351, %max3A_359 : vector<16xf32>
        %add3A_361 = vector.broadcast %squeeze3A_345 : f32 to vector<16xf32>
        %add3A_362 = arith.addf %get3A_270, %add3A_361 : vector<16xf32>
        %div3A = arith.divf %mul3A_360, %add3A_362 : vector<16xf32>
        %max3A_363 = arith.maximumf %scan3A_313, %div3A : vector<16xf32>
        %min3A_364 = vector.broadcast %squeeze3A_341 : f32 to vector<16xf32>
        %min3A_365 = arith.minimumf %get3A_167, %min3A_364 : vector<16xf32>
        %max3A_366 = vector.broadcast %squeeze3A : f32 to vector<16xf32>
        %max3A_367 = arith.maximumf %get3A_55, %max3A_366 : vector<16xf32>
        %sub3A_368 = arith.subf %min3A_365, %max3A_367 : vector<16xf32>
        %max3A_369 = arith.constant 0.000000e+00 : f32
        %max3A_370 = vector.broadcast %max3A_369 : f32 to vector<16xf32>
        %max3A_371 = arith.maximumf %sub3A_368, %max3A_370 : vector<16xf32>
        %min3A_372 = vector.broadcast %squeeze3A_343 : f32 to vector<16xf32>
        %min3A_373 = arith.minimumf %get3A_223, %min3A_372 : vector<16xf32>
        %max3A_374 = vector.broadcast %squeeze3A_339 : f32 to vector<16xf32>
        %max3A_375 = arith.maximumf %get3A_111, %max3A_374 : vector<16xf32>
        %sub3A_376 = arith.subf %min3A_373, %max3A_375 : vector<16xf32>
        %max3A_377 = arith.constant 0.000000e+00 : f32
        %max3A_378 = vector.broadcast %max3A_377 : f32 to vector<16xf32>
        %max3A_379 = arith.maximumf %sub3A_376, %max3A_378 : vector<16xf32>
        %mul3A_380 = arith.mulf %max3A_371, %max3A_379 : vector<16xf32>
        %add3A_381 = vector.broadcast %squeeze3A_345 : f32 to vector<16xf32>
        %add3A_382 = arith.addf %get3A_275, %add3A_381 : vector<16xf32>
        %div3A_383 = arith.divf %mul3A_380, %add3A_382 : vector<16xf32>
        %max3A_384 = arith.maximumf %scan3A_314, %div3A_383 : vector<16xf32>
        %min3A_385 = vector.broadcast %squeeze3A_341 : f32 to vector<16xf32>
        %min3A_386 = arith.minimumf %get3A_174, %min3A_385 : vector<16xf32>
        %max3A_387 = vector.broadcast %squeeze3A : f32 to vector<16xf32>
        %max3A_388 = arith.maximumf %get3A_62, %max3A_387 : vector<16xf32>
        %sub3A_389 = arith.subf %min3A_386, %max3A_388 : vector<16xf32>
        %max3A_390 = arith.constant 0.000000e+00 : f32
        %max3A_391 = vector.broadcast %max3A_390 : f32 to vector<16xf32>
        %max3A_392 = arith.maximumf %sub3A_389, %max3A_391 : vector<16xf32>
        %min3A_393 = vector.broadcast %squeeze3A_343 : f32 to vector<16xf32>
        %min3A_394 = arith.minimumf %get3A_230, %min3A_393 : vector<16xf32>
        %max3A_395 = vector.broadcast %squeeze3A_339 : f32 to vector<16xf32>
        %max3A_396 = arith.maximumf %get3A_118, %max3A_395 : vector<16xf32>
        %sub3A_397 = arith.subf %min3A_394, %max3A_396 : vector<16xf32>
        %max3A_398 = arith.constant 0.000000e+00 : f32
        %max3A_399 = vector.broadcast %max3A_398 : f32 to vector<16xf32>
        %max3A_400 = arith.maximumf %sub3A_397, %max3A_399 : vector<16xf32>
        %mul3A_401 = arith.mulf %max3A_392, %max3A_400 : vector<16xf32>
        %add3A_402 = vector.broadcast %squeeze3A_345 : f32 to vector<16xf32>
        %add3A_403 = arith.addf %get3A_280, %add3A_402 : vector<16xf32>
        %div3A_404 = arith.divf %mul3A_401, %add3A_403 : vector<16xf32>
        %max3A_405 = arith.maximumf %scan3A_315, %div3A_404 : vector<16xf32>
        %min3A_406 = vector.broadcast %squeeze3A_341 : f32 to vector<16xf32>
        %min3A_407 = arith.minimumf %get3A_181, %min3A_406 : vector<16xf32>
        %max3A_408 = vector.broadcast %squeeze3A : f32 to vector<16xf32>
        %max3A_409 = arith.maximumf %get3A_69, %max3A_408 : vector<16xf32>
        %sub3A_410 = arith.subf %min3A_407, %max3A_409 : vector<16xf32>
        %max3A_411 = arith.constant 0.000000e+00 : f32
        %max3A_412 = vector.broadcast %max3A_411 : f32 to vector<16xf32>
        %max3A_413 = arith.maximumf %sub3A_410, %max3A_412 : vector<16xf32>
        %min3A_414 = vector.broadcast %squeeze3A_343 : f32 to vector<16xf32>
        %min3A_415 = arith.minimumf %get3A_237, %min3A_414 : vector<16xf32>
        %max3A_416 = vector.broadcast %squeeze3A_339 : f32 to vector<16xf32>
        %max3A_417 = arith.maximumf %get3A_125, %max3A_416 : vector<16xf32>
        %sub3A_418 = arith.subf %min3A_415, %max3A_417 : vector<16xf32>
        %max3A_419 = arith.constant 0.000000e+00 : f32
        %max3A_420 = vector.broadcast %max3A_419 : f32 to vector<16xf32>
        %max3A_421 = arith.maximumf %sub3A_418, %max3A_420 : vector<16xf32>
        %mul3A_422 = arith.mulf %max3A_413, %max3A_421 : vector<16xf32>
        %add3A_423 = vector.broadcast %squeeze3A_345 : f32 to vector<16xf32>
        %add3A_424 = arith.addf %get3A_285, %add3A_423 : vector<16xf32>
        %div3A_425 = arith.divf %mul3A_422, %add3A_424 : vector<16xf32>
        %max3A_426 = arith.maximumf %scan3A_316, %div3A_425 : vector<16xf32>
        %min3A_427 = vector.broadcast %squeeze3A_341 : f32 to vector<16xf32>
        %min3A_428 = arith.minimumf %get3A_188, %min3A_427 : vector<16xf32>
        %max3A_429 = vector.broadcast %squeeze3A : f32 to vector<16xf32>
        %max3A_430 = arith.maximumf %get3A_76, %max3A_429 : vector<16xf32>
        %sub3A_431 = arith.subf %min3A_428, %max3A_430 : vector<16xf32>
        %max3A_432 = arith.constant 0.000000e+00 : f32
        %max3A_433 = vector.broadcast %max3A_432 : f32 to vector<16xf32>
        %max3A_434 = arith.maximumf %sub3A_431, %max3A_433 : vector<16xf32>
        %min3A_435 = vector.broadcast %squeeze3A_343 : f32 to vector<16xf32>
        %min3A_436 = arith.minimumf %get3A_244, %min3A_435 : vector<16xf32>
        %max3A_437 = vector.broadcast %squeeze3A_339 : f32 to vector<16xf32>
        %max3A_438 = arith.maximumf %get3A_132, %max3A_437 : vector<16xf32>
        %sub3A_439 = arith.subf %min3A_436, %max3A_438 : vector<16xf32>
        %max3A_440 = arith.constant 0.000000e+00 : f32
        %max3A_441 = vector.broadcast %max3A_440 : f32 to vector<16xf32>
        %max3A_442 = arith.maximumf %sub3A_439, %max3A_441 : vector<16xf32>
        %mul3A_443 = arith.mulf %max3A_434, %max3A_442 : vector<16xf32>
        %add3A_444 = vector.broadcast %squeeze3A_345 : f32 to vector<16xf32>
        %add3A_445 = arith.addf %get3A_290, %add3A_444 : vector<16xf32>
        %div3A_446 = arith.divf %mul3A_443, %add3A_445 : vector<16xf32>
        %max3A_447 = arith.maximumf %scan3A_317, %div3A_446 : vector<16xf32>
        %min3A_448 = vector.broadcast %squeeze3A_341 : f32 to vector<16xf32>
        %min3A_449 = arith.minimumf %get3A_195, %min3A_448 : vector<16xf32>
        %max3A_450 = vector.broadcast %squeeze3A : f32 to vector<16xf32>
        %max3A_451 = arith.maximumf %get3A_83, %max3A_450 : vector<16xf32>
        %sub3A_452 = arith.subf %min3A_449, %max3A_451 : vector<16xf32>
        %max3A_453 = arith.constant 0.000000e+00 : f32
        %max3A_454 = vector.broadcast %max3A_453 : f32 to vector<16xf32>
        %max3A_455 = arith.maximumf %sub3A_452, %max3A_454 : vector<16xf32>
        %min3A_456 = vector.broadcast %squeeze3A_343 : f32 to vector<16xf32>
        %min3A_457 = arith.minimumf %get3A_251, %min3A_456 : vector<16xf32>
        %max3A_458 = vector.broadcast %squeeze3A_339 : f32 to vector<16xf32>
        %max3A_459 = arith.maximumf %get3A_139, %max3A_458 : vector<16xf32>
        %sub3A_460 = arith.subf %min3A_457, %max3A_459 : vector<16xf32>
        %max3A_461 = arith.constant 0.000000e+00 : f32
        %max3A_462 = vector.broadcast %max3A_461 : f32 to vector<16xf32>
        %max3A_463 = arith.maximumf %sub3A_460, %max3A_462 : vector<16xf32>
        %mul3A_464 = arith.mulf %max3A_455, %max3A_463 : vector<16xf32>
        %add3A_465 = vector.broadcast %squeeze3A_345 : f32 to vector<16xf32>
        %add3A_466 = arith.addf %get3A_295, %add3A_465 : vector<16xf32>
        %div3A_467 = arith.divf %mul3A_464, %add3A_466 : vector<16xf32>
        %max3A_468 = arith.maximumf %scan3A_318, %div3A_467 : vector<16xf32>
        %min3A_469 = vector.broadcast %squeeze3A_341 : f32 to vector<16xf32>
        %min3A_470 = arith.minimumf %get3A_202, %min3A_469 : vector<16xf32>
        %max3A_471 = vector.broadcast %squeeze3A : f32 to vector<16xf32>
        %max3A_472 = arith.maximumf %get3A_90, %max3A_471 : vector<16xf32>
        %sub3A_473 = arith.subf %min3A_470, %max3A_472 : vector<16xf32>
        %max3A_474 = arith.constant 0.000000e+00 : f32
        %max3A_475 = vector.broadcast %max3A_474 : f32 to vector<16xf32>
        %max3A_476 = arith.maximumf %sub3A_473, %max3A_475 : vector<16xf32>
        %min3A_477 = vector.broadcast %squeeze3A_343 : f32 to vector<16xf32>
        %min3A_478 = arith.minimumf %get3A_258, %min3A_477 : vector<16xf32>
        %max3A_479 = vector.broadcast %squeeze3A_339 : f32 to vector<16xf32>
        %max3A_480 = arith.maximumf %get3A_146, %max3A_479 : vector<16xf32>
        %sub3A_481 = arith.subf %min3A_478, %max3A_480 : vector<16xf32>
        %max3A_482 = arith.constant 0.000000e+00 : f32
        %max3A_483 = vector.broadcast %max3A_482 : f32 to vector<16xf32>
        %max3A_484 = arith.maximumf %sub3A_481, %max3A_483 : vector<16xf32>
        %mul3A_485 = arith.mulf %max3A_476, %max3A_484 : vector<16xf32>
        %add3A_486 = vector.broadcast %squeeze3A_345 : f32 to vector<16xf32>
        %add3A_487 = arith.addf %get3A_300, %add3A_486 : vector<16xf32>
        %div3A_488 = arith.divf %mul3A_485, %add3A_487 : vector<16xf32>
        %max3A_489 = arith.maximumf %scan3A_319, %div3A_488 : vector<16xf32>
        %min3A_490 = vector.broadcast %squeeze3A_341 : f32 to vector<16xf32>
        %min3A_491 = arith.minimumf %get3A_209, %min3A_490 : vector<16xf32>
        %max3A_492 = vector.broadcast %squeeze3A : f32 to vector<16xf32>
        %max3A_493 = arith.maximumf %get3A_97, %max3A_492 : vector<16xf32>
        %sub3A_494 = arith.subf %min3A_491, %max3A_493 : vector<16xf32>
        %max3A_495 = arith.constant 0.000000e+00 : f32
        %max3A_496 = vector.broadcast %max3A_495 : f32 to vector<16xf32>
        %max3A_497 = arith.maximumf %sub3A_494, %max3A_496 : vector<16xf32>
        %min3A_498 = vector.broadcast %squeeze3A_343 : f32 to vector<16xf32>
        %min3A_499 = arith.minimumf %get3A_265, %min3A_498 : vector<16xf32>
        %max3A_500 = vector.broadcast %squeeze3A_339 : f32 to vector<16xf32>
        %max3A_501 = arith.maximumf %get3A_153, %max3A_500 : vector<16xf32>
        %sub3A_502 = arith.subf %min3A_499, %max3A_501 : vector<16xf32>
        %max3A_503 = arith.constant 0.000000e+00 : f32
        %max3A_504 = vector.broadcast %max3A_503 : f32 to vector<16xf32>
        %max3A_505 = arith.maximumf %sub3A_502, %max3A_504 : vector<16xf32>
        %mul3A_506 = arith.mulf %max3A_497, %max3A_505 : vector<16xf32>
        %add3A_507 = vector.broadcast %squeeze3A_345 : f32 to vector<16xf32>
        %add3A_508 = arith.addf %get3A_305, %add3A_507 : vector<16xf32>
        %div3A_509 = arith.divf %mul3A_506, %add3A_508 : vector<16xf32>
        %max3A_510 = arith.maximumf %scan3A_320, %div3A_509 : vector<16xf32>
        %slice3A_511 = vector.extract_strided_slice %get3A_325 {offsets = [1], sizes = [1], strides = [1]} : vector<16xf32> to vector<1xf32>
        %squeeze3A_512 = vector.extract %slice3A_511[0] : f32 from vector<1xf32>
        %slice3A_513 = vector.extract_strided_slice %get3A_328 {offsets = [1], sizes = [1], strides = [1]} : vector<16xf32> to vector<1xf32>
        %squeeze3A_514 = vector.extract %slice3A_513[0] : f32 from vector<1xf32>
        %slice3A_515 = vector.extract_strided_slice %get3A_331 {offsets = [1], sizes = [1], strides = [1]} : vector<16xf32> to vector<1xf32>
        %squeeze3A_516 = vector.extract %slice3A_515[0] : f32 from vector<1xf32>
        %slice3A_517 = vector.extract_strided_slice %get3A_334 {offsets = [1], sizes = [1], strides = [1]} : vector<16xf32> to vector<1xf32>
        %squeeze3A_518 = vector.extract %slice3A_517[0] : f32 from vector<1xf32>
        %slice3A_519 = vector.extract_strided_slice %get3A_337 {offsets = [1], sizes = [1], strides = [1]} : vector<16xf32> to vector<1xf32>
        %squeeze3A_520 = vector.extract %slice3A_519[0] : f32 from vector<1xf32>
        %min3A_521 = vector.broadcast %squeeze3A_516 : f32 to vector<16xf32>
        %min3A_522 = arith.minimumf %get3A_160, %min3A_521 : vector<16xf32>
        %max3A_523 = vector.broadcast %squeeze3A_512 : f32 to vector<16xf32>
        %max3A_524 = arith.maximumf %get3A_48, %max3A_523 : vector<16xf32>
        %sub3A_525 = arith.subf %min3A_522, %max3A_524 : vector<16xf32>
        %max3A_526 = arith.constant 0.000000e+00 : f32
        %max3A_527 = vector.broadcast %max3A_526 : f32 to vector<16xf32>
        %max3A_528 = arith.maximumf %sub3A_525, %max3A_527 : vector<16xf32>
        %min3A_529 = vector.broadcast %squeeze3A_518 : f32 to vector<16xf32>
        %min3A_530 = arith.minimumf %get3A_216, %min3A_529 : vector<16xf32>
        %max3A_531 = vector.broadcast %squeeze3A_514 : f32 to vector<16xf32>
        %max3A_532 = arith.maximumf %get3A_104, %max3A_531 : vector<16xf32>
        %sub3A_533 = arith.subf %min3A_530, %max3A_532 : vector<16xf32>
        %max3A_534 = arith.constant 0.000000e+00 : f32
        %max3A_535 = vector.broadcast %max3A_534 : f32 to vector<16xf32>
        %max3A_536 = arith.maximumf %sub3A_533, %max3A_535 : vector<16xf32>
        %mul3A_537 = arith.mulf %max3A_528, %max3A_536 : vector<16xf32>
        %add3A_538 = vector.broadcast %squeeze3A_520 : f32 to vector<16xf32>
        %add3A_539 = arith.addf %get3A_270, %add3A_538 : vector<16xf32>
        %div3A_540 = arith.divf %mul3A_537, %add3A_539 : vector<16xf32>
        %max3A_541 = arith.maximumf %max3A_363, %div3A_540 : vector<16xf32>
        %min3A_542 = vector.broadcast %squeeze3A_516 : f32 to vector<16xf32>
        %min3A_543 = arith.minimumf %get3A_167, %min3A_542 : vector<16xf32>
        %max3A_544 = vector.broadcast %squeeze3A_512 : f32 to vector<16xf32>
        %max3A_545 = arith.maximumf %get3A_55, %max3A_544 : vector<16xf32>
        %sub3A_546 = arith.subf %min3A_543, %max3A_545 : vector<16xf32>
        %max3A_547 = arith.constant 0.000000e+00 : f32
        %max3A_548 = vector.broadcast %max3A_547 : f32 to vector<16xf32>
        %max3A_549 = arith.maximumf %sub3A_546, %max3A_548 : vector<16xf32>
        %min3A_550 = vector.broadcast %squeeze3A_518 : f32 to vector<16xf32>
        %min3A_551 = arith.minimumf %get3A_223, %min3A_550 : vector<16xf32>
        %max3A_552 = vector.broadcast %squeeze3A_514 : f32 to vector<16xf32>
        %max3A_553 = arith.maximumf %get3A_111, %max3A_552 : vector<16xf32>
        %sub3A_554 = arith.subf %min3A_551, %max3A_553 : vector<16xf32>
        %max3A_555 = arith.constant 0.000000e+00 : f32
        %max3A_556 = vector.broadcast %max3A_555 : f32 to vector<16xf32>
        %max3A_557 = arith.maximumf %sub3A_554, %max3A_556 : vector<16xf32>
        %mul3A_558 = arith.mulf %max3A_549, %max3A_557 : vector<16xf32>
        %add3A_559 = vector.broadcast %squeeze3A_520 : f32 to vector<16xf32>
        %add3A_560 = arith.addf %get3A_275, %add3A_559 : vector<16xf32>
        %div3A_561 = arith.divf %mul3A_558, %add3A_560 : vector<16xf32>
        %max3A_562 = arith.maximumf %max3A_384, %div3A_561 : vector<16xf32>
        %min3A_563 = vector.broadcast %squeeze3A_516 : f32 to vector<16xf32>
        %min3A_564 = arith.minimumf %get3A_174, %min3A_563 : vector<16xf32>
        %max3A_565 = vector.broadcast %squeeze3A_512 : f32 to vector<16xf32>
        %max3A_566 = arith.maximumf %get3A_62, %max3A_565 : vector<16xf32>
        %sub3A_567 = arith.subf %min3A_564, %max3A_566 : vector<16xf32>
        %max3A_568 = arith.constant 0.000000e+00 : f32
        %max3A_569 = vector.broadcast %max3A_568 : f32 to vector<16xf32>
        %max3A_570 = arith.maximumf %sub3A_567, %max3A_569 : vector<16xf32>
        %min3A_571 = vector.broadcast %squeeze3A_518 : f32 to vector<16xf32>
        %min3A_572 = arith.minimumf %get3A_230, %min3A_571 : vector<16xf32>
        %max3A_573 = vector.broadcast %squeeze3A_514 : f32 to vector<16xf32>
        %max3A_574 = arith.maximumf %get3A_118, %max3A_573 : vector<16xf32>
        %sub3A_575 = arith.subf %min3A_572, %max3A_574 : vector<16xf32>
        %max3A_576 = arith.constant 0.000000e+00 : f32
        %max3A_577 = vector.broadcast %max3A_576 : f32 to vector<16xf32>
        %max3A_578 = arith.maximumf %sub3A_575, %max3A_577 : vector<16xf32>
        %mul3A_579 = arith.mulf %max3A_570, %max3A_578 : vector<16xf32>
        %add3A_580 = vector.broadcast %squeeze3A_520 : f32 to vector<16xf32>
        %add3A_581 = arith.addf %get3A_280, %add3A_580 : vector<16xf32>
        %div3A_582 = arith.divf %mul3A_579, %add3A_581 : vector<16xf32>
        %max3A_583 = arith.maximumf %max3A_405, %div3A_582 : vector<16xf32>
        %min3A_584 = vector.broadcast %squeeze3A_516 : f32 to vector<16xf32>
        %min3A_585 = arith.minimumf %get3A_181, %min3A_584 : vector<16xf32>
        %max3A_586 = vector.broadcast %squeeze3A_512 : f32 to vector<16xf32>
        %max3A_587 = arith.maximumf %get3A_69, %max3A_586 : vector<16xf32>
        %sub3A_588 = arith.subf %min3A_585, %max3A_587 : vector<16xf32>
        %max3A_589 = arith.constant 0.000000e+00 : f32
        %max3A_590 = vector.broadcast %max3A_589 : f32 to vector<16xf32>
        %max3A_591 = arith.maximumf %sub3A_588, %max3A_590 : vector<16xf32>
        %min3A_592 = vector.broadcast %squeeze3A_518 : f32 to vector<16xf32>
        %min3A_593 = arith.minimumf %get3A_237, %min3A_592 : vector<16xf32>
        %max3A_594 = vector.broadcast %squeeze3A_514 : f32 to vector<16xf32>
        %max3A_595 = arith.maximumf %get3A_125, %max3A_594 : vector<16xf32>
        %sub3A_596 = arith.subf %min3A_593, %max3A_595 : vector<16xf32>
        %max3A_597 = arith.constant 0.000000e+00 : f32
        %max3A_598 = vector.broadcast %max3A_597 : f32 to vector<16xf32>
        %max3A_599 = arith.maximumf %sub3A_596, %max3A_598 : vector<16xf32>
        %mul3A_600 = arith.mulf %max3A_591, %max3A_599 : vector<16xf32>
        %add3A_601 = vector.broadcast %squeeze3A_520 : f32 to vector<16xf32>
        %add3A_602 = arith.addf %get3A_285, %add3A_601 : vector<16xf32>
        %div3A_603 = arith.divf %mul3A_600, %add3A_602 : vector<16xf32>
        %max3A_604 = arith.maximumf %max3A_426, %div3A_603 : vector<16xf32>
        %min3A_605 = vector.broadcast %squeeze3A_516 : f32 to vector<16xf32>
        %min3A_606 = arith.minimumf %get3A_188, %min3A_605 : vector<16xf32>
        %max3A_607 = vector.broadcast %squeeze3A_512 : f32 to vector<16xf32>
        %max3A_608 = arith.maximumf %get3A_76, %max3A_607 : vector<16xf32>
        %sub3A_609 = arith.subf %min3A_606, %max3A_608 : vector<16xf32>
        %max3A_610 = arith.constant 0.000000e+00 : f32
        %max3A_611 = vector.broadcast %max3A_610 : f32 to vector<16xf32>
        %max3A_612 = arith.maximumf %sub3A_609, %max3A_611 : vector<16xf32>
        %min3A_613 = vector.broadcast %squeeze3A_518 : f32 to vector<16xf32>
        %min3A_614 = arith.minimumf %get3A_244, %min3A_613 : vector<16xf32>
        %max3A_615 = vector.broadcast %squeeze3A_514 : f32 to vector<16xf32>
        %max3A_616 = arith.maximumf %get3A_132, %max3A_615 : vector<16xf32>
        %sub3A_617 = arith.subf %min3A_614, %max3A_616 : vector<16xf32>
        %max3A_618 = arith.constant 0.000000e+00 : f32
        %max3A_619 = vector.broadcast %max3A_618 : f32 to vector<16xf32>
        %max3A_620 = arith.maximumf %sub3A_617, %max3A_619 : vector<16xf32>
        %mul3A_621 = arith.mulf %max3A_612, %max3A_620 : vector<16xf32>
        %add3A_622 = vector.broadcast %squeeze3A_520 : f32 to vector<16xf32>
        %add3A_623 = arith.addf %get3A_290, %add3A_622 : vector<16xf32>
        %div3A_624 = arith.divf %mul3A_621, %add3A_623 : vector<16xf32>
        %max3A_625 = arith.maximumf %max3A_447, %div3A_624 : vector<16xf32>
        %min3A_626 = vector.broadcast %squeeze3A_516 : f32 to vector<16xf32>
        %min3A_627 = arith.minimumf %get3A_195, %min3A_626 : vector<16xf32>
        %max3A_628 = vector.broadcast %squeeze3A_512 : f32 to vector<16xf32>
        %max3A_629 = arith.maximumf %get3A_83, %max3A_628 : vector<16xf32>
        %sub3A_630 = arith.subf %min3A_627, %max3A_629 : vector<16xf32>
        %max3A_631 = arith.constant 0.000000e+00 : f32
        %max3A_632 = vector.broadcast %max3A_631 : f32 to vector<16xf32>
        %max3A_633 = arith.maximumf %sub3A_630, %max3A_632 : vector<16xf32>
        %min3A_634 = vector.broadcast %squeeze3A_518 : f32 to vector<16xf32>
        %min3A_635 = arith.minimumf %get3A_251, %min3A_634 : vector<16xf32>
        %max3A_636 = vector.broadcast %squeeze3A_514 : f32 to vector<16xf32>
        %max3A_637 = arith.maximumf %get3A_139, %max3A_636 : vector<16xf32>
        %sub3A_638 = arith.subf %min3A_635, %max3A_637 : vector<16xf32>
        %max3A_639 = arith.constant 0.000000e+00 : f32
        %max3A_640 = vector.broadcast %max3A_639 : f32 to vector<16xf32>
        %max3A_641 = arith.maximumf %sub3A_638, %max3A_640 : vector<16xf32>
        %mul3A_642 = arith.mulf %max3A_633, %max3A_641 : vector<16xf32>
        %add3A_643 = vector.broadcast %squeeze3A_520 : f32 to vector<16xf32>
        %add3A_644 = arith.addf %get3A_295, %add3A_643 : vector<16xf32>
        %div3A_645 = arith.divf %mul3A_642, %add3A_644 : vector<16xf32>
        %max3A_646 = arith.maximumf %max3A_468, %div3A_645 : vector<16xf32>
        %min3A_647 = vector.broadcast %squeeze3A_516 : f32 to vector<16xf32>
        %min3A_648 = arith.minimumf %get3A_202, %min3A_647 : vector<16xf32>
        %max3A_649 = vector.broadcast %squeeze3A_512 : f32 to vector<16xf32>
        %max3A_650 = arith.maximumf %get3A_90, %max3A_649 : vector<16xf32>
        %sub3A_651 = arith.subf %min3A_648, %max3A_650 : vector<16xf32>
        %max3A_652 = arith.constant 0.000000e+00 : f32
        %max3A_653 = vector.broadcast %max3A_652 : f32 to vector<16xf32>
        %max3A_654 = arith.maximumf %sub3A_651, %max3A_653 : vector<16xf32>
        %min3A_655 = vector.broadcast %squeeze3A_518 : f32 to vector<16xf32>
        %min3A_656 = arith.minimumf %get3A_258, %min3A_655 : vector<16xf32>
        %max3A_657 = vector.broadcast %squeeze3A_514 : f32 to vector<16xf32>
        %max3A_658 = arith.maximumf %get3A_146, %max3A_657 : vector<16xf32>
        %sub3A_659 = arith.subf %min3A_656, %max3A_658 : vector<16xf32>
        %max3A_660 = arith.constant 0.000000e+00 : f32
        %max3A_661 = vector.broadcast %max3A_660 : f32 to vector<16xf32>
        %max3A_662 = arith.maximumf %sub3A_659, %max3A_661 : vector<16xf32>
        %mul3A_663 = arith.mulf %max3A_654, %max3A_662 : vector<16xf32>
        %add3A_664 = vector.broadcast %squeeze3A_520 : f32 to vector<16xf32>
        %add3A_665 = arith.addf %get3A_300, %add3A_664 : vector<16xf32>
        %div3A_666 = arith.divf %mul3A_663, %add3A_665 : vector<16xf32>
        %max3A_667 = arith.maximumf %max3A_489, %div3A_666 : vector<16xf32>
        %min3A_668 = vector.broadcast %squeeze3A_516 : f32 to vector<16xf32>
        %min3A_669 = arith.minimumf %get3A_209, %min3A_668 : vector<16xf32>
        %max3A_670 = vector.broadcast %squeeze3A_512 : f32 to vector<16xf32>
        %max3A_671 = arith.maximumf %get3A_97, %max3A_670 : vector<16xf32>
        %sub3A_672 = arith.subf %min3A_669, %max3A_671 : vector<16xf32>
        %max3A_673 = arith.constant 0.000000e+00 : f32
        %max3A_674 = vector.broadcast %max3A_673 : f32 to vector<16xf32>
        %max3A_675 = arith.maximumf %sub3A_672, %max3A_674 : vector<16xf32>
        %min3A_676 = vector.broadcast %squeeze3A_518 : f32 to vector<16xf32>
        %min3A_677 = arith.minimumf %get3A_265, %min3A_676 : vector<16xf32>
        %max3A_678 = vector.broadcast %squeeze3A_514 : f32 to vector<16xf32>
        %max3A_679 = arith.maximumf %get3A_153, %max3A_678 : vector<16xf32>
        %sub3A_680 = arith.subf %min3A_677, %max3A_679 : vector<16xf32>
        %max3A_681 = arith.constant 0.000000e+00 : f32
        %max3A_682 = vector.broadcast %max3A_681 : f32 to vector<16xf32>
        %max3A_683 = arith.maximumf %sub3A_680, %max3A_682 : vector<16xf32>
        %mul3A_684 = arith.mulf %max3A_675, %max3A_683 : vector<16xf32>
        %add3A_685 = vector.broadcast %squeeze3A_520 : f32 to vector<16xf32>
        %add3A_686 = arith.addf %get3A_305, %add3A_685 : vector<16xf32>
        %div3A_687 = arith.divf %mul3A_684, %add3A_686 : vector<16xf32>
        %max3A_688 = arith.maximumf %max3A_510, %div3A_687 : vector<16xf32>
        %slice3A_689 = vector.extract_strided_slice %get3A_325 {offsets = [2], sizes = [1], strides = [1]} : vector<16xf32> to vector<1xf32>
        %squeeze3A_690 = vector.extract %slice3A_689[0] : f32 from vector<1xf32>
        %slice3A_691 = vector.extract_strided_slice %get3A_328 {offsets = [2], sizes = [1], strides = [1]} : vector<16xf32> to vector<1xf32>
        %squeeze3A_692 = vector.extract %slice3A_691[0] : f32 from vector<1xf32>
        %slice3A_693 = vector.extract_strided_slice %get3A_331 {offsets = [2], sizes = [1], strides = [1]} : vector<16xf32> to vector<1xf32>
        %squeeze3A_694 = vector.extract %slice3A_693[0] : f32 from vector<1xf32>
        %slice3A_695 = vector.extract_strided_slice %get3A_334 {offsets = [2], sizes = [1], strides = [1]} : vector<16xf32> to vector<1xf32>
        %squeeze3A_696 = vector.extract %slice3A_695[0] : f32 from vector<1xf32>
        %slice3A_697 = vector.extract_strided_slice %get3A_337 {offsets = [2], sizes = [1], strides = [1]} : vector<16xf32> to vector<1xf32>
        %squeeze3A_698 = vector.extract %slice3A_697[0] : f32 from vector<1xf32>
        %min3A_699 = vector.broadcast %squeeze3A_694 : f32 to vector<16xf32>
        %min3A_700 = arith.minimumf %get3A_160, %min3A_699 : vector<16xf32>
        %max3A_701 = vector.broadcast %squeeze3A_690 : f32 to vector<16xf32>
        %max3A_702 = arith.maximumf %get3A_48, %max3A_701 : vector<16xf32>
        %sub3A_703 = arith.subf %min3A_700, %max3A_702 : vector<16xf32>
        %max3A_704 = arith.constant 0.000000e+00 : f32
        %max3A_705 = vector.broadcast %max3A_704 : f32 to vector<16xf32>
        %max3A_706 = arith.maximumf %sub3A_703, %max3A_705 : vector<16xf32>
        %min3A_707 = vector.broadcast %squeeze3A_696 : f32 to vector<16xf32>
        %min3A_708 = arith.minimumf %get3A_216, %min3A_707 : vector<16xf32>
        %max3A_709 = vector.broadcast %squeeze3A_692 : f32 to vector<16xf32>
        %max3A_710 = arith.maximumf %get3A_104, %max3A_709 : vector<16xf32>
        %sub3A_711 = arith.subf %min3A_708, %max3A_710 : vector<16xf32>
        %max3A_712 = arith.constant 0.000000e+00 : f32
        %max3A_713 = vector.broadcast %max3A_712 : f32 to vector<16xf32>
        %max3A_714 = arith.maximumf %sub3A_711, %max3A_713 : vector<16xf32>
        %mul3A_715 = arith.mulf %max3A_706, %max3A_714 : vector<16xf32>
        %add3A_716 = vector.broadcast %squeeze3A_698 : f32 to vector<16xf32>
        %add3A_717 = arith.addf %get3A_270, %add3A_716 : vector<16xf32>
        %div3A_718 = arith.divf %mul3A_715, %add3A_717 : vector<16xf32>
        %max3A_719 = arith.maximumf %max3A_541, %div3A_718 : vector<16xf32>
        %min3A_720 = vector.broadcast %squeeze3A_694 : f32 to vector<16xf32>
        %min3A_721 = arith.minimumf %get3A_167, %min3A_720 : vector<16xf32>
        %max3A_722 = vector.broadcast %squeeze3A_690 : f32 to vector<16xf32>
        %max3A_723 = arith.maximumf %get3A_55, %max3A_722 : vector<16xf32>
        %sub3A_724 = arith.subf %min3A_721, %max3A_723 : vector<16xf32>
        %max3A_725 = arith.constant 0.000000e+00 : f32
        %max3A_726 = vector.broadcast %max3A_725 : f32 to vector<16xf32>
        %max3A_727 = arith.maximumf %sub3A_724, %max3A_726 : vector<16xf32>
        %min3A_728 = vector.broadcast %squeeze3A_696 : f32 to vector<16xf32>
        %min3A_729 = arith.minimumf %get3A_223, %min3A_728 : vector<16xf32>
        %max3A_730 = vector.broadcast %squeeze3A_692 : f32 to vector<16xf32>
        %max3A_731 = arith.maximumf %get3A_111, %max3A_730 : vector<16xf32>
        %sub3A_732 = arith.subf %min3A_729, %max3A_731 : vector<16xf32>
        %max3A_733 = arith.constant 0.000000e+00 : f32
        %max3A_734 = vector.broadcast %max3A_733 : f32 to vector<16xf32>
        %max3A_735 = arith.maximumf %sub3A_732, %max3A_734 : vector<16xf32>
        %mul3A_736 = arith.mulf %max3A_727, %max3A_735 : vector<16xf32>
        %add3A_737 = vector.broadcast %squeeze3A_698 : f32 to vector<16xf32>
        %add3A_738 = arith.addf %get3A_275, %add3A_737 : vector<16xf32>
        %div3A_739 = arith.divf %mul3A_736, %add3A_738 : vector<16xf32>
        %max3A_740 = arith.maximumf %max3A_562, %div3A_739 : vector<16xf32>
        %min3A_741 = vector.broadcast %squeeze3A_694 : f32 to vector<16xf32>
        %min3A_742 = arith.minimumf %get3A_174, %min3A_741 : vector<16xf32>
        %max3A_743 = vector.broadcast %squeeze3A_690 : f32 to vector<16xf32>
        %max3A_744 = arith.maximumf %get3A_62, %max3A_743 : vector<16xf32>
        %sub3A_745 = arith.subf %min3A_742, %max3A_744 : vector<16xf32>
        %max3A_746 = arith.constant 0.000000e+00 : f32
        %max3A_747 = vector.broadcast %max3A_746 : f32 to vector<16xf32>
        %max3A_748 = arith.maximumf %sub3A_745, %max3A_747 : vector<16xf32>
        %min3A_749 = vector.broadcast %squeeze3A_696 : f32 to vector<16xf32>
        %min3A_750 = arith.minimumf %get3A_230, %min3A_749 : vector<16xf32>
        %max3A_751 = vector.broadcast %squeeze3A_692 : f32 to vector<16xf32>
        %max3A_752 = arith.maximumf %get3A_118, %max3A_751 : vector<16xf32>
        %sub3A_753 = arith.subf %min3A_750, %max3A_752 : vector<16xf32>
        %max3A_754 = arith.constant 0.000000e+00 : f32
        %max3A_755 = vector.broadcast %max3A_754 : f32 to vector<16xf32>
        %max3A_756 = arith.maximumf %sub3A_753, %max3A_755 : vector<16xf32>
        %mul3A_757 = arith.mulf %max3A_748, %max3A_756 : vector<16xf32>
        %add3A_758 = vector.broadcast %squeeze3A_698 : f32 to vector<16xf32>
        %add3A_759 = arith.addf %get3A_280, %add3A_758 : vector<16xf32>
        %div3A_760 = arith.divf %mul3A_757, %add3A_759 : vector<16xf32>
        %max3A_761 = arith.maximumf %max3A_583, %div3A_760 : vector<16xf32>
        %min3A_762 = vector.broadcast %squeeze3A_694 : f32 to vector<16xf32>
        %min3A_763 = arith.minimumf %get3A_181, %min3A_762 : vector<16xf32>
        %max3A_764 = vector.broadcast %squeeze3A_690 : f32 to vector<16xf32>
        %max3A_765 = arith.maximumf %get3A_69, %max3A_764 : vector<16xf32>
        %sub3A_766 = arith.subf %min3A_763, %max3A_765 : vector<16xf32>
        %max3A_767 = arith.constant 0.000000e+00 : f32
        %max3A_768 = vector.broadcast %max3A_767 : f32 to vector<16xf32>
        %max3A_769 = arith.maximumf %sub3A_766, %max3A_768 : vector<16xf32>
        %min3A_770 = vector.broadcast %squeeze3A_696 : f32 to vector<16xf32>
        %min3A_771 = arith.minimumf %get3A_237, %min3A_770 : vector<16xf32>
        %max3A_772 = vector.broadcast %squeeze3A_692 : f32 to vector<16xf32>
        %max3A_773 = arith.maximumf %get3A_125, %max3A_772 : vector<16xf32>
        %sub3A_774 = arith.subf %min3A_771, %max3A_773 : vector<16xf32>
        %max3A_775 = arith.constant 0.000000e+00 : f32
        %max3A_776 = vector.broadcast %max3A_775 : f32 to vector<16xf32>
        %max3A_777 = arith.maximumf %sub3A_774, %max3A_776 : vector<16xf32>
        %mul3A_778 = arith.mulf %max3A_769, %max3A_777 : vector<16xf32>
        %add3A_779 = vector.broadcast %squeeze3A_698 : f32 to vector<16xf32>
        %add3A_780 = arith.addf %get3A_285, %add3A_779 : vector<16xf32>
        %div3A_781 = arith.divf %mul3A_778, %add3A_780 : vector<16xf32>
        %max3A_782 = arith.maximumf %max3A_604, %div3A_781 : vector<16xf32>
        %min3A_783 = vector.broadcast %squeeze3A_694 : f32 to vector<16xf32>
        %min3A_784 = arith.minimumf %get3A_188, %min3A_783 : vector<16xf32>
        %max3A_785 = vector.broadcast %squeeze3A_690 : f32 to vector<16xf32>
        %max3A_786 = arith.maximumf %get3A_76, %max3A_785 : vector<16xf32>
        %sub3A_787 = arith.subf %min3A_784, %max3A_786 : vector<16xf32>
        %max3A_788 = arith.constant 0.000000e+00 : f32
        %max3A_789 = vector.broadcast %max3A_788 : f32 to vector<16xf32>
        %max3A_790 = arith.maximumf %sub3A_787, %max3A_789 : vector<16xf32>
        %min3A_791 = vector.broadcast %squeeze3A_696 : f32 to vector<16xf32>
        %min3A_792 = arith.minimumf %get3A_244, %min3A_791 : vector<16xf32>
        %max3A_793 = vector.broadcast %squeeze3A_692 : f32 to vector<16xf32>
        %max3A_794 = arith.maximumf %get3A_132, %max3A_793 : vector<16xf32>
        %sub3A_795 = arith.subf %min3A_792, %max3A_794 : vector<16xf32>
        %max3A_796 = arith.constant 0.000000e+00 : f32
        %max3A_797 = vector.broadcast %max3A_796 : f32 to vector<16xf32>
        %max3A_798 = arith.maximumf %sub3A_795, %max3A_797 : vector<16xf32>
        %mul3A_799 = arith.mulf %max3A_790, %max3A_798 : vector<16xf32>
        %add3A_800 = vector.broadcast %squeeze3A_698 : f32 to vector<16xf32>
        %add3A_801 = arith.addf %get3A_290, %add3A_800 : vector<16xf32>
        %div3A_802 = arith.divf %mul3A_799, %add3A_801 : vector<16xf32>
        %max3A_803 = arith.maximumf %max3A_625, %div3A_802 : vector<16xf32>
        %min3A_804 = vector.broadcast %squeeze3A_694 : f32 to vector<16xf32>
        %min3A_805 = arith.minimumf %get3A_195, %min3A_804 : vector<16xf32>
        %max3A_806 = vector.broadcast %squeeze3A_690 : f32 to vector<16xf32>
        %max3A_807 = arith.maximumf %get3A_83, %max3A_806 : vector<16xf32>
        %sub3A_808 = arith.subf %min3A_805, %max3A_807 : vector<16xf32>
        %max3A_809 = arith.constant 0.000000e+00 : f32
        %max3A_810 = vector.broadcast %max3A_809 : f32 to vector<16xf32>
        %max3A_811 = arith.maximumf %sub3A_808, %max3A_810 : vector<16xf32>
        %min3A_812 = vector.broadcast %squeeze3A_696 : f32 to vector<16xf32>
        %min3A_813 = arith.minimumf %get3A_251, %min3A_812 : vector<16xf32>
        %max3A_814 = vector.broadcast %squeeze3A_692 : f32 to vector<16xf32>
        %max3A_815 = arith.maximumf %get3A_139, %max3A_814 : vector<16xf32>
        %sub3A_816 = arith.subf %min3A_813, %max3A_815 : vector<16xf32>
        %max3A_817 = arith.constant 0.000000e+00 : f32
        %max3A_818 = vector.broadcast %max3A_817 : f32 to vector<16xf32>
        %max3A_819 = arith.maximumf %sub3A_816, %max3A_818 : vector<16xf32>
        %mul3A_820 = arith.mulf %max3A_811, %max3A_819 : vector<16xf32>
        %add3A_821 = vector.broadcast %squeeze3A_698 : f32 to vector<16xf32>
        %add3A_822 = arith.addf %get3A_295, %add3A_821 : vector<16xf32>
        %div3A_823 = arith.divf %mul3A_820, %add3A_822 : vector<16xf32>
        %max3A_824 = arith.maximumf %max3A_646, %div3A_823 : vector<16xf32>
        %min3A_825 = vector.broadcast %squeeze3A_694 : f32 to vector<16xf32>
        %min3A_826 = arith.minimumf %get3A_202, %min3A_825 : vector<16xf32>
        %max3A_827 = vector.broadcast %squeeze3A_690 : f32 to vector<16xf32>
        %max3A_828 = arith.maximumf %get3A_90, %max3A_827 : vector<16xf32>
        %sub3A_829 = arith.subf %min3A_826, %max3A_828 : vector<16xf32>
        %max3A_830 = arith.constant 0.000000e+00 : f32
        %max3A_831 = vector.broadcast %max3A_830 : f32 to vector<16xf32>
        %max3A_832 = arith.maximumf %sub3A_829, %max3A_831 : vector<16xf32>
        %min3A_833 = vector.broadcast %squeeze3A_696 : f32 to vector<16xf32>
        %min3A_834 = arith.minimumf %get3A_258, %min3A_833 : vector<16xf32>
        %max3A_835 = vector.broadcast %squeeze3A_692 : f32 to vector<16xf32>
        %max3A_836 = arith.maximumf %get3A_146, %max3A_835 : vector<16xf32>
        %sub3A_837 = arith.subf %min3A_834, %max3A_836 : vector<16xf32>
        %max3A_838 = arith.constant 0.000000e+00 : f32
        %max3A_839 = vector.broadcast %max3A_838 : f32 to vector<16xf32>
        %max3A_840 = arith.maximumf %sub3A_837, %max3A_839 : vector<16xf32>
        %mul3A_841 = arith.mulf %max3A_832, %max3A_840 : vector<16xf32>
        %add3A_842 = vector.broadcast %squeeze3A_698 : f32 to vector<16xf32>
        %add3A_843 = arith.addf %get3A_300, %add3A_842 : vector<16xf32>
        %div3A_844 = arith.divf %mul3A_841, %add3A_843 : vector<16xf32>
        %max3A_845 = arith.maximumf %max3A_667, %div3A_844 : vector<16xf32>
        %min3A_846 = vector.broadcast %squeeze3A_694 : f32 to vector<16xf32>
        %min3A_847 = arith.minimumf %get3A_209, %min3A_846 : vector<16xf32>
        %max3A_848 = vector.broadcast %squeeze3A_690 : f32 to vector<16xf32>
        %max3A_849 = arith.maximumf %get3A_97, %max3A_848 : vector<16xf32>
        %sub3A_850 = arith.subf %min3A_847, %max3A_849 : vector<16xf32>
        %max3A_851 = arith.constant 0.000000e+00 : f32
        %max3A_852 = vector.broadcast %max3A_851 : f32 to vector<16xf32>
        %max3A_853 = arith.maximumf %sub3A_850, %max3A_852 : vector<16xf32>
        %min3A_854 = vector.broadcast %squeeze3A_696 : f32 to vector<16xf32>
        %min3A_855 = arith.minimumf %get3A_265, %min3A_854 : vector<16xf32>
        %max3A_856 = vector.broadcast %squeeze3A_692 : f32 to vector<16xf32>
        %max3A_857 = arith.maximumf %get3A_153, %max3A_856 : vector<16xf32>
        %sub3A_858 = arith.subf %min3A_855, %max3A_857 : vector<16xf32>
        %max3A_859 = arith.constant 0.000000e+00 : f32
        %max3A_860 = vector.broadcast %max3A_859 : f32 to vector<16xf32>
        %max3A_861 = arith.maximumf %sub3A_858, %max3A_860 : vector<16xf32>
        %mul3A_862 = arith.mulf %max3A_853, %max3A_861 : vector<16xf32>
        %add3A_863 = vector.broadcast %squeeze3A_698 : f32 to vector<16xf32>
        %add3A_864 = arith.addf %get3A_305, %add3A_863 : vector<16xf32>
        %div3A_865 = arith.divf %mul3A_862, %add3A_864 : vector<16xf32>
        %max3A_866 = arith.maximumf %max3A_688, %div3A_865 : vector<16xf32>
        %slice3A_867 = vector.extract_strided_slice %get3A_325 {offsets = [3], sizes = [1], strides = [1]} : vector<16xf32> to vector<1xf32>
        %squeeze3A_868 = vector.extract %slice3A_867[0] : f32 from vector<1xf32>
        %slice3A_869 = vector.extract_strided_slice %get3A_328 {offsets = [3], sizes = [1], strides = [1]} : vector<16xf32> to vector<1xf32>
        %squeeze3A_870 = vector.extract %slice3A_869[0] : f32 from vector<1xf32>
        %slice3A_871 = vector.extract_strided_slice %get3A_331 {offsets = [3], sizes = [1], strides = [1]} : vector<16xf32> to vector<1xf32>
        %squeeze3A_872 = vector.extract %slice3A_871[0] : f32 from vector<1xf32>
        %slice3A_873 = vector.extract_strided_slice %get3A_334 {offsets = [3], sizes = [1], strides = [1]} : vector<16xf32> to vector<1xf32>
        %squeeze3A_874 = vector.extract %slice3A_873[0] : f32 from vector<1xf32>
        %slice3A_875 = vector.extract_strided_slice %get3A_337 {offsets = [3], sizes = [1], strides = [1]} : vector<16xf32> to vector<1xf32>
        %squeeze3A_876 = vector.extract %slice3A_875[0] : f32 from vector<1xf32>
        %min3A_877 = vector.broadcast %squeeze3A_872 : f32 to vector<16xf32>
        %min3A_878 = arith.minimumf %get3A_160, %min3A_877 : vector<16xf32>
        %max3A_879 = vector.broadcast %squeeze3A_868 : f32 to vector<16xf32>
        %max3A_880 = arith.maximumf %get3A_48, %max3A_879 : vector<16xf32>
        %sub3A_881 = arith.subf %min3A_878, %max3A_880 : vector<16xf32>
        %max3A_882 = arith.constant 0.000000e+00 : f32
        %max3A_883 = vector.broadcast %max3A_882 : f32 to vector<16xf32>
        %max3A_884 = arith.maximumf %sub3A_881, %max3A_883 : vector<16xf32>
        %min3A_885 = vector.broadcast %squeeze3A_874 : f32 to vector<16xf32>
        %min3A_886 = arith.minimumf %get3A_216, %min3A_885 : vector<16xf32>
        %max3A_887 = vector.broadcast %squeeze3A_870 : f32 to vector<16xf32>
        %max3A_888 = arith.maximumf %get3A_104, %max3A_887 : vector<16xf32>
        %sub3A_889 = arith.subf %min3A_886, %max3A_888 : vector<16xf32>
        %max3A_890 = arith.constant 0.000000e+00 : f32
        %max3A_891 = vector.broadcast %max3A_890 : f32 to vector<16xf32>
        %max3A_892 = arith.maximumf %sub3A_889, %max3A_891 : vector<16xf32>
        %mul3A_893 = arith.mulf %max3A_884, %max3A_892 : vector<16xf32>
        %add3A_894 = vector.broadcast %squeeze3A_876 : f32 to vector<16xf32>
        %add3A_895 = arith.addf %get3A_270, %add3A_894 : vector<16xf32>
        %div3A_896 = arith.divf %mul3A_893, %add3A_895 : vector<16xf32>
        %max3A_897 = arith.maximumf %max3A_719, %div3A_896 : vector<16xf32>
        %min3A_898 = vector.broadcast %squeeze3A_872 : f32 to vector<16xf32>
        %min3A_899 = arith.minimumf %get3A_167, %min3A_898 : vector<16xf32>
        %max3A_900 = vector.broadcast %squeeze3A_868 : f32 to vector<16xf32>
        %max3A_901 = arith.maximumf %get3A_55, %max3A_900 : vector<16xf32>
        %sub3A_902 = arith.subf %min3A_899, %max3A_901 : vector<16xf32>
        %max3A_903 = arith.constant 0.000000e+00 : f32
        %max3A_904 = vector.broadcast %max3A_903 : f32 to vector<16xf32>
        %max3A_905 = arith.maximumf %sub3A_902, %max3A_904 : vector<16xf32>
        %min3A_906 = vector.broadcast %squeeze3A_874 : f32 to vector<16xf32>
        %min3A_907 = arith.minimumf %get3A_223, %min3A_906 : vector<16xf32>
        %max3A_908 = vector.broadcast %squeeze3A_870 : f32 to vector<16xf32>
        %max3A_909 = arith.maximumf %get3A_111, %max3A_908 : vector<16xf32>
        %sub3A_910 = arith.subf %min3A_907, %max3A_909 : vector<16xf32>
        %max3A_911 = arith.constant 0.000000e+00 : f32
        %max3A_912 = vector.broadcast %max3A_911 : f32 to vector<16xf32>
        %max3A_913 = arith.maximumf %sub3A_910, %max3A_912 : vector<16xf32>
        %mul3A_914 = arith.mulf %max3A_905, %max3A_913 : vector<16xf32>
        %add3A_915 = vector.broadcast %squeeze3A_876 : f32 to vector<16xf32>
        %add3A_916 = arith.addf %get3A_275, %add3A_915 : vector<16xf32>
        %div3A_917 = arith.divf %mul3A_914, %add3A_916 : vector<16xf32>
        %max3A_918 = arith.maximumf %max3A_740, %div3A_917 : vector<16xf32>
        %min3A_919 = vector.broadcast %squeeze3A_872 : f32 to vector<16xf32>
        %min3A_920 = arith.minimumf %get3A_174, %min3A_919 : vector<16xf32>
        %max3A_921 = vector.broadcast %squeeze3A_868 : f32 to vector<16xf32>
        %max3A_922 = arith.maximumf %get3A_62, %max3A_921 : vector<16xf32>
        %sub3A_923 = arith.subf %min3A_920, %max3A_922 : vector<16xf32>
        %max3A_924 = arith.constant 0.000000e+00 : f32
        %max3A_925 = vector.broadcast %max3A_924 : f32 to vector<16xf32>
        %max3A_926 = arith.maximumf %sub3A_923, %max3A_925 : vector<16xf32>
        %min3A_927 = vector.broadcast %squeeze3A_874 : f32 to vector<16xf32>
        %min3A_928 = arith.minimumf %get3A_230, %min3A_927 : vector<16xf32>
        %max3A_929 = vector.broadcast %squeeze3A_870 : f32 to vector<16xf32>
        %max3A_930 = arith.maximumf %get3A_118, %max3A_929 : vector<16xf32>
        %sub3A_931 = arith.subf %min3A_928, %max3A_930 : vector<16xf32>
        %max3A_932 = arith.constant 0.000000e+00 : f32
        %max3A_933 = vector.broadcast %max3A_932 : f32 to vector<16xf32>
        %max3A_934 = arith.maximumf %sub3A_931, %max3A_933 : vector<16xf32>
        %mul3A_935 = arith.mulf %max3A_926, %max3A_934 : vector<16xf32>
        %add3A_936 = vector.broadcast %squeeze3A_876 : f32 to vector<16xf32>
        %add3A_937 = arith.addf %get3A_280, %add3A_936 : vector<16xf32>
        %div3A_938 = arith.divf %mul3A_935, %add3A_937 : vector<16xf32>
        %max3A_939 = arith.maximumf %max3A_761, %div3A_938 : vector<16xf32>
        %min3A_940 = vector.broadcast %squeeze3A_872 : f32 to vector<16xf32>
        %min3A_941 = arith.minimumf %get3A_181, %min3A_940 : vector<16xf32>
        %max3A_942 = vector.broadcast %squeeze3A_868 : f32 to vector<16xf32>
        %max3A_943 = arith.maximumf %get3A_69, %max3A_942 : vector<16xf32>
        %sub3A_944 = arith.subf %min3A_941, %max3A_943 : vector<16xf32>
        %max3A_945 = arith.constant 0.000000e+00 : f32
        %max3A_946 = vector.broadcast %max3A_945 : f32 to vector<16xf32>
        %max3A_947 = arith.maximumf %sub3A_944, %max3A_946 : vector<16xf32>
        %min3A_948 = vector.broadcast %squeeze3A_874 : f32 to vector<16xf32>
        %min3A_949 = arith.minimumf %get3A_237, %min3A_948 : vector<16xf32>
        %max3A_950 = vector.broadcast %squeeze3A_870 : f32 to vector<16xf32>
        %max3A_951 = arith.maximumf %get3A_125, %max3A_950 : vector<16xf32>
        %sub3A_952 = arith.subf %min3A_949, %max3A_951 : vector<16xf32>
        %max3A_953 = arith.constant 0.000000e+00 : f32
        %max3A_954 = vector.broadcast %max3A_953 : f32 to vector<16xf32>
        %max3A_955 = arith.maximumf %sub3A_952, %max3A_954 : vector<16xf32>
        %mul3A_956 = arith.mulf %max3A_947, %max3A_955 : vector<16xf32>
        %add3A_957 = vector.broadcast %squeeze3A_876 : f32 to vector<16xf32>
        %add3A_958 = arith.addf %get3A_285, %add3A_957 : vector<16xf32>
        %div3A_959 = arith.divf %mul3A_956, %add3A_958 : vector<16xf32>
        %max3A_960 = arith.maximumf %max3A_782, %div3A_959 : vector<16xf32>
        %min3A_961 = vector.broadcast %squeeze3A_872 : f32 to vector<16xf32>
        %min3A_962 = arith.minimumf %get3A_188, %min3A_961 : vector<16xf32>
        %max3A_963 = vector.broadcast %squeeze3A_868 : f32 to vector<16xf32>
        %max3A_964 = arith.maximumf %get3A_76, %max3A_963 : vector<16xf32>
        %sub3A_965 = arith.subf %min3A_962, %max3A_964 : vector<16xf32>
        %max3A_966 = arith.constant 0.000000e+00 : f32
        %max3A_967 = vector.broadcast %max3A_966 : f32 to vector<16xf32>
        %max3A_968 = arith.maximumf %sub3A_965, %max3A_967 : vector<16xf32>
        %min3A_969 = vector.broadcast %squeeze3A_874 : f32 to vector<16xf32>
        %min3A_970 = arith.minimumf %get3A_244, %min3A_969 : vector<16xf32>
        %max3A_971 = vector.broadcast %squeeze3A_870 : f32 to vector<16xf32>
        %max3A_972 = arith.maximumf %get3A_132, %max3A_971 : vector<16xf32>
        %sub3A_973 = arith.subf %min3A_970, %max3A_972 : vector<16xf32>
        %max3A_974 = arith.constant 0.000000e+00 : f32
        %max3A_975 = vector.broadcast %max3A_974 : f32 to vector<16xf32>
        %max3A_976 = arith.maximumf %sub3A_973, %max3A_975 : vector<16xf32>
        %mul3A_977 = arith.mulf %max3A_968, %max3A_976 : vector<16xf32>
        %add3A_978 = vector.broadcast %squeeze3A_876 : f32 to vector<16xf32>
        %add3A_979 = arith.addf %get3A_290, %add3A_978 : vector<16xf32>
        %div3A_980 = arith.divf %mul3A_977, %add3A_979 : vector<16xf32>
        %max3A_981 = arith.maximumf %max3A_803, %div3A_980 : vector<16xf32>
        %min3A_982 = vector.broadcast %squeeze3A_872 : f32 to vector<16xf32>
        %min3A_983 = arith.minimumf %get3A_195, %min3A_982 : vector<16xf32>
        %max3A_984 = vector.broadcast %squeeze3A_868 : f32 to vector<16xf32>
        %max3A_985 = arith.maximumf %get3A_83, %max3A_984 : vector<16xf32>
        %sub3A_986 = arith.subf %min3A_983, %max3A_985 : vector<16xf32>
        %max3A_987 = arith.constant 0.000000e+00 : f32
        %max3A_988 = vector.broadcast %max3A_987 : f32 to vector<16xf32>
        %max3A_989 = arith.maximumf %sub3A_986, %max3A_988 : vector<16xf32>
        %min3A_990 = vector.broadcast %squeeze3A_874 : f32 to vector<16xf32>
        %min3A_991 = arith.minimumf %get3A_251, %min3A_990 : vector<16xf32>
        %max3A_992 = vector.broadcast %squeeze3A_870 : f32 to vector<16xf32>
        %max3A_993 = arith.maximumf %get3A_139, %max3A_992 : vector<16xf32>
        %sub3A_994 = arith.subf %min3A_991, %max3A_993 : vector<16xf32>
        %max3A_995 = arith.constant 0.000000e+00 : f32
        %max3A_996 = vector.broadcast %max3A_995 : f32 to vector<16xf32>
        %max3A_997 = arith.maximumf %sub3A_994, %max3A_996 : vector<16xf32>
        %mul3A_998 = arith.mulf %max3A_989, %max3A_997 : vector<16xf32>
        %add3A_999 = vector.broadcast %squeeze3A_876 : f32 to vector<16xf32>
        %add3A_1000 = arith.addf %get3A_295, %add3A_999 : vector<16xf32>
        %div3A_1001 = arith.divf %mul3A_998, %add3A_1000 : vector<16xf32>
        %max3A_1002 = arith.maximumf %max3A_824, %div3A_1001 : vector<16xf32>
        %min3A_1003 = vector.broadcast %squeeze3A_872 : f32 to vector<16xf32>
        %min3A_1004 = arith.minimumf %get3A_202, %min3A_1003 : vector<16xf32>
        %max3A_1005 = vector.broadcast %squeeze3A_868 : f32 to vector<16xf32>
        %max3A_1006 = arith.maximumf %get3A_90, %max3A_1005 : vector<16xf32>
        %sub3A_1007 = arith.subf %min3A_1004, %max3A_1006 : vector<16xf32>
        %max3A_1008 = arith.constant 0.000000e+00 : f32
        %max3A_1009 = vector.broadcast %max3A_1008 : f32 to vector<16xf32>
        %max3A_1010 = arith.maximumf %sub3A_1007, %max3A_1009 : vector<16xf32>
        %min3A_1011 = vector.broadcast %squeeze3A_874 : f32 to vector<16xf32>
        %min3A_1012 = arith.minimumf %get3A_258, %min3A_1011 : vector<16xf32>
        %max3A_1013 = vector.broadcast %squeeze3A_870 : f32 to vector<16xf32>
        %max3A_1014 = arith.maximumf %get3A_146, %max3A_1013 : vector<16xf32>
        %sub3A_1015 = arith.subf %min3A_1012, %max3A_1014 : vector<16xf32>
        %max3A_1016 = arith.constant 0.000000e+00 : f32
        %max3A_1017 = vector.broadcast %max3A_1016 : f32 to vector<16xf32>
        %max3A_1018 = arith.maximumf %sub3A_1015, %max3A_1017 : vector<16xf32>
        %mul3A_1019 = arith.mulf %max3A_1010, %max3A_1018 : vector<16xf32>
        %add3A_1020 = vector.broadcast %squeeze3A_876 : f32 to vector<16xf32>
        %add3A_1021 = arith.addf %get3A_300, %add3A_1020 : vector<16xf32>
        %div3A_1022 = arith.divf %mul3A_1019, %add3A_1021 : vector<16xf32>
        %max3A_1023 = arith.maximumf %max3A_845, %div3A_1022 : vector<16xf32>
        %min3A_1024 = vector.broadcast %squeeze3A_872 : f32 to vector<16xf32>
        %min3A_1025 = arith.minimumf %get3A_209, %min3A_1024 : vector<16xf32>
        %max3A_1026 = vector.broadcast %squeeze3A_868 : f32 to vector<16xf32>
        %max3A_1027 = arith.maximumf %get3A_97, %max3A_1026 : vector<16xf32>
        %sub3A_1028 = arith.subf %min3A_1025, %max3A_1027 : vector<16xf32>
        %max3A_1029 = arith.constant 0.000000e+00 : f32
        %max3A_1030 = vector.broadcast %max3A_1029 : f32 to vector<16xf32>
        %max3A_1031 = arith.maximumf %sub3A_1028, %max3A_1030 : vector<16xf32>
        %min3A_1032 = vector.broadcast %squeeze3A_874 : f32 to vector<16xf32>
        %min3A_1033 = arith.minimumf %get3A_265, %min3A_1032 : vector<16xf32>
        %max3A_1034 = vector.broadcast %squeeze3A_870 : f32 to vector<16xf32>
        %max3A_1035 = arith.maximumf %get3A_153, %max3A_1034 : vector<16xf32>
        %sub3A_1036 = arith.subf %min3A_1033, %max3A_1035 : vector<16xf32>
        %max3A_1037 = arith.constant 0.000000e+00 : f32
        %max3A_1038 = vector.broadcast %max3A_1037 : f32 to vector<16xf32>
        %max3A_1039 = arith.maximumf %sub3A_1036, %max3A_1038 : vector<16xf32>
        %mul3A_1040 = arith.mulf %max3A_1031, %max3A_1039 : vector<16xf32>
        %add3A_1041 = vector.broadcast %squeeze3A_876 : f32 to vector<16xf32>
        %add3A_1042 = arith.addf %get3A_305, %add3A_1041 : vector<16xf32>
        %div3A_1043 = arith.divf %mul3A_1040, %add3A_1042 : vector<16xf32>
        %max3A_1044 = arith.maximumf %max3A_866, %div3A_1043 : vector<16xf32>
        %slice3A_1045 = vector.extract_strided_slice %get3A_325 {offsets = [4], sizes = [1], strides = [1]} : vector<16xf32> to vector<1xf32>
        %squeeze3A_1046 = vector.extract %slice3A_1045[0] : f32 from vector<1xf32>
        %slice3A_1047 = vector.extract_strided_slice %get3A_328 {offsets = [4], sizes = [1], strides = [1]} : vector<16xf32> to vector<1xf32>
        %squeeze3A_1048 = vector.extract %slice3A_1047[0] : f32 from vector<1xf32>
        %slice3A_1049 = vector.extract_strided_slice %get3A_331 {offsets = [4], sizes = [1], strides = [1]} : vector<16xf32> to vector<1xf32>
        %squeeze3A_1050 = vector.extract %slice3A_1049[0] : f32 from vector<1xf32>
        %slice3A_1051 = vector.extract_strided_slice %get3A_334 {offsets = [4], sizes = [1], strides = [1]} : vector<16xf32> to vector<1xf32>
        %squeeze3A_1052 = vector.extract %slice3A_1051[0] : f32 from vector<1xf32>
        %slice3A_1053 = vector.extract_strided_slice %get3A_337 {offsets = [4], sizes = [1], strides = [1]} : vector<16xf32> to vector<1xf32>
        %squeeze3A_1054 = vector.extract %slice3A_1053[0] : f32 from vector<1xf32>
        %min3A_1055 = vector.broadcast %squeeze3A_1050 : f32 to vector<16xf32>
        %min3A_1056 = arith.minimumf %get3A_160, %min3A_1055 : vector<16xf32>
        %max3A_1057 = vector.broadcast %squeeze3A_1046 : f32 to vector<16xf32>
        %max3A_1058 = arith.maximumf %get3A_48, %max3A_1057 : vector<16xf32>
        %sub3A_1059 = arith.subf %min3A_1056, %max3A_1058 : vector<16xf32>
        %max3A_1060 = arith.constant 0.000000e+00 : f32
        %max3A_1061 = vector.broadcast %max3A_1060 : f32 to vector<16xf32>
        %max3A_1062 = arith.maximumf %sub3A_1059, %max3A_1061 : vector<16xf32>
        %min3A_1063 = vector.broadcast %squeeze3A_1052 : f32 to vector<16xf32>
        %min3A_1064 = arith.minimumf %get3A_216, %min3A_1063 : vector<16xf32>
        %max3A_1065 = vector.broadcast %squeeze3A_1048 : f32 to vector<16xf32>
        %max3A_1066 = arith.maximumf %get3A_104, %max3A_1065 : vector<16xf32>
        %sub3A_1067 = arith.subf %min3A_1064, %max3A_1066 : vector<16xf32>
        %max3A_1068 = arith.constant 0.000000e+00 : f32
        %max3A_1069 = vector.broadcast %max3A_1068 : f32 to vector<16xf32>
        %max3A_1070 = arith.maximumf %sub3A_1067, %max3A_1069 : vector<16xf32>
        %mul3A_1071 = arith.mulf %max3A_1062, %max3A_1070 : vector<16xf32>
        %add3A_1072 = vector.broadcast %squeeze3A_1054 : f32 to vector<16xf32>
        %add3A_1073 = arith.addf %get3A_270, %add3A_1072 : vector<16xf32>
        %div3A_1074 = arith.divf %mul3A_1071, %add3A_1073 : vector<16xf32>
        %max3A_1075 = arith.maximumf %max3A_897, %div3A_1074 : vector<16xf32>
        %min3A_1076 = vector.broadcast %squeeze3A_1050 : f32 to vector<16xf32>
        %min3A_1077 = arith.minimumf %get3A_167, %min3A_1076 : vector<16xf32>
        %max3A_1078 = vector.broadcast %squeeze3A_1046 : f32 to vector<16xf32>
        %max3A_1079 = arith.maximumf %get3A_55, %max3A_1078 : vector<16xf32>
        %sub3A_1080 = arith.subf %min3A_1077, %max3A_1079 : vector<16xf32>
        %max3A_1081 = arith.constant 0.000000e+00 : f32
        %max3A_1082 = vector.broadcast %max3A_1081 : f32 to vector<16xf32>
        %max3A_1083 = arith.maximumf %sub3A_1080, %max3A_1082 : vector<16xf32>
        %min3A_1084 = vector.broadcast %squeeze3A_1052 : f32 to vector<16xf32>
        %min3A_1085 = arith.minimumf %get3A_223, %min3A_1084 : vector<16xf32>
        %max3A_1086 = vector.broadcast %squeeze3A_1048 : f32 to vector<16xf32>
        %max3A_1087 = arith.maximumf %get3A_111, %max3A_1086 : vector<16xf32>
        %sub3A_1088 = arith.subf %min3A_1085, %max3A_1087 : vector<16xf32>
        %max3A_1089 = arith.constant 0.000000e+00 : f32
        %max3A_1090 = vector.broadcast %max3A_1089 : f32 to vector<16xf32>
        %max3A_1091 = arith.maximumf %sub3A_1088, %max3A_1090 : vector<16xf32>
        %mul3A_1092 = arith.mulf %max3A_1083, %max3A_1091 : vector<16xf32>
        %add3A_1093 = vector.broadcast %squeeze3A_1054 : f32 to vector<16xf32>
        %add3A_1094 = arith.addf %get3A_275, %add3A_1093 : vector<16xf32>
        %div3A_1095 = arith.divf %mul3A_1092, %add3A_1094 : vector<16xf32>
        %max3A_1096 = arith.maximumf %max3A_918, %div3A_1095 : vector<16xf32>
        %min3A_1097 = vector.broadcast %squeeze3A_1050 : f32 to vector<16xf32>
        %min3A_1098 = arith.minimumf %get3A_174, %min3A_1097 : vector<16xf32>
        %max3A_1099 = vector.broadcast %squeeze3A_1046 : f32 to vector<16xf32>
        %max3A_1100 = arith.maximumf %get3A_62, %max3A_1099 : vector<16xf32>
        %sub3A_1101 = arith.subf %min3A_1098, %max3A_1100 : vector<16xf32>
        %max3A_1102 = arith.constant 0.000000e+00 : f32
        %max3A_1103 = vector.broadcast %max3A_1102 : f32 to vector<16xf32>
        %max3A_1104 = arith.maximumf %sub3A_1101, %max3A_1103 : vector<16xf32>
        %min3A_1105 = vector.broadcast %squeeze3A_1052 : f32 to vector<16xf32>
        %min3A_1106 = arith.minimumf %get3A_230, %min3A_1105 : vector<16xf32>
        %max3A_1107 = vector.broadcast %squeeze3A_1048 : f32 to vector<16xf32>
        %max3A_1108 = arith.maximumf %get3A_118, %max3A_1107 : vector<16xf32>
        %sub3A_1109 = arith.subf %min3A_1106, %max3A_1108 : vector<16xf32>
        %max3A_1110 = arith.constant 0.000000e+00 : f32
        %max3A_1111 = vector.broadcast %max3A_1110 : f32 to vector<16xf32>
        %max3A_1112 = arith.maximumf %sub3A_1109, %max3A_1111 : vector<16xf32>
        %mul3A_1113 = arith.mulf %max3A_1104, %max3A_1112 : vector<16xf32>
        %add3A_1114 = vector.broadcast %squeeze3A_1054 : f32 to vector<16xf32>
        %add3A_1115 = arith.addf %get3A_280, %add3A_1114 : vector<16xf32>
        %div3A_1116 = arith.divf %mul3A_1113, %add3A_1115 : vector<16xf32>
        %max3A_1117 = arith.maximumf %max3A_939, %div3A_1116 : vector<16xf32>
        %min3A_1118 = vector.broadcast %squeeze3A_1050 : f32 to vector<16xf32>
        %min3A_1119 = arith.minimumf %get3A_181, %min3A_1118 : vector<16xf32>
        %max3A_1120 = vector.broadcast %squeeze3A_1046 : f32 to vector<16xf32>
        %max3A_1121 = arith.maximumf %get3A_69, %max3A_1120 : vector<16xf32>
        %sub3A_1122 = arith.subf %min3A_1119, %max3A_1121 : vector<16xf32>
        %max3A_1123 = arith.constant 0.000000e+00 : f32
        %max3A_1124 = vector.broadcast %max3A_1123 : f32 to vector<16xf32>
        %max3A_1125 = arith.maximumf %sub3A_1122, %max3A_1124 : vector<16xf32>
        %min3A_1126 = vector.broadcast %squeeze3A_1052 : f32 to vector<16xf32>
        %min3A_1127 = arith.minimumf %get3A_237, %min3A_1126 : vector<16xf32>
        %max3A_1128 = vector.broadcast %squeeze3A_1048 : f32 to vector<16xf32>
        %max3A_1129 = arith.maximumf %get3A_125, %max3A_1128 : vector<16xf32>
        %sub3A_1130 = arith.subf %min3A_1127, %max3A_1129 : vector<16xf32>
        %max3A_1131 = arith.constant 0.000000e+00 : f32
        %max3A_1132 = vector.broadcast %max3A_1131 : f32 to vector<16xf32>
        %max3A_1133 = arith.maximumf %sub3A_1130, %max3A_1132 : vector<16xf32>
        %mul3A_1134 = arith.mulf %max3A_1125, %max3A_1133 : vector<16xf32>
        %add3A_1135 = vector.broadcast %squeeze3A_1054 : f32 to vector<16xf32>
        %add3A_1136 = arith.addf %get3A_285, %add3A_1135 : vector<16xf32>
        %div3A_1137 = arith.divf %mul3A_1134, %add3A_1136 : vector<16xf32>
        %max3A_1138 = arith.maximumf %max3A_960, %div3A_1137 : vector<16xf32>
        %min3A_1139 = vector.broadcast %squeeze3A_1050 : f32 to vector<16xf32>
        %min3A_1140 = arith.minimumf %get3A_188, %min3A_1139 : vector<16xf32>
        %max3A_1141 = vector.broadcast %squeeze3A_1046 : f32 to vector<16xf32>
        %max3A_1142 = arith.maximumf %get3A_76, %max3A_1141 : vector<16xf32>
        %sub3A_1143 = arith.subf %min3A_1140, %max3A_1142 : vector<16xf32>
        %max3A_1144 = arith.constant 0.000000e+00 : f32
        %max3A_1145 = vector.broadcast %max3A_1144 : f32 to vector<16xf32>
        %max3A_1146 = arith.maximumf %sub3A_1143, %max3A_1145 : vector<16xf32>
        %min3A_1147 = vector.broadcast %squeeze3A_1052 : f32 to vector<16xf32>
        %min3A_1148 = arith.minimumf %get3A_244, %min3A_1147 : vector<16xf32>
        %max3A_1149 = vector.broadcast %squeeze3A_1048 : f32 to vector<16xf32>
        %max3A_1150 = arith.maximumf %get3A_132, %max3A_1149 : vector<16xf32>
        %sub3A_1151 = arith.subf %min3A_1148, %max3A_1150 : vector<16xf32>
        %max3A_1152 = arith.constant 0.000000e+00 : f32
        %max3A_1153 = vector.broadcast %max3A_1152 : f32 to vector<16xf32>
        %max3A_1154 = arith.maximumf %sub3A_1151, %max3A_1153 : vector<16xf32>
        %mul3A_1155 = arith.mulf %max3A_1146, %max3A_1154 : vector<16xf32>
        %add3A_1156 = vector.broadcast %squeeze3A_1054 : f32 to vector<16xf32>
        %add3A_1157 = arith.addf %get3A_290, %add3A_1156 : vector<16xf32>
        %div3A_1158 = arith.divf %mul3A_1155, %add3A_1157 : vector<16xf32>
        %max3A_1159 = arith.maximumf %max3A_981, %div3A_1158 : vector<16xf32>
        %min3A_1160 = vector.broadcast %squeeze3A_1050 : f32 to vector<16xf32>
        %min3A_1161 = arith.minimumf %get3A_195, %min3A_1160 : vector<16xf32>
        %max3A_1162 = vector.broadcast %squeeze3A_1046 : f32 to vector<16xf32>
        %max3A_1163 = arith.maximumf %get3A_83, %max3A_1162 : vector<16xf32>
        %sub3A_1164 = arith.subf %min3A_1161, %max3A_1163 : vector<16xf32>
        %max3A_1165 = arith.constant 0.000000e+00 : f32
        %max3A_1166 = vector.broadcast %max3A_1165 : f32 to vector<16xf32>
        %max3A_1167 = arith.maximumf %sub3A_1164, %max3A_1166 : vector<16xf32>
        %min3A_1168 = vector.broadcast %squeeze3A_1052 : f32 to vector<16xf32>
        %min3A_1169 = arith.minimumf %get3A_251, %min3A_1168 : vector<16xf32>
        %max3A_1170 = vector.broadcast %squeeze3A_1048 : f32 to vector<16xf32>
        %max3A_1171 = arith.maximumf %get3A_139, %max3A_1170 : vector<16xf32>
        %sub3A_1172 = arith.subf %min3A_1169, %max3A_1171 : vector<16xf32>
        %max3A_1173 = arith.constant 0.000000e+00 : f32
        %max3A_1174 = vector.broadcast %max3A_1173 : f32 to vector<16xf32>
        %max3A_1175 = arith.maximumf %sub3A_1172, %max3A_1174 : vector<16xf32>
        %mul3A_1176 = arith.mulf %max3A_1167, %max3A_1175 : vector<16xf32>
        %add3A_1177 = vector.broadcast %squeeze3A_1054 : f32 to vector<16xf32>
        %add3A_1178 = arith.addf %get3A_295, %add3A_1177 : vector<16xf32>
        %div3A_1179 = arith.divf %mul3A_1176, %add3A_1178 : vector<16xf32>
        %max3A_1180 = arith.maximumf %max3A_1002, %div3A_1179 : vector<16xf32>
        %min3A_1181 = vector.broadcast %squeeze3A_1050 : f32 to vector<16xf32>
        %min3A_1182 = arith.minimumf %get3A_202, %min3A_1181 : vector<16xf32>
        %max3A_1183 = vector.broadcast %squeeze3A_1046 : f32 to vector<16xf32>
        %max3A_1184 = arith.maximumf %get3A_90, %max3A_1183 : vector<16xf32>
        %sub3A_1185 = arith.subf %min3A_1182, %max3A_1184 : vector<16xf32>
        %max3A_1186 = arith.constant 0.000000e+00 : f32
        %max3A_1187 = vector.broadcast %max3A_1186 : f32 to vector<16xf32>
        %max3A_1188 = arith.maximumf %sub3A_1185, %max3A_1187 : vector<16xf32>
        %min3A_1189 = vector.broadcast %squeeze3A_1052 : f32 to vector<16xf32>
        %min3A_1190 = arith.minimumf %get3A_258, %min3A_1189 : vector<16xf32>
        %max3A_1191 = vector.broadcast %squeeze3A_1048 : f32 to vector<16xf32>
        %max3A_1192 = arith.maximumf %get3A_146, %max3A_1191 : vector<16xf32>
        %sub3A_1193 = arith.subf %min3A_1190, %max3A_1192 : vector<16xf32>
        %max3A_1194 = arith.constant 0.000000e+00 : f32
        %max3A_1195 = vector.broadcast %max3A_1194 : f32 to vector<16xf32>
        %max3A_1196 = arith.maximumf %sub3A_1193, %max3A_1195 : vector<16xf32>
        %mul3A_1197 = arith.mulf %max3A_1188, %max3A_1196 : vector<16xf32>
        %add3A_1198 = vector.broadcast %squeeze3A_1054 : f32 to vector<16xf32>
        %add3A_1199 = arith.addf %get3A_300, %add3A_1198 : vector<16xf32>
        %div3A_1200 = arith.divf %mul3A_1197, %add3A_1199 : vector<16xf32>
        %max3A_1201 = arith.maximumf %max3A_1023, %div3A_1200 : vector<16xf32>
        %min3A_1202 = vector.broadcast %squeeze3A_1050 : f32 to vector<16xf32>
        %min3A_1203 = arith.minimumf %get3A_209, %min3A_1202 : vector<16xf32>
        %max3A_1204 = vector.broadcast %squeeze3A_1046 : f32 to vector<16xf32>
        %max3A_1205 = arith.maximumf %get3A_97, %max3A_1204 : vector<16xf32>
        %sub3A_1206 = arith.subf %min3A_1203, %max3A_1205 : vector<16xf32>
        %max3A_1207 = arith.constant 0.000000e+00 : f32
        %max3A_1208 = vector.broadcast %max3A_1207 : f32 to vector<16xf32>
        %max3A_1209 = arith.maximumf %sub3A_1206, %max3A_1208 : vector<16xf32>
        %min3A_1210 = vector.broadcast %squeeze3A_1052 : f32 to vector<16xf32>
        %min3A_1211 = arith.minimumf %get3A_265, %min3A_1210 : vector<16xf32>
        %max3A_1212 = vector.broadcast %squeeze3A_1048 : f32 to vector<16xf32>
        %max3A_1213 = arith.maximumf %get3A_153, %max3A_1212 : vector<16xf32>
        %sub3A_1214 = arith.subf %min3A_1211, %max3A_1213 : vector<16xf32>
        %max3A_1215 = arith.constant 0.000000e+00 : f32
        %max3A_1216 = vector.broadcast %max3A_1215 : f32 to vector<16xf32>
        %max3A_1217 = arith.maximumf %sub3A_1214, %max3A_1216 : vector<16xf32>
        %mul3A_1218 = arith.mulf %max3A_1209, %max3A_1217 : vector<16xf32>
        %add3A_1219 = vector.broadcast %squeeze3A_1054 : f32 to vector<16xf32>
        %add3A_1220 = arith.addf %get3A_305, %add3A_1219 : vector<16xf32>
        %div3A_1221 = arith.divf %mul3A_1218, %add3A_1220 : vector<16xf32>
        %max3A_1222 = arith.maximumf %max3A_1044, %div3A_1221 : vector<16xf32>
        %slice3A_1223 = vector.extract_strided_slice %get3A_325 {offsets = [5], sizes = [1], strides = [1]} : vector<16xf32> to vector<1xf32>
        %squeeze3A_1224 = vector.extract %slice3A_1223[0] : f32 from vector<1xf32>
        %slice3A_1225 = vector.extract_strided_slice %get3A_328 {offsets = [5], sizes = [1], strides = [1]} : vector<16xf32> to vector<1xf32>
        %squeeze3A_1226 = vector.extract %slice3A_1225[0] : f32 from vector<1xf32>
        %slice3A_1227 = vector.extract_strided_slice %get3A_331 {offsets = [5], sizes = [1], strides = [1]} : vector<16xf32> to vector<1xf32>
        %squeeze3A_1228 = vector.extract %slice3A_1227[0] : f32 from vector<1xf32>
        %slice3A_1229 = vector.extract_strided_slice %get3A_334 {offsets = [5], sizes = [1], strides = [1]} : vector<16xf32> to vector<1xf32>
        %squeeze3A_1230 = vector.extract %slice3A_1229[0] : f32 from vector<1xf32>
        %slice3A_1231 = vector.extract_strided_slice %get3A_337 {offsets = [5], sizes = [1], strides = [1]} : vector<16xf32> to vector<1xf32>
        %squeeze3A_1232 = vector.extract %slice3A_1231[0] : f32 from vector<1xf32>
        %min3A_1233 = vector.broadcast %squeeze3A_1228 : f32 to vector<16xf32>
        %min3A_1234 = arith.minimumf %get3A_160, %min3A_1233 : vector<16xf32>
        %max3A_1235 = vector.broadcast %squeeze3A_1224 : f32 to vector<16xf32>
        %max3A_1236 = arith.maximumf %get3A_48, %max3A_1235 : vector<16xf32>
        %sub3A_1237 = arith.subf %min3A_1234, %max3A_1236 : vector<16xf32>
        %max3A_1238 = arith.constant 0.000000e+00 : f32
        %max3A_1239 = vector.broadcast %max3A_1238 : f32 to vector<16xf32>
        %max3A_1240 = arith.maximumf %sub3A_1237, %max3A_1239 : vector<16xf32>
        %min3A_1241 = vector.broadcast %squeeze3A_1230 : f32 to vector<16xf32>
        %min3A_1242 = arith.minimumf %get3A_216, %min3A_1241 : vector<16xf32>
        %max3A_1243 = vector.broadcast %squeeze3A_1226 : f32 to vector<16xf32>
        %max3A_1244 = arith.maximumf %get3A_104, %max3A_1243 : vector<16xf32>
        %sub3A_1245 = arith.subf %min3A_1242, %max3A_1244 : vector<16xf32>
        %max3A_1246 = arith.constant 0.000000e+00 : f32
        %max3A_1247 = vector.broadcast %max3A_1246 : f32 to vector<16xf32>
        %max3A_1248 = arith.maximumf %sub3A_1245, %max3A_1247 : vector<16xf32>
        %mul3A_1249 = arith.mulf %max3A_1240, %max3A_1248 : vector<16xf32>
        %add3A_1250 = vector.broadcast %squeeze3A_1232 : f32 to vector<16xf32>
        %add3A_1251 = arith.addf %get3A_270, %add3A_1250 : vector<16xf32>
        %div3A_1252 = arith.divf %mul3A_1249, %add3A_1251 : vector<16xf32>
        %max3A_1253 = arith.maximumf %max3A_1075, %div3A_1252 : vector<16xf32>
        %min3A_1254 = vector.broadcast %squeeze3A_1228 : f32 to vector<16xf32>
        %min3A_1255 = arith.minimumf %get3A_167, %min3A_1254 : vector<16xf32>
        %max3A_1256 = vector.broadcast %squeeze3A_1224 : f32 to vector<16xf32>
        %max3A_1257 = arith.maximumf %get3A_55, %max3A_1256 : vector<16xf32>
        %sub3A_1258 = arith.subf %min3A_1255, %max3A_1257 : vector<16xf32>
        %max3A_1259 = arith.constant 0.000000e+00 : f32
        %max3A_1260 = vector.broadcast %max3A_1259 : f32 to vector<16xf32>
        %max3A_1261 = arith.maximumf %sub3A_1258, %max3A_1260 : vector<16xf32>
        %min3A_1262 = vector.broadcast %squeeze3A_1230 : f32 to vector<16xf32>
        %min3A_1263 = arith.minimumf %get3A_223, %min3A_1262 : vector<16xf32>
        %max3A_1264 = vector.broadcast %squeeze3A_1226 : f32 to vector<16xf32>
        %max3A_1265 = arith.maximumf %get3A_111, %max3A_1264 : vector<16xf32>
        %sub3A_1266 = arith.subf %min3A_1263, %max3A_1265 : vector<16xf32>
        %max3A_1267 = arith.constant 0.000000e+00 : f32
        %max3A_1268 = vector.broadcast %max3A_1267 : f32 to vector<16xf32>
        %max3A_1269 = arith.maximumf %sub3A_1266, %max3A_1268 : vector<16xf32>
        %mul3A_1270 = arith.mulf %max3A_1261, %max3A_1269 : vector<16xf32>
        %add3A_1271 = vector.broadcast %squeeze3A_1232 : f32 to vector<16xf32>
        %add3A_1272 = arith.addf %get3A_275, %add3A_1271 : vector<16xf32>
        %div3A_1273 = arith.divf %mul3A_1270, %add3A_1272 : vector<16xf32>
        %max3A_1274 = arith.maximumf %max3A_1096, %div3A_1273 : vector<16xf32>
        %min3A_1275 = vector.broadcast %squeeze3A_1228 : f32 to vector<16xf32>
        %min3A_1276 = arith.minimumf %get3A_174, %min3A_1275 : vector<16xf32>
        %max3A_1277 = vector.broadcast %squeeze3A_1224 : f32 to vector<16xf32>
        %max3A_1278 = arith.maximumf %get3A_62, %max3A_1277 : vector<16xf32>
        %sub3A_1279 = arith.subf %min3A_1276, %max3A_1278 : vector<16xf32>
        %max3A_1280 = arith.constant 0.000000e+00 : f32
        %max3A_1281 = vector.broadcast %max3A_1280 : f32 to vector<16xf32>
        %max3A_1282 = arith.maximumf %sub3A_1279, %max3A_1281 : vector<16xf32>
        %min3A_1283 = vector.broadcast %squeeze3A_1230 : f32 to vector<16xf32>
        %min3A_1284 = arith.minimumf %get3A_230, %min3A_1283 : vector<16xf32>
        %max3A_1285 = vector.broadcast %squeeze3A_1226 : f32 to vector<16xf32>
        %max3A_1286 = arith.maximumf %get3A_118, %max3A_1285 : vector<16xf32>
        %sub3A_1287 = arith.subf %min3A_1284, %max3A_1286 : vector<16xf32>
        %max3A_1288 = arith.constant 0.000000e+00 : f32
        %max3A_1289 = vector.broadcast %max3A_1288 : f32 to vector<16xf32>
        %max3A_1290 = arith.maximumf %sub3A_1287, %max3A_1289 : vector<16xf32>
        %mul3A_1291 = arith.mulf %max3A_1282, %max3A_1290 : vector<16xf32>
        %add3A_1292 = vector.broadcast %squeeze3A_1232 : f32 to vector<16xf32>
        %add3A_1293 = arith.addf %get3A_280, %add3A_1292 : vector<16xf32>
        %div3A_1294 = arith.divf %mul3A_1291, %add3A_1293 : vector<16xf32>
        %max3A_1295 = arith.maximumf %max3A_1117, %div3A_1294 : vector<16xf32>
        %min3A_1296 = vector.broadcast %squeeze3A_1228 : f32 to vector<16xf32>
        %min3A_1297 = arith.minimumf %get3A_181, %min3A_1296 : vector<16xf32>
        %max3A_1298 = vector.broadcast %squeeze3A_1224 : f32 to vector<16xf32>
        %max3A_1299 = arith.maximumf %get3A_69, %max3A_1298 : vector<16xf32>
        %sub3A_1300 = arith.subf %min3A_1297, %max3A_1299 : vector<16xf32>
        %max3A_1301 = arith.constant 0.000000e+00 : f32
        %max3A_1302 = vector.broadcast %max3A_1301 : f32 to vector<16xf32>
        %max3A_1303 = arith.maximumf %sub3A_1300, %max3A_1302 : vector<16xf32>
        %min3A_1304 = vector.broadcast %squeeze3A_1230 : f32 to vector<16xf32>
        %min3A_1305 = arith.minimumf %get3A_237, %min3A_1304 : vector<16xf32>
        %max3A_1306 = vector.broadcast %squeeze3A_1226 : f32 to vector<16xf32>
        %max3A_1307 = arith.maximumf %get3A_125, %max3A_1306 : vector<16xf32>
        %sub3A_1308 = arith.subf %min3A_1305, %max3A_1307 : vector<16xf32>
        %max3A_1309 = arith.constant 0.000000e+00 : f32
        %max3A_1310 = vector.broadcast %max3A_1309 : f32 to vector<16xf32>
        %max3A_1311 = arith.maximumf %sub3A_1308, %max3A_1310 : vector<16xf32>
        %mul3A_1312 = arith.mulf %max3A_1303, %max3A_1311 : vector<16xf32>
        %add3A_1313 = vector.broadcast %squeeze3A_1232 : f32 to vector<16xf32>
        %add3A_1314 = arith.addf %get3A_285, %add3A_1313 : vector<16xf32>
        %div3A_1315 = arith.divf %mul3A_1312, %add3A_1314 : vector<16xf32>
        %max3A_1316 = arith.maximumf %max3A_1138, %div3A_1315 : vector<16xf32>
        %min3A_1317 = vector.broadcast %squeeze3A_1228 : f32 to vector<16xf32>
        %min3A_1318 = arith.minimumf %get3A_188, %min3A_1317 : vector<16xf32>
        %max3A_1319 = vector.broadcast %squeeze3A_1224 : f32 to vector<16xf32>
        %max3A_1320 = arith.maximumf %get3A_76, %max3A_1319 : vector<16xf32>
        %sub3A_1321 = arith.subf %min3A_1318, %max3A_1320 : vector<16xf32>
        %max3A_1322 = arith.constant 0.000000e+00 : f32
        %max3A_1323 = vector.broadcast %max3A_1322 : f32 to vector<16xf32>
        %max3A_1324 = arith.maximumf %sub3A_1321, %max3A_1323 : vector<16xf32>
        %min3A_1325 = vector.broadcast %squeeze3A_1230 : f32 to vector<16xf32>
        %min3A_1326 = arith.minimumf %get3A_244, %min3A_1325 : vector<16xf32>
        %max3A_1327 = vector.broadcast %squeeze3A_1226 : f32 to vector<16xf32>
        %max3A_1328 = arith.maximumf %get3A_132, %max3A_1327 : vector<16xf32>
        %sub3A_1329 = arith.subf %min3A_1326, %max3A_1328 : vector<16xf32>
        %max3A_1330 = arith.constant 0.000000e+00 : f32
        %max3A_1331 = vector.broadcast %max3A_1330 : f32 to vector<16xf32>
        %max3A_1332 = arith.maximumf %sub3A_1329, %max3A_1331 : vector<16xf32>
        %mul3A_1333 = arith.mulf %max3A_1324, %max3A_1332 : vector<16xf32>
        %add3A_1334 = vector.broadcast %squeeze3A_1232 : f32 to vector<16xf32>
        %add3A_1335 = arith.addf %get3A_290, %add3A_1334 : vector<16xf32>
        %div3A_1336 = arith.divf %mul3A_1333, %add3A_1335 : vector<16xf32>
        %max3A_1337 = arith.maximumf %max3A_1159, %div3A_1336 : vector<16xf32>
        %min3A_1338 = vector.broadcast %squeeze3A_1228 : f32 to vector<16xf32>
        %min3A_1339 = arith.minimumf %get3A_195, %min3A_1338 : vector<16xf32>
        %max3A_1340 = vector.broadcast %squeeze3A_1224 : f32 to vector<16xf32>
        %max3A_1341 = arith.maximumf %get3A_83, %max3A_1340 : vector<16xf32>
        %sub3A_1342 = arith.subf %min3A_1339, %max3A_1341 : vector<16xf32>
        %max3A_1343 = arith.constant 0.000000e+00 : f32
        %max3A_1344 = vector.broadcast %max3A_1343 : f32 to vector<16xf32>
        %max3A_1345 = arith.maximumf %sub3A_1342, %max3A_1344 : vector<16xf32>
        %min3A_1346 = vector.broadcast %squeeze3A_1230 : f32 to vector<16xf32>
        %min3A_1347 = arith.minimumf %get3A_251, %min3A_1346 : vector<16xf32>
        %max3A_1348 = vector.broadcast %squeeze3A_1226 : f32 to vector<16xf32>
        %max3A_1349 = arith.maximumf %get3A_139, %max3A_1348 : vector<16xf32>
        %sub3A_1350 = arith.subf %min3A_1347, %max3A_1349 : vector<16xf32>
        %max3A_1351 = arith.constant 0.000000e+00 : f32
        %max3A_1352 = vector.broadcast %max3A_1351 : f32 to vector<16xf32>
        %max3A_1353 = arith.maximumf %sub3A_1350, %max3A_1352 : vector<16xf32>
        %mul3A_1354 = arith.mulf %max3A_1345, %max3A_1353 : vector<16xf32>
        %add3A_1355 = vector.broadcast %squeeze3A_1232 : f32 to vector<16xf32>
        %add3A_1356 = arith.addf %get3A_295, %add3A_1355 : vector<16xf32>
        %div3A_1357 = arith.divf %mul3A_1354, %add3A_1356 : vector<16xf32>
        %max3A_1358 = arith.maximumf %max3A_1180, %div3A_1357 : vector<16xf32>
        %min3A_1359 = vector.broadcast %squeeze3A_1228 : f32 to vector<16xf32>
        %min3A_1360 = arith.minimumf %get3A_202, %min3A_1359 : vector<16xf32>
        %max3A_1361 = vector.broadcast %squeeze3A_1224 : f32 to vector<16xf32>
        %max3A_1362 = arith.maximumf %get3A_90, %max3A_1361 : vector<16xf32>
        %sub3A_1363 = arith.subf %min3A_1360, %max3A_1362 : vector<16xf32>
        %max3A_1364 = arith.constant 0.000000e+00 : f32
        %max3A_1365 = vector.broadcast %max3A_1364 : f32 to vector<16xf32>
        %max3A_1366 = arith.maximumf %sub3A_1363, %max3A_1365 : vector<16xf32>
        %min3A_1367 = vector.broadcast %squeeze3A_1230 : f32 to vector<16xf32>
        %min3A_1368 = arith.minimumf %get3A_258, %min3A_1367 : vector<16xf32>
        %max3A_1369 = vector.broadcast %squeeze3A_1226 : f32 to vector<16xf32>
        %max3A_1370 = arith.maximumf %get3A_146, %max3A_1369 : vector<16xf32>
        %sub3A_1371 = arith.subf %min3A_1368, %max3A_1370 : vector<16xf32>
        %max3A_1372 = arith.constant 0.000000e+00 : f32
        %max3A_1373 = vector.broadcast %max3A_1372 : f32 to vector<16xf32>
        %max3A_1374 = arith.maximumf %sub3A_1371, %max3A_1373 : vector<16xf32>
        %mul3A_1375 = arith.mulf %max3A_1366, %max3A_1374 : vector<16xf32>
        %add3A_1376 = vector.broadcast %squeeze3A_1232 : f32 to vector<16xf32>
        %add3A_1377 = arith.addf %get3A_300, %add3A_1376 : vector<16xf32>
        %div3A_1378 = arith.divf %mul3A_1375, %add3A_1377 : vector<16xf32>
        %max3A_1379 = arith.maximumf %max3A_1201, %div3A_1378 : vector<16xf32>
        %min3A_1380 = vector.broadcast %squeeze3A_1228 : f32 to vector<16xf32>
        %min3A_1381 = arith.minimumf %get3A_209, %min3A_1380 : vector<16xf32>
        %max3A_1382 = vector.broadcast %squeeze3A_1224 : f32 to vector<16xf32>
        %max3A_1383 = arith.maximumf %get3A_97, %max3A_1382 : vector<16xf32>
        %sub3A_1384 = arith.subf %min3A_1381, %max3A_1383 : vector<16xf32>
        %max3A_1385 = arith.constant 0.000000e+00 : f32
        %max3A_1386 = vector.broadcast %max3A_1385 : f32 to vector<16xf32>
        %max3A_1387 = arith.maximumf %sub3A_1384, %max3A_1386 : vector<16xf32>
        %min3A_1388 = vector.broadcast %squeeze3A_1230 : f32 to vector<16xf32>
        %min3A_1389 = arith.minimumf %get3A_265, %min3A_1388 : vector<16xf32>
        %max3A_1390 = vector.broadcast %squeeze3A_1226 : f32 to vector<16xf32>
        %max3A_1391 = arith.maximumf %get3A_153, %max3A_1390 : vector<16xf32>
        %sub3A_1392 = arith.subf %min3A_1389, %max3A_1391 : vector<16xf32>
        %max3A_1393 = arith.constant 0.000000e+00 : f32
        %max3A_1394 = vector.broadcast %max3A_1393 : f32 to vector<16xf32>
        %max3A_1395 = arith.maximumf %sub3A_1392, %max3A_1394 : vector<16xf32>
        %mul3A_1396 = arith.mulf %max3A_1387, %max3A_1395 : vector<16xf32>
        %add3A_1397 = vector.broadcast %squeeze3A_1232 : f32 to vector<16xf32>
        %add3A_1398 = arith.addf %get3A_305, %add3A_1397 : vector<16xf32>
        %div3A_1399 = arith.divf %mul3A_1396, %add3A_1398 : vector<16xf32>
        %max3A_1400 = arith.maximumf %max3A_1222, %div3A_1399 : vector<16xf32>
        %slice3A_1401 = vector.extract_strided_slice %get3A_325 {offsets = [6], sizes = [1], strides = [1]} : vector<16xf32> to vector<1xf32>
        %squeeze3A_1402 = vector.extract %slice3A_1401[0] : f32 from vector<1xf32>
        %slice3A_1403 = vector.extract_strided_slice %get3A_328 {offsets = [6], sizes = [1], strides = [1]} : vector<16xf32> to vector<1xf32>
        %squeeze3A_1404 = vector.extract %slice3A_1403[0] : f32 from vector<1xf32>
        %slice3A_1405 = vector.extract_strided_slice %get3A_331 {offsets = [6], sizes = [1], strides = [1]} : vector<16xf32> to vector<1xf32>
        %squeeze3A_1406 = vector.extract %slice3A_1405[0] : f32 from vector<1xf32>
        %slice3A_1407 = vector.extract_strided_slice %get3A_334 {offsets = [6], sizes = [1], strides = [1]} : vector<16xf32> to vector<1xf32>
        %squeeze3A_1408 = vector.extract %slice3A_1407[0] : f32 from vector<1xf32>
        %slice3A_1409 = vector.extract_strided_slice %get3A_337 {offsets = [6], sizes = [1], strides = [1]} : vector<16xf32> to vector<1xf32>
        %squeeze3A_1410 = vector.extract %slice3A_1409[0] : f32 from vector<1xf32>
        %min3A_1411 = vector.broadcast %squeeze3A_1406 : f32 to vector<16xf32>
        %min3A_1412 = arith.minimumf %get3A_160, %min3A_1411 : vector<16xf32>
        %max3A_1413 = vector.broadcast %squeeze3A_1402 : f32 to vector<16xf32>
        %max3A_1414 = arith.maximumf %get3A_48, %max3A_1413 : vector<16xf32>
        %sub3A_1415 = arith.subf %min3A_1412, %max3A_1414 : vector<16xf32>
        %max3A_1416 = arith.constant 0.000000e+00 : f32
        %max3A_1417 = vector.broadcast %max3A_1416 : f32 to vector<16xf32>
        %max3A_1418 = arith.maximumf %sub3A_1415, %max3A_1417 : vector<16xf32>
        %min3A_1419 = vector.broadcast %squeeze3A_1408 : f32 to vector<16xf32>
        %min3A_1420 = arith.minimumf %get3A_216, %min3A_1419 : vector<16xf32>
        %max3A_1421 = vector.broadcast %squeeze3A_1404 : f32 to vector<16xf32>
        %max3A_1422 = arith.maximumf %get3A_104, %max3A_1421 : vector<16xf32>
        %sub3A_1423 = arith.subf %min3A_1420, %max3A_1422 : vector<16xf32>
        %max3A_1424 = arith.constant 0.000000e+00 : f32
        %max3A_1425 = vector.broadcast %max3A_1424 : f32 to vector<16xf32>
        %max3A_1426 = arith.maximumf %sub3A_1423, %max3A_1425 : vector<16xf32>
        %mul3A_1427 = arith.mulf %max3A_1418, %max3A_1426 : vector<16xf32>
        %add3A_1428 = vector.broadcast %squeeze3A_1410 : f32 to vector<16xf32>
        %add3A_1429 = arith.addf %get3A_270, %add3A_1428 : vector<16xf32>
        %div3A_1430 = arith.divf %mul3A_1427, %add3A_1429 : vector<16xf32>
        %max3A_1431 = arith.maximumf %max3A_1253, %div3A_1430 : vector<16xf32>
        %min3A_1432 = vector.broadcast %squeeze3A_1406 : f32 to vector<16xf32>
        %min3A_1433 = arith.minimumf %get3A_167, %min3A_1432 : vector<16xf32>
        %max3A_1434 = vector.broadcast %squeeze3A_1402 : f32 to vector<16xf32>
        %max3A_1435 = arith.maximumf %get3A_55, %max3A_1434 : vector<16xf32>
        %sub3A_1436 = arith.subf %min3A_1433, %max3A_1435 : vector<16xf32>
        %max3A_1437 = arith.constant 0.000000e+00 : f32
        %max3A_1438 = vector.broadcast %max3A_1437 : f32 to vector<16xf32>
        %max3A_1439 = arith.maximumf %sub3A_1436, %max3A_1438 : vector<16xf32>
        %min3A_1440 = vector.broadcast %squeeze3A_1408 : f32 to vector<16xf32>
        %min3A_1441 = arith.minimumf %get3A_223, %min3A_1440 : vector<16xf32>
        %max3A_1442 = vector.broadcast %squeeze3A_1404 : f32 to vector<16xf32>
        %max3A_1443 = arith.maximumf %get3A_111, %max3A_1442 : vector<16xf32>
        %sub3A_1444 = arith.subf %min3A_1441, %max3A_1443 : vector<16xf32>
        %max3A_1445 = arith.constant 0.000000e+00 : f32
        %max3A_1446 = vector.broadcast %max3A_1445 : f32 to vector<16xf32>
        %max3A_1447 = arith.maximumf %sub3A_1444, %max3A_1446 : vector<16xf32>
        %mul3A_1448 = arith.mulf %max3A_1439, %max3A_1447 : vector<16xf32>
        %add3A_1449 = vector.broadcast %squeeze3A_1410 : f32 to vector<16xf32>
        %add3A_1450 = arith.addf %get3A_275, %add3A_1449 : vector<16xf32>
        %div3A_1451 = arith.divf %mul3A_1448, %add3A_1450 : vector<16xf32>
        %max3A_1452 = arith.maximumf %max3A_1274, %div3A_1451 : vector<16xf32>
        %min3A_1453 = vector.broadcast %squeeze3A_1406 : f32 to vector<16xf32>
        %min3A_1454 = arith.minimumf %get3A_174, %min3A_1453 : vector<16xf32>
        %max3A_1455 = vector.broadcast %squeeze3A_1402 : f32 to vector<16xf32>
        %max3A_1456 = arith.maximumf %get3A_62, %max3A_1455 : vector<16xf32>
        %sub3A_1457 = arith.subf %min3A_1454, %max3A_1456 : vector<16xf32>
        %max3A_1458 = arith.constant 0.000000e+00 : f32
        %max3A_1459 = vector.broadcast %max3A_1458 : f32 to vector<16xf32>
        %max3A_1460 = arith.maximumf %sub3A_1457, %max3A_1459 : vector<16xf32>
        %min3A_1461 = vector.broadcast %squeeze3A_1408 : f32 to vector<16xf32>
        %min3A_1462 = arith.minimumf %get3A_230, %min3A_1461 : vector<16xf32>
        %max3A_1463 = vector.broadcast %squeeze3A_1404 : f32 to vector<16xf32>
        %max3A_1464 = arith.maximumf %get3A_118, %max3A_1463 : vector<16xf32>
        %sub3A_1465 = arith.subf %min3A_1462, %max3A_1464 : vector<16xf32>
        %max3A_1466 = arith.constant 0.000000e+00 : f32
        %max3A_1467 = vector.broadcast %max3A_1466 : f32 to vector<16xf32>
        %max3A_1468 = arith.maximumf %sub3A_1465, %max3A_1467 : vector<16xf32>
        %mul3A_1469 = arith.mulf %max3A_1460, %max3A_1468 : vector<16xf32>
        %add3A_1470 = vector.broadcast %squeeze3A_1410 : f32 to vector<16xf32>
        %add3A_1471 = arith.addf %get3A_280, %add3A_1470 : vector<16xf32>
        %div3A_1472 = arith.divf %mul3A_1469, %add3A_1471 : vector<16xf32>
        %max3A_1473 = arith.maximumf %max3A_1295, %div3A_1472 : vector<16xf32>
        %min3A_1474 = vector.broadcast %squeeze3A_1406 : f32 to vector<16xf32>
        %min3A_1475 = arith.minimumf %get3A_181, %min3A_1474 : vector<16xf32>
        %max3A_1476 = vector.broadcast %squeeze3A_1402 : f32 to vector<16xf32>
        %max3A_1477 = arith.maximumf %get3A_69, %max3A_1476 : vector<16xf32>
        %sub3A_1478 = arith.subf %min3A_1475, %max3A_1477 : vector<16xf32>
        %max3A_1479 = arith.constant 0.000000e+00 : f32
        %max3A_1480 = vector.broadcast %max3A_1479 : f32 to vector<16xf32>
        %max3A_1481 = arith.maximumf %sub3A_1478, %max3A_1480 : vector<16xf32>
        %min3A_1482 = vector.broadcast %squeeze3A_1408 : f32 to vector<16xf32>
        %min3A_1483 = arith.minimumf %get3A_237, %min3A_1482 : vector<16xf32>
        %max3A_1484 = vector.broadcast %squeeze3A_1404 : f32 to vector<16xf32>
        %max3A_1485 = arith.maximumf %get3A_125, %max3A_1484 : vector<16xf32>
        %sub3A_1486 = arith.subf %min3A_1483, %max3A_1485 : vector<16xf32>
        %max3A_1487 = arith.constant 0.000000e+00 : f32
        %max3A_1488 = vector.broadcast %max3A_1487 : f32 to vector<16xf32>
        %max3A_1489 = arith.maximumf %sub3A_1486, %max3A_1488 : vector<16xf32>
        %mul3A_1490 = arith.mulf %max3A_1481, %max3A_1489 : vector<16xf32>
        %add3A_1491 = vector.broadcast %squeeze3A_1410 : f32 to vector<16xf32>
        %add3A_1492 = arith.addf %get3A_285, %add3A_1491 : vector<16xf32>
        %div3A_1493 = arith.divf %mul3A_1490, %add3A_1492 : vector<16xf32>
        %max3A_1494 = arith.maximumf %max3A_1316, %div3A_1493 : vector<16xf32>
        %min3A_1495 = vector.broadcast %squeeze3A_1406 : f32 to vector<16xf32>
        %min3A_1496 = arith.minimumf %get3A_188, %min3A_1495 : vector<16xf32>
        %max3A_1497 = vector.broadcast %squeeze3A_1402 : f32 to vector<16xf32>
        %max3A_1498 = arith.maximumf %get3A_76, %max3A_1497 : vector<16xf32>
        %sub3A_1499 = arith.subf %min3A_1496, %max3A_1498 : vector<16xf32>
        %max3A_1500 = arith.constant 0.000000e+00 : f32
        %max3A_1501 = vector.broadcast %max3A_1500 : f32 to vector<16xf32>
        %max3A_1502 = arith.maximumf %sub3A_1499, %max3A_1501 : vector<16xf32>
        %min3A_1503 = vector.broadcast %squeeze3A_1408 : f32 to vector<16xf32>
        %min3A_1504 = arith.minimumf %get3A_244, %min3A_1503 : vector<16xf32>
        %max3A_1505 = vector.broadcast %squeeze3A_1404 : f32 to vector<16xf32>
        %max3A_1506 = arith.maximumf %get3A_132, %max3A_1505 : vector<16xf32>
        %sub3A_1507 = arith.subf %min3A_1504, %max3A_1506 : vector<16xf32>
        %max3A_1508 = arith.constant 0.000000e+00 : f32
        %max3A_1509 = vector.broadcast %max3A_1508 : f32 to vector<16xf32>
        %max3A_1510 = arith.maximumf %sub3A_1507, %max3A_1509 : vector<16xf32>
        %mul3A_1511 = arith.mulf %max3A_1502, %max3A_1510 : vector<16xf32>
        %add3A_1512 = vector.broadcast %squeeze3A_1410 : f32 to vector<16xf32>
        %add3A_1513 = arith.addf %get3A_290, %add3A_1512 : vector<16xf32>
        %div3A_1514 = arith.divf %mul3A_1511, %add3A_1513 : vector<16xf32>
        %max3A_1515 = arith.maximumf %max3A_1337, %div3A_1514 : vector<16xf32>
        %min3A_1516 = vector.broadcast %squeeze3A_1406 : f32 to vector<16xf32>
        %min3A_1517 = arith.minimumf %get3A_195, %min3A_1516 : vector<16xf32>
        %max3A_1518 = vector.broadcast %squeeze3A_1402 : f32 to vector<16xf32>
        %max3A_1519 = arith.maximumf %get3A_83, %max3A_1518 : vector<16xf32>
        %sub3A_1520 = arith.subf %min3A_1517, %max3A_1519 : vector<16xf32>
        %max3A_1521 = arith.constant 0.000000e+00 : f32
        %max3A_1522 = vector.broadcast %max3A_1521 : f32 to vector<16xf32>
        %max3A_1523 = arith.maximumf %sub3A_1520, %max3A_1522 : vector<16xf32>
        %min3A_1524 = vector.broadcast %squeeze3A_1408 : f32 to vector<16xf32>
        %min3A_1525 = arith.minimumf %get3A_251, %min3A_1524 : vector<16xf32>
        %max3A_1526 = vector.broadcast %squeeze3A_1404 : f32 to vector<16xf32>
        %max3A_1527 = arith.maximumf %get3A_139, %max3A_1526 : vector<16xf32>
        %sub3A_1528 = arith.subf %min3A_1525, %max3A_1527 : vector<16xf32>
        %max3A_1529 = arith.constant 0.000000e+00 : f32
        %max3A_1530 = vector.broadcast %max3A_1529 : f32 to vector<16xf32>
        %max3A_1531 = arith.maximumf %sub3A_1528, %max3A_1530 : vector<16xf32>
        %mul3A_1532 = arith.mulf %max3A_1523, %max3A_1531 : vector<16xf32>
        %add3A_1533 = vector.broadcast %squeeze3A_1410 : f32 to vector<16xf32>
        %add3A_1534 = arith.addf %get3A_295, %add3A_1533 : vector<16xf32>
        %div3A_1535 = arith.divf %mul3A_1532, %add3A_1534 : vector<16xf32>
        %max3A_1536 = arith.maximumf %max3A_1358, %div3A_1535 : vector<16xf32>
        %min3A_1537 = vector.broadcast %squeeze3A_1406 : f32 to vector<16xf32>
        %min3A_1538 = arith.minimumf %get3A_202, %min3A_1537 : vector<16xf32>
        %max3A_1539 = vector.broadcast %squeeze3A_1402 : f32 to vector<16xf32>
        %max3A_1540 = arith.maximumf %get3A_90, %max3A_1539 : vector<16xf32>
        %sub3A_1541 = arith.subf %min3A_1538, %max3A_1540 : vector<16xf32>
        %max3A_1542 = arith.constant 0.000000e+00 : f32
        %max3A_1543 = vector.broadcast %max3A_1542 : f32 to vector<16xf32>
        %max3A_1544 = arith.maximumf %sub3A_1541, %max3A_1543 : vector<16xf32>
        %min3A_1545 = vector.broadcast %squeeze3A_1408 : f32 to vector<16xf32>
        %min3A_1546 = arith.minimumf %get3A_258, %min3A_1545 : vector<16xf32>
        %max3A_1547 = vector.broadcast %squeeze3A_1404 : f32 to vector<16xf32>
        %max3A_1548 = arith.maximumf %get3A_146, %max3A_1547 : vector<16xf32>
        %sub3A_1549 = arith.subf %min3A_1546, %max3A_1548 : vector<16xf32>
        %max3A_1550 = arith.constant 0.000000e+00 : f32
        %max3A_1551 = vector.broadcast %max3A_1550 : f32 to vector<16xf32>
        %max3A_1552 = arith.maximumf %sub3A_1549, %max3A_1551 : vector<16xf32>
        %mul3A_1553 = arith.mulf %max3A_1544, %max3A_1552 : vector<16xf32>
        %add3A_1554 = vector.broadcast %squeeze3A_1410 : f32 to vector<16xf32>
        %add3A_1555 = arith.addf %get3A_300, %add3A_1554 : vector<16xf32>
        %div3A_1556 = arith.divf %mul3A_1553, %add3A_1555 : vector<16xf32>
        %max3A_1557 = arith.maximumf %max3A_1379, %div3A_1556 : vector<16xf32>
        %min3A_1558 = vector.broadcast %squeeze3A_1406 : f32 to vector<16xf32>
        %min3A_1559 = arith.minimumf %get3A_209, %min3A_1558 : vector<16xf32>
        %max3A_1560 = vector.broadcast %squeeze3A_1402 : f32 to vector<16xf32>
        %max3A_1561 = arith.maximumf %get3A_97, %max3A_1560 : vector<16xf32>
        %sub3A_1562 = arith.subf %min3A_1559, %max3A_1561 : vector<16xf32>
        %max3A_1563 = arith.constant 0.000000e+00 : f32
        %max3A_1564 = vector.broadcast %max3A_1563 : f32 to vector<16xf32>
        %max3A_1565 = arith.maximumf %sub3A_1562, %max3A_1564 : vector<16xf32>
        %min3A_1566 = vector.broadcast %squeeze3A_1408 : f32 to vector<16xf32>
        %min3A_1567 = arith.minimumf %get3A_265, %min3A_1566 : vector<16xf32>
        %max3A_1568 = vector.broadcast %squeeze3A_1404 : f32 to vector<16xf32>
        %max3A_1569 = arith.maximumf %get3A_153, %max3A_1568 : vector<16xf32>
        %sub3A_1570 = arith.subf %min3A_1567, %max3A_1569 : vector<16xf32>
        %max3A_1571 = arith.constant 0.000000e+00 : f32
        %max3A_1572 = vector.broadcast %max3A_1571 : f32 to vector<16xf32>
        %max3A_1573 = arith.maximumf %sub3A_1570, %max3A_1572 : vector<16xf32>
        %mul3A_1574 = arith.mulf %max3A_1565, %max3A_1573 : vector<16xf32>
        %add3A_1575 = vector.broadcast %squeeze3A_1410 : f32 to vector<16xf32>
        %add3A_1576 = arith.addf %get3A_305, %add3A_1575 : vector<16xf32>
        %div3A_1577 = arith.divf %mul3A_1574, %add3A_1576 : vector<16xf32>
        %max3A_1578 = arith.maximumf %max3A_1400, %div3A_1577 : vector<16xf32>
        %slice3A_1579 = vector.extract_strided_slice %get3A_325 {offsets = [7], sizes = [1], strides = [1]} : vector<16xf32> to vector<1xf32>
        %squeeze3A_1580 = vector.extract %slice3A_1579[0] : f32 from vector<1xf32>
        %slice3A_1581 = vector.extract_strided_slice %get3A_328 {offsets = [7], sizes = [1], strides = [1]} : vector<16xf32> to vector<1xf32>
        %squeeze3A_1582 = vector.extract %slice3A_1581[0] : f32 from vector<1xf32>
        %slice3A_1583 = vector.extract_strided_slice %get3A_331 {offsets = [7], sizes = [1], strides = [1]} : vector<16xf32> to vector<1xf32>
        %squeeze3A_1584 = vector.extract %slice3A_1583[0] : f32 from vector<1xf32>
        %slice3A_1585 = vector.extract_strided_slice %get3A_334 {offsets = [7], sizes = [1], strides = [1]} : vector<16xf32> to vector<1xf32>
        %squeeze3A_1586 = vector.extract %slice3A_1585[0] : f32 from vector<1xf32>
        %slice3A_1587 = vector.extract_strided_slice %get3A_337 {offsets = [7], sizes = [1], strides = [1]} : vector<16xf32> to vector<1xf32>
        %squeeze3A_1588 = vector.extract %slice3A_1587[0] : f32 from vector<1xf32>
        %min3A_1589 = vector.broadcast %squeeze3A_1584 : f32 to vector<16xf32>
        %min3A_1590 = arith.minimumf %get3A_160, %min3A_1589 : vector<16xf32>
        %max3A_1591 = vector.broadcast %squeeze3A_1580 : f32 to vector<16xf32>
        %max3A_1592 = arith.maximumf %get3A_48, %max3A_1591 : vector<16xf32>
        %sub3A_1593 = arith.subf %min3A_1590, %max3A_1592 : vector<16xf32>
        %max3A_1594 = arith.constant 0.000000e+00 : f32
        %max3A_1595 = vector.broadcast %max3A_1594 : f32 to vector<16xf32>
        %max3A_1596 = arith.maximumf %sub3A_1593, %max3A_1595 : vector<16xf32>
        %min3A_1597 = vector.broadcast %squeeze3A_1586 : f32 to vector<16xf32>
        %min3A_1598 = arith.minimumf %get3A_216, %min3A_1597 : vector<16xf32>
        %max3A_1599 = vector.broadcast %squeeze3A_1582 : f32 to vector<16xf32>
        %max3A_1600 = arith.maximumf %get3A_104, %max3A_1599 : vector<16xf32>
        %sub3A_1601 = arith.subf %min3A_1598, %max3A_1600 : vector<16xf32>
        %max3A_1602 = arith.constant 0.000000e+00 : f32
        %max3A_1603 = vector.broadcast %max3A_1602 : f32 to vector<16xf32>
        %max3A_1604 = arith.maximumf %sub3A_1601, %max3A_1603 : vector<16xf32>
        %mul3A_1605 = arith.mulf %max3A_1596, %max3A_1604 : vector<16xf32>
        %add3A_1606 = vector.broadcast %squeeze3A_1588 : f32 to vector<16xf32>
        %add3A_1607 = arith.addf %get3A_270, %add3A_1606 : vector<16xf32>
        %div3A_1608 = arith.divf %mul3A_1605, %add3A_1607 : vector<16xf32>
        %max3A_1609 = arith.maximumf %max3A_1431, %div3A_1608 : vector<16xf32>
        %min3A_1610 = vector.broadcast %squeeze3A_1584 : f32 to vector<16xf32>
        %min3A_1611 = arith.minimumf %get3A_167, %min3A_1610 : vector<16xf32>
        %max3A_1612 = vector.broadcast %squeeze3A_1580 : f32 to vector<16xf32>
        %max3A_1613 = arith.maximumf %get3A_55, %max3A_1612 : vector<16xf32>
        %sub3A_1614 = arith.subf %min3A_1611, %max3A_1613 : vector<16xf32>
        %max3A_1615 = arith.constant 0.000000e+00 : f32
        %max3A_1616 = vector.broadcast %max3A_1615 : f32 to vector<16xf32>
        %max3A_1617 = arith.maximumf %sub3A_1614, %max3A_1616 : vector<16xf32>
        %min3A_1618 = vector.broadcast %squeeze3A_1586 : f32 to vector<16xf32>
        %min3A_1619 = arith.minimumf %get3A_223, %min3A_1618 : vector<16xf32>
        %max3A_1620 = vector.broadcast %squeeze3A_1582 : f32 to vector<16xf32>
        %max3A_1621 = arith.maximumf %get3A_111, %max3A_1620 : vector<16xf32>
        %sub3A_1622 = arith.subf %min3A_1619, %max3A_1621 : vector<16xf32>
        %max3A_1623 = arith.constant 0.000000e+00 : f32
        %max3A_1624 = vector.broadcast %max3A_1623 : f32 to vector<16xf32>
        %max3A_1625 = arith.maximumf %sub3A_1622, %max3A_1624 : vector<16xf32>
        %mul3A_1626 = arith.mulf %max3A_1617, %max3A_1625 : vector<16xf32>
        %add3A_1627 = vector.broadcast %squeeze3A_1588 : f32 to vector<16xf32>
        %add3A_1628 = arith.addf %get3A_275, %add3A_1627 : vector<16xf32>
        %div3A_1629 = arith.divf %mul3A_1626, %add3A_1628 : vector<16xf32>
        %max3A_1630 = arith.maximumf %max3A_1452, %div3A_1629 : vector<16xf32>
        %min3A_1631 = vector.broadcast %squeeze3A_1584 : f32 to vector<16xf32>
        %min3A_1632 = arith.minimumf %get3A_174, %min3A_1631 : vector<16xf32>
        %max3A_1633 = vector.broadcast %squeeze3A_1580 : f32 to vector<16xf32>
        %max3A_1634 = arith.maximumf %get3A_62, %max3A_1633 : vector<16xf32>
        %sub3A_1635 = arith.subf %min3A_1632, %max3A_1634 : vector<16xf32>
        %max3A_1636 = arith.constant 0.000000e+00 : f32
        %max3A_1637 = vector.broadcast %max3A_1636 : f32 to vector<16xf32>
        %max3A_1638 = arith.maximumf %sub3A_1635, %max3A_1637 : vector<16xf32>
        %min3A_1639 = vector.broadcast %squeeze3A_1586 : f32 to vector<16xf32>
        %min3A_1640 = arith.minimumf %get3A_230, %min3A_1639 : vector<16xf32>
        %max3A_1641 = vector.broadcast %squeeze3A_1582 : f32 to vector<16xf32>
        %max3A_1642 = arith.maximumf %get3A_118, %max3A_1641 : vector<16xf32>
        %sub3A_1643 = arith.subf %min3A_1640, %max3A_1642 : vector<16xf32>
        %max3A_1644 = arith.constant 0.000000e+00 : f32
        %max3A_1645 = vector.broadcast %max3A_1644 : f32 to vector<16xf32>
        %max3A_1646 = arith.maximumf %sub3A_1643, %max3A_1645 : vector<16xf32>
        %mul3A_1647 = arith.mulf %max3A_1638, %max3A_1646 : vector<16xf32>
        %add3A_1648 = vector.broadcast %squeeze3A_1588 : f32 to vector<16xf32>
        %add3A_1649 = arith.addf %get3A_280, %add3A_1648 : vector<16xf32>
        %div3A_1650 = arith.divf %mul3A_1647, %add3A_1649 : vector<16xf32>
        %max3A_1651 = arith.maximumf %max3A_1473, %div3A_1650 : vector<16xf32>
        %min3A_1652 = vector.broadcast %squeeze3A_1584 : f32 to vector<16xf32>
        %min3A_1653 = arith.minimumf %get3A_181, %min3A_1652 : vector<16xf32>
        %max3A_1654 = vector.broadcast %squeeze3A_1580 : f32 to vector<16xf32>
        %max3A_1655 = arith.maximumf %get3A_69, %max3A_1654 : vector<16xf32>
        %sub3A_1656 = arith.subf %min3A_1653, %max3A_1655 : vector<16xf32>
        %max3A_1657 = arith.constant 0.000000e+00 : f32
        %max3A_1658 = vector.broadcast %max3A_1657 : f32 to vector<16xf32>
        %max3A_1659 = arith.maximumf %sub3A_1656, %max3A_1658 : vector<16xf32>
        %min3A_1660 = vector.broadcast %squeeze3A_1586 : f32 to vector<16xf32>
        %min3A_1661 = arith.minimumf %get3A_237, %min3A_1660 : vector<16xf32>
        %max3A_1662 = vector.broadcast %squeeze3A_1582 : f32 to vector<16xf32>
        %max3A_1663 = arith.maximumf %get3A_125, %max3A_1662 : vector<16xf32>
        %sub3A_1664 = arith.subf %min3A_1661, %max3A_1663 : vector<16xf32>
        %max3A_1665 = arith.constant 0.000000e+00 : f32
        %max3A_1666 = vector.broadcast %max3A_1665 : f32 to vector<16xf32>
        %max3A_1667 = arith.maximumf %sub3A_1664, %max3A_1666 : vector<16xf32>
        %mul3A_1668 = arith.mulf %max3A_1659, %max3A_1667 : vector<16xf32>
        %add3A_1669 = vector.broadcast %squeeze3A_1588 : f32 to vector<16xf32>
        %add3A_1670 = arith.addf %get3A_285, %add3A_1669 : vector<16xf32>
        %div3A_1671 = arith.divf %mul3A_1668, %add3A_1670 : vector<16xf32>
        %max3A_1672 = arith.maximumf %max3A_1494, %div3A_1671 : vector<16xf32>
        %min3A_1673 = vector.broadcast %squeeze3A_1584 : f32 to vector<16xf32>
        %min3A_1674 = arith.minimumf %get3A_188, %min3A_1673 : vector<16xf32>
        %max3A_1675 = vector.broadcast %squeeze3A_1580 : f32 to vector<16xf32>
        %max3A_1676 = arith.maximumf %get3A_76, %max3A_1675 : vector<16xf32>
        %sub3A_1677 = arith.subf %min3A_1674, %max3A_1676 : vector<16xf32>
        %max3A_1678 = arith.constant 0.000000e+00 : f32
        %max3A_1679 = vector.broadcast %max3A_1678 : f32 to vector<16xf32>
        %max3A_1680 = arith.maximumf %sub3A_1677, %max3A_1679 : vector<16xf32>
        %min3A_1681 = vector.broadcast %squeeze3A_1586 : f32 to vector<16xf32>
        %min3A_1682 = arith.minimumf %get3A_244, %min3A_1681 : vector<16xf32>
        %max3A_1683 = vector.broadcast %squeeze3A_1582 : f32 to vector<16xf32>
        %max3A_1684 = arith.maximumf %get3A_132, %max3A_1683 : vector<16xf32>
        %sub3A_1685 = arith.subf %min3A_1682, %max3A_1684 : vector<16xf32>
        %max3A_1686 = arith.constant 0.000000e+00 : f32
        %max3A_1687 = vector.broadcast %max3A_1686 : f32 to vector<16xf32>
        %max3A_1688 = arith.maximumf %sub3A_1685, %max3A_1687 : vector<16xf32>
        %mul3A_1689 = arith.mulf %max3A_1680, %max3A_1688 : vector<16xf32>
        %add3A_1690 = vector.broadcast %squeeze3A_1588 : f32 to vector<16xf32>
        %add3A_1691 = arith.addf %get3A_290, %add3A_1690 : vector<16xf32>
        %div3A_1692 = arith.divf %mul3A_1689, %add3A_1691 : vector<16xf32>
        %max3A_1693 = arith.maximumf %max3A_1515, %div3A_1692 : vector<16xf32>
        %min3A_1694 = vector.broadcast %squeeze3A_1584 : f32 to vector<16xf32>
        %min3A_1695 = arith.minimumf %get3A_195, %min3A_1694 : vector<16xf32>
        %max3A_1696 = vector.broadcast %squeeze3A_1580 : f32 to vector<16xf32>
        %max3A_1697 = arith.maximumf %get3A_83, %max3A_1696 : vector<16xf32>
        %sub3A_1698 = arith.subf %min3A_1695, %max3A_1697 : vector<16xf32>
        %max3A_1699 = arith.constant 0.000000e+00 : f32
        %max3A_1700 = vector.broadcast %max3A_1699 : f32 to vector<16xf32>
        %max3A_1701 = arith.maximumf %sub3A_1698, %max3A_1700 : vector<16xf32>
        %min3A_1702 = vector.broadcast %squeeze3A_1586 : f32 to vector<16xf32>
        %min3A_1703 = arith.minimumf %get3A_251, %min3A_1702 : vector<16xf32>
        %max3A_1704 = vector.broadcast %squeeze3A_1582 : f32 to vector<16xf32>
        %max3A_1705 = arith.maximumf %get3A_139, %max3A_1704 : vector<16xf32>
        %sub3A_1706 = arith.subf %min3A_1703, %max3A_1705 : vector<16xf32>
        %max3A_1707 = arith.constant 0.000000e+00 : f32
        %max3A_1708 = vector.broadcast %max3A_1707 : f32 to vector<16xf32>
        %max3A_1709 = arith.maximumf %sub3A_1706, %max3A_1708 : vector<16xf32>
        %mul3A_1710 = arith.mulf %max3A_1701, %max3A_1709 : vector<16xf32>
        %add3A_1711 = vector.broadcast %squeeze3A_1588 : f32 to vector<16xf32>
        %add3A_1712 = arith.addf %get3A_295, %add3A_1711 : vector<16xf32>
        %div3A_1713 = arith.divf %mul3A_1710, %add3A_1712 : vector<16xf32>
        %max3A_1714 = arith.maximumf %max3A_1536, %div3A_1713 : vector<16xf32>
        %min3A_1715 = vector.broadcast %squeeze3A_1584 : f32 to vector<16xf32>
        %min3A_1716 = arith.minimumf %get3A_202, %min3A_1715 : vector<16xf32>
        %max3A_1717 = vector.broadcast %squeeze3A_1580 : f32 to vector<16xf32>
        %max3A_1718 = arith.maximumf %get3A_90, %max3A_1717 : vector<16xf32>
        %sub3A_1719 = arith.subf %min3A_1716, %max3A_1718 : vector<16xf32>
        %max3A_1720 = arith.constant 0.000000e+00 : f32
        %max3A_1721 = vector.broadcast %max3A_1720 : f32 to vector<16xf32>
        %max3A_1722 = arith.maximumf %sub3A_1719, %max3A_1721 : vector<16xf32>
        %min3A_1723 = vector.broadcast %squeeze3A_1586 : f32 to vector<16xf32>
        %min3A_1724 = arith.minimumf %get3A_258, %min3A_1723 : vector<16xf32>
        %max3A_1725 = vector.broadcast %squeeze3A_1582 : f32 to vector<16xf32>
        %max3A_1726 = arith.maximumf %get3A_146, %max3A_1725 : vector<16xf32>
        %sub3A_1727 = arith.subf %min3A_1724, %max3A_1726 : vector<16xf32>
        %max3A_1728 = arith.constant 0.000000e+00 : f32
        %max3A_1729 = vector.broadcast %max3A_1728 : f32 to vector<16xf32>
        %max3A_1730 = arith.maximumf %sub3A_1727, %max3A_1729 : vector<16xf32>
        %mul3A_1731 = arith.mulf %max3A_1722, %max3A_1730 : vector<16xf32>
        %add3A_1732 = vector.broadcast %squeeze3A_1588 : f32 to vector<16xf32>
        %add3A_1733 = arith.addf %get3A_300, %add3A_1732 : vector<16xf32>
        %div3A_1734 = arith.divf %mul3A_1731, %add3A_1733 : vector<16xf32>
        %max3A_1735 = arith.maximumf %max3A_1557, %div3A_1734 : vector<16xf32>
        %min3A_1736 = vector.broadcast %squeeze3A_1584 : f32 to vector<16xf32>
        %min3A_1737 = arith.minimumf %get3A_209, %min3A_1736 : vector<16xf32>
        %max3A_1738 = vector.broadcast %squeeze3A_1580 : f32 to vector<16xf32>
        %max3A_1739 = arith.maximumf %get3A_97, %max3A_1738 : vector<16xf32>
        %sub3A_1740 = arith.subf %min3A_1737, %max3A_1739 : vector<16xf32>
        %max3A_1741 = arith.constant 0.000000e+00 : f32
        %max3A_1742 = vector.broadcast %max3A_1741 : f32 to vector<16xf32>
        %max3A_1743 = arith.maximumf %sub3A_1740, %max3A_1742 : vector<16xf32>
        %min3A_1744 = vector.broadcast %squeeze3A_1586 : f32 to vector<16xf32>
        %min3A_1745 = arith.minimumf %get3A_265, %min3A_1744 : vector<16xf32>
        %max3A_1746 = vector.broadcast %squeeze3A_1582 : f32 to vector<16xf32>
        %max3A_1747 = arith.maximumf %get3A_153, %max3A_1746 : vector<16xf32>
        %sub3A_1748 = arith.subf %min3A_1745, %max3A_1747 : vector<16xf32>
        %max3A_1749 = arith.constant 0.000000e+00 : f32
        %max3A_1750 = vector.broadcast %max3A_1749 : f32 to vector<16xf32>
        %max3A_1751 = arith.maximumf %sub3A_1748, %max3A_1750 : vector<16xf32>
        %mul3A_1752 = arith.mulf %max3A_1743, %max3A_1751 : vector<16xf32>
        %add3A_1753 = vector.broadcast %squeeze3A_1588 : f32 to vector<16xf32>
        %add3A_1754 = arith.addf %get3A_305, %add3A_1753 : vector<16xf32>
        %div3A_1755 = arith.divf %mul3A_1752, %add3A_1754 : vector<16xf32>
        %max3A_1756 = arith.maximumf %max3A_1578, %div3A_1755 : vector<16xf32>
        %slice3A_1757 = vector.extract_strided_slice %get3A_325 {offsets = [8], sizes = [1], strides = [1]} : vector<16xf32> to vector<1xf32>
        %squeeze3A_1758 = vector.extract %slice3A_1757[0] : f32 from vector<1xf32>
        %slice3A_1759 = vector.extract_strided_slice %get3A_328 {offsets = [8], sizes = [1], strides = [1]} : vector<16xf32> to vector<1xf32>
        %squeeze3A_1760 = vector.extract %slice3A_1759[0] : f32 from vector<1xf32>
        %slice3A_1761 = vector.extract_strided_slice %get3A_331 {offsets = [8], sizes = [1], strides = [1]} : vector<16xf32> to vector<1xf32>
        %squeeze3A_1762 = vector.extract %slice3A_1761[0] : f32 from vector<1xf32>
        %slice3A_1763 = vector.extract_strided_slice %get3A_334 {offsets = [8], sizes = [1], strides = [1]} : vector<16xf32> to vector<1xf32>
        %squeeze3A_1764 = vector.extract %slice3A_1763[0] : f32 from vector<1xf32>
        %slice3A_1765 = vector.extract_strided_slice %get3A_337 {offsets = [8], sizes = [1], strides = [1]} : vector<16xf32> to vector<1xf32>
        %squeeze3A_1766 = vector.extract %slice3A_1765[0] : f32 from vector<1xf32>
        %min3A_1767 = vector.broadcast %squeeze3A_1762 : f32 to vector<16xf32>
        %min3A_1768 = arith.minimumf %get3A_160, %min3A_1767 : vector<16xf32>
        %max3A_1769 = vector.broadcast %squeeze3A_1758 : f32 to vector<16xf32>
        %max3A_1770 = arith.maximumf %get3A_48, %max3A_1769 : vector<16xf32>
        %sub3A_1771 = arith.subf %min3A_1768, %max3A_1770 : vector<16xf32>
        %max3A_1772 = arith.constant 0.000000e+00 : f32
        %max3A_1773 = vector.broadcast %max3A_1772 : f32 to vector<16xf32>
        %max3A_1774 = arith.maximumf %sub3A_1771, %max3A_1773 : vector<16xf32>
        %min3A_1775 = vector.broadcast %squeeze3A_1764 : f32 to vector<16xf32>
        %min3A_1776 = arith.minimumf %get3A_216, %min3A_1775 : vector<16xf32>
        %max3A_1777 = vector.broadcast %squeeze3A_1760 : f32 to vector<16xf32>
        %max3A_1778 = arith.maximumf %get3A_104, %max3A_1777 : vector<16xf32>
        %sub3A_1779 = arith.subf %min3A_1776, %max3A_1778 : vector<16xf32>
        %max3A_1780 = arith.constant 0.000000e+00 : f32
        %max3A_1781 = vector.broadcast %max3A_1780 : f32 to vector<16xf32>
        %max3A_1782 = arith.maximumf %sub3A_1779, %max3A_1781 : vector<16xf32>
        %mul3A_1783 = arith.mulf %max3A_1774, %max3A_1782 : vector<16xf32>
        %add3A_1784 = vector.broadcast %squeeze3A_1766 : f32 to vector<16xf32>
        %add3A_1785 = arith.addf %get3A_270, %add3A_1784 : vector<16xf32>
        %div3A_1786 = arith.divf %mul3A_1783, %add3A_1785 : vector<16xf32>
        %max3A_1787 = arith.maximumf %max3A_1609, %div3A_1786 : vector<16xf32>
        %min3A_1788 = vector.broadcast %squeeze3A_1762 : f32 to vector<16xf32>
        %min3A_1789 = arith.minimumf %get3A_167, %min3A_1788 : vector<16xf32>
        %max3A_1790 = vector.broadcast %squeeze3A_1758 : f32 to vector<16xf32>
        %max3A_1791 = arith.maximumf %get3A_55, %max3A_1790 : vector<16xf32>
        %sub3A_1792 = arith.subf %min3A_1789, %max3A_1791 : vector<16xf32>
        %max3A_1793 = arith.constant 0.000000e+00 : f32
        %max3A_1794 = vector.broadcast %max3A_1793 : f32 to vector<16xf32>
        %max3A_1795 = arith.maximumf %sub3A_1792, %max3A_1794 : vector<16xf32>
        %min3A_1796 = vector.broadcast %squeeze3A_1764 : f32 to vector<16xf32>
        %min3A_1797 = arith.minimumf %get3A_223, %min3A_1796 : vector<16xf32>
        %max3A_1798 = vector.broadcast %squeeze3A_1760 : f32 to vector<16xf32>
        %max3A_1799 = arith.maximumf %get3A_111, %max3A_1798 : vector<16xf32>
        %sub3A_1800 = arith.subf %min3A_1797, %max3A_1799 : vector<16xf32>
        %max3A_1801 = arith.constant 0.000000e+00 : f32
        %max3A_1802 = vector.broadcast %max3A_1801 : f32 to vector<16xf32>
        %max3A_1803 = arith.maximumf %sub3A_1800, %max3A_1802 : vector<16xf32>
        %mul3A_1804 = arith.mulf %max3A_1795, %max3A_1803 : vector<16xf32>
        %add3A_1805 = vector.broadcast %squeeze3A_1766 : f32 to vector<16xf32>
        %add3A_1806 = arith.addf %get3A_275, %add3A_1805 : vector<16xf32>
        %div3A_1807 = arith.divf %mul3A_1804, %add3A_1806 : vector<16xf32>
        %max3A_1808 = arith.maximumf %max3A_1630, %div3A_1807 : vector<16xf32>
        %min3A_1809 = vector.broadcast %squeeze3A_1762 : f32 to vector<16xf32>
        %min3A_1810 = arith.minimumf %get3A_174, %min3A_1809 : vector<16xf32>
        %max3A_1811 = vector.broadcast %squeeze3A_1758 : f32 to vector<16xf32>
        %max3A_1812 = arith.maximumf %get3A_62, %max3A_1811 : vector<16xf32>
        %sub3A_1813 = arith.subf %min3A_1810, %max3A_1812 : vector<16xf32>
        %max3A_1814 = arith.constant 0.000000e+00 : f32
        %max3A_1815 = vector.broadcast %max3A_1814 : f32 to vector<16xf32>
        %max3A_1816 = arith.maximumf %sub3A_1813, %max3A_1815 : vector<16xf32>
        %min3A_1817 = vector.broadcast %squeeze3A_1764 : f32 to vector<16xf32>
        %min3A_1818 = arith.minimumf %get3A_230, %min3A_1817 : vector<16xf32>
        %max3A_1819 = vector.broadcast %squeeze3A_1760 : f32 to vector<16xf32>
        %max3A_1820 = arith.maximumf %get3A_118, %max3A_1819 : vector<16xf32>
        %sub3A_1821 = arith.subf %min3A_1818, %max3A_1820 : vector<16xf32>
        %max3A_1822 = arith.constant 0.000000e+00 : f32
        %max3A_1823 = vector.broadcast %max3A_1822 : f32 to vector<16xf32>
        %max3A_1824 = arith.maximumf %sub3A_1821, %max3A_1823 : vector<16xf32>
        %mul3A_1825 = arith.mulf %max3A_1816, %max3A_1824 : vector<16xf32>
        %add3A_1826 = vector.broadcast %squeeze3A_1766 : f32 to vector<16xf32>
        %add3A_1827 = arith.addf %get3A_280, %add3A_1826 : vector<16xf32>
        %div3A_1828 = arith.divf %mul3A_1825, %add3A_1827 : vector<16xf32>
        %max3A_1829 = arith.maximumf %max3A_1651, %div3A_1828 : vector<16xf32>
        %min3A_1830 = vector.broadcast %squeeze3A_1762 : f32 to vector<16xf32>
        %min3A_1831 = arith.minimumf %get3A_181, %min3A_1830 : vector<16xf32>
        %max3A_1832 = vector.broadcast %squeeze3A_1758 : f32 to vector<16xf32>
        %max3A_1833 = arith.maximumf %get3A_69, %max3A_1832 : vector<16xf32>
        %sub3A_1834 = arith.subf %min3A_1831, %max3A_1833 : vector<16xf32>
        %max3A_1835 = arith.constant 0.000000e+00 : f32
        %max3A_1836 = vector.broadcast %max3A_1835 : f32 to vector<16xf32>
        %max3A_1837 = arith.maximumf %sub3A_1834, %max3A_1836 : vector<16xf32>
        %min3A_1838 = vector.broadcast %squeeze3A_1764 : f32 to vector<16xf32>
        %min3A_1839 = arith.minimumf %get3A_237, %min3A_1838 : vector<16xf32>
        %max3A_1840 = vector.broadcast %squeeze3A_1760 : f32 to vector<16xf32>
        %max3A_1841 = arith.maximumf %get3A_125, %max3A_1840 : vector<16xf32>
        %sub3A_1842 = arith.subf %min3A_1839, %max3A_1841 : vector<16xf32>
        %max3A_1843 = arith.constant 0.000000e+00 : f32
        %max3A_1844 = vector.broadcast %max3A_1843 : f32 to vector<16xf32>
        %max3A_1845 = arith.maximumf %sub3A_1842, %max3A_1844 : vector<16xf32>
        %mul3A_1846 = arith.mulf %max3A_1837, %max3A_1845 : vector<16xf32>
        %add3A_1847 = vector.broadcast %squeeze3A_1766 : f32 to vector<16xf32>
        %add3A_1848 = arith.addf %get3A_285, %add3A_1847 : vector<16xf32>
        %div3A_1849 = arith.divf %mul3A_1846, %add3A_1848 : vector<16xf32>
        %max3A_1850 = arith.maximumf %max3A_1672, %div3A_1849 : vector<16xf32>
        %min3A_1851 = vector.broadcast %squeeze3A_1762 : f32 to vector<16xf32>
        %min3A_1852 = arith.minimumf %get3A_188, %min3A_1851 : vector<16xf32>
        %max3A_1853 = vector.broadcast %squeeze3A_1758 : f32 to vector<16xf32>
        %max3A_1854 = arith.maximumf %get3A_76, %max3A_1853 : vector<16xf32>
        %sub3A_1855 = arith.subf %min3A_1852, %max3A_1854 : vector<16xf32>
        %max3A_1856 = arith.constant 0.000000e+00 : f32
        %max3A_1857 = vector.broadcast %max3A_1856 : f32 to vector<16xf32>
        %max3A_1858 = arith.maximumf %sub3A_1855, %max3A_1857 : vector<16xf32>
        %min3A_1859 = vector.broadcast %squeeze3A_1764 : f32 to vector<16xf32>
        %min3A_1860 = arith.minimumf %get3A_244, %min3A_1859 : vector<16xf32>
        %max3A_1861 = vector.broadcast %squeeze3A_1760 : f32 to vector<16xf32>
        %max3A_1862 = arith.maximumf %get3A_132, %max3A_1861 : vector<16xf32>
        %sub3A_1863 = arith.subf %min3A_1860, %max3A_1862 : vector<16xf32>
        %max3A_1864 = arith.constant 0.000000e+00 : f32
        %max3A_1865 = vector.broadcast %max3A_1864 : f32 to vector<16xf32>
        %max3A_1866 = arith.maximumf %sub3A_1863, %max3A_1865 : vector<16xf32>
        %mul3A_1867 = arith.mulf %max3A_1858, %max3A_1866 : vector<16xf32>
        %add3A_1868 = vector.broadcast %squeeze3A_1766 : f32 to vector<16xf32>
        %add3A_1869 = arith.addf %get3A_290, %add3A_1868 : vector<16xf32>
        %div3A_1870 = arith.divf %mul3A_1867, %add3A_1869 : vector<16xf32>
        %max3A_1871 = arith.maximumf %max3A_1693, %div3A_1870 : vector<16xf32>
        %min3A_1872 = vector.broadcast %squeeze3A_1762 : f32 to vector<16xf32>
        %min3A_1873 = arith.minimumf %get3A_195, %min3A_1872 : vector<16xf32>
        %max3A_1874 = vector.broadcast %squeeze3A_1758 : f32 to vector<16xf32>
        %max3A_1875 = arith.maximumf %get3A_83, %max3A_1874 : vector<16xf32>
        %sub3A_1876 = arith.subf %min3A_1873, %max3A_1875 : vector<16xf32>
        %max3A_1877 = arith.constant 0.000000e+00 : f32
        %max3A_1878 = vector.broadcast %max3A_1877 : f32 to vector<16xf32>
        %max3A_1879 = arith.maximumf %sub3A_1876, %max3A_1878 : vector<16xf32>
        %min3A_1880 = vector.broadcast %squeeze3A_1764 : f32 to vector<16xf32>
        %min3A_1881 = arith.minimumf %get3A_251, %min3A_1880 : vector<16xf32>
        %max3A_1882 = vector.broadcast %squeeze3A_1760 : f32 to vector<16xf32>
        %max3A_1883 = arith.maximumf %get3A_139, %max3A_1882 : vector<16xf32>
        %sub3A_1884 = arith.subf %min3A_1881, %max3A_1883 : vector<16xf32>
        %max3A_1885 = arith.constant 0.000000e+00 : f32
        %max3A_1886 = vector.broadcast %max3A_1885 : f32 to vector<16xf32>
        %max3A_1887 = arith.maximumf %sub3A_1884, %max3A_1886 : vector<16xf32>
        %mul3A_1888 = arith.mulf %max3A_1879, %max3A_1887 : vector<16xf32>
        %add3A_1889 = vector.broadcast %squeeze3A_1766 : f32 to vector<16xf32>
        %add3A_1890 = arith.addf %get3A_295, %add3A_1889 : vector<16xf32>
        %div3A_1891 = arith.divf %mul3A_1888, %add3A_1890 : vector<16xf32>
        %max3A_1892 = arith.maximumf %max3A_1714, %div3A_1891 : vector<16xf32>
        %min3A_1893 = vector.broadcast %squeeze3A_1762 : f32 to vector<16xf32>
        %min3A_1894 = arith.minimumf %get3A_202, %min3A_1893 : vector<16xf32>
        %max3A_1895 = vector.broadcast %squeeze3A_1758 : f32 to vector<16xf32>
        %max3A_1896 = arith.maximumf %get3A_90, %max3A_1895 : vector<16xf32>
        %sub3A_1897 = arith.subf %min3A_1894, %max3A_1896 : vector<16xf32>
        %max3A_1898 = arith.constant 0.000000e+00 : f32
        %max3A_1899 = vector.broadcast %max3A_1898 : f32 to vector<16xf32>
        %max3A_1900 = arith.maximumf %sub3A_1897, %max3A_1899 : vector<16xf32>
        %min3A_1901 = vector.broadcast %squeeze3A_1764 : f32 to vector<16xf32>
        %min3A_1902 = arith.minimumf %get3A_258, %min3A_1901 : vector<16xf32>
        %max3A_1903 = vector.broadcast %squeeze3A_1760 : f32 to vector<16xf32>
        %max3A_1904 = arith.maximumf %get3A_146, %max3A_1903 : vector<16xf32>
        %sub3A_1905 = arith.subf %min3A_1902, %max3A_1904 : vector<16xf32>
        %max3A_1906 = arith.constant 0.000000e+00 : f32
        %max3A_1907 = vector.broadcast %max3A_1906 : f32 to vector<16xf32>
        %max3A_1908 = arith.maximumf %sub3A_1905, %max3A_1907 : vector<16xf32>
        %mul3A_1909 = arith.mulf %max3A_1900, %max3A_1908 : vector<16xf32>
        %add3A_1910 = vector.broadcast %squeeze3A_1766 : f32 to vector<16xf32>
        %add3A_1911 = arith.addf %get3A_300, %add3A_1910 : vector<16xf32>
        %div3A_1912 = arith.divf %mul3A_1909, %add3A_1911 : vector<16xf32>
        %max3A_1913 = arith.maximumf %max3A_1735, %div3A_1912 : vector<16xf32>
        %min3A_1914 = vector.broadcast %squeeze3A_1762 : f32 to vector<16xf32>
        %min3A_1915 = arith.minimumf %get3A_209, %min3A_1914 : vector<16xf32>
        %max3A_1916 = vector.broadcast %squeeze3A_1758 : f32 to vector<16xf32>
        %max3A_1917 = arith.maximumf %get3A_97, %max3A_1916 : vector<16xf32>
        %sub3A_1918 = arith.subf %min3A_1915, %max3A_1917 : vector<16xf32>
        %max3A_1919 = arith.constant 0.000000e+00 : f32
        %max3A_1920 = vector.broadcast %max3A_1919 : f32 to vector<16xf32>
        %max3A_1921 = arith.maximumf %sub3A_1918, %max3A_1920 : vector<16xf32>
        %min3A_1922 = vector.broadcast %squeeze3A_1764 : f32 to vector<16xf32>
        %min3A_1923 = arith.minimumf %get3A_265, %min3A_1922 : vector<16xf32>
        %max3A_1924 = vector.broadcast %squeeze3A_1760 : f32 to vector<16xf32>
        %max3A_1925 = arith.maximumf %get3A_153, %max3A_1924 : vector<16xf32>
        %sub3A_1926 = arith.subf %min3A_1923, %max3A_1925 : vector<16xf32>
        %max3A_1927 = arith.constant 0.000000e+00 : f32
        %max3A_1928 = vector.broadcast %max3A_1927 : f32 to vector<16xf32>
        %max3A_1929 = arith.maximumf %sub3A_1926, %max3A_1928 : vector<16xf32>
        %mul3A_1930 = arith.mulf %max3A_1921, %max3A_1929 : vector<16xf32>
        %add3A_1931 = vector.broadcast %squeeze3A_1766 : f32 to vector<16xf32>
        %add3A_1932 = arith.addf %get3A_305, %add3A_1931 : vector<16xf32>
        %div3A_1933 = arith.divf %mul3A_1930, %add3A_1932 : vector<16xf32>
        %max3A_1934 = arith.maximumf %max3A_1756, %div3A_1933 : vector<16xf32>
        %slice3A_1935 = vector.extract_strided_slice %get3A_325 {offsets = [9], sizes = [1], strides = [1]} : vector<16xf32> to vector<1xf32>
        %squeeze3A_1936 = vector.extract %slice3A_1935[0] : f32 from vector<1xf32>
        %slice3A_1937 = vector.extract_strided_slice %get3A_328 {offsets = [9], sizes = [1], strides = [1]} : vector<16xf32> to vector<1xf32>
        %squeeze3A_1938 = vector.extract %slice3A_1937[0] : f32 from vector<1xf32>
        %slice3A_1939 = vector.extract_strided_slice %get3A_331 {offsets = [9], sizes = [1], strides = [1]} : vector<16xf32> to vector<1xf32>
        %squeeze3A_1940 = vector.extract %slice3A_1939[0] : f32 from vector<1xf32>
        %slice3A_1941 = vector.extract_strided_slice %get3A_334 {offsets = [9], sizes = [1], strides = [1]} : vector<16xf32> to vector<1xf32>
        %squeeze3A_1942 = vector.extract %slice3A_1941[0] : f32 from vector<1xf32>
        %slice3A_1943 = vector.extract_strided_slice %get3A_337 {offsets = [9], sizes = [1], strides = [1]} : vector<16xf32> to vector<1xf32>
        %squeeze3A_1944 = vector.extract %slice3A_1943[0] : f32 from vector<1xf32>
        %min3A_1945 = vector.broadcast %squeeze3A_1940 : f32 to vector<16xf32>
        %min3A_1946 = arith.minimumf %get3A_160, %min3A_1945 : vector<16xf32>
        %max3A_1947 = vector.broadcast %squeeze3A_1936 : f32 to vector<16xf32>
        %max3A_1948 = arith.maximumf %get3A_48, %max3A_1947 : vector<16xf32>
        %sub3A_1949 = arith.subf %min3A_1946, %max3A_1948 : vector<16xf32>
        %max3A_1950 = arith.constant 0.000000e+00 : f32
        %max3A_1951 = vector.broadcast %max3A_1950 : f32 to vector<16xf32>
        %max3A_1952 = arith.maximumf %sub3A_1949, %max3A_1951 : vector<16xf32>
        %min3A_1953 = vector.broadcast %squeeze3A_1942 : f32 to vector<16xf32>
        %min3A_1954 = arith.minimumf %get3A_216, %min3A_1953 : vector<16xf32>
        %max3A_1955 = vector.broadcast %squeeze3A_1938 : f32 to vector<16xf32>
        %max3A_1956 = arith.maximumf %get3A_104, %max3A_1955 : vector<16xf32>
        %sub3A_1957 = arith.subf %min3A_1954, %max3A_1956 : vector<16xf32>
        %max3A_1958 = arith.constant 0.000000e+00 : f32
        %max3A_1959 = vector.broadcast %max3A_1958 : f32 to vector<16xf32>
        %max3A_1960 = arith.maximumf %sub3A_1957, %max3A_1959 : vector<16xf32>
        %mul3A_1961 = arith.mulf %max3A_1952, %max3A_1960 : vector<16xf32>
        %add3A_1962 = vector.broadcast %squeeze3A_1944 : f32 to vector<16xf32>
        %add3A_1963 = arith.addf %get3A_270, %add3A_1962 : vector<16xf32>
        %div3A_1964 = arith.divf %mul3A_1961, %add3A_1963 : vector<16xf32>
        %max3A_1965 = arith.maximumf %max3A_1787, %div3A_1964 : vector<16xf32>
        %min3A_1966 = vector.broadcast %squeeze3A_1940 : f32 to vector<16xf32>
        %min3A_1967 = arith.minimumf %get3A_167, %min3A_1966 : vector<16xf32>
        %max3A_1968 = vector.broadcast %squeeze3A_1936 : f32 to vector<16xf32>
        %max3A_1969 = arith.maximumf %get3A_55, %max3A_1968 : vector<16xf32>
        %sub3A_1970 = arith.subf %min3A_1967, %max3A_1969 : vector<16xf32>
        %max3A_1971 = arith.constant 0.000000e+00 : f32
        %max3A_1972 = vector.broadcast %max3A_1971 : f32 to vector<16xf32>
        %max3A_1973 = arith.maximumf %sub3A_1970, %max3A_1972 : vector<16xf32>
        %min3A_1974 = vector.broadcast %squeeze3A_1942 : f32 to vector<16xf32>
        %min3A_1975 = arith.minimumf %get3A_223, %min3A_1974 : vector<16xf32>
        %max3A_1976 = vector.broadcast %squeeze3A_1938 : f32 to vector<16xf32>
        %max3A_1977 = arith.maximumf %get3A_111, %max3A_1976 : vector<16xf32>
        %sub3A_1978 = arith.subf %min3A_1975, %max3A_1977 : vector<16xf32>
        %max3A_1979 = arith.constant 0.000000e+00 : f32
        %max3A_1980 = vector.broadcast %max3A_1979 : f32 to vector<16xf32>
        %max3A_1981 = arith.maximumf %sub3A_1978, %max3A_1980 : vector<16xf32>
        %mul3A_1982 = arith.mulf %max3A_1973, %max3A_1981 : vector<16xf32>
        %add3A_1983 = vector.broadcast %squeeze3A_1944 : f32 to vector<16xf32>
        %add3A_1984 = arith.addf %get3A_275, %add3A_1983 : vector<16xf32>
        %div3A_1985 = arith.divf %mul3A_1982, %add3A_1984 : vector<16xf32>
        %max3A_1986 = arith.maximumf %max3A_1808, %div3A_1985 : vector<16xf32>
        %min3A_1987 = vector.broadcast %squeeze3A_1940 : f32 to vector<16xf32>
        %min3A_1988 = arith.minimumf %get3A_174, %min3A_1987 : vector<16xf32>
        %max3A_1989 = vector.broadcast %squeeze3A_1936 : f32 to vector<16xf32>
        %max3A_1990 = arith.maximumf %get3A_62, %max3A_1989 : vector<16xf32>
        %sub3A_1991 = arith.subf %min3A_1988, %max3A_1990 : vector<16xf32>
        %max3A_1992 = arith.constant 0.000000e+00 : f32
        %max3A_1993 = vector.broadcast %max3A_1992 : f32 to vector<16xf32>
        %max3A_1994 = arith.maximumf %sub3A_1991, %max3A_1993 : vector<16xf32>
        %min3A_1995 = vector.broadcast %squeeze3A_1942 : f32 to vector<16xf32>
        %min3A_1996 = arith.minimumf %get3A_230, %min3A_1995 : vector<16xf32>
        %max3A_1997 = vector.broadcast %squeeze3A_1938 : f32 to vector<16xf32>
        %max3A_1998 = arith.maximumf %get3A_118, %max3A_1997 : vector<16xf32>
        %sub3A_1999 = arith.subf %min3A_1996, %max3A_1998 : vector<16xf32>
        %max3A_2000 = arith.constant 0.000000e+00 : f32
        %max3A_2001 = vector.broadcast %max3A_2000 : f32 to vector<16xf32>
        %max3A_2002 = arith.maximumf %sub3A_1999, %max3A_2001 : vector<16xf32>
        %mul3A_2003 = arith.mulf %max3A_1994, %max3A_2002 : vector<16xf32>
        %add3A_2004 = vector.broadcast %squeeze3A_1944 : f32 to vector<16xf32>
        %add3A_2005 = arith.addf %get3A_280, %add3A_2004 : vector<16xf32>
        %div3A_2006 = arith.divf %mul3A_2003, %add3A_2005 : vector<16xf32>
        %max3A_2007 = arith.maximumf %max3A_1829, %div3A_2006 : vector<16xf32>
        %min3A_2008 = vector.broadcast %squeeze3A_1940 : f32 to vector<16xf32>
        %min3A_2009 = arith.minimumf %get3A_181, %min3A_2008 : vector<16xf32>
        %max3A_2010 = vector.broadcast %squeeze3A_1936 : f32 to vector<16xf32>
        %max3A_2011 = arith.maximumf %get3A_69, %max3A_2010 : vector<16xf32>
        %sub3A_2012 = arith.subf %min3A_2009, %max3A_2011 : vector<16xf32>
        %max3A_2013 = arith.constant 0.000000e+00 : f32
        %max3A_2014 = vector.broadcast %max3A_2013 : f32 to vector<16xf32>
        %max3A_2015 = arith.maximumf %sub3A_2012, %max3A_2014 : vector<16xf32>
        %min3A_2016 = vector.broadcast %squeeze3A_1942 : f32 to vector<16xf32>
        %min3A_2017 = arith.minimumf %get3A_237, %min3A_2016 : vector<16xf32>
        %max3A_2018 = vector.broadcast %squeeze3A_1938 : f32 to vector<16xf32>
        %max3A_2019 = arith.maximumf %get3A_125, %max3A_2018 : vector<16xf32>
        %sub3A_2020 = arith.subf %min3A_2017, %max3A_2019 : vector<16xf32>
        %max3A_2021 = arith.constant 0.000000e+00 : f32
        %max3A_2022 = vector.broadcast %max3A_2021 : f32 to vector<16xf32>
        %max3A_2023 = arith.maximumf %sub3A_2020, %max3A_2022 : vector<16xf32>
        %mul3A_2024 = arith.mulf %max3A_2015, %max3A_2023 : vector<16xf32>
        %add3A_2025 = vector.broadcast %squeeze3A_1944 : f32 to vector<16xf32>
        %add3A_2026 = arith.addf %get3A_285, %add3A_2025 : vector<16xf32>
        %div3A_2027 = arith.divf %mul3A_2024, %add3A_2026 : vector<16xf32>
        %max3A_2028 = arith.maximumf %max3A_1850, %div3A_2027 : vector<16xf32>
        %min3A_2029 = vector.broadcast %squeeze3A_1940 : f32 to vector<16xf32>
        %min3A_2030 = arith.minimumf %get3A_188, %min3A_2029 : vector<16xf32>
        %max3A_2031 = vector.broadcast %squeeze3A_1936 : f32 to vector<16xf32>
        %max3A_2032 = arith.maximumf %get3A_76, %max3A_2031 : vector<16xf32>
        %sub3A_2033 = arith.subf %min3A_2030, %max3A_2032 : vector<16xf32>
        %max3A_2034 = arith.constant 0.000000e+00 : f32
        %max3A_2035 = vector.broadcast %max3A_2034 : f32 to vector<16xf32>
        %max3A_2036 = arith.maximumf %sub3A_2033, %max3A_2035 : vector<16xf32>
        %min3A_2037 = vector.broadcast %squeeze3A_1942 : f32 to vector<16xf32>
        %min3A_2038 = arith.minimumf %get3A_244, %min3A_2037 : vector<16xf32>
        %max3A_2039 = vector.broadcast %squeeze3A_1938 : f32 to vector<16xf32>
        %max3A_2040 = arith.maximumf %get3A_132, %max3A_2039 : vector<16xf32>
        %sub3A_2041 = arith.subf %min3A_2038, %max3A_2040 : vector<16xf32>
        %max3A_2042 = arith.constant 0.000000e+00 : f32
        %max3A_2043 = vector.broadcast %max3A_2042 : f32 to vector<16xf32>
        %max3A_2044 = arith.maximumf %sub3A_2041, %max3A_2043 : vector<16xf32>
        %mul3A_2045 = arith.mulf %max3A_2036, %max3A_2044 : vector<16xf32>
        %add3A_2046 = vector.broadcast %squeeze3A_1944 : f32 to vector<16xf32>
        %add3A_2047 = arith.addf %get3A_290, %add3A_2046 : vector<16xf32>
        %div3A_2048 = arith.divf %mul3A_2045, %add3A_2047 : vector<16xf32>
        %max3A_2049 = arith.maximumf %max3A_1871, %div3A_2048 : vector<16xf32>
        %min3A_2050 = vector.broadcast %squeeze3A_1940 : f32 to vector<16xf32>
        %min3A_2051 = arith.minimumf %get3A_195, %min3A_2050 : vector<16xf32>
        %max3A_2052 = vector.broadcast %squeeze3A_1936 : f32 to vector<16xf32>
        %max3A_2053 = arith.maximumf %get3A_83, %max3A_2052 : vector<16xf32>
        %sub3A_2054 = arith.subf %min3A_2051, %max3A_2053 : vector<16xf32>
        %max3A_2055 = arith.constant 0.000000e+00 : f32
        %max3A_2056 = vector.broadcast %max3A_2055 : f32 to vector<16xf32>
        %max3A_2057 = arith.maximumf %sub3A_2054, %max3A_2056 : vector<16xf32>
        %min3A_2058 = vector.broadcast %squeeze3A_1942 : f32 to vector<16xf32>
        %min3A_2059 = arith.minimumf %get3A_251, %min3A_2058 : vector<16xf32>
        %max3A_2060 = vector.broadcast %squeeze3A_1938 : f32 to vector<16xf32>
        %max3A_2061 = arith.maximumf %get3A_139, %max3A_2060 : vector<16xf32>
        %sub3A_2062 = arith.subf %min3A_2059, %max3A_2061 : vector<16xf32>
        %max3A_2063 = arith.constant 0.000000e+00 : f32
        %max3A_2064 = vector.broadcast %max3A_2063 : f32 to vector<16xf32>
        %max3A_2065 = arith.maximumf %sub3A_2062, %max3A_2064 : vector<16xf32>
        %mul3A_2066 = arith.mulf %max3A_2057, %max3A_2065 : vector<16xf32>
        %add3A_2067 = vector.broadcast %squeeze3A_1944 : f32 to vector<16xf32>
        %add3A_2068 = arith.addf %get3A_295, %add3A_2067 : vector<16xf32>
        %div3A_2069 = arith.divf %mul3A_2066, %add3A_2068 : vector<16xf32>
        %max3A_2070 = arith.maximumf %max3A_1892, %div3A_2069 : vector<16xf32>
        %min3A_2071 = vector.broadcast %squeeze3A_1940 : f32 to vector<16xf32>
        %min3A_2072 = arith.minimumf %get3A_202, %min3A_2071 : vector<16xf32>
        %max3A_2073 = vector.broadcast %squeeze3A_1936 : f32 to vector<16xf32>
        %max3A_2074 = arith.maximumf %get3A_90, %max3A_2073 : vector<16xf32>
        %sub3A_2075 = arith.subf %min3A_2072, %max3A_2074 : vector<16xf32>
        %max3A_2076 = arith.constant 0.000000e+00 : f32
        %max3A_2077 = vector.broadcast %max3A_2076 : f32 to vector<16xf32>
        %max3A_2078 = arith.maximumf %sub3A_2075, %max3A_2077 : vector<16xf32>
        %min3A_2079 = vector.broadcast %squeeze3A_1942 : f32 to vector<16xf32>
        %min3A_2080 = arith.minimumf %get3A_258, %min3A_2079 : vector<16xf32>
        %max3A_2081 = vector.broadcast %squeeze3A_1938 : f32 to vector<16xf32>
        %max3A_2082 = arith.maximumf %get3A_146, %max3A_2081 : vector<16xf32>
        %sub3A_2083 = arith.subf %min3A_2080, %max3A_2082 : vector<16xf32>
        %max3A_2084 = arith.constant 0.000000e+00 : f32
        %max3A_2085 = vector.broadcast %max3A_2084 : f32 to vector<16xf32>
        %max3A_2086 = arith.maximumf %sub3A_2083, %max3A_2085 : vector<16xf32>
        %mul3A_2087 = arith.mulf %max3A_2078, %max3A_2086 : vector<16xf32>
        %add3A_2088 = vector.broadcast %squeeze3A_1944 : f32 to vector<16xf32>
        %add3A_2089 = arith.addf %get3A_300, %add3A_2088 : vector<16xf32>
        %div3A_2090 = arith.divf %mul3A_2087, %add3A_2089 : vector<16xf32>
        %max3A_2091 = arith.maximumf %max3A_1913, %div3A_2090 : vector<16xf32>
        %min3A_2092 = vector.broadcast %squeeze3A_1940 : f32 to vector<16xf32>
        %min3A_2093 = arith.minimumf %get3A_209, %min3A_2092 : vector<16xf32>
        %max3A_2094 = vector.broadcast %squeeze3A_1936 : f32 to vector<16xf32>
        %max3A_2095 = arith.maximumf %get3A_97, %max3A_2094 : vector<16xf32>
        %sub3A_2096 = arith.subf %min3A_2093, %max3A_2095 : vector<16xf32>
        %max3A_2097 = arith.constant 0.000000e+00 : f32
        %max3A_2098 = vector.broadcast %max3A_2097 : f32 to vector<16xf32>
        %max3A_2099 = arith.maximumf %sub3A_2096, %max3A_2098 : vector<16xf32>
        %min3A_2100 = vector.broadcast %squeeze3A_1942 : f32 to vector<16xf32>
        %min3A_2101 = arith.minimumf %get3A_265, %min3A_2100 : vector<16xf32>
        %max3A_2102 = vector.broadcast %squeeze3A_1938 : f32 to vector<16xf32>
        %max3A_2103 = arith.maximumf %get3A_153, %max3A_2102 : vector<16xf32>
        %sub3A_2104 = arith.subf %min3A_2101, %max3A_2103 : vector<16xf32>
        %max3A_2105 = arith.constant 0.000000e+00 : f32
        %max3A_2106 = vector.broadcast %max3A_2105 : f32 to vector<16xf32>
        %max3A_2107 = arith.maximumf %sub3A_2104, %max3A_2106 : vector<16xf32>
        %mul3A_2108 = arith.mulf %max3A_2099, %max3A_2107 : vector<16xf32>
        %add3A_2109 = vector.broadcast %squeeze3A_1944 : f32 to vector<16xf32>
        %add3A_2110 = arith.addf %get3A_305, %add3A_2109 : vector<16xf32>
        %div3A_2111 = arith.divf %mul3A_2108, %add3A_2110 : vector<16xf32>
        %max3A_2112 = arith.maximumf %max3A_1934, %div3A_2111 : vector<16xf32>
        %slice3A_2113 = vector.extract_strided_slice %get3A_325 {offsets = [10], sizes = [1], strides = [1]} : vector<16xf32> to vector<1xf32>
        %squeeze3A_2114 = vector.extract %slice3A_2113[0] : f32 from vector<1xf32>
        %slice3A_2115 = vector.extract_strided_slice %get3A_328 {offsets = [10], sizes = [1], strides = [1]} : vector<16xf32> to vector<1xf32>
        %squeeze3A_2116 = vector.extract %slice3A_2115[0] : f32 from vector<1xf32>
        %slice3A_2117 = vector.extract_strided_slice %get3A_331 {offsets = [10], sizes = [1], strides = [1]} : vector<16xf32> to vector<1xf32>
        %squeeze3A_2118 = vector.extract %slice3A_2117[0] : f32 from vector<1xf32>
        %slice3A_2119 = vector.extract_strided_slice %get3A_334 {offsets = [10], sizes = [1], strides = [1]} : vector<16xf32> to vector<1xf32>
        %squeeze3A_2120 = vector.extract %slice3A_2119[0] : f32 from vector<1xf32>
        %slice3A_2121 = vector.extract_strided_slice %get3A_337 {offsets = [10], sizes = [1], strides = [1]} : vector<16xf32> to vector<1xf32>
        %squeeze3A_2122 = vector.extract %slice3A_2121[0] : f32 from vector<1xf32>
        %min3A_2123 = vector.broadcast %squeeze3A_2118 : f32 to vector<16xf32>
        %min3A_2124 = arith.minimumf %get3A_160, %min3A_2123 : vector<16xf32>
        %max3A_2125 = vector.broadcast %squeeze3A_2114 : f32 to vector<16xf32>
        %max3A_2126 = arith.maximumf %get3A_48, %max3A_2125 : vector<16xf32>
        %sub3A_2127 = arith.subf %min3A_2124, %max3A_2126 : vector<16xf32>
        %max3A_2128 = arith.constant 0.000000e+00 : f32
        %max3A_2129 = vector.broadcast %max3A_2128 : f32 to vector<16xf32>
        %max3A_2130 = arith.maximumf %sub3A_2127, %max3A_2129 : vector<16xf32>
        %min3A_2131 = vector.broadcast %squeeze3A_2120 : f32 to vector<16xf32>
        %min3A_2132 = arith.minimumf %get3A_216, %min3A_2131 : vector<16xf32>
        %max3A_2133 = vector.broadcast %squeeze3A_2116 : f32 to vector<16xf32>
        %max3A_2134 = arith.maximumf %get3A_104, %max3A_2133 : vector<16xf32>
        %sub3A_2135 = arith.subf %min3A_2132, %max3A_2134 : vector<16xf32>
        %max3A_2136 = arith.constant 0.000000e+00 : f32
        %max3A_2137 = vector.broadcast %max3A_2136 : f32 to vector<16xf32>
        %max3A_2138 = arith.maximumf %sub3A_2135, %max3A_2137 : vector<16xf32>
        %mul3A_2139 = arith.mulf %max3A_2130, %max3A_2138 : vector<16xf32>
        %add3A_2140 = vector.broadcast %squeeze3A_2122 : f32 to vector<16xf32>
        %add3A_2141 = arith.addf %get3A_270, %add3A_2140 : vector<16xf32>
        %div3A_2142 = arith.divf %mul3A_2139, %add3A_2141 : vector<16xf32>
        %max3A_2143 = arith.maximumf %max3A_1965, %div3A_2142 : vector<16xf32>
        %min3A_2144 = vector.broadcast %squeeze3A_2118 : f32 to vector<16xf32>
        %min3A_2145 = arith.minimumf %get3A_167, %min3A_2144 : vector<16xf32>
        %max3A_2146 = vector.broadcast %squeeze3A_2114 : f32 to vector<16xf32>
        %max3A_2147 = arith.maximumf %get3A_55, %max3A_2146 : vector<16xf32>
        %sub3A_2148 = arith.subf %min3A_2145, %max3A_2147 : vector<16xf32>
        %max3A_2149 = arith.constant 0.000000e+00 : f32
        %max3A_2150 = vector.broadcast %max3A_2149 : f32 to vector<16xf32>
        %max3A_2151 = arith.maximumf %sub3A_2148, %max3A_2150 : vector<16xf32>
        %min3A_2152 = vector.broadcast %squeeze3A_2120 : f32 to vector<16xf32>
        %min3A_2153 = arith.minimumf %get3A_223, %min3A_2152 : vector<16xf32>
        %max3A_2154 = vector.broadcast %squeeze3A_2116 : f32 to vector<16xf32>
        %max3A_2155 = arith.maximumf %get3A_111, %max3A_2154 : vector<16xf32>
        %sub3A_2156 = arith.subf %min3A_2153, %max3A_2155 : vector<16xf32>
        %max3A_2157 = arith.constant 0.000000e+00 : f32
        %max3A_2158 = vector.broadcast %max3A_2157 : f32 to vector<16xf32>
        %max3A_2159 = arith.maximumf %sub3A_2156, %max3A_2158 : vector<16xf32>
        %mul3A_2160 = arith.mulf %max3A_2151, %max3A_2159 : vector<16xf32>
        %add3A_2161 = vector.broadcast %squeeze3A_2122 : f32 to vector<16xf32>
        %add3A_2162 = arith.addf %get3A_275, %add3A_2161 : vector<16xf32>
        %div3A_2163 = arith.divf %mul3A_2160, %add3A_2162 : vector<16xf32>
        %max3A_2164 = arith.maximumf %max3A_1986, %div3A_2163 : vector<16xf32>
        %min3A_2165 = vector.broadcast %squeeze3A_2118 : f32 to vector<16xf32>
        %min3A_2166 = arith.minimumf %get3A_174, %min3A_2165 : vector<16xf32>
        %max3A_2167 = vector.broadcast %squeeze3A_2114 : f32 to vector<16xf32>
        %max3A_2168 = arith.maximumf %get3A_62, %max3A_2167 : vector<16xf32>
        %sub3A_2169 = arith.subf %min3A_2166, %max3A_2168 : vector<16xf32>
        %max3A_2170 = arith.constant 0.000000e+00 : f32
        %max3A_2171 = vector.broadcast %max3A_2170 : f32 to vector<16xf32>
        %max3A_2172 = arith.maximumf %sub3A_2169, %max3A_2171 : vector<16xf32>
        %min3A_2173 = vector.broadcast %squeeze3A_2120 : f32 to vector<16xf32>
        %min3A_2174 = arith.minimumf %get3A_230, %min3A_2173 : vector<16xf32>
        %max3A_2175 = vector.broadcast %squeeze3A_2116 : f32 to vector<16xf32>
        %max3A_2176 = arith.maximumf %get3A_118, %max3A_2175 : vector<16xf32>
        %sub3A_2177 = arith.subf %min3A_2174, %max3A_2176 : vector<16xf32>
        %max3A_2178 = arith.constant 0.000000e+00 : f32
        %max3A_2179 = vector.broadcast %max3A_2178 : f32 to vector<16xf32>
        %max3A_2180 = arith.maximumf %sub3A_2177, %max3A_2179 : vector<16xf32>
        %mul3A_2181 = arith.mulf %max3A_2172, %max3A_2180 : vector<16xf32>
        %add3A_2182 = vector.broadcast %squeeze3A_2122 : f32 to vector<16xf32>
        %add3A_2183 = arith.addf %get3A_280, %add3A_2182 : vector<16xf32>
        %div3A_2184 = arith.divf %mul3A_2181, %add3A_2183 : vector<16xf32>
        %max3A_2185 = arith.maximumf %max3A_2007, %div3A_2184 : vector<16xf32>
        %min3A_2186 = vector.broadcast %squeeze3A_2118 : f32 to vector<16xf32>
        %min3A_2187 = arith.minimumf %get3A_181, %min3A_2186 : vector<16xf32>
        %max3A_2188 = vector.broadcast %squeeze3A_2114 : f32 to vector<16xf32>
        %max3A_2189 = arith.maximumf %get3A_69, %max3A_2188 : vector<16xf32>
        %sub3A_2190 = arith.subf %min3A_2187, %max3A_2189 : vector<16xf32>
        %max3A_2191 = arith.constant 0.000000e+00 : f32
        %max3A_2192 = vector.broadcast %max3A_2191 : f32 to vector<16xf32>
        %max3A_2193 = arith.maximumf %sub3A_2190, %max3A_2192 : vector<16xf32>
        %min3A_2194 = vector.broadcast %squeeze3A_2120 : f32 to vector<16xf32>
        %min3A_2195 = arith.minimumf %get3A_237, %min3A_2194 : vector<16xf32>
        %max3A_2196 = vector.broadcast %squeeze3A_2116 : f32 to vector<16xf32>
        %max3A_2197 = arith.maximumf %get3A_125, %max3A_2196 : vector<16xf32>
        %sub3A_2198 = arith.subf %min3A_2195, %max3A_2197 : vector<16xf32>
        %max3A_2199 = arith.constant 0.000000e+00 : f32
        %max3A_2200 = vector.broadcast %max3A_2199 : f32 to vector<16xf32>
        %max3A_2201 = arith.maximumf %sub3A_2198, %max3A_2200 : vector<16xf32>
        %mul3A_2202 = arith.mulf %max3A_2193, %max3A_2201 : vector<16xf32>
        %add3A_2203 = vector.broadcast %squeeze3A_2122 : f32 to vector<16xf32>
        %add3A_2204 = arith.addf %get3A_285, %add3A_2203 : vector<16xf32>
        %div3A_2205 = arith.divf %mul3A_2202, %add3A_2204 : vector<16xf32>
        %max3A_2206 = arith.maximumf %max3A_2028, %div3A_2205 : vector<16xf32>
        %min3A_2207 = vector.broadcast %squeeze3A_2118 : f32 to vector<16xf32>
        %min3A_2208 = arith.minimumf %get3A_188, %min3A_2207 : vector<16xf32>
        %max3A_2209 = vector.broadcast %squeeze3A_2114 : f32 to vector<16xf32>
        %max3A_2210 = arith.maximumf %get3A_76, %max3A_2209 : vector<16xf32>
        %sub3A_2211 = arith.subf %min3A_2208, %max3A_2210 : vector<16xf32>
        %max3A_2212 = arith.constant 0.000000e+00 : f32
        %max3A_2213 = vector.broadcast %max3A_2212 : f32 to vector<16xf32>
        %max3A_2214 = arith.maximumf %sub3A_2211, %max3A_2213 : vector<16xf32>
        %min3A_2215 = vector.broadcast %squeeze3A_2120 : f32 to vector<16xf32>
        %min3A_2216 = arith.minimumf %get3A_244, %min3A_2215 : vector<16xf32>
        %max3A_2217 = vector.broadcast %squeeze3A_2116 : f32 to vector<16xf32>
        %max3A_2218 = arith.maximumf %get3A_132, %max3A_2217 : vector<16xf32>
        %sub3A_2219 = arith.subf %min3A_2216, %max3A_2218 : vector<16xf32>
        %max3A_2220 = arith.constant 0.000000e+00 : f32
        %max3A_2221 = vector.broadcast %max3A_2220 : f32 to vector<16xf32>
        %max3A_2222 = arith.maximumf %sub3A_2219, %max3A_2221 : vector<16xf32>
        %mul3A_2223 = arith.mulf %max3A_2214, %max3A_2222 : vector<16xf32>
        %add3A_2224 = vector.broadcast %squeeze3A_2122 : f32 to vector<16xf32>
        %add3A_2225 = arith.addf %get3A_290, %add3A_2224 : vector<16xf32>
        %div3A_2226 = arith.divf %mul3A_2223, %add3A_2225 : vector<16xf32>
        %max3A_2227 = arith.maximumf %max3A_2049, %div3A_2226 : vector<16xf32>
        %min3A_2228 = vector.broadcast %squeeze3A_2118 : f32 to vector<16xf32>
        %min3A_2229 = arith.minimumf %get3A_195, %min3A_2228 : vector<16xf32>
        %max3A_2230 = vector.broadcast %squeeze3A_2114 : f32 to vector<16xf32>
        %max3A_2231 = arith.maximumf %get3A_83, %max3A_2230 : vector<16xf32>
        %sub3A_2232 = arith.subf %min3A_2229, %max3A_2231 : vector<16xf32>
        %max3A_2233 = arith.constant 0.000000e+00 : f32
        %max3A_2234 = vector.broadcast %max3A_2233 : f32 to vector<16xf32>
        %max3A_2235 = arith.maximumf %sub3A_2232, %max3A_2234 : vector<16xf32>
        %min3A_2236 = vector.broadcast %squeeze3A_2120 : f32 to vector<16xf32>
        %min3A_2237 = arith.minimumf %get3A_251, %min3A_2236 : vector<16xf32>
        %max3A_2238 = vector.broadcast %squeeze3A_2116 : f32 to vector<16xf32>
        %max3A_2239 = arith.maximumf %get3A_139, %max3A_2238 : vector<16xf32>
        %sub3A_2240 = arith.subf %min3A_2237, %max3A_2239 : vector<16xf32>
        %max3A_2241 = arith.constant 0.000000e+00 : f32
        %max3A_2242 = vector.broadcast %max3A_2241 : f32 to vector<16xf32>
        %max3A_2243 = arith.maximumf %sub3A_2240, %max3A_2242 : vector<16xf32>
        %mul3A_2244 = arith.mulf %max3A_2235, %max3A_2243 : vector<16xf32>
        %add3A_2245 = vector.broadcast %squeeze3A_2122 : f32 to vector<16xf32>
        %add3A_2246 = arith.addf %get3A_295, %add3A_2245 : vector<16xf32>
        %div3A_2247 = arith.divf %mul3A_2244, %add3A_2246 : vector<16xf32>
        %max3A_2248 = arith.maximumf %max3A_2070, %div3A_2247 : vector<16xf32>
        %min3A_2249 = vector.broadcast %squeeze3A_2118 : f32 to vector<16xf32>
        %min3A_2250 = arith.minimumf %get3A_202, %min3A_2249 : vector<16xf32>
        %max3A_2251 = vector.broadcast %squeeze3A_2114 : f32 to vector<16xf32>
        %max3A_2252 = arith.maximumf %get3A_90, %max3A_2251 : vector<16xf32>
        %sub3A_2253 = arith.subf %min3A_2250, %max3A_2252 : vector<16xf32>
        %max3A_2254 = arith.constant 0.000000e+00 : f32
        %max3A_2255 = vector.broadcast %max3A_2254 : f32 to vector<16xf32>
        %max3A_2256 = arith.maximumf %sub3A_2253, %max3A_2255 : vector<16xf32>
        %min3A_2257 = vector.broadcast %squeeze3A_2120 : f32 to vector<16xf32>
        %min3A_2258 = arith.minimumf %get3A_258, %min3A_2257 : vector<16xf32>
        %max3A_2259 = vector.broadcast %squeeze3A_2116 : f32 to vector<16xf32>
        %max3A_2260 = arith.maximumf %get3A_146, %max3A_2259 : vector<16xf32>
        %sub3A_2261 = arith.subf %min3A_2258, %max3A_2260 : vector<16xf32>
        %max3A_2262 = arith.constant 0.000000e+00 : f32
        %max3A_2263 = vector.broadcast %max3A_2262 : f32 to vector<16xf32>
        %max3A_2264 = arith.maximumf %sub3A_2261, %max3A_2263 : vector<16xf32>
        %mul3A_2265 = arith.mulf %max3A_2256, %max3A_2264 : vector<16xf32>
        %add3A_2266 = vector.broadcast %squeeze3A_2122 : f32 to vector<16xf32>
        %add3A_2267 = arith.addf %get3A_300, %add3A_2266 : vector<16xf32>
        %div3A_2268 = arith.divf %mul3A_2265, %add3A_2267 : vector<16xf32>
        %max3A_2269 = arith.maximumf %max3A_2091, %div3A_2268 : vector<16xf32>
        %min3A_2270 = vector.broadcast %squeeze3A_2118 : f32 to vector<16xf32>
        %min3A_2271 = arith.minimumf %get3A_209, %min3A_2270 : vector<16xf32>
        %max3A_2272 = vector.broadcast %squeeze3A_2114 : f32 to vector<16xf32>
        %max3A_2273 = arith.maximumf %get3A_97, %max3A_2272 : vector<16xf32>
        %sub3A_2274 = arith.subf %min3A_2271, %max3A_2273 : vector<16xf32>
        %max3A_2275 = arith.constant 0.000000e+00 : f32
        %max3A_2276 = vector.broadcast %max3A_2275 : f32 to vector<16xf32>
        %max3A_2277 = arith.maximumf %sub3A_2274, %max3A_2276 : vector<16xf32>
        %min3A_2278 = vector.broadcast %squeeze3A_2120 : f32 to vector<16xf32>
        %min3A_2279 = arith.minimumf %get3A_265, %min3A_2278 : vector<16xf32>
        %max3A_2280 = vector.broadcast %squeeze3A_2116 : f32 to vector<16xf32>
        %max3A_2281 = arith.maximumf %get3A_153, %max3A_2280 : vector<16xf32>
        %sub3A_2282 = arith.subf %min3A_2279, %max3A_2281 : vector<16xf32>
        %max3A_2283 = arith.constant 0.000000e+00 : f32
        %max3A_2284 = vector.broadcast %max3A_2283 : f32 to vector<16xf32>
        %max3A_2285 = arith.maximumf %sub3A_2282, %max3A_2284 : vector<16xf32>
        %mul3A_2286 = arith.mulf %max3A_2277, %max3A_2285 : vector<16xf32>
        %add3A_2287 = vector.broadcast %squeeze3A_2122 : f32 to vector<16xf32>
        %add3A_2288 = arith.addf %get3A_305, %add3A_2287 : vector<16xf32>
        %div3A_2289 = arith.divf %mul3A_2286, %add3A_2288 : vector<16xf32>
        %max3A_2290 = arith.maximumf %max3A_2112, %div3A_2289 : vector<16xf32>
        %slice3A_2291 = vector.extract_strided_slice %get3A_325 {offsets = [11], sizes = [1], strides = [1]} : vector<16xf32> to vector<1xf32>
        %squeeze3A_2292 = vector.extract %slice3A_2291[0] : f32 from vector<1xf32>
        %slice3A_2293 = vector.extract_strided_slice %get3A_328 {offsets = [11], sizes = [1], strides = [1]} : vector<16xf32> to vector<1xf32>
        %squeeze3A_2294 = vector.extract %slice3A_2293[0] : f32 from vector<1xf32>
        %slice3A_2295 = vector.extract_strided_slice %get3A_331 {offsets = [11], sizes = [1], strides = [1]} : vector<16xf32> to vector<1xf32>
        %squeeze3A_2296 = vector.extract %slice3A_2295[0] : f32 from vector<1xf32>
        %slice3A_2297 = vector.extract_strided_slice %get3A_334 {offsets = [11], sizes = [1], strides = [1]} : vector<16xf32> to vector<1xf32>
        %squeeze3A_2298 = vector.extract %slice3A_2297[0] : f32 from vector<1xf32>
        %slice3A_2299 = vector.extract_strided_slice %get3A_337 {offsets = [11], sizes = [1], strides = [1]} : vector<16xf32> to vector<1xf32>
        %squeeze3A_2300 = vector.extract %slice3A_2299[0] : f32 from vector<1xf32>
        %min3A_2301 = vector.broadcast %squeeze3A_2296 : f32 to vector<16xf32>
        %min3A_2302 = arith.minimumf %get3A_160, %min3A_2301 : vector<16xf32>
        %max3A_2303 = vector.broadcast %squeeze3A_2292 : f32 to vector<16xf32>
        %max3A_2304 = arith.maximumf %get3A_48, %max3A_2303 : vector<16xf32>
        %sub3A_2305 = arith.subf %min3A_2302, %max3A_2304 : vector<16xf32>
        %max3A_2306 = arith.constant 0.000000e+00 : f32
        %max3A_2307 = vector.broadcast %max3A_2306 : f32 to vector<16xf32>
        %max3A_2308 = arith.maximumf %sub3A_2305, %max3A_2307 : vector<16xf32>
        %min3A_2309 = vector.broadcast %squeeze3A_2298 : f32 to vector<16xf32>
        %min3A_2310 = arith.minimumf %get3A_216, %min3A_2309 : vector<16xf32>
        %max3A_2311 = vector.broadcast %squeeze3A_2294 : f32 to vector<16xf32>
        %max3A_2312 = arith.maximumf %get3A_104, %max3A_2311 : vector<16xf32>
        %sub3A_2313 = arith.subf %min3A_2310, %max3A_2312 : vector<16xf32>
        %max3A_2314 = arith.constant 0.000000e+00 : f32
        %max3A_2315 = vector.broadcast %max3A_2314 : f32 to vector<16xf32>
        %max3A_2316 = arith.maximumf %sub3A_2313, %max3A_2315 : vector<16xf32>
        %mul3A_2317 = arith.mulf %max3A_2308, %max3A_2316 : vector<16xf32>
        %add3A_2318 = vector.broadcast %squeeze3A_2300 : f32 to vector<16xf32>
        %add3A_2319 = arith.addf %get3A_270, %add3A_2318 : vector<16xf32>
        %div3A_2320 = arith.divf %mul3A_2317, %add3A_2319 : vector<16xf32>
        %max3A_2321 = arith.maximumf %max3A_2143, %div3A_2320 : vector<16xf32>
        %min3A_2322 = vector.broadcast %squeeze3A_2296 : f32 to vector<16xf32>
        %min3A_2323 = arith.minimumf %get3A_167, %min3A_2322 : vector<16xf32>
        %max3A_2324 = vector.broadcast %squeeze3A_2292 : f32 to vector<16xf32>
        %max3A_2325 = arith.maximumf %get3A_55, %max3A_2324 : vector<16xf32>
        %sub3A_2326 = arith.subf %min3A_2323, %max3A_2325 : vector<16xf32>
        %max3A_2327 = arith.constant 0.000000e+00 : f32
        %max3A_2328 = vector.broadcast %max3A_2327 : f32 to vector<16xf32>
        %max3A_2329 = arith.maximumf %sub3A_2326, %max3A_2328 : vector<16xf32>
        %min3A_2330 = vector.broadcast %squeeze3A_2298 : f32 to vector<16xf32>
        %min3A_2331 = arith.minimumf %get3A_223, %min3A_2330 : vector<16xf32>
        %max3A_2332 = vector.broadcast %squeeze3A_2294 : f32 to vector<16xf32>
        %max3A_2333 = arith.maximumf %get3A_111, %max3A_2332 : vector<16xf32>
        %sub3A_2334 = arith.subf %min3A_2331, %max3A_2333 : vector<16xf32>
        %max3A_2335 = arith.constant 0.000000e+00 : f32
        %max3A_2336 = vector.broadcast %max3A_2335 : f32 to vector<16xf32>
        %max3A_2337 = arith.maximumf %sub3A_2334, %max3A_2336 : vector<16xf32>
        %mul3A_2338 = arith.mulf %max3A_2329, %max3A_2337 : vector<16xf32>
        %add3A_2339 = vector.broadcast %squeeze3A_2300 : f32 to vector<16xf32>
        %add3A_2340 = arith.addf %get3A_275, %add3A_2339 : vector<16xf32>
        %div3A_2341 = arith.divf %mul3A_2338, %add3A_2340 : vector<16xf32>
        %max3A_2342 = arith.maximumf %max3A_2164, %div3A_2341 : vector<16xf32>
        %min3A_2343 = vector.broadcast %squeeze3A_2296 : f32 to vector<16xf32>
        %min3A_2344 = arith.minimumf %get3A_174, %min3A_2343 : vector<16xf32>
        %max3A_2345 = vector.broadcast %squeeze3A_2292 : f32 to vector<16xf32>
        %max3A_2346 = arith.maximumf %get3A_62, %max3A_2345 : vector<16xf32>
        %sub3A_2347 = arith.subf %min3A_2344, %max3A_2346 : vector<16xf32>
        %max3A_2348 = arith.constant 0.000000e+00 : f32
        %max3A_2349 = vector.broadcast %max3A_2348 : f32 to vector<16xf32>
        %max3A_2350 = arith.maximumf %sub3A_2347, %max3A_2349 : vector<16xf32>
        %min3A_2351 = vector.broadcast %squeeze3A_2298 : f32 to vector<16xf32>
        %min3A_2352 = arith.minimumf %get3A_230, %min3A_2351 : vector<16xf32>
        %max3A_2353 = vector.broadcast %squeeze3A_2294 : f32 to vector<16xf32>
        %max3A_2354 = arith.maximumf %get3A_118, %max3A_2353 : vector<16xf32>
        %sub3A_2355 = arith.subf %min3A_2352, %max3A_2354 : vector<16xf32>
        %max3A_2356 = arith.constant 0.000000e+00 : f32
        %max3A_2357 = vector.broadcast %max3A_2356 : f32 to vector<16xf32>
        %max3A_2358 = arith.maximumf %sub3A_2355, %max3A_2357 : vector<16xf32>
        %mul3A_2359 = arith.mulf %max3A_2350, %max3A_2358 : vector<16xf32>
        %add3A_2360 = vector.broadcast %squeeze3A_2300 : f32 to vector<16xf32>
        %add3A_2361 = arith.addf %get3A_280, %add3A_2360 : vector<16xf32>
        %div3A_2362 = arith.divf %mul3A_2359, %add3A_2361 : vector<16xf32>
        %max3A_2363 = arith.maximumf %max3A_2185, %div3A_2362 : vector<16xf32>
        %min3A_2364 = vector.broadcast %squeeze3A_2296 : f32 to vector<16xf32>
        %min3A_2365 = arith.minimumf %get3A_181, %min3A_2364 : vector<16xf32>
        %max3A_2366 = vector.broadcast %squeeze3A_2292 : f32 to vector<16xf32>
        %max3A_2367 = arith.maximumf %get3A_69, %max3A_2366 : vector<16xf32>
        %sub3A_2368 = arith.subf %min3A_2365, %max3A_2367 : vector<16xf32>
        %max3A_2369 = arith.constant 0.000000e+00 : f32
        %max3A_2370 = vector.broadcast %max3A_2369 : f32 to vector<16xf32>
        %max3A_2371 = arith.maximumf %sub3A_2368, %max3A_2370 : vector<16xf32>
        %min3A_2372 = vector.broadcast %squeeze3A_2298 : f32 to vector<16xf32>
        %min3A_2373 = arith.minimumf %get3A_237, %min3A_2372 : vector<16xf32>
        %max3A_2374 = vector.broadcast %squeeze3A_2294 : f32 to vector<16xf32>
        %max3A_2375 = arith.maximumf %get3A_125, %max3A_2374 : vector<16xf32>
        %sub3A_2376 = arith.subf %min3A_2373, %max3A_2375 : vector<16xf32>
        %max3A_2377 = arith.constant 0.000000e+00 : f32
        %max3A_2378 = vector.broadcast %max3A_2377 : f32 to vector<16xf32>
        %max3A_2379 = arith.maximumf %sub3A_2376, %max3A_2378 : vector<16xf32>
        %mul3A_2380 = arith.mulf %max3A_2371, %max3A_2379 : vector<16xf32>
        %add3A_2381 = vector.broadcast %squeeze3A_2300 : f32 to vector<16xf32>
        %add3A_2382 = arith.addf %get3A_285, %add3A_2381 : vector<16xf32>
        %div3A_2383 = arith.divf %mul3A_2380, %add3A_2382 : vector<16xf32>
        %max3A_2384 = arith.maximumf %max3A_2206, %div3A_2383 : vector<16xf32>
        %min3A_2385 = vector.broadcast %squeeze3A_2296 : f32 to vector<16xf32>
        %min3A_2386 = arith.minimumf %get3A_188, %min3A_2385 : vector<16xf32>
        %max3A_2387 = vector.broadcast %squeeze3A_2292 : f32 to vector<16xf32>
        %max3A_2388 = arith.maximumf %get3A_76, %max3A_2387 : vector<16xf32>
        %sub3A_2389 = arith.subf %min3A_2386, %max3A_2388 : vector<16xf32>
        %max3A_2390 = arith.constant 0.000000e+00 : f32
        %max3A_2391 = vector.broadcast %max3A_2390 : f32 to vector<16xf32>
        %max3A_2392 = arith.maximumf %sub3A_2389, %max3A_2391 : vector<16xf32>
        %min3A_2393 = vector.broadcast %squeeze3A_2298 : f32 to vector<16xf32>
        %min3A_2394 = arith.minimumf %get3A_244, %min3A_2393 : vector<16xf32>
        %max3A_2395 = vector.broadcast %squeeze3A_2294 : f32 to vector<16xf32>
        %max3A_2396 = arith.maximumf %get3A_132, %max3A_2395 : vector<16xf32>
        %sub3A_2397 = arith.subf %min3A_2394, %max3A_2396 : vector<16xf32>
        %max3A_2398 = arith.constant 0.000000e+00 : f32
        %max3A_2399 = vector.broadcast %max3A_2398 : f32 to vector<16xf32>
        %max3A_2400 = arith.maximumf %sub3A_2397, %max3A_2399 : vector<16xf32>
        %mul3A_2401 = arith.mulf %max3A_2392, %max3A_2400 : vector<16xf32>
        %add3A_2402 = vector.broadcast %squeeze3A_2300 : f32 to vector<16xf32>
        %add3A_2403 = arith.addf %get3A_290, %add3A_2402 : vector<16xf32>
        %div3A_2404 = arith.divf %mul3A_2401, %add3A_2403 : vector<16xf32>
        %max3A_2405 = arith.maximumf %max3A_2227, %div3A_2404 : vector<16xf32>
        %min3A_2406 = vector.broadcast %squeeze3A_2296 : f32 to vector<16xf32>
        %min3A_2407 = arith.minimumf %get3A_195, %min3A_2406 : vector<16xf32>
        %max3A_2408 = vector.broadcast %squeeze3A_2292 : f32 to vector<16xf32>
        %max3A_2409 = arith.maximumf %get3A_83, %max3A_2408 : vector<16xf32>
        %sub3A_2410 = arith.subf %min3A_2407, %max3A_2409 : vector<16xf32>
        %max3A_2411 = arith.constant 0.000000e+00 : f32
        %max3A_2412 = vector.broadcast %max3A_2411 : f32 to vector<16xf32>
        %max3A_2413 = arith.maximumf %sub3A_2410, %max3A_2412 : vector<16xf32>
        %min3A_2414 = vector.broadcast %squeeze3A_2298 : f32 to vector<16xf32>
        %min3A_2415 = arith.minimumf %get3A_251, %min3A_2414 : vector<16xf32>
        %max3A_2416 = vector.broadcast %squeeze3A_2294 : f32 to vector<16xf32>
        %max3A_2417 = arith.maximumf %get3A_139, %max3A_2416 : vector<16xf32>
        %sub3A_2418 = arith.subf %min3A_2415, %max3A_2417 : vector<16xf32>
        %max3A_2419 = arith.constant 0.000000e+00 : f32
        %max3A_2420 = vector.broadcast %max3A_2419 : f32 to vector<16xf32>
        %max3A_2421 = arith.maximumf %sub3A_2418, %max3A_2420 : vector<16xf32>
        %mul3A_2422 = arith.mulf %max3A_2413, %max3A_2421 : vector<16xf32>
        %add3A_2423 = vector.broadcast %squeeze3A_2300 : f32 to vector<16xf32>
        %add3A_2424 = arith.addf %get3A_295, %add3A_2423 : vector<16xf32>
        %div3A_2425 = arith.divf %mul3A_2422, %add3A_2424 : vector<16xf32>
        %max3A_2426 = arith.maximumf %max3A_2248, %div3A_2425 : vector<16xf32>
        %min3A_2427 = vector.broadcast %squeeze3A_2296 : f32 to vector<16xf32>
        %min3A_2428 = arith.minimumf %get3A_202, %min3A_2427 : vector<16xf32>
        %max3A_2429 = vector.broadcast %squeeze3A_2292 : f32 to vector<16xf32>
        %max3A_2430 = arith.maximumf %get3A_90, %max3A_2429 : vector<16xf32>
        %sub3A_2431 = arith.subf %min3A_2428, %max3A_2430 : vector<16xf32>
        %max3A_2432 = arith.constant 0.000000e+00 : f32
        %max3A_2433 = vector.broadcast %max3A_2432 : f32 to vector<16xf32>
        %max3A_2434 = arith.maximumf %sub3A_2431, %max3A_2433 : vector<16xf32>
        %min3A_2435 = vector.broadcast %squeeze3A_2298 : f32 to vector<16xf32>
        %min3A_2436 = arith.minimumf %get3A_258, %min3A_2435 : vector<16xf32>
        %max3A_2437 = vector.broadcast %squeeze3A_2294 : f32 to vector<16xf32>
        %max3A_2438 = arith.maximumf %get3A_146, %max3A_2437 : vector<16xf32>
        %sub3A_2439 = arith.subf %min3A_2436, %max3A_2438 : vector<16xf32>
        %max3A_2440 = arith.constant 0.000000e+00 : f32
        %max3A_2441 = vector.broadcast %max3A_2440 : f32 to vector<16xf32>
        %max3A_2442 = arith.maximumf %sub3A_2439, %max3A_2441 : vector<16xf32>
        %mul3A_2443 = arith.mulf %max3A_2434, %max3A_2442 : vector<16xf32>
        %add3A_2444 = vector.broadcast %squeeze3A_2300 : f32 to vector<16xf32>
        %add3A_2445 = arith.addf %get3A_300, %add3A_2444 : vector<16xf32>
        %div3A_2446 = arith.divf %mul3A_2443, %add3A_2445 : vector<16xf32>
        %max3A_2447 = arith.maximumf %max3A_2269, %div3A_2446 : vector<16xf32>
        %min3A_2448 = vector.broadcast %squeeze3A_2296 : f32 to vector<16xf32>
        %min3A_2449 = arith.minimumf %get3A_209, %min3A_2448 : vector<16xf32>
        %max3A_2450 = vector.broadcast %squeeze3A_2292 : f32 to vector<16xf32>
        %max3A_2451 = arith.maximumf %get3A_97, %max3A_2450 : vector<16xf32>
        %sub3A_2452 = arith.subf %min3A_2449, %max3A_2451 : vector<16xf32>
        %max3A_2453 = arith.constant 0.000000e+00 : f32
        %max3A_2454 = vector.broadcast %max3A_2453 : f32 to vector<16xf32>
        %max3A_2455 = arith.maximumf %sub3A_2452, %max3A_2454 : vector<16xf32>
        %min3A_2456 = vector.broadcast %squeeze3A_2298 : f32 to vector<16xf32>
        %min3A_2457 = arith.minimumf %get3A_265, %min3A_2456 : vector<16xf32>
        %max3A_2458 = vector.broadcast %squeeze3A_2294 : f32 to vector<16xf32>
        %max3A_2459 = arith.maximumf %get3A_153, %max3A_2458 : vector<16xf32>
        %sub3A_2460 = arith.subf %min3A_2457, %max3A_2459 : vector<16xf32>
        %max3A_2461 = arith.constant 0.000000e+00 : f32
        %max3A_2462 = vector.broadcast %max3A_2461 : f32 to vector<16xf32>
        %max3A_2463 = arith.maximumf %sub3A_2460, %max3A_2462 : vector<16xf32>
        %mul3A_2464 = arith.mulf %max3A_2455, %max3A_2463 : vector<16xf32>
        %add3A_2465 = vector.broadcast %squeeze3A_2300 : f32 to vector<16xf32>
        %add3A_2466 = arith.addf %get3A_305, %add3A_2465 : vector<16xf32>
        %div3A_2467 = arith.divf %mul3A_2464, %add3A_2466 : vector<16xf32>
        %max3A_2468 = arith.maximumf %max3A_2290, %div3A_2467 : vector<16xf32>
        %slice3A_2469 = vector.extract_strided_slice %get3A_325 {offsets = [12], sizes = [1], strides = [1]} : vector<16xf32> to vector<1xf32>
        %squeeze3A_2470 = vector.extract %slice3A_2469[0] : f32 from vector<1xf32>
        %slice3A_2471 = vector.extract_strided_slice %get3A_328 {offsets = [12], sizes = [1], strides = [1]} : vector<16xf32> to vector<1xf32>
        %squeeze3A_2472 = vector.extract %slice3A_2471[0] : f32 from vector<1xf32>
        %slice3A_2473 = vector.extract_strided_slice %get3A_331 {offsets = [12], sizes = [1], strides = [1]} : vector<16xf32> to vector<1xf32>
        %squeeze3A_2474 = vector.extract %slice3A_2473[0] : f32 from vector<1xf32>
        %slice3A_2475 = vector.extract_strided_slice %get3A_334 {offsets = [12], sizes = [1], strides = [1]} : vector<16xf32> to vector<1xf32>
        %squeeze3A_2476 = vector.extract %slice3A_2475[0] : f32 from vector<1xf32>
        %slice3A_2477 = vector.extract_strided_slice %get3A_337 {offsets = [12], sizes = [1], strides = [1]} : vector<16xf32> to vector<1xf32>
        %squeeze3A_2478 = vector.extract %slice3A_2477[0] : f32 from vector<1xf32>
        %min3A_2479 = vector.broadcast %squeeze3A_2474 : f32 to vector<16xf32>
        %min3A_2480 = arith.minimumf %get3A_160, %min3A_2479 : vector<16xf32>
        %max3A_2481 = vector.broadcast %squeeze3A_2470 : f32 to vector<16xf32>
        %max3A_2482 = arith.maximumf %get3A_48, %max3A_2481 : vector<16xf32>
        %sub3A_2483 = arith.subf %min3A_2480, %max3A_2482 : vector<16xf32>
        %max3A_2484 = arith.constant 0.000000e+00 : f32
        %max3A_2485 = vector.broadcast %max3A_2484 : f32 to vector<16xf32>
        %max3A_2486 = arith.maximumf %sub3A_2483, %max3A_2485 : vector<16xf32>
        %min3A_2487 = vector.broadcast %squeeze3A_2476 : f32 to vector<16xf32>
        %min3A_2488 = arith.minimumf %get3A_216, %min3A_2487 : vector<16xf32>
        %max3A_2489 = vector.broadcast %squeeze3A_2472 : f32 to vector<16xf32>
        %max3A_2490 = arith.maximumf %get3A_104, %max3A_2489 : vector<16xf32>
        %sub3A_2491 = arith.subf %min3A_2488, %max3A_2490 : vector<16xf32>
        %max3A_2492 = arith.constant 0.000000e+00 : f32
        %max3A_2493 = vector.broadcast %max3A_2492 : f32 to vector<16xf32>
        %max3A_2494 = arith.maximumf %sub3A_2491, %max3A_2493 : vector<16xf32>
        %mul3A_2495 = arith.mulf %max3A_2486, %max3A_2494 : vector<16xf32>
        %add3A_2496 = vector.broadcast %squeeze3A_2478 : f32 to vector<16xf32>
        %add3A_2497 = arith.addf %get3A_270, %add3A_2496 : vector<16xf32>
        %div3A_2498 = arith.divf %mul3A_2495, %add3A_2497 : vector<16xf32>
        %max3A_2499 = arith.maximumf %max3A_2321, %div3A_2498 : vector<16xf32>
        %min3A_2500 = vector.broadcast %squeeze3A_2474 : f32 to vector<16xf32>
        %min3A_2501 = arith.minimumf %get3A_167, %min3A_2500 : vector<16xf32>
        %max3A_2502 = vector.broadcast %squeeze3A_2470 : f32 to vector<16xf32>
        %max3A_2503 = arith.maximumf %get3A_55, %max3A_2502 : vector<16xf32>
        %sub3A_2504 = arith.subf %min3A_2501, %max3A_2503 : vector<16xf32>
        %max3A_2505 = arith.constant 0.000000e+00 : f32
        %max3A_2506 = vector.broadcast %max3A_2505 : f32 to vector<16xf32>
        %max3A_2507 = arith.maximumf %sub3A_2504, %max3A_2506 : vector<16xf32>
        %min3A_2508 = vector.broadcast %squeeze3A_2476 : f32 to vector<16xf32>
        %min3A_2509 = arith.minimumf %get3A_223, %min3A_2508 : vector<16xf32>
        %max3A_2510 = vector.broadcast %squeeze3A_2472 : f32 to vector<16xf32>
        %max3A_2511 = arith.maximumf %get3A_111, %max3A_2510 : vector<16xf32>
        %sub3A_2512 = arith.subf %min3A_2509, %max3A_2511 : vector<16xf32>
        %max3A_2513 = arith.constant 0.000000e+00 : f32
        %max3A_2514 = vector.broadcast %max3A_2513 : f32 to vector<16xf32>
        %max3A_2515 = arith.maximumf %sub3A_2512, %max3A_2514 : vector<16xf32>
        %mul3A_2516 = arith.mulf %max3A_2507, %max3A_2515 : vector<16xf32>
        %add3A_2517 = vector.broadcast %squeeze3A_2478 : f32 to vector<16xf32>
        %add3A_2518 = arith.addf %get3A_275, %add3A_2517 : vector<16xf32>
        %div3A_2519 = arith.divf %mul3A_2516, %add3A_2518 : vector<16xf32>
        %max3A_2520 = arith.maximumf %max3A_2342, %div3A_2519 : vector<16xf32>
        %min3A_2521 = vector.broadcast %squeeze3A_2474 : f32 to vector<16xf32>
        %min3A_2522 = arith.minimumf %get3A_174, %min3A_2521 : vector<16xf32>
        %max3A_2523 = vector.broadcast %squeeze3A_2470 : f32 to vector<16xf32>
        %max3A_2524 = arith.maximumf %get3A_62, %max3A_2523 : vector<16xf32>
        %sub3A_2525 = arith.subf %min3A_2522, %max3A_2524 : vector<16xf32>
        %max3A_2526 = arith.constant 0.000000e+00 : f32
        %max3A_2527 = vector.broadcast %max3A_2526 : f32 to vector<16xf32>
        %max3A_2528 = arith.maximumf %sub3A_2525, %max3A_2527 : vector<16xf32>
        %min3A_2529 = vector.broadcast %squeeze3A_2476 : f32 to vector<16xf32>
        %min3A_2530 = arith.minimumf %get3A_230, %min3A_2529 : vector<16xf32>
        %max3A_2531 = vector.broadcast %squeeze3A_2472 : f32 to vector<16xf32>
        %max3A_2532 = arith.maximumf %get3A_118, %max3A_2531 : vector<16xf32>
        %sub3A_2533 = arith.subf %min3A_2530, %max3A_2532 : vector<16xf32>
        %max3A_2534 = arith.constant 0.000000e+00 : f32
        %max3A_2535 = vector.broadcast %max3A_2534 : f32 to vector<16xf32>
        %max3A_2536 = arith.maximumf %sub3A_2533, %max3A_2535 : vector<16xf32>
        %mul3A_2537 = arith.mulf %max3A_2528, %max3A_2536 : vector<16xf32>
        %add3A_2538 = vector.broadcast %squeeze3A_2478 : f32 to vector<16xf32>
        %add3A_2539 = arith.addf %get3A_280, %add3A_2538 : vector<16xf32>
        %div3A_2540 = arith.divf %mul3A_2537, %add3A_2539 : vector<16xf32>
        %max3A_2541 = arith.maximumf %max3A_2363, %div3A_2540 : vector<16xf32>
        %min3A_2542 = vector.broadcast %squeeze3A_2474 : f32 to vector<16xf32>
        %min3A_2543 = arith.minimumf %get3A_181, %min3A_2542 : vector<16xf32>
        %max3A_2544 = vector.broadcast %squeeze3A_2470 : f32 to vector<16xf32>
        %max3A_2545 = arith.maximumf %get3A_69, %max3A_2544 : vector<16xf32>
        %sub3A_2546 = arith.subf %min3A_2543, %max3A_2545 : vector<16xf32>
        %max3A_2547 = arith.constant 0.000000e+00 : f32
        %max3A_2548 = vector.broadcast %max3A_2547 : f32 to vector<16xf32>
        %max3A_2549 = arith.maximumf %sub3A_2546, %max3A_2548 : vector<16xf32>
        %min3A_2550 = vector.broadcast %squeeze3A_2476 : f32 to vector<16xf32>
        %min3A_2551 = arith.minimumf %get3A_237, %min3A_2550 : vector<16xf32>
        %max3A_2552 = vector.broadcast %squeeze3A_2472 : f32 to vector<16xf32>
        %max3A_2553 = arith.maximumf %get3A_125, %max3A_2552 : vector<16xf32>
        %sub3A_2554 = arith.subf %min3A_2551, %max3A_2553 : vector<16xf32>
        %max3A_2555 = arith.constant 0.000000e+00 : f32
        %max3A_2556 = vector.broadcast %max3A_2555 : f32 to vector<16xf32>
        %max3A_2557 = arith.maximumf %sub3A_2554, %max3A_2556 : vector<16xf32>
        %mul3A_2558 = arith.mulf %max3A_2549, %max3A_2557 : vector<16xf32>
        %add3A_2559 = vector.broadcast %squeeze3A_2478 : f32 to vector<16xf32>
        %add3A_2560 = arith.addf %get3A_285, %add3A_2559 : vector<16xf32>
        %div3A_2561 = arith.divf %mul3A_2558, %add3A_2560 : vector<16xf32>
        %max3A_2562 = arith.maximumf %max3A_2384, %div3A_2561 : vector<16xf32>
        %min3A_2563 = vector.broadcast %squeeze3A_2474 : f32 to vector<16xf32>
        %min3A_2564 = arith.minimumf %get3A_188, %min3A_2563 : vector<16xf32>
        %max3A_2565 = vector.broadcast %squeeze3A_2470 : f32 to vector<16xf32>
        %max3A_2566 = arith.maximumf %get3A_76, %max3A_2565 : vector<16xf32>
        %sub3A_2567 = arith.subf %min3A_2564, %max3A_2566 : vector<16xf32>
        %max3A_2568 = arith.constant 0.000000e+00 : f32
        %max3A_2569 = vector.broadcast %max3A_2568 : f32 to vector<16xf32>
        %max3A_2570 = arith.maximumf %sub3A_2567, %max3A_2569 : vector<16xf32>
        %min3A_2571 = vector.broadcast %squeeze3A_2476 : f32 to vector<16xf32>
        %min3A_2572 = arith.minimumf %get3A_244, %min3A_2571 : vector<16xf32>
        %max3A_2573 = vector.broadcast %squeeze3A_2472 : f32 to vector<16xf32>
        %max3A_2574 = arith.maximumf %get3A_132, %max3A_2573 : vector<16xf32>
        %sub3A_2575 = arith.subf %min3A_2572, %max3A_2574 : vector<16xf32>
        %max3A_2576 = arith.constant 0.000000e+00 : f32
        %max3A_2577 = vector.broadcast %max3A_2576 : f32 to vector<16xf32>
        %max3A_2578 = arith.maximumf %sub3A_2575, %max3A_2577 : vector<16xf32>
        %mul3A_2579 = arith.mulf %max3A_2570, %max3A_2578 : vector<16xf32>
        %add3A_2580 = vector.broadcast %squeeze3A_2478 : f32 to vector<16xf32>
        %add3A_2581 = arith.addf %get3A_290, %add3A_2580 : vector<16xf32>
        %div3A_2582 = arith.divf %mul3A_2579, %add3A_2581 : vector<16xf32>
        %max3A_2583 = arith.maximumf %max3A_2405, %div3A_2582 : vector<16xf32>
        %min3A_2584 = vector.broadcast %squeeze3A_2474 : f32 to vector<16xf32>
        %min3A_2585 = arith.minimumf %get3A_195, %min3A_2584 : vector<16xf32>
        %max3A_2586 = vector.broadcast %squeeze3A_2470 : f32 to vector<16xf32>
        %max3A_2587 = arith.maximumf %get3A_83, %max3A_2586 : vector<16xf32>
        %sub3A_2588 = arith.subf %min3A_2585, %max3A_2587 : vector<16xf32>
        %max3A_2589 = arith.constant 0.000000e+00 : f32
        %max3A_2590 = vector.broadcast %max3A_2589 : f32 to vector<16xf32>
        %max3A_2591 = arith.maximumf %sub3A_2588, %max3A_2590 : vector<16xf32>
        %min3A_2592 = vector.broadcast %squeeze3A_2476 : f32 to vector<16xf32>
        %min3A_2593 = arith.minimumf %get3A_251, %min3A_2592 : vector<16xf32>
        %max3A_2594 = vector.broadcast %squeeze3A_2472 : f32 to vector<16xf32>
        %max3A_2595 = arith.maximumf %get3A_139, %max3A_2594 : vector<16xf32>
        %sub3A_2596 = arith.subf %min3A_2593, %max3A_2595 : vector<16xf32>
        %max3A_2597 = arith.constant 0.000000e+00 : f32
        %max3A_2598 = vector.broadcast %max3A_2597 : f32 to vector<16xf32>
        %max3A_2599 = arith.maximumf %sub3A_2596, %max3A_2598 : vector<16xf32>
        %mul3A_2600 = arith.mulf %max3A_2591, %max3A_2599 : vector<16xf32>
        %add3A_2601 = vector.broadcast %squeeze3A_2478 : f32 to vector<16xf32>
        %add3A_2602 = arith.addf %get3A_295, %add3A_2601 : vector<16xf32>
        %div3A_2603 = arith.divf %mul3A_2600, %add3A_2602 : vector<16xf32>
        %max3A_2604 = arith.maximumf %max3A_2426, %div3A_2603 : vector<16xf32>
        %min3A_2605 = vector.broadcast %squeeze3A_2474 : f32 to vector<16xf32>
        %min3A_2606 = arith.minimumf %get3A_202, %min3A_2605 : vector<16xf32>
        %max3A_2607 = vector.broadcast %squeeze3A_2470 : f32 to vector<16xf32>
        %max3A_2608 = arith.maximumf %get3A_90, %max3A_2607 : vector<16xf32>
        %sub3A_2609 = arith.subf %min3A_2606, %max3A_2608 : vector<16xf32>
        %max3A_2610 = arith.constant 0.000000e+00 : f32
        %max3A_2611 = vector.broadcast %max3A_2610 : f32 to vector<16xf32>
        %max3A_2612 = arith.maximumf %sub3A_2609, %max3A_2611 : vector<16xf32>
        %min3A_2613 = vector.broadcast %squeeze3A_2476 : f32 to vector<16xf32>
        %min3A_2614 = arith.minimumf %get3A_258, %min3A_2613 : vector<16xf32>
        %max3A_2615 = vector.broadcast %squeeze3A_2472 : f32 to vector<16xf32>
        %max3A_2616 = arith.maximumf %get3A_146, %max3A_2615 : vector<16xf32>
        %sub3A_2617 = arith.subf %min3A_2614, %max3A_2616 : vector<16xf32>
        %max3A_2618 = arith.constant 0.000000e+00 : f32
        %max3A_2619 = vector.broadcast %max3A_2618 : f32 to vector<16xf32>
        %max3A_2620 = arith.maximumf %sub3A_2617, %max3A_2619 : vector<16xf32>
        %mul3A_2621 = arith.mulf %max3A_2612, %max3A_2620 : vector<16xf32>
        %add3A_2622 = vector.broadcast %squeeze3A_2478 : f32 to vector<16xf32>
        %add3A_2623 = arith.addf %get3A_300, %add3A_2622 : vector<16xf32>
        %div3A_2624 = arith.divf %mul3A_2621, %add3A_2623 : vector<16xf32>
        %max3A_2625 = arith.maximumf %max3A_2447, %div3A_2624 : vector<16xf32>
        %min3A_2626 = vector.broadcast %squeeze3A_2474 : f32 to vector<16xf32>
        %min3A_2627 = arith.minimumf %get3A_209, %min3A_2626 : vector<16xf32>
        %max3A_2628 = vector.broadcast %squeeze3A_2470 : f32 to vector<16xf32>
        %max3A_2629 = arith.maximumf %get3A_97, %max3A_2628 : vector<16xf32>
        %sub3A_2630 = arith.subf %min3A_2627, %max3A_2629 : vector<16xf32>
        %max3A_2631 = arith.constant 0.000000e+00 : f32
        %max3A_2632 = vector.broadcast %max3A_2631 : f32 to vector<16xf32>
        %max3A_2633 = arith.maximumf %sub3A_2630, %max3A_2632 : vector<16xf32>
        %min3A_2634 = vector.broadcast %squeeze3A_2476 : f32 to vector<16xf32>
        %min3A_2635 = arith.minimumf %get3A_265, %min3A_2634 : vector<16xf32>
        %max3A_2636 = vector.broadcast %squeeze3A_2472 : f32 to vector<16xf32>
        %max3A_2637 = arith.maximumf %get3A_153, %max3A_2636 : vector<16xf32>
        %sub3A_2638 = arith.subf %min3A_2635, %max3A_2637 : vector<16xf32>
        %max3A_2639 = arith.constant 0.000000e+00 : f32
        %max3A_2640 = vector.broadcast %max3A_2639 : f32 to vector<16xf32>
        %max3A_2641 = arith.maximumf %sub3A_2638, %max3A_2640 : vector<16xf32>
        %mul3A_2642 = arith.mulf %max3A_2633, %max3A_2641 : vector<16xf32>
        %add3A_2643 = vector.broadcast %squeeze3A_2478 : f32 to vector<16xf32>
        %add3A_2644 = arith.addf %get3A_305, %add3A_2643 : vector<16xf32>
        %div3A_2645 = arith.divf %mul3A_2642, %add3A_2644 : vector<16xf32>
        %max3A_2646 = arith.maximumf %max3A_2468, %div3A_2645 : vector<16xf32>
        %slice3A_2647 = vector.extract_strided_slice %get3A_325 {offsets = [13], sizes = [1], strides = [1]} : vector<16xf32> to vector<1xf32>
        %squeeze3A_2648 = vector.extract %slice3A_2647[0] : f32 from vector<1xf32>
        %slice3A_2649 = vector.extract_strided_slice %get3A_328 {offsets = [13], sizes = [1], strides = [1]} : vector<16xf32> to vector<1xf32>
        %squeeze3A_2650 = vector.extract %slice3A_2649[0] : f32 from vector<1xf32>
        %slice3A_2651 = vector.extract_strided_slice %get3A_331 {offsets = [13], sizes = [1], strides = [1]} : vector<16xf32> to vector<1xf32>
        %squeeze3A_2652 = vector.extract %slice3A_2651[0] : f32 from vector<1xf32>
        %slice3A_2653 = vector.extract_strided_slice %get3A_334 {offsets = [13], sizes = [1], strides = [1]} : vector<16xf32> to vector<1xf32>
        %squeeze3A_2654 = vector.extract %slice3A_2653[0] : f32 from vector<1xf32>
        %slice3A_2655 = vector.extract_strided_slice %get3A_337 {offsets = [13], sizes = [1], strides = [1]} : vector<16xf32> to vector<1xf32>
        %squeeze3A_2656 = vector.extract %slice3A_2655[0] : f32 from vector<1xf32>
        %min3A_2657 = vector.broadcast %squeeze3A_2652 : f32 to vector<16xf32>
        %min3A_2658 = arith.minimumf %get3A_160, %min3A_2657 : vector<16xf32>
        %max3A_2659 = vector.broadcast %squeeze3A_2648 : f32 to vector<16xf32>
        %max3A_2660 = arith.maximumf %get3A_48, %max3A_2659 : vector<16xf32>
        %sub3A_2661 = arith.subf %min3A_2658, %max3A_2660 : vector<16xf32>
        %max3A_2662 = arith.constant 0.000000e+00 : f32
        %max3A_2663 = vector.broadcast %max3A_2662 : f32 to vector<16xf32>
        %max3A_2664 = arith.maximumf %sub3A_2661, %max3A_2663 : vector<16xf32>
        %min3A_2665 = vector.broadcast %squeeze3A_2654 : f32 to vector<16xf32>
        %min3A_2666 = arith.minimumf %get3A_216, %min3A_2665 : vector<16xf32>
        %max3A_2667 = vector.broadcast %squeeze3A_2650 : f32 to vector<16xf32>
        %max3A_2668 = arith.maximumf %get3A_104, %max3A_2667 : vector<16xf32>
        %sub3A_2669 = arith.subf %min3A_2666, %max3A_2668 : vector<16xf32>
        %max3A_2670 = arith.constant 0.000000e+00 : f32
        %max3A_2671 = vector.broadcast %max3A_2670 : f32 to vector<16xf32>
        %max3A_2672 = arith.maximumf %sub3A_2669, %max3A_2671 : vector<16xf32>
        %mul3A_2673 = arith.mulf %max3A_2664, %max3A_2672 : vector<16xf32>
        %add3A_2674 = vector.broadcast %squeeze3A_2656 : f32 to vector<16xf32>
        %add3A_2675 = arith.addf %get3A_270, %add3A_2674 : vector<16xf32>
        %div3A_2676 = arith.divf %mul3A_2673, %add3A_2675 : vector<16xf32>
        %max3A_2677 = arith.maximumf %max3A_2499, %div3A_2676 : vector<16xf32>
        %min3A_2678 = vector.broadcast %squeeze3A_2652 : f32 to vector<16xf32>
        %min3A_2679 = arith.minimumf %get3A_167, %min3A_2678 : vector<16xf32>
        %max3A_2680 = vector.broadcast %squeeze3A_2648 : f32 to vector<16xf32>
        %max3A_2681 = arith.maximumf %get3A_55, %max3A_2680 : vector<16xf32>
        %sub3A_2682 = arith.subf %min3A_2679, %max3A_2681 : vector<16xf32>
        %max3A_2683 = arith.constant 0.000000e+00 : f32
        %max3A_2684 = vector.broadcast %max3A_2683 : f32 to vector<16xf32>
        %max3A_2685 = arith.maximumf %sub3A_2682, %max3A_2684 : vector<16xf32>
        %min3A_2686 = vector.broadcast %squeeze3A_2654 : f32 to vector<16xf32>
        %min3A_2687 = arith.minimumf %get3A_223, %min3A_2686 : vector<16xf32>
        %max3A_2688 = vector.broadcast %squeeze3A_2650 : f32 to vector<16xf32>
        %max3A_2689 = arith.maximumf %get3A_111, %max3A_2688 : vector<16xf32>
        %sub3A_2690 = arith.subf %min3A_2687, %max3A_2689 : vector<16xf32>
        %max3A_2691 = arith.constant 0.000000e+00 : f32
        %max3A_2692 = vector.broadcast %max3A_2691 : f32 to vector<16xf32>
        %max3A_2693 = arith.maximumf %sub3A_2690, %max3A_2692 : vector<16xf32>
        %mul3A_2694 = arith.mulf %max3A_2685, %max3A_2693 : vector<16xf32>
        %add3A_2695 = vector.broadcast %squeeze3A_2656 : f32 to vector<16xf32>
        %add3A_2696 = arith.addf %get3A_275, %add3A_2695 : vector<16xf32>
        %div3A_2697 = arith.divf %mul3A_2694, %add3A_2696 : vector<16xf32>
        %max3A_2698 = arith.maximumf %max3A_2520, %div3A_2697 : vector<16xf32>
        %min3A_2699 = vector.broadcast %squeeze3A_2652 : f32 to vector<16xf32>
        %min3A_2700 = arith.minimumf %get3A_174, %min3A_2699 : vector<16xf32>
        %max3A_2701 = vector.broadcast %squeeze3A_2648 : f32 to vector<16xf32>
        %max3A_2702 = arith.maximumf %get3A_62, %max3A_2701 : vector<16xf32>
        %sub3A_2703 = arith.subf %min3A_2700, %max3A_2702 : vector<16xf32>
        %max3A_2704 = arith.constant 0.000000e+00 : f32
        %max3A_2705 = vector.broadcast %max3A_2704 : f32 to vector<16xf32>
        %max3A_2706 = arith.maximumf %sub3A_2703, %max3A_2705 : vector<16xf32>
        %min3A_2707 = vector.broadcast %squeeze3A_2654 : f32 to vector<16xf32>
        %min3A_2708 = arith.minimumf %get3A_230, %min3A_2707 : vector<16xf32>
        %max3A_2709 = vector.broadcast %squeeze3A_2650 : f32 to vector<16xf32>
        %max3A_2710 = arith.maximumf %get3A_118, %max3A_2709 : vector<16xf32>
        %sub3A_2711 = arith.subf %min3A_2708, %max3A_2710 : vector<16xf32>
        %max3A_2712 = arith.constant 0.000000e+00 : f32
        %max3A_2713 = vector.broadcast %max3A_2712 : f32 to vector<16xf32>
        %max3A_2714 = arith.maximumf %sub3A_2711, %max3A_2713 : vector<16xf32>
        %mul3A_2715 = arith.mulf %max3A_2706, %max3A_2714 : vector<16xf32>
        %add3A_2716 = vector.broadcast %squeeze3A_2656 : f32 to vector<16xf32>
        %add3A_2717 = arith.addf %get3A_280, %add3A_2716 : vector<16xf32>
        %div3A_2718 = arith.divf %mul3A_2715, %add3A_2717 : vector<16xf32>
        %max3A_2719 = arith.maximumf %max3A_2541, %div3A_2718 : vector<16xf32>
        %min3A_2720 = vector.broadcast %squeeze3A_2652 : f32 to vector<16xf32>
        %min3A_2721 = arith.minimumf %get3A_181, %min3A_2720 : vector<16xf32>
        %max3A_2722 = vector.broadcast %squeeze3A_2648 : f32 to vector<16xf32>
        %max3A_2723 = arith.maximumf %get3A_69, %max3A_2722 : vector<16xf32>
        %sub3A_2724 = arith.subf %min3A_2721, %max3A_2723 : vector<16xf32>
        %max3A_2725 = arith.constant 0.000000e+00 : f32
        %max3A_2726 = vector.broadcast %max3A_2725 : f32 to vector<16xf32>
        %max3A_2727 = arith.maximumf %sub3A_2724, %max3A_2726 : vector<16xf32>
        %min3A_2728 = vector.broadcast %squeeze3A_2654 : f32 to vector<16xf32>
        %min3A_2729 = arith.minimumf %get3A_237, %min3A_2728 : vector<16xf32>
        %max3A_2730 = vector.broadcast %squeeze3A_2650 : f32 to vector<16xf32>
        %max3A_2731 = arith.maximumf %get3A_125, %max3A_2730 : vector<16xf32>
        %sub3A_2732 = arith.subf %min3A_2729, %max3A_2731 : vector<16xf32>
        %max3A_2733 = arith.constant 0.000000e+00 : f32
        %max3A_2734 = vector.broadcast %max3A_2733 : f32 to vector<16xf32>
        %max3A_2735 = arith.maximumf %sub3A_2732, %max3A_2734 : vector<16xf32>
        %mul3A_2736 = arith.mulf %max3A_2727, %max3A_2735 : vector<16xf32>
        %add3A_2737 = vector.broadcast %squeeze3A_2656 : f32 to vector<16xf32>
        %add3A_2738 = arith.addf %get3A_285, %add3A_2737 : vector<16xf32>
        %div3A_2739 = arith.divf %mul3A_2736, %add3A_2738 : vector<16xf32>
        %max3A_2740 = arith.maximumf %max3A_2562, %div3A_2739 : vector<16xf32>
        %min3A_2741 = vector.broadcast %squeeze3A_2652 : f32 to vector<16xf32>
        %min3A_2742 = arith.minimumf %get3A_188, %min3A_2741 : vector<16xf32>
        %max3A_2743 = vector.broadcast %squeeze3A_2648 : f32 to vector<16xf32>
        %max3A_2744 = arith.maximumf %get3A_76, %max3A_2743 : vector<16xf32>
        %sub3A_2745 = arith.subf %min3A_2742, %max3A_2744 : vector<16xf32>
        %max3A_2746 = arith.constant 0.000000e+00 : f32
        %max3A_2747 = vector.broadcast %max3A_2746 : f32 to vector<16xf32>
        %max3A_2748 = arith.maximumf %sub3A_2745, %max3A_2747 : vector<16xf32>
        %min3A_2749 = vector.broadcast %squeeze3A_2654 : f32 to vector<16xf32>
        %min3A_2750 = arith.minimumf %get3A_244, %min3A_2749 : vector<16xf32>
        %max3A_2751 = vector.broadcast %squeeze3A_2650 : f32 to vector<16xf32>
        %max3A_2752 = arith.maximumf %get3A_132, %max3A_2751 : vector<16xf32>
        %sub3A_2753 = arith.subf %min3A_2750, %max3A_2752 : vector<16xf32>
        %max3A_2754 = arith.constant 0.000000e+00 : f32
        %max3A_2755 = vector.broadcast %max3A_2754 : f32 to vector<16xf32>
        %max3A_2756 = arith.maximumf %sub3A_2753, %max3A_2755 : vector<16xf32>
        %mul3A_2757 = arith.mulf %max3A_2748, %max3A_2756 : vector<16xf32>
        %add3A_2758 = vector.broadcast %squeeze3A_2656 : f32 to vector<16xf32>
        %add3A_2759 = arith.addf %get3A_290, %add3A_2758 : vector<16xf32>
        %div3A_2760 = arith.divf %mul3A_2757, %add3A_2759 : vector<16xf32>
        %max3A_2761 = arith.maximumf %max3A_2583, %div3A_2760 : vector<16xf32>
        %min3A_2762 = vector.broadcast %squeeze3A_2652 : f32 to vector<16xf32>
        %min3A_2763 = arith.minimumf %get3A_195, %min3A_2762 : vector<16xf32>
        %max3A_2764 = vector.broadcast %squeeze3A_2648 : f32 to vector<16xf32>
        %max3A_2765 = arith.maximumf %get3A_83, %max3A_2764 : vector<16xf32>
        %sub3A_2766 = arith.subf %min3A_2763, %max3A_2765 : vector<16xf32>
        %max3A_2767 = arith.constant 0.000000e+00 : f32
        %max3A_2768 = vector.broadcast %max3A_2767 : f32 to vector<16xf32>
        %max3A_2769 = arith.maximumf %sub3A_2766, %max3A_2768 : vector<16xf32>
        %min3A_2770 = vector.broadcast %squeeze3A_2654 : f32 to vector<16xf32>
        %min3A_2771 = arith.minimumf %get3A_251, %min3A_2770 : vector<16xf32>
        %max3A_2772 = vector.broadcast %squeeze3A_2650 : f32 to vector<16xf32>
        %max3A_2773 = arith.maximumf %get3A_139, %max3A_2772 : vector<16xf32>
        %sub3A_2774 = arith.subf %min3A_2771, %max3A_2773 : vector<16xf32>
        %max3A_2775 = arith.constant 0.000000e+00 : f32
        %max3A_2776 = vector.broadcast %max3A_2775 : f32 to vector<16xf32>
        %max3A_2777 = arith.maximumf %sub3A_2774, %max3A_2776 : vector<16xf32>
        %mul3A_2778 = arith.mulf %max3A_2769, %max3A_2777 : vector<16xf32>
        %add3A_2779 = vector.broadcast %squeeze3A_2656 : f32 to vector<16xf32>
        %add3A_2780 = arith.addf %get3A_295, %add3A_2779 : vector<16xf32>
        %div3A_2781 = arith.divf %mul3A_2778, %add3A_2780 : vector<16xf32>
        %max3A_2782 = arith.maximumf %max3A_2604, %div3A_2781 : vector<16xf32>
        %min3A_2783 = vector.broadcast %squeeze3A_2652 : f32 to vector<16xf32>
        %min3A_2784 = arith.minimumf %get3A_202, %min3A_2783 : vector<16xf32>
        %max3A_2785 = vector.broadcast %squeeze3A_2648 : f32 to vector<16xf32>
        %max3A_2786 = arith.maximumf %get3A_90, %max3A_2785 : vector<16xf32>
        %sub3A_2787 = arith.subf %min3A_2784, %max3A_2786 : vector<16xf32>
        %max3A_2788 = arith.constant 0.000000e+00 : f32
        %max3A_2789 = vector.broadcast %max3A_2788 : f32 to vector<16xf32>
        %max3A_2790 = arith.maximumf %sub3A_2787, %max3A_2789 : vector<16xf32>
        %min3A_2791 = vector.broadcast %squeeze3A_2654 : f32 to vector<16xf32>
        %min3A_2792 = arith.minimumf %get3A_258, %min3A_2791 : vector<16xf32>
        %max3A_2793 = vector.broadcast %squeeze3A_2650 : f32 to vector<16xf32>
        %max3A_2794 = arith.maximumf %get3A_146, %max3A_2793 : vector<16xf32>
        %sub3A_2795 = arith.subf %min3A_2792, %max3A_2794 : vector<16xf32>
        %max3A_2796 = arith.constant 0.000000e+00 : f32
        %max3A_2797 = vector.broadcast %max3A_2796 : f32 to vector<16xf32>
        %max3A_2798 = arith.maximumf %sub3A_2795, %max3A_2797 : vector<16xf32>
        %mul3A_2799 = arith.mulf %max3A_2790, %max3A_2798 : vector<16xf32>
        %add3A_2800 = vector.broadcast %squeeze3A_2656 : f32 to vector<16xf32>
        %add3A_2801 = arith.addf %get3A_300, %add3A_2800 : vector<16xf32>
        %div3A_2802 = arith.divf %mul3A_2799, %add3A_2801 : vector<16xf32>
        %max3A_2803 = arith.maximumf %max3A_2625, %div3A_2802 : vector<16xf32>
        %min3A_2804 = vector.broadcast %squeeze3A_2652 : f32 to vector<16xf32>
        %min3A_2805 = arith.minimumf %get3A_209, %min3A_2804 : vector<16xf32>
        %max3A_2806 = vector.broadcast %squeeze3A_2648 : f32 to vector<16xf32>
        %max3A_2807 = arith.maximumf %get3A_97, %max3A_2806 : vector<16xf32>
        %sub3A_2808 = arith.subf %min3A_2805, %max3A_2807 : vector<16xf32>
        %max3A_2809 = arith.constant 0.000000e+00 : f32
        %max3A_2810 = vector.broadcast %max3A_2809 : f32 to vector<16xf32>
        %max3A_2811 = arith.maximumf %sub3A_2808, %max3A_2810 : vector<16xf32>
        %min3A_2812 = vector.broadcast %squeeze3A_2654 : f32 to vector<16xf32>
        %min3A_2813 = arith.minimumf %get3A_265, %min3A_2812 : vector<16xf32>
        %max3A_2814 = vector.broadcast %squeeze3A_2650 : f32 to vector<16xf32>
        %max3A_2815 = arith.maximumf %get3A_153, %max3A_2814 : vector<16xf32>
        %sub3A_2816 = arith.subf %min3A_2813, %max3A_2815 : vector<16xf32>
        %max3A_2817 = arith.constant 0.000000e+00 : f32
        %max3A_2818 = vector.broadcast %max3A_2817 : f32 to vector<16xf32>
        %max3A_2819 = arith.maximumf %sub3A_2816, %max3A_2818 : vector<16xf32>
        %mul3A_2820 = arith.mulf %max3A_2811, %max3A_2819 : vector<16xf32>
        %add3A_2821 = vector.broadcast %squeeze3A_2656 : f32 to vector<16xf32>
        %add3A_2822 = arith.addf %get3A_305, %add3A_2821 : vector<16xf32>
        %div3A_2823 = arith.divf %mul3A_2820, %add3A_2822 : vector<16xf32>
        %max3A_2824 = arith.maximumf %max3A_2646, %div3A_2823 : vector<16xf32>
        %slice3A_2825 = vector.extract_strided_slice %get3A_325 {offsets = [14], sizes = [1], strides = [1]} : vector<16xf32> to vector<1xf32>
        %squeeze3A_2826 = vector.extract %slice3A_2825[0] : f32 from vector<1xf32>
        %slice3A_2827 = vector.extract_strided_slice %get3A_328 {offsets = [14], sizes = [1], strides = [1]} : vector<16xf32> to vector<1xf32>
        %squeeze3A_2828 = vector.extract %slice3A_2827[0] : f32 from vector<1xf32>
        %slice3A_2829 = vector.extract_strided_slice %get3A_331 {offsets = [14], sizes = [1], strides = [1]} : vector<16xf32> to vector<1xf32>
        %squeeze3A_2830 = vector.extract %slice3A_2829[0] : f32 from vector<1xf32>
        %slice3A_2831 = vector.extract_strided_slice %get3A_334 {offsets = [14], sizes = [1], strides = [1]} : vector<16xf32> to vector<1xf32>
        %squeeze3A_2832 = vector.extract %slice3A_2831[0] : f32 from vector<1xf32>
        %slice3A_2833 = vector.extract_strided_slice %get3A_337 {offsets = [14], sizes = [1], strides = [1]} : vector<16xf32> to vector<1xf32>
        %squeeze3A_2834 = vector.extract %slice3A_2833[0] : f32 from vector<1xf32>
        %min3A_2835 = vector.broadcast %squeeze3A_2830 : f32 to vector<16xf32>
        %min3A_2836 = arith.minimumf %get3A_160, %min3A_2835 : vector<16xf32>
        %max3A_2837 = vector.broadcast %squeeze3A_2826 : f32 to vector<16xf32>
        %max3A_2838 = arith.maximumf %get3A_48, %max3A_2837 : vector<16xf32>
        %sub3A_2839 = arith.subf %min3A_2836, %max3A_2838 : vector<16xf32>
        %max3A_2840 = arith.constant 0.000000e+00 : f32
        %max3A_2841 = vector.broadcast %max3A_2840 : f32 to vector<16xf32>
        %max3A_2842 = arith.maximumf %sub3A_2839, %max3A_2841 : vector<16xf32>
        %min3A_2843 = vector.broadcast %squeeze3A_2832 : f32 to vector<16xf32>
        %min3A_2844 = arith.minimumf %get3A_216, %min3A_2843 : vector<16xf32>
        %max3A_2845 = vector.broadcast %squeeze3A_2828 : f32 to vector<16xf32>
        %max3A_2846 = arith.maximumf %get3A_104, %max3A_2845 : vector<16xf32>
        %sub3A_2847 = arith.subf %min3A_2844, %max3A_2846 : vector<16xf32>
        %max3A_2848 = arith.constant 0.000000e+00 : f32
        %max3A_2849 = vector.broadcast %max3A_2848 : f32 to vector<16xf32>
        %max3A_2850 = arith.maximumf %sub3A_2847, %max3A_2849 : vector<16xf32>
        %mul3A_2851 = arith.mulf %max3A_2842, %max3A_2850 : vector<16xf32>
        %add3A_2852 = vector.broadcast %squeeze3A_2834 : f32 to vector<16xf32>
        %add3A_2853 = arith.addf %get3A_270, %add3A_2852 : vector<16xf32>
        %div3A_2854 = arith.divf %mul3A_2851, %add3A_2853 : vector<16xf32>
        %max3A_2855 = arith.maximumf %max3A_2677, %div3A_2854 : vector<16xf32>
        %min3A_2856 = vector.broadcast %squeeze3A_2830 : f32 to vector<16xf32>
        %min3A_2857 = arith.minimumf %get3A_167, %min3A_2856 : vector<16xf32>
        %max3A_2858 = vector.broadcast %squeeze3A_2826 : f32 to vector<16xf32>
        %max3A_2859 = arith.maximumf %get3A_55, %max3A_2858 : vector<16xf32>
        %sub3A_2860 = arith.subf %min3A_2857, %max3A_2859 : vector<16xf32>
        %max3A_2861 = arith.constant 0.000000e+00 : f32
        %max3A_2862 = vector.broadcast %max3A_2861 : f32 to vector<16xf32>
        %max3A_2863 = arith.maximumf %sub3A_2860, %max3A_2862 : vector<16xf32>
        %min3A_2864 = vector.broadcast %squeeze3A_2832 : f32 to vector<16xf32>
        %min3A_2865 = arith.minimumf %get3A_223, %min3A_2864 : vector<16xf32>
        %max3A_2866 = vector.broadcast %squeeze3A_2828 : f32 to vector<16xf32>
        %max3A_2867 = arith.maximumf %get3A_111, %max3A_2866 : vector<16xf32>
        %sub3A_2868 = arith.subf %min3A_2865, %max3A_2867 : vector<16xf32>
        %max3A_2869 = arith.constant 0.000000e+00 : f32
        %max3A_2870 = vector.broadcast %max3A_2869 : f32 to vector<16xf32>
        %max3A_2871 = arith.maximumf %sub3A_2868, %max3A_2870 : vector<16xf32>
        %mul3A_2872 = arith.mulf %max3A_2863, %max3A_2871 : vector<16xf32>
        %add3A_2873 = vector.broadcast %squeeze3A_2834 : f32 to vector<16xf32>
        %add3A_2874 = arith.addf %get3A_275, %add3A_2873 : vector<16xf32>
        %div3A_2875 = arith.divf %mul3A_2872, %add3A_2874 : vector<16xf32>
        %max3A_2876 = arith.maximumf %max3A_2698, %div3A_2875 : vector<16xf32>
        %min3A_2877 = vector.broadcast %squeeze3A_2830 : f32 to vector<16xf32>
        %min3A_2878 = arith.minimumf %get3A_174, %min3A_2877 : vector<16xf32>
        %max3A_2879 = vector.broadcast %squeeze3A_2826 : f32 to vector<16xf32>
        %max3A_2880 = arith.maximumf %get3A_62, %max3A_2879 : vector<16xf32>
        %sub3A_2881 = arith.subf %min3A_2878, %max3A_2880 : vector<16xf32>
        %max3A_2882 = arith.constant 0.000000e+00 : f32
        %max3A_2883 = vector.broadcast %max3A_2882 : f32 to vector<16xf32>
        %max3A_2884 = arith.maximumf %sub3A_2881, %max3A_2883 : vector<16xf32>
        %min3A_2885 = vector.broadcast %squeeze3A_2832 : f32 to vector<16xf32>
        %min3A_2886 = arith.minimumf %get3A_230, %min3A_2885 : vector<16xf32>
        %max3A_2887 = vector.broadcast %squeeze3A_2828 : f32 to vector<16xf32>
        %max3A_2888 = arith.maximumf %get3A_118, %max3A_2887 : vector<16xf32>
        %sub3A_2889 = arith.subf %min3A_2886, %max3A_2888 : vector<16xf32>
        %max3A_2890 = arith.constant 0.000000e+00 : f32
        %max3A_2891 = vector.broadcast %max3A_2890 : f32 to vector<16xf32>
        %max3A_2892 = arith.maximumf %sub3A_2889, %max3A_2891 : vector<16xf32>
        %mul3A_2893 = arith.mulf %max3A_2884, %max3A_2892 : vector<16xf32>
        %add3A_2894 = vector.broadcast %squeeze3A_2834 : f32 to vector<16xf32>
        %add3A_2895 = arith.addf %get3A_280, %add3A_2894 : vector<16xf32>
        %div3A_2896 = arith.divf %mul3A_2893, %add3A_2895 : vector<16xf32>
        %max3A_2897 = arith.maximumf %max3A_2719, %div3A_2896 : vector<16xf32>
        %min3A_2898 = vector.broadcast %squeeze3A_2830 : f32 to vector<16xf32>
        %min3A_2899 = arith.minimumf %get3A_181, %min3A_2898 : vector<16xf32>
        %max3A_2900 = vector.broadcast %squeeze3A_2826 : f32 to vector<16xf32>
        %max3A_2901 = arith.maximumf %get3A_69, %max3A_2900 : vector<16xf32>
        %sub3A_2902 = arith.subf %min3A_2899, %max3A_2901 : vector<16xf32>
        %max3A_2903 = arith.constant 0.000000e+00 : f32
        %max3A_2904 = vector.broadcast %max3A_2903 : f32 to vector<16xf32>
        %max3A_2905 = arith.maximumf %sub3A_2902, %max3A_2904 : vector<16xf32>
        %min3A_2906 = vector.broadcast %squeeze3A_2832 : f32 to vector<16xf32>
        %min3A_2907 = arith.minimumf %get3A_237, %min3A_2906 : vector<16xf32>
        %max3A_2908 = vector.broadcast %squeeze3A_2828 : f32 to vector<16xf32>
        %max3A_2909 = arith.maximumf %get3A_125, %max3A_2908 : vector<16xf32>
        %sub3A_2910 = arith.subf %min3A_2907, %max3A_2909 : vector<16xf32>
        %max3A_2911 = arith.constant 0.000000e+00 : f32
        %max3A_2912 = vector.broadcast %max3A_2911 : f32 to vector<16xf32>
        %max3A_2913 = arith.maximumf %sub3A_2910, %max3A_2912 : vector<16xf32>
        %mul3A_2914 = arith.mulf %max3A_2905, %max3A_2913 : vector<16xf32>
        %add3A_2915 = vector.broadcast %squeeze3A_2834 : f32 to vector<16xf32>
        %add3A_2916 = arith.addf %get3A_285, %add3A_2915 : vector<16xf32>
        %div3A_2917 = arith.divf %mul3A_2914, %add3A_2916 : vector<16xf32>
        %max3A_2918 = arith.maximumf %max3A_2740, %div3A_2917 : vector<16xf32>
        %min3A_2919 = vector.broadcast %squeeze3A_2830 : f32 to vector<16xf32>
        %min3A_2920 = arith.minimumf %get3A_188, %min3A_2919 : vector<16xf32>
        %max3A_2921 = vector.broadcast %squeeze3A_2826 : f32 to vector<16xf32>
        %max3A_2922 = arith.maximumf %get3A_76, %max3A_2921 : vector<16xf32>
        %sub3A_2923 = arith.subf %min3A_2920, %max3A_2922 : vector<16xf32>
        %max3A_2924 = arith.constant 0.000000e+00 : f32
        %max3A_2925 = vector.broadcast %max3A_2924 : f32 to vector<16xf32>
        %max3A_2926 = arith.maximumf %sub3A_2923, %max3A_2925 : vector<16xf32>
        %min3A_2927 = vector.broadcast %squeeze3A_2832 : f32 to vector<16xf32>
        %min3A_2928 = arith.minimumf %get3A_244, %min3A_2927 : vector<16xf32>
        %max3A_2929 = vector.broadcast %squeeze3A_2828 : f32 to vector<16xf32>
        %max3A_2930 = arith.maximumf %get3A_132, %max3A_2929 : vector<16xf32>
        %sub3A_2931 = arith.subf %min3A_2928, %max3A_2930 : vector<16xf32>
        %max3A_2932 = arith.constant 0.000000e+00 : f32
        %max3A_2933 = vector.broadcast %max3A_2932 : f32 to vector<16xf32>
        %max3A_2934 = arith.maximumf %sub3A_2931, %max3A_2933 : vector<16xf32>
        %mul3A_2935 = arith.mulf %max3A_2926, %max3A_2934 : vector<16xf32>
        %add3A_2936 = vector.broadcast %squeeze3A_2834 : f32 to vector<16xf32>
        %add3A_2937 = arith.addf %get3A_290, %add3A_2936 : vector<16xf32>
        %div3A_2938 = arith.divf %mul3A_2935, %add3A_2937 : vector<16xf32>
        %max3A_2939 = arith.maximumf %max3A_2761, %div3A_2938 : vector<16xf32>
        %min3A_2940 = vector.broadcast %squeeze3A_2830 : f32 to vector<16xf32>
        %min3A_2941 = arith.minimumf %get3A_195, %min3A_2940 : vector<16xf32>
        %max3A_2942 = vector.broadcast %squeeze3A_2826 : f32 to vector<16xf32>
        %max3A_2943 = arith.maximumf %get3A_83, %max3A_2942 : vector<16xf32>
        %sub3A_2944 = arith.subf %min3A_2941, %max3A_2943 : vector<16xf32>
        %max3A_2945 = arith.constant 0.000000e+00 : f32
        %max3A_2946 = vector.broadcast %max3A_2945 : f32 to vector<16xf32>
        %max3A_2947 = arith.maximumf %sub3A_2944, %max3A_2946 : vector<16xf32>
        %min3A_2948 = vector.broadcast %squeeze3A_2832 : f32 to vector<16xf32>
        %min3A_2949 = arith.minimumf %get3A_251, %min3A_2948 : vector<16xf32>
        %max3A_2950 = vector.broadcast %squeeze3A_2828 : f32 to vector<16xf32>
        %max3A_2951 = arith.maximumf %get3A_139, %max3A_2950 : vector<16xf32>
        %sub3A_2952 = arith.subf %min3A_2949, %max3A_2951 : vector<16xf32>
        %max3A_2953 = arith.constant 0.000000e+00 : f32
        %max3A_2954 = vector.broadcast %max3A_2953 : f32 to vector<16xf32>
        %max3A_2955 = arith.maximumf %sub3A_2952, %max3A_2954 : vector<16xf32>
        %mul3A_2956 = arith.mulf %max3A_2947, %max3A_2955 : vector<16xf32>
        %add3A_2957 = vector.broadcast %squeeze3A_2834 : f32 to vector<16xf32>
        %add3A_2958 = arith.addf %get3A_295, %add3A_2957 : vector<16xf32>
        %div3A_2959 = arith.divf %mul3A_2956, %add3A_2958 : vector<16xf32>
        %max3A_2960 = arith.maximumf %max3A_2782, %div3A_2959 : vector<16xf32>
        %min3A_2961 = vector.broadcast %squeeze3A_2830 : f32 to vector<16xf32>
        %min3A_2962 = arith.minimumf %get3A_202, %min3A_2961 : vector<16xf32>
        %max3A_2963 = vector.broadcast %squeeze3A_2826 : f32 to vector<16xf32>
        %max3A_2964 = arith.maximumf %get3A_90, %max3A_2963 : vector<16xf32>
        %sub3A_2965 = arith.subf %min3A_2962, %max3A_2964 : vector<16xf32>
        %max3A_2966 = arith.constant 0.000000e+00 : f32
        %max3A_2967 = vector.broadcast %max3A_2966 : f32 to vector<16xf32>
        %max3A_2968 = arith.maximumf %sub3A_2965, %max3A_2967 : vector<16xf32>
        %min3A_2969 = vector.broadcast %squeeze3A_2832 : f32 to vector<16xf32>
        %min3A_2970 = arith.minimumf %get3A_258, %min3A_2969 : vector<16xf32>
        %max3A_2971 = vector.broadcast %squeeze3A_2828 : f32 to vector<16xf32>
        %max3A_2972 = arith.maximumf %get3A_146, %max3A_2971 : vector<16xf32>
        %sub3A_2973 = arith.subf %min3A_2970, %max3A_2972 : vector<16xf32>
        %max3A_2974 = arith.constant 0.000000e+00 : f32
        %max3A_2975 = vector.broadcast %max3A_2974 : f32 to vector<16xf32>
        %max3A_2976 = arith.maximumf %sub3A_2973, %max3A_2975 : vector<16xf32>
        %mul3A_2977 = arith.mulf %max3A_2968, %max3A_2976 : vector<16xf32>
        %add3A_2978 = vector.broadcast %squeeze3A_2834 : f32 to vector<16xf32>
        %add3A_2979 = arith.addf %get3A_300, %add3A_2978 : vector<16xf32>
        %div3A_2980 = arith.divf %mul3A_2977, %add3A_2979 : vector<16xf32>
        %max3A_2981 = arith.maximumf %max3A_2803, %div3A_2980 : vector<16xf32>
        %min3A_2982 = vector.broadcast %squeeze3A_2830 : f32 to vector<16xf32>
        %min3A_2983 = arith.minimumf %get3A_209, %min3A_2982 : vector<16xf32>
        %max3A_2984 = vector.broadcast %squeeze3A_2826 : f32 to vector<16xf32>
        %max3A_2985 = arith.maximumf %get3A_97, %max3A_2984 : vector<16xf32>
        %sub3A_2986 = arith.subf %min3A_2983, %max3A_2985 : vector<16xf32>
        %max3A_2987 = arith.constant 0.000000e+00 : f32
        %max3A_2988 = vector.broadcast %max3A_2987 : f32 to vector<16xf32>
        %max3A_2989 = arith.maximumf %sub3A_2986, %max3A_2988 : vector<16xf32>
        %min3A_2990 = vector.broadcast %squeeze3A_2832 : f32 to vector<16xf32>
        %min3A_2991 = arith.minimumf %get3A_265, %min3A_2990 : vector<16xf32>
        %max3A_2992 = vector.broadcast %squeeze3A_2828 : f32 to vector<16xf32>
        %max3A_2993 = arith.maximumf %get3A_153, %max3A_2992 : vector<16xf32>
        %sub3A_2994 = arith.subf %min3A_2991, %max3A_2993 : vector<16xf32>
        %max3A_2995 = arith.constant 0.000000e+00 : f32
        %max3A_2996 = vector.broadcast %max3A_2995 : f32 to vector<16xf32>
        %max3A_2997 = arith.maximumf %sub3A_2994, %max3A_2996 : vector<16xf32>
        %mul3A_2998 = arith.mulf %max3A_2989, %max3A_2997 : vector<16xf32>
        %add3A_2999 = vector.broadcast %squeeze3A_2834 : f32 to vector<16xf32>
        %add3A_3000 = arith.addf %get3A_305, %add3A_2999 : vector<16xf32>
        %div3A_3001 = arith.divf %mul3A_2998, %add3A_3000 : vector<16xf32>
        %max3A_3002 = arith.maximumf %max3A_2824, %div3A_3001 : vector<16xf32>
        %slice3A_3003 = vector.extract_strided_slice %get3A_325 {offsets = [15], sizes = [1], strides = [1]} : vector<16xf32> to vector<1xf32>
        %squeeze3A_3004 = vector.extract %slice3A_3003[0] : f32 from vector<1xf32>
        %slice3A_3005 = vector.extract_strided_slice %get3A_328 {offsets = [15], sizes = [1], strides = [1]} : vector<16xf32> to vector<1xf32>
        %squeeze3A_3006 = vector.extract %slice3A_3005[0] : f32 from vector<1xf32>
        %slice3A_3007 = vector.extract_strided_slice %get3A_331 {offsets = [15], sizes = [1], strides = [1]} : vector<16xf32> to vector<1xf32>
        %squeeze3A_3008 = vector.extract %slice3A_3007[0] : f32 from vector<1xf32>
        %slice3A_3009 = vector.extract_strided_slice %get3A_334 {offsets = [15], sizes = [1], strides = [1]} : vector<16xf32> to vector<1xf32>
        %squeeze3A_3010 = vector.extract %slice3A_3009[0] : f32 from vector<1xf32>
        %slice3A_3011 = vector.extract_strided_slice %get3A_337 {offsets = [15], sizes = [1], strides = [1]} : vector<16xf32> to vector<1xf32>
        %squeeze3A_3012 = vector.extract %slice3A_3011[0] : f32 from vector<1xf32>
        %min3A_3013 = vector.broadcast %squeeze3A_3008 : f32 to vector<16xf32>
        %min3A_3014 = arith.minimumf %get3A_160, %min3A_3013 : vector<16xf32>
        %max3A_3015 = vector.broadcast %squeeze3A_3004 : f32 to vector<16xf32>
        %max3A_3016 = arith.maximumf %get3A_48, %max3A_3015 : vector<16xf32>
        %sub3A_3017 = arith.subf %min3A_3014, %max3A_3016 : vector<16xf32>
        %max3A_3018 = arith.constant 0.000000e+00 : f32
        %max3A_3019 = vector.broadcast %max3A_3018 : f32 to vector<16xf32>
        %max3A_3020 = arith.maximumf %sub3A_3017, %max3A_3019 : vector<16xf32>
        %min3A_3021 = vector.broadcast %squeeze3A_3010 : f32 to vector<16xf32>
        %min3A_3022 = arith.minimumf %get3A_216, %min3A_3021 : vector<16xf32>
        %max3A_3023 = vector.broadcast %squeeze3A_3006 : f32 to vector<16xf32>
        %max3A_3024 = arith.maximumf %get3A_104, %max3A_3023 : vector<16xf32>
        %sub3A_3025 = arith.subf %min3A_3022, %max3A_3024 : vector<16xf32>
        %max3A_3026 = arith.constant 0.000000e+00 : f32
        %max3A_3027 = vector.broadcast %max3A_3026 : f32 to vector<16xf32>
        %max3A_3028 = arith.maximumf %sub3A_3025, %max3A_3027 : vector<16xf32>
        %mul3A_3029 = arith.mulf %max3A_3020, %max3A_3028 : vector<16xf32>
        %add3A_3030 = vector.broadcast %squeeze3A_3012 : f32 to vector<16xf32>
        %add3A_3031 = arith.addf %get3A_270, %add3A_3030 : vector<16xf32>
        %div3A_3032 = arith.divf %mul3A_3029, %add3A_3031 : vector<16xf32>
        %max3A_3033 = arith.maximumf %max3A_2855, %div3A_3032 : vector<16xf32>
        %min3A_3034 = vector.broadcast %squeeze3A_3008 : f32 to vector<16xf32>
        %min3A_3035 = arith.minimumf %get3A_167, %min3A_3034 : vector<16xf32>
        %max3A_3036 = vector.broadcast %squeeze3A_3004 : f32 to vector<16xf32>
        %max3A_3037 = arith.maximumf %get3A_55, %max3A_3036 : vector<16xf32>
        %sub3A_3038 = arith.subf %min3A_3035, %max3A_3037 : vector<16xf32>
        %max3A_3039 = arith.constant 0.000000e+00 : f32
        %max3A_3040 = vector.broadcast %max3A_3039 : f32 to vector<16xf32>
        %max3A_3041 = arith.maximumf %sub3A_3038, %max3A_3040 : vector<16xf32>
        %min3A_3042 = vector.broadcast %squeeze3A_3010 : f32 to vector<16xf32>
        %min3A_3043 = arith.minimumf %get3A_223, %min3A_3042 : vector<16xf32>
        %max3A_3044 = vector.broadcast %squeeze3A_3006 : f32 to vector<16xf32>
        %max3A_3045 = arith.maximumf %get3A_111, %max3A_3044 : vector<16xf32>
        %sub3A_3046 = arith.subf %min3A_3043, %max3A_3045 : vector<16xf32>
        %max3A_3047 = arith.constant 0.000000e+00 : f32
        %max3A_3048 = vector.broadcast %max3A_3047 : f32 to vector<16xf32>
        %max3A_3049 = arith.maximumf %sub3A_3046, %max3A_3048 : vector<16xf32>
        %mul3A_3050 = arith.mulf %max3A_3041, %max3A_3049 : vector<16xf32>
        %add3A_3051 = vector.broadcast %squeeze3A_3012 : f32 to vector<16xf32>
        %add3A_3052 = arith.addf %get3A_275, %add3A_3051 : vector<16xf32>
        %div3A_3053 = arith.divf %mul3A_3050, %add3A_3052 : vector<16xf32>
        %max3A_3054 = arith.maximumf %max3A_2876, %div3A_3053 : vector<16xf32>
        %min3A_3055 = vector.broadcast %squeeze3A_3008 : f32 to vector<16xf32>
        %min3A_3056 = arith.minimumf %get3A_174, %min3A_3055 : vector<16xf32>
        %max3A_3057 = vector.broadcast %squeeze3A_3004 : f32 to vector<16xf32>
        %max3A_3058 = arith.maximumf %get3A_62, %max3A_3057 : vector<16xf32>
        %sub3A_3059 = arith.subf %min3A_3056, %max3A_3058 : vector<16xf32>
        %max3A_3060 = arith.constant 0.000000e+00 : f32
        %max3A_3061 = vector.broadcast %max3A_3060 : f32 to vector<16xf32>
        %max3A_3062 = arith.maximumf %sub3A_3059, %max3A_3061 : vector<16xf32>
        %min3A_3063 = vector.broadcast %squeeze3A_3010 : f32 to vector<16xf32>
        %min3A_3064 = arith.minimumf %get3A_230, %min3A_3063 : vector<16xf32>
        %max3A_3065 = vector.broadcast %squeeze3A_3006 : f32 to vector<16xf32>
        %max3A_3066 = arith.maximumf %get3A_118, %max3A_3065 : vector<16xf32>
        %sub3A_3067 = arith.subf %min3A_3064, %max3A_3066 : vector<16xf32>
        %max3A_3068 = arith.constant 0.000000e+00 : f32
        %max3A_3069 = vector.broadcast %max3A_3068 : f32 to vector<16xf32>
        %max3A_3070 = arith.maximumf %sub3A_3067, %max3A_3069 : vector<16xf32>
        %mul3A_3071 = arith.mulf %max3A_3062, %max3A_3070 : vector<16xf32>
        %add3A_3072 = vector.broadcast %squeeze3A_3012 : f32 to vector<16xf32>
        %add3A_3073 = arith.addf %get3A_280, %add3A_3072 : vector<16xf32>
        %div3A_3074 = arith.divf %mul3A_3071, %add3A_3073 : vector<16xf32>
        %max3A_3075 = arith.maximumf %max3A_2897, %div3A_3074 : vector<16xf32>
        %min3A_3076 = vector.broadcast %squeeze3A_3008 : f32 to vector<16xf32>
        %min3A_3077 = arith.minimumf %get3A_181, %min3A_3076 : vector<16xf32>
        %max3A_3078 = vector.broadcast %squeeze3A_3004 : f32 to vector<16xf32>
        %max3A_3079 = arith.maximumf %get3A_69, %max3A_3078 : vector<16xf32>
        %sub3A_3080 = arith.subf %min3A_3077, %max3A_3079 : vector<16xf32>
        %max3A_3081 = arith.constant 0.000000e+00 : f32
        %max3A_3082 = vector.broadcast %max3A_3081 : f32 to vector<16xf32>
        %max3A_3083 = arith.maximumf %sub3A_3080, %max3A_3082 : vector<16xf32>
        %min3A_3084 = vector.broadcast %squeeze3A_3010 : f32 to vector<16xf32>
        %min3A_3085 = arith.minimumf %get3A_237, %min3A_3084 : vector<16xf32>
        %max3A_3086 = vector.broadcast %squeeze3A_3006 : f32 to vector<16xf32>
        %max3A_3087 = arith.maximumf %get3A_125, %max3A_3086 : vector<16xf32>
        %sub3A_3088 = arith.subf %min3A_3085, %max3A_3087 : vector<16xf32>
        %max3A_3089 = arith.constant 0.000000e+00 : f32
        %max3A_3090 = vector.broadcast %max3A_3089 : f32 to vector<16xf32>
        %max3A_3091 = arith.maximumf %sub3A_3088, %max3A_3090 : vector<16xf32>
        %mul3A_3092 = arith.mulf %max3A_3083, %max3A_3091 : vector<16xf32>
        %add3A_3093 = vector.broadcast %squeeze3A_3012 : f32 to vector<16xf32>
        %add3A_3094 = arith.addf %get3A_285, %add3A_3093 : vector<16xf32>
        %div3A_3095 = arith.divf %mul3A_3092, %add3A_3094 : vector<16xf32>
        %max3A_3096 = arith.maximumf %max3A_2918, %div3A_3095 : vector<16xf32>
        %min3A_3097 = vector.broadcast %squeeze3A_3008 : f32 to vector<16xf32>
        %min3A_3098 = arith.minimumf %get3A_188, %min3A_3097 : vector<16xf32>
        %max3A_3099 = vector.broadcast %squeeze3A_3004 : f32 to vector<16xf32>
        %max3A_3100 = arith.maximumf %get3A_76, %max3A_3099 : vector<16xf32>
        %sub3A_3101 = arith.subf %min3A_3098, %max3A_3100 : vector<16xf32>
        %max3A_3102 = arith.constant 0.000000e+00 : f32
        %max3A_3103 = vector.broadcast %max3A_3102 : f32 to vector<16xf32>
        %max3A_3104 = arith.maximumf %sub3A_3101, %max3A_3103 : vector<16xf32>
        %min3A_3105 = vector.broadcast %squeeze3A_3010 : f32 to vector<16xf32>
        %min3A_3106 = arith.minimumf %get3A_244, %min3A_3105 : vector<16xf32>
        %max3A_3107 = vector.broadcast %squeeze3A_3006 : f32 to vector<16xf32>
        %max3A_3108 = arith.maximumf %get3A_132, %max3A_3107 : vector<16xf32>
        %sub3A_3109 = arith.subf %min3A_3106, %max3A_3108 : vector<16xf32>
        %max3A_3110 = arith.constant 0.000000e+00 : f32
        %max3A_3111 = vector.broadcast %max3A_3110 : f32 to vector<16xf32>
        %max3A_3112 = arith.maximumf %sub3A_3109, %max3A_3111 : vector<16xf32>
        %mul3A_3113 = arith.mulf %max3A_3104, %max3A_3112 : vector<16xf32>
        %add3A_3114 = vector.broadcast %squeeze3A_3012 : f32 to vector<16xf32>
        %add3A_3115 = arith.addf %get3A_290, %add3A_3114 : vector<16xf32>
        %div3A_3116 = arith.divf %mul3A_3113, %add3A_3115 : vector<16xf32>
        %max3A_3117 = arith.maximumf %max3A_2939, %div3A_3116 : vector<16xf32>
        %min3A_3118 = vector.broadcast %squeeze3A_3008 : f32 to vector<16xf32>
        %min3A_3119 = arith.minimumf %get3A_195, %min3A_3118 : vector<16xf32>
        %max3A_3120 = vector.broadcast %squeeze3A_3004 : f32 to vector<16xf32>
        %max3A_3121 = arith.maximumf %get3A_83, %max3A_3120 : vector<16xf32>
        %sub3A_3122 = arith.subf %min3A_3119, %max3A_3121 : vector<16xf32>
        %max3A_3123 = arith.constant 0.000000e+00 : f32
        %max3A_3124 = vector.broadcast %max3A_3123 : f32 to vector<16xf32>
        %max3A_3125 = arith.maximumf %sub3A_3122, %max3A_3124 : vector<16xf32>
        %min3A_3126 = vector.broadcast %squeeze3A_3010 : f32 to vector<16xf32>
        %min3A_3127 = arith.minimumf %get3A_251, %min3A_3126 : vector<16xf32>
        %max3A_3128 = vector.broadcast %squeeze3A_3006 : f32 to vector<16xf32>
        %max3A_3129 = arith.maximumf %get3A_139, %max3A_3128 : vector<16xf32>
        %sub3A_3130 = arith.subf %min3A_3127, %max3A_3129 : vector<16xf32>
        %max3A_3131 = arith.constant 0.000000e+00 : f32
        %max3A_3132 = vector.broadcast %max3A_3131 : f32 to vector<16xf32>
        %max3A_3133 = arith.maximumf %sub3A_3130, %max3A_3132 : vector<16xf32>
        %mul3A_3134 = arith.mulf %max3A_3125, %max3A_3133 : vector<16xf32>
        %add3A_3135 = vector.broadcast %squeeze3A_3012 : f32 to vector<16xf32>
        %add3A_3136 = arith.addf %get3A_295, %add3A_3135 : vector<16xf32>
        %div3A_3137 = arith.divf %mul3A_3134, %add3A_3136 : vector<16xf32>
        %max3A_3138 = arith.maximumf %max3A_2960, %div3A_3137 : vector<16xf32>
        %min3A_3139 = vector.broadcast %squeeze3A_3008 : f32 to vector<16xf32>
        %min3A_3140 = arith.minimumf %get3A_202, %min3A_3139 : vector<16xf32>
        %max3A_3141 = vector.broadcast %squeeze3A_3004 : f32 to vector<16xf32>
        %max3A_3142 = arith.maximumf %get3A_90, %max3A_3141 : vector<16xf32>
        %sub3A_3143 = arith.subf %min3A_3140, %max3A_3142 : vector<16xf32>
        %max3A_3144 = arith.constant 0.000000e+00 : f32
        %max3A_3145 = vector.broadcast %max3A_3144 : f32 to vector<16xf32>
        %max3A_3146 = arith.maximumf %sub3A_3143, %max3A_3145 : vector<16xf32>
        %min3A_3147 = vector.broadcast %squeeze3A_3010 : f32 to vector<16xf32>
        %min3A_3148 = arith.minimumf %get3A_258, %min3A_3147 : vector<16xf32>
        %max3A_3149 = vector.broadcast %squeeze3A_3006 : f32 to vector<16xf32>
        %max3A_3150 = arith.maximumf %get3A_146, %max3A_3149 : vector<16xf32>
        %sub3A_3151 = arith.subf %min3A_3148, %max3A_3150 : vector<16xf32>
        %max3A_3152 = arith.constant 0.000000e+00 : f32
        %max3A_3153 = vector.broadcast %max3A_3152 : f32 to vector<16xf32>
        %max3A_3154 = arith.maximumf %sub3A_3151, %max3A_3153 : vector<16xf32>
        %mul3A_3155 = arith.mulf %max3A_3146, %max3A_3154 : vector<16xf32>
        %add3A_3156 = vector.broadcast %squeeze3A_3012 : f32 to vector<16xf32>
        %add3A_3157 = arith.addf %get3A_300, %add3A_3156 : vector<16xf32>
        %div3A_3158 = arith.divf %mul3A_3155, %add3A_3157 : vector<16xf32>
        %max3A_3159 = arith.maximumf %max3A_2981, %div3A_3158 : vector<16xf32>
        %min3A_3160 = vector.broadcast %squeeze3A_3008 : f32 to vector<16xf32>
        %min3A_3161 = arith.minimumf %get3A_209, %min3A_3160 : vector<16xf32>
        %max3A_3162 = vector.broadcast %squeeze3A_3004 : f32 to vector<16xf32>
        %max3A_3163 = arith.maximumf %get3A_97, %max3A_3162 : vector<16xf32>
        %sub3A_3164 = arith.subf %min3A_3161, %max3A_3163 : vector<16xf32>
        %max3A_3165 = arith.constant 0.000000e+00 : f32
        %max3A_3166 = vector.broadcast %max3A_3165 : f32 to vector<16xf32>
        %max3A_3167 = arith.maximumf %sub3A_3164, %max3A_3166 : vector<16xf32>
        %min3A_3168 = vector.broadcast %squeeze3A_3010 : f32 to vector<16xf32>
        %min3A_3169 = arith.minimumf %get3A_265, %min3A_3168 : vector<16xf32>
        %max3A_3170 = vector.broadcast %squeeze3A_3006 : f32 to vector<16xf32>
        %max3A_3171 = arith.maximumf %get3A_153, %max3A_3170 : vector<16xf32>
        %sub3A_3172 = arith.subf %min3A_3169, %max3A_3171 : vector<16xf32>
        %max3A_3173 = arith.constant 0.000000e+00 : f32
        %max3A_3174 = vector.broadcast %max3A_3173 : f32 to vector<16xf32>
        %max3A_3175 = arith.maximumf %sub3A_3172, %max3A_3174 : vector<16xf32>
        %mul3A_3176 = arith.mulf %max3A_3167, %max3A_3175 : vector<16xf32>
        %add3A_3177 = vector.broadcast %squeeze3A_3012 : f32 to vector<16xf32>
        %add3A_3178 = arith.addf %get3A_305, %add3A_3177 : vector<16xf32>
        %div3A_3179 = arith.divf %mul3A_3176, %add3A_3178 : vector<16xf32>
        %max3A_3180 = arith.maximumf %max3A_3002, %div3A_3179 : vector<16xf32>
        scf.yield %max3A_3033, %max3A_3054, %max3A_3075, %max3A_3096, %max3A_3117, %max3A_3138, %max3A_3159, %max3A_3180 : vector<16xf32>, vector<16xf32>, vector<16xf32>, vector<16xf32>, vector<16xf32>, vector<16xf32>, vector<16xf32>, vector<16xf32>
      }
      %scan3A_311 = arith.constant 10 : i32
      scf.yield %scan3A_310#0, %scan3A_310#1, %scan3A_310#2, %scan3A_310#3, %scan3A_310#4, %scan3A_310#5, %scan3A_310#6, %scan3A_310#7 : vector<16xf32>, vector<16xf32>, vector<16xf32>, vector<16xf32>, vector<16xf32>, vector<16xf32>, vector<16xf32>, vector<16xf32>
    }
    %scan3A_20 = arith.constant 8 : i32
    %max3A = arith.maximumf %scan3A_19#0, %scan3A_19#1 : vector<16xf32>
    %max3A_21 = arith.maximumf %max3A, %scan3A_19#2 : vector<16xf32>
    %max3A_22 = arith.maximumf %max3A_21, %scan3A_19#3 : vector<16xf32>
    %max3A_23 = arith.maximumf %max3A_22, %scan3A_19#4 : vector<16xf32>
    %max3A_24 = arith.maximumf %max3A_23, %scan3A_19#5 : vector<16xf32>
    %max3A_25 = arith.maximumf %max3A_24, %scan3A_19#6 : vector<16xf32>
    %max3A_26 = arith.maximumf %max3A_25, %scan3A_19#7 : vector<16xf32>
    %swap3A = arith.constant 0 : i32
    %swap3A_27 = arith.index_cast %swap3A : i32 to index
    %swap3A_28 = arith.constant 0 : index
    %swap3A_29 = tpu.vector_load %arg15[%swap3A_27, %swap3A_28] {strides = array<i32>} : memref<1x16xf32, #tpu.memory_space<vmem>>, vector<1x16xf32>,
    %swap3A_30 = vector.shape_cast %swap3A_29 : vector<1x16xf32> to vector<16xf32>
    %swap3A_31 = vector.shape_cast %max3A_26 : vector<16xf32> to vector<1x16xf32>
    tpu.vector_store %arg15[%swap3A_27, %swap3A_28], %swap3A_31 {strides = array<i32>} : memref<1x16xf32, #tpu.memory_space<vmem>>, vector<1x16xf32>,
    %run_scoped3A = arith.constant 0 : i32
    "tpu.region"() ({
      %run_scoped3A_32 = tpu.sem_alloc : memref<!tpu.dma_semaphore, #tpu.memory_space<semaphore_mem>>
      %dma_start3A = arith.constant 0 : i32
      %dma_start3A_33 = tpu.memref_slice %arg15[%run_scoped3A, %dma_start3A] : memref<1x16xf32, #tpu.memory_space<vmem>> -> memref<1x16xf32, #tpu.memory_space<vmem>>
      %dma_start3A_34 = tpu.memref_squeeze %dma_start3A_33 : memref<1x16xf32, #tpu.memory_space<vmem>> -> memref<16xf32, #tpu.memory_space<vmem>>
      %dma_start3A_35 = arith.constant 0 : i32
      %dma_start3A_36 = tpu.memref_slice %arg7[%add3A, %dma_start3A_35] : memref<32x16xf32, #tpu.memory_space<hbm>> -> memref<1x16xf32, #tpu.memory_space<hbm>>
      %dma_start3A_37 = tpu.memref_squeeze %dma_start3A_36 : memref<1x16xf32, #tpu.memory_space<hbm>> -> memref<16xf32, #tpu.memory_space<hbm>>
      %dma_start3A_38 = arith.constant 0 : i32
      %dma_start3A_39 = tpu.memref_slice %arg7[%add3A, %dma_start3A_38] : memref<32x16xf32, #tpu.memory_space<hbm>> -> memref<1x16xf32, #tpu.memory_space<hbm>>
      %dma_start3A_40 = tpu.memref_squeeze %dma_start3A_39 : memref<1x16xf32, #tpu.memory_space<hbm>> -> memref<16xf32, #tpu.memory_space<hbm>>
      %dma_start3A_41 = arith.constant 0 : i32
      %dma_start3A_42 = tpu.memref_slice %arg15[%run_scoped3A, %dma_start3A_41] : memref<1x16xf32, #tpu.memory_space<vmem>> -> memref<1x16xf32, #tpu.memory_space<vmem>>
      %dma_start3A_43 = tpu.memref_squeeze %dma_start3A_42 : memref<1x16xf32, #tpu.memory_space<vmem>> -> memref<16xf32, #tpu.memory_space<vmem>>
      tpu.enqueue_dma source(%dma_start3A_43 : memref<16xf32, #tpu.memory_space<vmem>>) target(%dma_start3A_40 : memref<16xf32, #tpu.memory_space<hbm>>) target_semaphore(%run_scoped3A_32 : memref<!tpu.dma_semaphore, #tpu.memory_space<semaphore_mem>>)
      %dma_wait3A = arith.constant 0 : i32
      %dma_wait3A_44 = tpu.memref_slice %arg15[%run_scoped3A, %dma_wait3A] : memref<1x16xf32, #tpu.memory_space<vmem>> -> memref<1x16xf32, #tpu.memory_space<vmem>>
      %dma_wait3A_45 = tpu.memref_squeeze %dma_wait3A_44 : memref<1x16xf32, #tpu.memory_space<vmem>> -> memref<16xf32, #tpu.memory_space<vmem>>
      %dma_wait3A_46 = arith.constant 0 : i32
      %dma_wait3A_47 = tpu.memref_slice %arg7[%add3A, %dma_wait3A_46] : memref<32x16xf32, #tpu.memory_space<hbm>> -> memref<1x16xf32, #tpu.memory_space<hbm>>
      %dma_wait3A_48 = tpu.memref_squeeze %dma_wait3A_47 : memref<1x16xf32, #tpu.memory_space<hbm>> -> memref<16xf32, #tpu.memory_space<hbm>>
      %dma_wait3A_49 = arith.constant 0 : i32
      %dma_wait3A_50 = tpu.memref_slice %arg7[%add3A, %dma_wait3A_49] : memref<32x16xf32, #tpu.memory_space<hbm>> -> memref<1x16xf32, #tpu.memory_space<hbm>>
      %dma_wait3A_51 = tpu.memref_squeeze %dma_wait3A_50 : memref<1x16xf32, #tpu.memory_space<hbm>> -> memref<16xf32, #tpu.memory_space<hbm>>
      %dma_wait3A_52 = arith.constant 0 : i32
      %dma_wait3A_53 = tpu.memref_slice %arg15[%run_scoped3A, %dma_wait3A_52] : memref<1x16xf32, #tpu.memory_space<vmem>> -> memref<1x16xf32, #tpu.memory_space<vmem>>
      %dma_wait3A_54 = tpu.memref_squeeze %dma_wait3A_53 : memref<1x16xf32, #tpu.memory_space<vmem>> -> memref<16xf32, #tpu.memory_space<vmem>>
      tpu.wait_dma2 semaphore(%run_scoped3A_32 : memref<!tpu.dma_semaphore, #tpu.memory_space<semaphore_mem>>) src(%dma_wait3A_54 : memref<16xf32, #tpu.memory_space<vmem>>) dst(%dma_wait3A_51 : memref<16xf32, #tpu.memory_space<hbm>>)
      tpu.yield
    }) : () -> ()
    return
  }
}

module attributes {stable_mosaic.version = 14 : i64} {
  func.func @_tc_body(%arg0: i32, %arg1: memref<1536x4xf32, #tpu.memory_space<vmem>>, %arg2: memref<8x1024xf32, #tpu.memory_space<vmem>>, %arg3: memref<160x128xf32, #tpu.memory_space<vmem>>, %arg4: memref<1x1xf32, #tpu.memory_space<smem>>, %arg5: memref<1x1xf32, #tpu.memory_space<smem>>, %arg6: memref<1x1024xf32, #tpu.memory_space<vmem>>) attributes {dimension_semantics = [#tpu.dimension_semantics<arbitrary>], iteration_bounds = array<i64: 5>, scalar_prefetch = 0 : i64, scratch_operands = 1 : i64, tpu.core_type = #tpu.core_type<tc>, window_params = [{transform_indices = @transform_0, window_bounds = array<i64: 1536, 4>}, {pipeline_mode = #tpu.pipeline_mode<synchronous>, transform_indices = @transform_1, window_bounds = array<i64: 8, 1024>}, {pipeline_mode = #tpu.pipeline_mode<synchronous>, transform_indices = @transform_2, window_bounds = array<i64: 160, 128>}, {transform_indices = @transform_3, window_bounds = array<i64: 1, 1>}, {transform_indices = @transform_4, window_bounds = array<i64: 1, 1>}]} {
    %eq3A = arith.constant 0 : i32
    %eq3A_0 = arith.cmpi eq, %arg0, %eq3A : i32
    %convert_element_type3A = arith.extui %eq3A_0 : i1 to i32
    %cond3A = arith.constant 0 : i32
    %cond3A_1 = arith.cmpi ne, %convert_element_type3A, %cond3A : i32
    scf.if %cond3A_1 {
      %broadcast_in_dim3A_66 = arith.constant 0.000000e+00 : f32
      %broadcast_in_dim3A_67 = vector.broadcast %broadcast_in_dim3A_66 : f32 to vector<1x1024xf32>
      %swap3A_68 = arith.constant 0 : index
      %swap3A_69 = arith.constant 0 : index
      %swap3A_70 = vector.load %arg6[%swap3A_68, %swap3A_69] : memref<1x1024xf32, #tpu.memory_space<vmem>>, vector<1x1024xf32>
      tpu.vector_store %arg6[%swap3A_68, %swap3A_69], %broadcast_in_dim3A_67 {strides = array<i32>} : memref<1x1024xf32, #tpu.memory_space<vmem>>, vector<1x1024xf32>,
      %get3A_71 = arith.constant 0 : index
      %get3A_72 = arith.constant 0 : index
      %get3A_73 = vector.load %arg3[%get3A_71, %get3A_72] : memref<160x128xf32, #tpu.memory_space<vmem>>, vector<160x128xf32>
      %reduce_max3A_74 = vector.shape_cast %get3A_73 : vector<160x128xf32> to vector<1x160x128xf32>
      %reduce_max3A_75 = arith.constant dense<0xFF800000> : vector<1xf32>
      %reduce_max3A_76 = vector.multi_reduction <maximumf>, %reduce_max3A_74, %reduce_max3A_75 [1, 2] : vector<1x160x128xf32> to vector<1xf32>
      %reduce_max3A_77 = vector.shape_cast %reduce_max3A_76 : vector<1xf32> to vector<1x1x1xf32>
      %reduce_max3A_78 = vector.extract %reduce_max3A_77[0, 0, 0] : f32 from vector<1x1x1xf32>
      %swap3A_79 = arith.constant 0 : index
      %swap3A_80 = arith.constant 0 : index
      %swap3A_81 = memref.load %arg4[%swap3A_79, %swap3A_80] : memref<1x1xf32, #tpu.memory_space<smem>>
      memref.store %reduce_max3A_78, %arg4[%swap3A_79, %swap3A_80] : memref<1x1xf32, #tpu.memory_space<smem>>
    } else {
    }
    %get3A = arith.constant 0 : index
    %get3A_2 = arith.constant 0 : index
    %get3A_3 = vector.load %arg1[%get3A, %get3A_2] : memref<1536x4xf32, #tpu.memory_space<vmem>>, vector<1536x4xf32>
    %slice3A = vector.extract_strided_slice %get3A_3 {offsets = [0, 0], sizes = [1536, 1], strides = [1, 1]} : vector<1536x4xf32> to vector<1536x1xf32>
    %slice3A_4 = vector.extract_strided_slice %get3A_3 {offsets = [0, 1], sizes = [1536, 1], strides = [1, 1]} : vector<1536x4xf32> to vector<1536x1xf32>
    %slice3A_5 = vector.extract_strided_slice %get3A_3 {offsets = [0, 2], sizes = [1536, 1], strides = [1, 1]} : vector<1536x4xf32> to vector<1536x1xf32>
    %slice3A_6 = vector.extract_strided_slice %get3A_3 {offsets = [0, 3], sizes = [1536, 1], strides = [1, 1]} : vector<1536x4xf32> to vector<1536x1xf32>
    %get3A_7 = arith.constant 0 : index
    %get3A_8 = arith.constant 0 : index
    %get3A_9 = vector.load %arg2[%get3A_7, %get3A_8] : memref<8x1024xf32, #tpu.memory_space<vmem>>, vector<8x1024xf32>
    %slice3A_10 = vector.extract_strided_slice %get3A_9 {offsets = [0, 0], sizes = [1, 1024], strides = [1, 1]} : vector<8x1024xf32> to vector<1x1024xf32>
    %slice3A_11 = vector.extract_strided_slice %get3A_9 {offsets = [1, 0], sizes = [1, 1024], strides = [1, 1]} : vector<8x1024xf32> to vector<1x1024xf32>
    %slice3A_12 = vector.extract_strided_slice %get3A_9 {offsets = [2, 0], sizes = [1, 1024], strides = [1, 1]} : vector<8x1024xf32> to vector<1x1024xf32>
    %slice3A_13 = vector.extract_strided_slice %get3A_9 {offsets = [3, 0], sizes = [1, 1024], strides = [1, 1]} : vector<8x1024xf32> to vector<1x1024xf32>
    %add3A = arith.addf %slice3A_10, %slice3A_11 : vector<1x1024xf32>
    %add3A_14 = arith.addf %add3A, %slice3A_12 : vector<1x1024xf32>
    %add3A_15 = arith.addf %add3A_14, %slice3A_13 : vector<1x1024xf32>
    %ne3A = arith.constant 0.000000e+00 : f32
    %ne3A_16 = vector.broadcast %ne3A : f32 to vector<1x1024xf32>
    %ne3A_17 = arith.cmpf one, %add3A_15, %ne3A_16 : vector<1x1024xf32>
    %jit3A = arith.constant -2.000000e+00 : f32
    %broadcast_in_dim3A = vector.broadcast %jit3A : f32 to vector<1x1024xf32>
    %select_n3A = arith.select %ne3A_17, %slice3A_10, %broadcast_in_dim3A : vector<1x1024xi1>, vector<1x1024xf32>
    %jit3A_18 = arith.constant -2.000000e+00 : f32
    %broadcast_in_dim3A_19 = vector.broadcast %jit3A_18 : f32 to vector<1x1024xf32>
    %select_n3A_20 = arith.select %ne3A_17, %slice3A_11, %broadcast_in_dim3A_19 : vector<1x1024xi1>, vector<1x1024xf32>
    %jit3A_21 = arith.constant -1.000000e+00 : f32
    %broadcast_in_dim3A_22 = vector.broadcast %jit3A_21 : f32 to vector<1x1024xf32>
    %select_n3A_23 = arith.select %ne3A_17, %slice3A_12, %broadcast_in_dim3A_22 : vector<1x1024xi1>, vector<1x1024xf32>
    %jit3A_24 = arith.constant -1.000000e+00 : f32
    %broadcast_in_dim3A_25 = vector.broadcast %jit3A_24 : f32 to vector<1x1024xf32>
    %select_n3A_26 = arith.select %ne3A_17, %slice3A_13, %broadcast_in_dim3A_25 : vector<1x1024xi1>, vector<1x1024xf32>
    %min3A = vector.broadcast %slice3A_5 : vector<1536x1xf32> to vector<1536x1024xf32>
    %min3A_27 = vector.broadcast %select_n3A_23 : vector<1x1024xf32> to vector<1536x1024xf32>
    %min3A_28 = arith.minimumf %min3A, %min3A_27 : vector<1536x1024xf32>
    %max3A = vector.broadcast %slice3A : vector<1536x1xf32> to vector<1536x1024xf32>
    %max3A_29 = vector.broadcast %select_n3A : vector<1x1024xf32> to vector<1536x1024xf32>
    %max3A_30 = arith.maximumf %max3A, %max3A_29 : vector<1536x1024xf32>
    %sub3A = arith.subf %min3A_28, %max3A_30 : vector<1536x1024xf32>
    %max3A_31 = arith.constant 0.000000e+00 : f32
    %max3A_32 = vector.broadcast %max3A_31 : f32 to vector<1536x1024xf32>
    %max3A_33 = arith.maximumf %sub3A, %max3A_32 : vector<1536x1024xf32>
    %min3A_34 = vector.broadcast %slice3A_6 : vector<1536x1xf32> to vector<1536x1024xf32>
    %min3A_35 = vector.broadcast %select_n3A_26 : vector<1x1024xf32> to vector<1536x1024xf32>
    %min3A_36 = arith.minimumf %min3A_34, %min3A_35 : vector<1536x1024xf32>
    %max3A_37 = vector.broadcast %slice3A_4 : vector<1536x1xf32> to vector<1536x1024xf32>
    %max3A_38 = vector.broadcast %select_n3A_20 : vector<1x1024xf32> to vector<1536x1024xf32>
    %max3A_39 = arith.maximumf %max3A_37, %max3A_38 : vector<1536x1024xf32>
    %sub3A_40 = arith.subf %min3A_36, %max3A_39 : vector<1536x1024xf32>
    %max3A_41 = arith.constant 0.000000e+00 : f32
    %max3A_42 = vector.broadcast %max3A_41 : f32 to vector<1536x1024xf32>
    %max3A_43 = arith.maximumf %sub3A_40, %max3A_42 : vector<1536x1024xf32>
    %mul3A = arith.mulf %max3A_33, %max3A_43 : vector<1536x1024xf32>
    %sub3A_44 = arith.subf %slice3A_5, %slice3A : vector<1536x1xf32>
    %sub3A_45 = arith.subf %slice3A_6, %slice3A_4 : vector<1536x1xf32>
    %mul3A_46 = arith.mulf %sub3A_44, %sub3A_45 : vector<1536x1xf32>
    %sub3A_47 = arith.subf %select_n3A_23, %select_n3A : vector<1x1024xf32>
    %sub3A_48 = arith.subf %select_n3A_26, %select_n3A_20 : vector<1x1024xf32>
    %mul3A_49 = arith.mulf %sub3A_47, %sub3A_48 : vector<1x1024xf32>
    %add3A_50 = vector.broadcast %mul3A_46 : vector<1536x1xf32> to vector<1536x1024xf32>
    %add3A_51 = vector.broadcast %mul3A_49 : vector<1x1024xf32> to vector<1536x1024xf32>
    %add3A_52 = arith.addf %add3A_50, %add3A_51 : vector<1536x1024xf32>
    %div3A = arith.divf %mul3A, %add3A_52 : vector<1536x1024xf32>
    %get3A_53 = arith.constant 0 : index
    %get3A_54 = arith.constant 0 : index
    %get3A_55 = vector.load %arg6[%get3A_53, %get3A_54] : memref<1x1024xf32, #tpu.memory_space<vmem>>, vector<1x1024xf32>
    %reduce_max3A = arith.constant dense<0xFF800000> : vector<1024xf32>
    %reduce_max3A_56 = vector.multi_reduction <maximumf>, %div3A, %reduce_max3A [0] : vector<1536x1024xf32> to vector<1024xf32>
    %broadcast_in_dim3A_57 = vector.shape_cast %reduce_max3A_56 : vector<1024xf32> to vector<1x1024xf32>
    %max3A_58 = arith.maximumf %get3A_55, %broadcast_in_dim3A_57 : vector<1x1024xf32>
    %swap3A = arith.constant 0 : index
    %swap3A_59 = arith.constant 0 : index
    %swap3A_60 = vector.load %arg6[%swap3A, %swap3A_59] : memref<1x1024xf32, #tpu.memory_space<vmem>>, vector<1x1024xf32>
    tpu.vector_store %arg6[%swap3A, %swap3A_59], %max3A_58 {strides = array<i32>} : memref<1x1024xf32, #tpu.memory_space<vmem>>, vector<1x1024xf32>,
    %eq3A_61 = arith.constant 4 : i32
    %eq3A_62 = arith.cmpi eq, %arg0, %eq3A_61 : i32
    %convert_element_type3A_63 = arith.extui %eq3A_62 : i1 to i32
    %cond3A_64 = arith.constant 0 : i32
    %cond3A_65 = arith.cmpi ne, %convert_element_type3A_63, %cond3A_64 : i32
    scf.if %cond3A_65 {
      %get3A_66 = arith.constant 0 : index
      %get3A_67 = arith.constant 0 : index
      %get3A_68 = vector.load %arg6[%get3A_66, %get3A_67] : memref<1x1024xf32, #tpu.memory_space<vmem>>, vector<1x1024xf32>
      %reduce_max3A_69 = vector.shape_cast %get3A_68 : vector<1x1024xf32> to vector<1x1x1024xf32>
      %reduce_max3A_70 = arith.constant dense<0xFF800000> : vector<1xf32>
      %reduce_max3A_71 = vector.multi_reduction <maximumf>, %reduce_max3A_69, %reduce_max3A_70 [1, 2] : vector<1x1x1024xf32> to vector<1xf32>
      %reduce_max3A_72 = vector.shape_cast %reduce_max3A_71 : vector<1xf32> to vector<1x1x1xf32>
      %reduce_max3A_73 = vector.extract %reduce_max3A_72[0, 0, 0] : f32 from vector<1x1x1xf32>
      %swap3A_74 = arith.constant 0 : index
      %swap3A_75 = arith.constant 0 : index
      %swap3A_76 = memref.load %arg5[%swap3A_74, %swap3A_75] : memref<1x1xf32, #tpu.memory_space<smem>>
      memref.store %reduce_max3A_73, %arg5[%swap3A_74, %swap3A_75] : memref<1x1xf32, #tpu.memory_space<smem>>
    } else {
    }
    return
  }
  func.func @transform_0(%arg0: i32) -> (i32, i32) {
    %add3A = arith.constant 0 : i32
    %add3A_0 = arith.addi %arg0, %add3A : i32
    %c0_i32 = arith.constant 0 : i32
    %c0_i32_1 = arith.constant 0 : i32
    return %add3A_0, %c0_i32 : i32, i32
  }
  func.func @transform_1(%arg0: i32) -> (i32, i32) {
    %c0_i32 = arith.constant 0 : i32
    %c0_i32_0 = arith.constant 0 : i32
    %c0_i32_1 = arith.constant 0 : i32
    return %c0_i32, %c0_i32_0 : i32, i32
  }
  func.func @transform_2(%arg0: i32) -> (i32, i32) {
    %c0_i32 = arith.constant 0 : i32
    %c0_i32_0 = arith.constant 0 : i32
    %c0_i32_1 = arith.constant 0 : i32
    return %c0_i32, %c0_i32_0 : i32, i32
  }
  func.func @transform_3(%arg0: i32) -> (i32, i32) {
    %c0_i32 = arith.constant 0 : i32
    %c0_i32_0 = arith.constant 0 : i32
    %c0_i32_1 = arith.constant 0 : i32
    return %c0_i32, %c0_i32_0 : i32, i32
  }
  func.func @transform_4(%arg0: i32) -> (i32, i32) {
    %c0_i32 = arith.constant 0 : i32
    %c0_i32_0 = arith.constant 0 : i32
    %c0_i32_1 = arith.constant 0 : i32
    return %c0_i32, %c0_i32_0 : i32, i32
  }
}

module attributes {stable_mosaic.version = 14 : i64} {
  func.func @_tc_body(%arg0: i32, %arg1: memref<1536x4xf32, #tpu.memory_space<vmem>>, %arg2: memref<8x1024xf32, #tpu.memory_space<vmem>>, %arg3: memref<160x128xf32, #tpu.memory_space<vmem>>, %arg4: memref<1x1xf32, #tpu.memory_space<smem>>, %arg5: memref<1x1xf32, #tpu.memory_space<smem>>, %arg6: memref<1x1024xf32, #tpu.memory_space<vmem>>) attributes {dimension_semantics = [#tpu.dimension_semantics<arbitrary>], iteration_bounds = array<i64: 5>, scalar_prefetch = 0 : i64, scratch_operands = 1 : i64, tpu.core_type = #tpu.core_type<tc>, window_params = [{transform_indices = @transform_0, window_bounds = array<i64: 1536, 4>}, {pipeline_mode = #tpu.pipeline_mode<synchronous>, transform_indices = @transform_1, window_bounds = array<i64: 8, 1024>}, {pipeline_mode = #tpu.pipeline_mode<synchronous>, transform_indices = @transform_2, window_bounds = array<i64: 160, 128>}, {transform_indices = @transform_3, window_bounds = array<i64: 1, 1>}, {transform_indices = @transform_4, window_bounds = array<i64: 1, 1>}]} {
    %eq3A = arith.constant 0 : i32
    %eq3A_0 = arith.cmpi eq, %arg0, %eq3A : i32
    %convert_element_type3A = arith.extui %eq3A_0 : i1 to i32
    %cond3A = arith.constant 0 : i32
    %cond3A_1 = arith.cmpi ne, %convert_element_type3A, %cond3A : i32
    scf.if %cond3A_1 {
      %broadcast_in_dim3A_66 = arith.constant 0.000000e+00 : f32
      %broadcast_in_dim3A_67 = vector.broadcast %broadcast_in_dim3A_66 : f32 to vector<1x1024xf32>
      %swap3A_68 = arith.constant 0 : index
      %swap3A_69 = arith.constant 0 : index
      %swap3A_70 = vector.load %arg6[%swap3A_68, %swap3A_69] : memref<1x1024xf32, #tpu.memory_space<vmem>>, vector<1x1024xf32>
      tpu.vector_store %arg6[%swap3A_68, %swap3A_69], %broadcast_in_dim3A_67 {strides = array<i32>} : memref<1x1024xf32, #tpu.memory_space<vmem>>, vector<1x1024xf32>,
      %get3A_71 = arith.constant 0 : index
      %get3A_72 = arith.constant 0 : index
      %get3A_73 = vector.load %arg3[%get3A_71, %get3A_72] : memref<160x128xf32, #tpu.memory_space<vmem>>, vector<160x128xf32>
      %reduce_max3A_74 = vector.shape_cast %get3A_73 : vector<160x128xf32> to vector<1x160x128xf32>
      %reduce_max3A_75 = arith.constant dense<0xFF800000> : vector<1xf32>
      %reduce_max3A_76 = vector.multi_reduction <maximumf>, %reduce_max3A_74, %reduce_max3A_75 [1, 2] : vector<1x160x128xf32> to vector<1xf32>
      %reduce_max3A_77 = vector.shape_cast %reduce_max3A_76 : vector<1xf32> to vector<1x1x1xf32>
      %reduce_max3A_78 = vector.extract %reduce_max3A_77[0, 0, 0] : f32 from vector<1x1x1xf32>
      %swap3A_79 = arith.constant 0 : index
      %swap3A_80 = arith.constant 0 : index
      %swap3A_81 = memref.load %arg4[%swap3A_79, %swap3A_80] : memref<1x1xf32, #tpu.memory_space<smem>>
      memref.store %reduce_max3A_78, %arg4[%swap3A_79, %swap3A_80] : memref<1x1xf32, #tpu.memory_space<smem>>
    } else {
    }
    %get3A = arith.constant 0 : index
    %get3A_2 = arith.constant 0 : index
    %get3A_3 = vector.load %arg1[%get3A, %get3A_2] : memref<1536x4xf32, #tpu.memory_space<vmem>>, vector<1536x4xf32>
    %slice3A = vector.extract_strided_slice %get3A_3 {offsets = [0, 0], sizes = [1536, 1], strides = [1, 1]} : vector<1536x4xf32> to vector<1536x1xf32>
    %slice3A_4 = vector.extract_strided_slice %get3A_3 {offsets = [0, 1], sizes = [1536, 1], strides = [1, 1]} : vector<1536x4xf32> to vector<1536x1xf32>
    %slice3A_5 = vector.extract_strided_slice %get3A_3 {offsets = [0, 2], sizes = [1536, 1], strides = [1, 1]} : vector<1536x4xf32> to vector<1536x1xf32>
    %slice3A_6 = vector.extract_strided_slice %get3A_3 {offsets = [0, 3], sizes = [1536, 1], strides = [1, 1]} : vector<1536x4xf32> to vector<1536x1xf32>
    %get3A_7 = arith.constant 0 : index
    %get3A_8 = arith.constant 0 : index
    %get3A_9 = vector.load %arg2[%get3A_7, %get3A_8] : memref<8x1024xf32, #tpu.memory_space<vmem>>, vector<8x1024xf32>
    %slice3A_10 = vector.extract_strided_slice %get3A_9 {offsets = [0, 0], sizes = [1, 1024], strides = [1, 1]} : vector<8x1024xf32> to vector<1x1024xf32>
    %slice3A_11 = vector.extract_strided_slice %get3A_9 {offsets = [1, 0], sizes = [1, 1024], strides = [1, 1]} : vector<8x1024xf32> to vector<1x1024xf32>
    %slice3A_12 = vector.extract_strided_slice %get3A_9 {offsets = [2, 0], sizes = [1, 1024], strides = [1, 1]} : vector<8x1024xf32> to vector<1x1024xf32>
    %slice3A_13 = vector.extract_strided_slice %get3A_9 {offsets = [3, 0], sizes = [1, 1024], strides = [1, 1]} : vector<8x1024xf32> to vector<1x1024xf32>
    %add3A = arith.addf %slice3A_10, %slice3A_11 : vector<1x1024xf32>
    %add3A_14 = arith.addf %add3A, %slice3A_12 : vector<1x1024xf32>
    %add3A_15 = arith.addf %add3A_14, %slice3A_13 : vector<1x1024xf32>
    %ne3A = arith.constant 0.000000e+00 : f32
    %ne3A_16 = vector.broadcast %ne3A : f32 to vector<1x1024xf32>
    %ne3A_17 = arith.cmpf one, %add3A_15, %ne3A_16 : vector<1x1024xf32>
    %jit3A = arith.constant -2.000000e+00 : f32
    %broadcast_in_dim3A = vector.broadcast %jit3A : f32 to vector<1x1024xf32>
    %select_n3A = arith.select %ne3A_17, %slice3A_10, %broadcast_in_dim3A : vector<1x1024xi1>, vector<1x1024xf32>
    %jit3A_18 = arith.constant -2.000000e+00 : f32
    %broadcast_in_dim3A_19 = vector.broadcast %jit3A_18 : f32 to vector<1x1024xf32>
    %select_n3A_20 = arith.select %ne3A_17, %slice3A_11, %broadcast_in_dim3A_19 : vector<1x1024xi1>, vector<1x1024xf32>
    %jit3A_21 = arith.constant -1.000000e+00 : f32
    %broadcast_in_dim3A_22 = vector.broadcast %jit3A_21 : f32 to vector<1x1024xf32>
    %select_n3A_23 = arith.select %ne3A_17, %slice3A_12, %broadcast_in_dim3A_22 : vector<1x1024xi1>, vector<1x1024xf32>
    %jit3A_24 = arith.constant -1.000000e+00 : f32
    %broadcast_in_dim3A_25 = vector.broadcast %jit3A_24 : f32 to vector<1x1024xf32>
    %select_n3A_26 = arith.select %ne3A_17, %slice3A_13, %broadcast_in_dim3A_25 : vector<1x1024xi1>, vector<1x1024xf32>
    %min3A = vector.broadcast %slice3A_5 : vector<1536x1xf32> to vector<1536x1024xf32>
    %min3A_27 = vector.broadcast %select_n3A_23 : vector<1x1024xf32> to vector<1536x1024xf32>
    %min3A_28 = arith.minimumf %min3A, %min3A_27 : vector<1536x1024xf32>
    %max3A = vector.broadcast %slice3A : vector<1536x1xf32> to vector<1536x1024xf32>
    %max3A_29 = vector.broadcast %select_n3A : vector<1x1024xf32> to vector<1536x1024xf32>
    %max3A_30 = arith.maximumf %max3A, %max3A_29 : vector<1536x1024xf32>
    %sub3A = arith.subf %min3A_28, %max3A_30 : vector<1536x1024xf32>
    %max3A_31 = arith.constant 0.000000e+00 : f32
    %max3A_32 = vector.broadcast %max3A_31 : f32 to vector<1536x1024xf32>
    %max3A_33 = arith.maximumf %sub3A, %max3A_32 : vector<1536x1024xf32>
    %min3A_34 = vector.broadcast %slice3A_6 : vector<1536x1xf32> to vector<1536x1024xf32>
    %min3A_35 = vector.broadcast %select_n3A_26 : vector<1x1024xf32> to vector<1536x1024xf32>
    %min3A_36 = arith.minimumf %min3A_34, %min3A_35 : vector<1536x1024xf32>
    %max3A_37 = vector.broadcast %slice3A_4 : vector<1536x1xf32> to vector<1536x1024xf32>
    %max3A_38 = vector.broadcast %select_n3A_20 : vector<1x1024xf32> to vector<1536x1024xf32>
    %max3A_39 = arith.maximumf %max3A_37, %max3A_38 : vector<1536x1024xf32>
    %sub3A_40 = arith.subf %min3A_36, %max3A_39 : vector<1536x1024xf32>
    %max3A_41 = arith.constant 0.000000e+00 : f32
    %max3A_42 = vector.broadcast %max3A_41 : f32 to vector<1536x1024xf32>
    %max3A_43 = arith.maximumf %sub3A_40, %max3A_42 : vector<1536x1024xf32>
    %mul3A = arith.mulf %max3A_33, %max3A_43 : vector<1536x1024xf32>
    %sub3A_44 = arith.subf %slice3A_5, %slice3A : vector<1536x1xf32>
    %sub3A_45 = arith.subf %slice3A_6, %slice3A_4 : vector<1536x1xf32>
    %mul3A_46 = arith.mulf %sub3A_44, %sub3A_45 : vector<1536x1xf32>
    %sub3A_47 = arith.subf %select_n3A_23, %select_n3A : vector<1x1024xf32>
    %sub3A_48 = arith.subf %select_n3A_26, %select_n3A_20 : vector<1x1024xf32>
    %mul3A_49 = arith.mulf %sub3A_47, %sub3A_48 : vector<1x1024xf32>
    %add3A_50 = vector.broadcast %mul3A_46 : vector<1536x1xf32> to vector<1536x1024xf32>
    %add3A_51 = vector.broadcast %mul3A_49 : vector<1x1024xf32> to vector<1536x1024xf32>
    %add3A_52 = arith.addf %add3A_50, %add3A_51 : vector<1536x1024xf32>
    %div3A = arith.divf %mul3A, %add3A_52 : vector<1536x1024xf32>
    %get3A_53 = arith.constant 0 : index
    %get3A_54 = arith.constant 0 : index
    %get3A_55 = vector.load %arg6[%get3A_53, %get3A_54] : memref<1x1024xf32, #tpu.memory_space<vmem>>, vector<1x1024xf32>
    %reduce_max3A = arith.constant dense<0xFF800000> : vector<1024xf32>
    %reduce_max3A_56 = vector.multi_reduction <maximumf>, %div3A, %reduce_max3A [0] : vector<1536x1024xf32> to vector<1024xf32>
    %broadcast_in_dim3A_57 = vector.shape_cast %reduce_max3A_56 : vector<1024xf32> to vector<1x1024xf32>
    %max3A_58 = arith.maximumf %get3A_55, %broadcast_in_dim3A_57 : vector<1x1024xf32>
    %swap3A = arith.constant 0 : index
    %swap3A_59 = arith.constant 0 : index
    %swap3A_60 = vector.load %arg6[%swap3A, %swap3A_59] : memref<1x1024xf32, #tpu.memory_space<vmem>>, vector<1x1024xf32>
    tpu.vector_store %arg6[%swap3A, %swap3A_59], %max3A_58 {strides = array<i32>} : memref<1x1024xf32, #tpu.memory_space<vmem>>, vector<1x1024xf32>,
    %eq3A_61 = arith.constant 4 : i32
    %eq3A_62 = arith.cmpi eq, %arg0, %eq3A_61 : i32
    %convert_element_type3A_63 = arith.extui %eq3A_62 : i1 to i32
    %cond3A_64 = arith.constant 0 : i32
    %cond3A_65 = arith.cmpi ne, %convert_element_type3A_63, %cond3A_64 : i32
    scf.if %cond3A_65 {
      %get3A_66 = arith.constant 0 : index
      %get3A_67 = arith.constant 0 : index
      %get3A_68 = vector.load %arg6[%get3A_66, %get3A_67] : memref<1x1024xf32, #tpu.memory_space<vmem>>, vector<1x1024xf32>
      %reduce_max3A_69 = vector.shape_cast %get3A_68 : vector<1x1024xf32> to vector<1x1x1024xf32>
      %reduce_max3A_70 = arith.constant dense<0xFF800000> : vector<1xf32>
      %reduce_max3A_71 = vector.multi_reduction <maximumf>, %reduce_max3A_69, %reduce_max3A_70 [1, 2] : vector<1x1x1024xf32> to vector<1xf32>
      %reduce_max3A_72 = vector.shape_cast %reduce_max3A_71 : vector<1xf32> to vector<1x1x1xf32>
      %reduce_max3A_73 = vector.extract %reduce_max3A_72[0, 0, 0] : f32 from vector<1x1x1xf32>
      %swap3A_74 = arith.constant 0 : index
      %swap3A_75 = arith.constant 0 : index
      %swap3A_76 = memref.load %arg5[%swap3A_74, %swap3A_75] : memref<1x1xf32, #tpu.memory_space<smem>>
      memref.store %reduce_max3A_73, %arg5[%swap3A_74, %swap3A_75] : memref<1x1xf32, #tpu.memory_space<smem>>
    } else {
    }
    return
  }
  func.func @transform_0(%arg0: i32) -> (i32, i32) {
    %add3A = arith.constant 5 : i32
    %add3A_0 = arith.addi %arg0, %add3A : i32
    %c0_i32 = arith.constant 0 : i32
    %c0_i32_1 = arith.constant 0 : i32
    return %add3A_0, %c0_i32 : i32, i32
  }
  func.func @transform_1(%arg0: i32) -> (i32, i32) {
    %c0_i32 = arith.constant 0 : i32
    %c0_i32_0 = arith.constant 0 : i32
    %c0_i32_1 = arith.constant 0 : i32
    return %c0_i32, %c0_i32_0 : i32, i32
  }
  func.func @transform_2(%arg0: i32) -> (i32, i32) {
    %c0_i32 = arith.constant 0 : i32
    %c0_i32_0 = arith.constant 0 : i32
    %c0_i32_1 = arith.constant 0 : i32
    return %c0_i32, %c0_i32_0 : i32, i32
  }
  func.func @transform_3(%arg0: i32) -> (i32, i32) {
    %c0_i32 = arith.constant 0 : i32
    %c0_i32_0 = arith.constant 0 : i32
    %c0_i32_1 = arith.constant 0 : i32
    return %c0_i32, %c0_i32_0 : i32, i32
  }
  func.func @transform_4(%arg0: i32) -> (i32, i32) {
    %c0_i32 = arith.constant 0 : i32
    %c0_i32_0 = arith.constant 0 : i32
    %c0_i32_1 = arith.constant 0 : i32
    return %c0_i32, %c0_i32_0 : i32, i32
  }
}

</mosaic_0001>

<sc_bundles>
// kernel: kernel.5.cloned.1.call-start
scs
__scs_entry_jumppad:
0x0: {  	(pc) =	sbr.rel $0x88, $3  }
0x1: {  	(tag) =	ssettag $0x0;
	lr =	simm.s32 $0x1  }
0x2: {  	[smem:$0x3F9E] =	sst lr;
	_ =	strace $0xD0000000  }
0x3: {  	_ = 	snop  }
0x4: {  	_ = 	snop  }
0x5: {  	_ = 	snop  }
0x6: {  	_ = 	snop  }
0x7: {  	_ = 	snop  }
__scs_overlays_trampoline_lowered:
0x8: {  	[smem:$0x3FAD] =	sst s0  }
0x9: {  	[smem:$0x3FAE] =	sst s1  }
0xa: {  	[smem:$0x3FAF] =	sst s2  }
0xb: {  	[smem:$0x3FB0] =	sst s3  }
0xc: {  	[smem:$0x3FB1] =	sst s4  }
0xd: {  	[smem:$0x3FB2] =	sst s5  }
0xe: {  	[smem:$0x3FB3] =	sst s6  }
0xf: {  	[smem:$0x3FB4] =	sst s7  }
0x10: {  	[smem:$0x3FB5] =	sst s8  }
0x11: {  	[smem:$0x3FB6] =	sst s9;
	s0 =	simm.s32 @!p0 $0x0  }
0x12: {  	s1 =	sld [smem:$0x3F9C];
	s0 =	simm.s32 @p0 $0x1  }
0x13: {  	[smem:$0x3FB7] =	sst s0;
	s0 =	simm.s32 @!p1 $0x0  }
0x14: {  	s2 =	sld [smem:$0x3F9B];
	s0 =	simm.s32 @p1 $0x1  }
0x15: {  	[smem:$0x3FB8] =	sst s0;
	s0 =	simm.s32 @!p2 $0x0  }
0x16: {  	s3 =	sld [smem:$0x3FDB];
	s0 =	simm.s32 @p2 $0x1  }
0x17: {  	s4 =	simm.s32 $0x1BF5;
	[smem:$0x3FBA] =	sst s0  }
0x18: {  	s0 =	sld [smem:$0x3F9D];
	_ =	swait.ge [sflag:s4], $0x0  }
0x19: {  	s7 =	sld [smem:$0x3F9E]  }
0x1a: {  	s8 =	sadd.s32 $0xFFFFE003, lr  }
0x1b: {  	s9 =	sadd.s32 $0xFFFFFEF7, lr;
	s5 =	simm.s32 $0xFFFFFFFF;
	p2 =	slt.u32 s8, $0xFFFFF086  }
0x1c: {  	p1 =	slt.u32 s9, $0xF7A;
	s5 =	simm.s32 @!p2 $0x0  }
0x1d: {  	s5 =	simm.s32 @p1 $0x1;
	p0 =	seq.s32 s7, s2  }
0x1e: {  	s7 =	smul.u32 @!p0 $0xF7A, s2;
	p2 =	seq.s32 @!p0 s5, $0x0  }
0x1f: {  	s9 =	smul.u32 $0xF7A, s1;
	s8 =	simm.s32 @!p0 $0x1BF5;
	p2 =	por !p2, p0  }
0x20: {  	[sflag:s8] =	ssyncset.s32 @!p0 $0xFFFFF086;
	s6 =	sadd.s32 @!p0 s3, s7;
	s7 =	simm.s32 @!p0 $0x108  }
0x21: {  	s3 =	sadd.s32 s3, s9;
	s6 =	sadd.s32 @!p0 $0x88, s6;
	s7 =	simm.s32 @p2 $0x1082  }
0x22: {  	[simem:s7], [sflag:s8] =	dma.local @!p0 [hbm:s6], $0xF7A  }
0x23: {  	s9 =	sor.u32 $0xD0000000, s2;
	s6 =	simm.s32 $0x108;
	_ =	swait.ge @!p0 [sflag:s8], $0x0  }
0x24: {  	s3 =	sadd.s32 $0x88, s3;
	s6 =	simm.s32 @!p1 $0x1082;
	[sflag:s4] =	ssyncset.s32 $0xFFFFF086  }
0x25: {  	[simem:s6], [sflag:s4] =	dma.local [hbm:s3], $0xF7A  }
0x26: {  	[smem:$0x3F9E] =	sst s1;
	(tag) =	ssettag s2;
	_ =	strace s9  }
0x27: {  	s1 =	sld [smem:$0x3FAE]  }
0x28: {  	s2 =	sld [smem:$0x3FAF]  }
0x29: {  	s4 =	sld [smem:$0x3FB1]  }
0x2a: {  	p0 =	seq.s32 s5, $0x0;
	s5 =	sld [smem:$0x3FB2]  }
0x2b: {  	s6 =	sld [smem:$0x3FB3]  }
0x2c: {  	s7 =	sld [smem:$0x3FB4]  }
0x2d: {  	s3 =	simm.s32 $0x108;
	s8 =	sld [smem:$0x3FB5]  }
0x2e: {  	s3 =	simm.s32 @!p0 $0x1082;
	s9 =	sld [smem:$0x3FB6]  }
0x2f: {  	lr =	sadd.s32 s0, s3;
	s0 =	sld [smem:$0x3FAD]  }
0x30: {  	s3 =	sld [smem:$0x3FB0]  }
0x31: {  	[smem:$0x3FB9] =	sst s10  }
0x32: {  	s10 =	sld [smem:$0x3FB7];
	_ =	sdelay $0x3  }
0x33: {  	p0 =	seq.s32 s10, $0x1;
	s10 =	sld [smem:$0x3FB9];
	_ =	sdelay $0x3  }
0x34: {  	[smem:$0x3FB9] =	sst s10  }
0x35: {  	s10 =	sld [smem:$0x3FB8];
	_ =	sdelay $0x3  }
0x36: {  	p1 =	seq.s32 s10, $0x1;
	s10 =	sld [smem:$0x3FB9];
	_ =	sdelay $0x3  }
0x37: {  	[smem:$0x3FB9] =	sst s10  }
0x38: {  	s10 =	sld [smem:$0x3FBA]  }
0x39: {  	_ = 	snop;
	(pc) =	sbr.ind lr, $3  }
0x3a: {  	_ = 	snop  }
0x3b: {  	_ = 	snop  }
0x3c: {  	p2 =	seq.s32 s10, $0x1;
	s10 =	sld [smem:$0x3FB9]  }
0x3d: {  	_ =	shalt  }
0x3e: {  	_ =	shalt  }
0x3f: {  	_ =	shalt  }
0x40: {  	_ =	shalt  }
0x41: {  	_ =	shalt  }
0x42: {  	_ =	shalt  }
0x43: {  	_ =	shalt  }
0x44: {  	_ =	shalt  }
0x45: {  	_ =	shalt  }
0x46: {  	_ =	shalt  }
0x47: {  	_ =	shalt  }
0x48: {  	_ =	shalt  }
0x49: {  	_ =	shalt  }
0x4a: {  	_ =	shalt  }
0x4b: {  	_ =	shalt  }
0x4c: {  	_ =	shalt  }
0x4d: {  	_ =	shalt  }
0x4e: {  	_ =	shalt  }
0x4f: {  	_ =	shalt  }
0x50: {  	_ =	shalt  }
0x51: {  	_ =	shalt  }
0x52: {  	_ =	shalt  }
0x53: {  	_ =	shalt  }
0x54: {  	_ =	shalt  }
0x55: {  	_ =	shalt  }
0x56: {  	_ =	shalt  }
0x57: {  	_ =	shalt  }
0x58: {  	_ =	shalt  }
0x59: {  	_ =	shalt  }
0x5a: {  	_ =	shalt  }
0x5b: {  	_ =	shalt  }
0x5c: {  	_ =	shalt  }
0x5d: {  	_ =	shalt  }
0x5e: {  	_ =	shalt  }
0x5f: {  	_ =	shalt  }
0x60: {  	_ =	shalt  }
0x61: {  	_ =	shalt  }
0x62: {  	_ =	shalt  }
0x63: {  	_ =	shalt  }
0x64: {  	_ =	shalt  }
0x65: {  	_ =	shalt  }
0x66: {  	_ =	shalt  }
0x67: {  	_ =	shalt  }
0x68: {  	_ =	shalt  }
0x69: {  	_ =	shalt  }
0x6a: {  	_ =	shalt  }
0x6b: {  	_ =	shalt  }
0x6c: {  	_ =	shalt  }
0x6d: {  	_ =	shalt  }
0x6e: {  	_ =	shalt  }
0x6f: {  	_ =	shalt  }
0x70: {  	_ =	shalt  }
0x71: {  	_ =	shalt  }
0x72: {  	_ =	shalt  }
0x73: {  	_ =	shalt  }
0x74: {  	_ =	shalt  }
0x75: {  	_ =	shalt  }
0x76: {  	_ =	shalt  }
0x77: {  	_ =	shalt  }
0x78: {  	_ =	shalt  }
0x79: {  	_ =	shalt  }
0x7a: {  	_ =	shalt  }
0x7b: {  	_ =	shalt  }
0x7c: {  	_ =	shalt  }
0x7d: {  	_ =	shalt  }
0x7e: {  	_ =	shalt  }
0x7f: {  	_ =	shalt  }
0x80: {  	_ =	shalt  }
0x81: {  	_ =	shalt  }
0x82: {  	_ =	shalt  }
0x83: {  	_ =	shalt  }
0x84: {  	_ =	shalt  }
0x85: {  	_ =	shalt  }
0x86: {  	_ =	shalt  }
0x87: {  	_ =	shalt  }
.Lfunc_end0:
.L_simem_size_0:
called_computation_lowered:
.L_overlay_start_0:
0x88: {  	s2 =	sld [smem:$0x3FD9]  }
0x89: {  	s3 =	sld [smem:$0x3FFE];
	_ =	sdelay $0x1  }
0x8a: {  	s1 =	srdreg.scid  }
0x8b: {  	s0 =	sand.u32 $0x1, s1  }
0x8c: {  	s16 =	sshll.u32 s0, $0xA;
	s2 =	sadd.s32 s3, s2  }
0x8d: {  	s2 =	sadd.s32 s2, s16  }
0x8e: {  	[smem:$0x3FC5] =	sst s2  }
0x8f: {  	_ = 	snop  }
0x90: {  	(tm) =	ssettm $0x1  }
0x91: {  	s17 =	sld [smem:$0x3FFB];
	_ =	sdelay $0x3  }
0x92: {  	_ =	strace s17  }
0x93: {  	s2 =	sld [smem:$0x3FFC];
	_ =	sdelay $0x3  }
0x94: {  	_ =	strace s2  }
0x95: {  	s2 =	sld [smem:$0x3FFD];
	_ =	sdelay $0x3  }
0x96: {  	_ =	strace s2  }
0x97: {  	_ =	strace $0x8FFFFFFF  }
0x98: {  	s18 =	sld [smem:$0x3FDB];
	_ =	sdelay $0x1  }
0x99: {  	s19 =	simm.s32 $_scs_section_size  }
0x9a: {  	s4 =	simm.s32 $_size__tile_overlayer_lowered;
	s5 =	simm.s32 $_tile_overlayer_lowered  }
0x9b: {  	s22 =	simm.s32 $0x1BFF;
	s21 =	sshll.u32 s5, $0x1;
	s2 =	sadd.s32 s19, s18  }
0x9c: {  	s6 =	simm.s32 $0x0;
	s20 =	sshll.u32 s4, $0x1;
	s4 =	sadd.s32 s21, s2  }
0x9d: {  	[timem:s6], [sflag:s22] =	dma.local [hbm:s4], s20  }
0x9e: {  	_ =	swait.ge [sflag:s22], s20  }
0x9f: {  	s3 =	ssub.s32 $0x0, s20;
	[sflag:s22] =	ssyncset.done $0x0  }
0xa0: {  	[sflag:s22] =	ssyncadd.s32 s3;
	_ =	sdelay $0x1  }
0xa1: {  	s23 =	simm.s32 $0x1B8B  }
0xa2: {  	_ =	swait.ge [sflag:s23], $0x1  }
0xa3: {  	[sflag:s23] =	ssyncset.done $0x0  }
0xa4: {  	s25 =	simm.s32 $0x1B8E;
	s24 =	sld [smem:$0x3FFE];
	[sflag:s23] =	ssyncadd.s32 $0xFFFFFFFF  }
0xa5: {  	s26 =	simm.s32 $execute0_lowered;
	[smem:$0x3FD2] =	sst s25  }
0xa6: {  	s4 =	sshll.u32 s26, $0x1;
	_ =	strace $0x80000046;
	[dreg:$0x1] =	wrdreg $0xFFFFFFFF  }
0xa7: {  	s28 =	simm.s32 $_size_execute0_lowered;
	s2 =	sadd.s32 s2, s4;
	[dreg:$0x0] =	wrdreg $0x0  }
0xa8: {  	s4 =	sshll.u32 s28, $0x1;
	[dreg:$0x2] =	wrdreg s2  }
0xa9: {  	[dreg:$0x3] =	wrdreg s4  }
0xaa: {  	[dreg:$0x4] =	wrdreg $0xC0  }
0xab: {  	_ =	task [dreg:s6], $0x5FFFF  }
0xac: {  	[dreg:$0x1] =	wrdreg $0xFFFFFFFF  }
0xad: {  	[dreg:$0x0] =	wrdreg $0x60  }
0xae: {  	[dreg:$0x2] =	wrdreg s24  }
0xaf: {  	[dreg:$0x3] =	wrdreg $0x9  }
0xb0: {  	_ =	task.clear_ibuf [dreg:s6], $0x4FFFF;
	_ =	strace $0x90000046  }
0xb1: {  	s29 =	simm.s32 $0x9;
	_ =	strace $0x80000048  }
0xb2: {  	_ =	swait.ge [sflag:s29], $0x1  }
0xb3: {  	[sflag:s29] =	ssyncadd.s32 $0xFFFFFFFF  }
0xb4: {  	_ =	strace $0x90000048  }
0xb5: {  	_ =	sfence  }
0xb6: {  	s30 =	sld [smem:$0x0];
	_ =	sdelay $0x2  }
0xb7: {  	s31 =	sshll.u32 s1, $0xD;
	s1 =	sshrl.u32 s1, $0x2  }
0xb8: {  	s3 =	sand.u32 $0x4000, s31;
	s1 =	sadd.s32 s1, s30  }
0xb9: {  	s0 =	sor.u32 s3, s0;
	s1 =	sshll.u32 s1, $0x11  }
0xba: {  	s0 =	sor.u32 s1, s0  }
0xbb: {  	s0 =	sadd.s32 $0x8F2B, s0  }
0xbc: {  	[sflag:s0] =	ssyncadd.remote.s32 $0x1  }
0xbd: {  	_ =	sfence.sel $0xFFFF  }
0xbe: {  	[dreg:$0x0] =	wrdreg $0xFFFFFFFF;
	(pc) =	sbr.abs _section_cstart, $3  }
0xbf: {  	[dreg:$0x1] =	wrdreg $0xFFFFFFFF  }
0xc0: {  	_ =	task.clear_ibuf [dreg:s6], $0x2FFFF;
	_ =	strace $0x9FFFFFFF  }
0xc1: {  	(tm) =	ssettm $0x7FFFFFFF  }
tec
execute0_lowered:
.L_overlay_start_1:
0x0: {  	(tag) =	ssettag $0x1  }
0x1: {  	s1 =	srdreg.scid  }
0x2: {  	s0 =	stileid.u32;
	s4 =	rddreg [dreg:$0x0];
	s2 =	simm.s32 $0x0  }
0x3: {  	s11 =	simm.s32 $0x100;
	s12 =	simm.s32 $0x200;
	s13 =	simm.s32 $0x300  }
0x4: {  	s14 =	simm.s32 $0x400;
	s15 =	simm.s32 $0x1900;
	s16 =	simm.s32 $0x0  }
0x5: {  	s3 =	sand.u32 $0x1, s1;
	s30 =	sshll.u32 s0, $0x1;
	[smem:$0x7FF] =	sst s2  }
0x6: {  	s1 =	rddreg [dreg:$0x1];
	s5 =	sor.u32 s3, s30;
	_ =	strace $0x80000047  }
0x7: {  	s31 =	ssub.s32 $0x2, s3;
	s6 =	smul.u32 $0x14, s5;
	s5 =	sshll.u32 s5, $0x4  }
0x8: {  	s3 =	sadd.s32 $0x1C00, s4;
	s8 =	sshrl.u32 s31, $0x1;
	s9 =	sadd.s32 s5, s4  }
0x9: {  	s10 =	ssub.s32 s31, s8;
	s7 =	sadd.s32 s6, s4;
	s8 =	sadd.s32 $0x1E00, s9  }
0xa: {  	s9 =	smax.u32 s10, $0x1;
	s10 =	simm.s32 $0x1;
	s4 =	sadd.s32 $0x1800, s7  }
0xb: {  	s5 =	sadd.s32 $0x1400, s7;
	s6 =	sadd.s32 $0x1000, s7;
	s7 =	sadd.s32 $0xC00, s7  }
.LBB2_1:
0xc: {  	[tilespmem:s2], [sflag:$0x1] =	stream.linear.gather [hbm4b:s4+s2], $0xA0, $0x38;
	[tilespmem:$0x1980] =	vst v63  }
0xd: {  	_ =	swait.ge [sflag:s10], $0xA0  }
0xe: {  	[sflag:s10] =	ssyncset.done $0x0  }
0xf: {  	[sflag:s10] =	ssyncadd.s32 $0xFFFFFF60  }
0x10: {  	[tilespmem:s11], [sflag:$0x1] =	stream.linear.gather [hbm4b:s5+s2], $0xA0, $0x38;
	[tilespmem:$0x1980] =	vst v63  }
0x11: {  	_ =	swait.ge [sflag:s10], $0xA0  }
0x12: {  	[sflag:s10] =	ssyncset.done $0x0  }
0x13: {  	[sflag:s10] =	ssyncadd.s32 $0xFFFFFF60  }
0x14: {  	[tilespmem:s12], [sflag:$0x1] =	stream.linear.gather [hbm4b:s6+s2], $0xA0, $0x38;
	[tilespmem:$0x1980] =	vst v63  }
0x15: {  	_ =	swait.ge [sflag:s10], $0xA0  }
0x16: {  	[sflag:s10] =	ssyncset.done $0x0  }
0x17: {  	[sflag:s10] =	ssyncadd.s32 $0xFFFFFF60  }
0x18: {  	[tilespmem:s13], [sflag:$0x1] =	stream.linear.gather [hbm4b:s7+s2], $0xA0, $0x38;
	[tilespmem:$0x1980] =	vst v63  }
0x19: {  	_ =	swait.ge [sflag:s10], $0xA0  }
0x1a: {  	[sflag:s10] =	ssyncset.done $0x0  }
0x1b: {  	[sflag:s10] =	ssyncadd.s32 $0xFFFFFF60  }
0x1c: {  	[tilespmem:s14], [sflag:$0x1] =	stream.linear.gather [hbm4b:s3+s2], $0x1000, $0x38;
	[tilespmem:$0x1980] =	vst v63  }
0x1d: {  	_ =	swait.ge [sflag:s10], $0x1000  }
0x1e: {  	s17 =	sand.u32 $0x70, s2;
	s18 =	sand.u32 $0xE00, s2;
	[sflag:s10] =	ssyncset.done $0x0  }
0x1f: {  	s17 =	sor.u32 s17, s18;
	[sflag:s10] =	ssyncadd.s32 $0xFFFFF000  }
0x20: {  	s19 =	simm.s32 $0x10;
	s20 =	simm.s32 $0x0;
	s18 =	simm.s32 $0x0;
	v0 =	vld [tilespmem:s17+$0x480]  }
.LBB2_2:
0x21: {  	p0 =	sne.s32 s19, $0x3F0;
	v1 =	vld [tilespmem:s17+$0x400];
	_ =	sdelay $0x1  }
0x22: {  	v2 =	vld [tilespmem:s17+$0x500];
	_ =	sdelay $0x1  }
0x23: {  	v3 =	vld [tilespmem:s17+$0x580]  }
0x24: {  	v4 =	vadd.f32 v0, v1;
	_ =	sdelay $0x1  }
0x25: {  	v4 =	vadd.f32 v2, v4;
	_ =	sdelay $0x1  }
0x26: {  	v4 =	vadd.f32 v3, v4;
	_ =	sdelay $0x1  }
0x27: {  	vm0 =	vlt.f32 v4, $0.0e+00;
	vm1 =	vgt.f32 v4, $0.0e+00  }
0x28: {  	vm0 =	vmor vm1, vm0  }
0x29: {  	v1 =	vnsel vm0, $0xC0000000, v1  }
0x2a: {  	v0 =	vnsel vm0, $0xC0000000, v0;
	v2 =	vnsel vm0, $0xBF800000, v2;
	v3 =	vnsel vm0, $0xBF800000, v3  }
0x2b: {  	v4 =	vsub.f32 v3, v0;
	[tilespmem:s17+$0x400] =	vst v1;
	v1 =	vsub.f32 v2, v1  }
.Ltmp0:
0x2c: {  	[tilespmem:s17+$0x480] =	vst v0;
	(pc) =	sbr.rel @p0 .LBB2_2-.Ltmp0, $4  }
0x2d: {  	s20 =	sadd.s32 $0x40, s20;
	[tilespmem:s17+$0x500] =	vst v2;
	v0 =	vmul.f32 v4, v1  }
0x2e: {  	s21 =	sand.u32 $0x70, s19;
	s18 =	sshra.s32 s18, $0x2;
	s22 =	sand.u32 $0xE00, s20;
	[tilespmem:s17+$0x580] =	vst v3  }
0x2f: {  	s17 =	sor.u32 s21, s22;
	[tilespmem:s18+$0x1400] =	vst v0;
	s18 =	smov.u32 s20  }
0x30: {  	s19 =	sadd.s32 $0x10, s19;
	v0 =	vld [tilespmem:s17+$0x480]  }
0x31: {  	v1 =	vld [tilespmem:s17+$0x400];
	_ =	sdelay $0x1  }
0x32: {  	v2 =	vld [tilespmem:s17+$0x500];
	_ =	sdelay $0x1  }
0x33: {  	v3 =	vld [tilespmem:s17+$0x580]  }
0x34: {  	v4 =	vadd.f32 v0, v1;
	_ =	sdelay $0x1  }
0x35: {  	v4 =	vadd.f32 v2, v4;
	_ =	sdelay $0x1  }
0x36: {  	v4 =	vadd.f32 v3, v4;
	_ =	sdelay $0x1  }
0x37: {  	vm0 =	vlt.f32 v4, $0.0e+00;
	vm1 =	vgt.f32 v4, $0.0e+00  }
0x38: {  	vm0 =	vmor vm1, vm0  }
0x39: {  	v1 =	vnsel vm0, $0xC0000000, v1  }
0x3a: {  	v57 =	vnsel vm0, $0xC0000000, v0;
	v2 =	vnsel vm0, $0xBF800000, v2;
	v3 =	vnsel vm0, $0xBF800000, v3  }
0x3b: {  	[tilespmem:s17+$0x400] =	vst v1;
	v1 =	vsub.f32 v2, v1;
	v58 =	vsub.f32 v3, v57  }
0x3c: {  	[tilespmem:s17+$0x480] =	vst v57  }
0x3d: {  	[tilespmem:s17+$0x500] =	vst v2;
	v59 =	vmul.f32 v58, v1  }
0x3e: {  	s31 =	sshra.s32 s18, $0x2;
	[tilespmem:s17+$0x580] =	vst v3  }
0x3f: {  	[tilespmem:s31+$0x1400] =	vst v59  }
0x40: {  	v0 =	vld [tilespmem:$0x200]  }
0x41: {  	v60 =	vld [tilespmem:$0x0]  }
0x42: {  	v2 =	vld [tilespmem:$0x300]  }
0x43: {  	v3 =	vld [tilespmem:$0x100]  }
0x44: {  	v61 =	vld [tilespmem:$0x210]  }
0x45: {  	v5 =	vld [tilespmem:$0x10]  }
0x46: {  	v6 =	vld [tilespmem:$0x310]  }
0x47: {  	v7 =	vld [tilespmem:$0x110]  }
0x48: {  	v8 =	vld [tilespmem:$0x220]  }
0x49: {  	v9 =	vld [tilespmem:$0x20]  }
0x4a: {  	v10 =	vld [tilespmem:$0x320]  }
0x4b: {  	v11 =	vld [tilespmem:$0x120]  }
0x4c: {  	v12 =	vld [tilespmem:$0x230]  }
0x4d: {  	v13 =	vld [tilespmem:$0x30]  }
0x4e: {  	v14 =	vld [tilespmem:$0x330]  }
0x4f: {  	v15 =	vld [tilespmem:$0x130]  }
0x50: {  	v16 =	vld [tilespmem:$0x240]  }
0x51: {  	v17 =	vld [tilespmem:$0x40]  }
0x52: {  	v18 =	vld [tilespmem:$0x340]  }
0x53: {  	v19 =	vld [tilespmem:$0x140]  }
0x54: {  	v20 =	vld [tilespmem:$0x250]  }
0x55: {  	v21 =	vld [tilespmem:$0x50]  }
0x56: {  	v22 =	vld [tilespmem:$0x350]  }
0x57: {  	v23 =	vld [tilespmem:$0x150]  }
0x58: {  	v24 =	vld [tilespmem:$0x260]  }
0x59: {  	v25 =	vld [tilespmem:$0x60]  }
0x5a: {  	v26 =	vld [tilespmem:$0x360]  }
0x5b: {  	v27 =	vld [tilespmem:$0x160]  }
0x5c: {  	v28 =	vld [tilespmem:$0x270]  }
0x5d: {  	v29 =	vld [tilespmem:$0x70]  }
0x5e: {  	v30 =	vld [tilespmem:$0x370]  }
0x5f: {  	v31 =	vld [tilespmem:$0x170]  }
0x60: {  	v32 =	vld [tilespmem:$0x280]  }
0x61: {  	v33 =	vld [tilespmem:$0x80]  }
0x62: {  	v34 =	vld [tilespmem:$0x380]  }
0x63: {  	v63 =	vld [tilespmem:$0x180];
	v0 =	vsub.f32 v0, v60;
	v62 =	vsub.f32 v2, v3  }
0x64: {  	v37 =	vld [tilespmem:$0x290];
	v35 =	vsub.f32 v61, v5;
	v36 =	vsub.f32 v6, v7  }
0x65: {  	v40 =	vld [tilespmem:$0x90];
	v38 =	vsub.f32 v8, v9;
	v39 =	vsub.f32 v10, v11;
	v0 =	vmul.f32 v62, v0  }
0x66: {  	v43 =	vld [tilespmem:$0x390];
	v41 =	vsub.f32 v12, v13;
	v42 =	vsub.f32 v14, v15;
	v3 =	vmul.f32 v36, v35  }
0x67: {  	v47 =	vld [tilespmem:$0x190];
	v45 =	vsub.f32 v16, v17;
	v46 =	vsub.f32 v18, v19;
	v44 =	vmul.f32 v39, v38;
	[tilespmem:$0x1800] =	vst v0  }
0x68: {  	v49 =	vsub.f32 v20, v21;
	v50 =	vsub.f32 v22, v23;
	v48 =	vmul.f32 v42, v41;
	[tilespmem:$0x1810] =	vst v3  }
0x69: {  	v52 =	vsub.f32 v24, v25;
	v53 =	vsub.f32 v26, v27;
	v51 =	vmul.f32 v46, v45;
	[tilespmem:$0x1820] =	vst v44  }
0x6a: {  	v55 =	vsub.f32 v28, v29;
	v56 =	vsub.f32 v30, v31;
	v54 =	vmul.f32 v50, v49;
	[tilespmem:$0x1830] =	vst v48  }
0x6b: {  	v58 =	vsub.f32 v32, v33;
	v2 =	vsub.f32 v34, v63;
	v57 =	vmul.f32 v53, v52;
	[tilespmem:$0x1840] =	vst v51  }
0x6c: {  	v60 =	vsub.f32 v37, v40;
	v61 =	vsub.f32 v43, v47;
	v59 =	vmul.f32 v56, v55;
	[tilespmem:$0x1850] =	vst v54  }
0x6d: {  	v62 =	vmul.f32 v2, v58;
	[tilespmem:$0x1860] =	vst v57  }
0x6e: {  	v14 =	vimm.f32 $0.0e+00;
	v47 =	vimm.f32 $0.0e+00;
	v63 =	vmul.f32 v61, v60;
	[tilespmem:$0x1870] =	vst v59  }
0x6f: {  	v46 =	vimm.f32 $0.0e+00;
	v49 =	vimm.f32 $0.0e+00;
	v50 =	vimm.f32 $0.0e+00;
	[tilespmem:$0x1880] =	vst v62  }
0x70: {  	s17 =	simm.s32 $0x0;
	v52 =	vimm.f32 $0.0e+00;
	v48 =	vimm.f32 $0.0e+00;
	[tilespmem:$0x1890] =	vst v63;
	v51 =	vimm.f32 $0.0e+00  }
.LBB2_4:
0x71: {  	s18 =	sshll.u32 s17, $0x9  }
0x72: {  	v0 =	vld [tilespmem:s18+$0x400]  }
0x73: {  	v18 =	vld [tilespmem:s18+$0x410]  }
0x74: {  	v19 =	vld [tilespmem:s18+$0x420]  }
0x75: {  	v20 =	vld [tilespmem:s18+$0x430]  }
0x76: {  	v21 =	vld [tilespmem:s18+$0x440]  }
0x77: {  	v22 =	vld [tilespmem:s18+$0x450];
	[tilespmem:$0x1FD80] =	vst v0  }
0x78: {  	v23 =	vld [tilespmem:s18+$0x460];
	[tilespmem:$0x1FD90] =	vst v18  }
0x79: {  	v24 =	vld [tilespmem:s18+$0x470];
	[tilespmem:$0x1FDA0] =	vst v19  }
0x7a: {  	v25 =	vld [tilespmem:s18+$0x480];
	[tilespmem:$0x1FDB0] =	vst v20  }
0x7b: {  	v26 =	vld [tilespmem:s18+$0x490];
	[tilespmem:$0x1FDC0] =	vst v21  }
0x7c: {  	v27 =	vld [tilespmem:s18+$0x4A0];
	[tilespmem:$0x1FDD0] =	vst v22  }
0x7d: {  	v28 =	vld [tilespmem:s18+$0x4B0];
	[tilespmem:$0x1FDE0] =	vst v23  }
0x7e: {  	v29 =	vld [tilespmem:s18+$0x4C0];
	[tilespmem:$0x1FDF0] =	vst v24  }
0x7f: {  	v30 =	vld [tilespmem:s18+$0x4D0];
	[tilespmem:$0x1FE00] =	vst v25  }
0x80: {  	v31 =	vld [tilespmem:s18+$0x4E0];
	[tilespmem:$0x1FE10] =	vst v26  }
0x81: {  	v32 =	vld [tilespmem:s18+$0x4F0];
	[tilespmem:$0x1FE20] =	vst v27  }
0x82: {  	v33 =	vld [tilespmem:s18+$0x500];
	[tilespmem:$0x1FE30] =	vst v28  }
0x83: {  	v34 =	vld [tilespmem:s18+$0x510];
	[tilespmem:$0x1FE40] =	vst v29  }
0x84: {  	v35 =	vld [tilespmem:s18+$0x520];
	[tilespmem:$0x1FE50] =	vst v30  }
0x85: {  	v36 =	vld [tilespmem:s18+$0x530];
	[tilespmem:$0x1FE60] =	vst v31  }
0x86: {  	v37 =	vld [tilespmem:s18+$0x540];
	[tilespmem:$0x1FE70] =	vst v32  }
0x87: {  	v38 =	vld [tilespmem:s18+$0x550];
	[tilespmem:$0x1FE80] =	vst v33  }
0x88: {  	v39 =	vld [tilespmem:s18+$0x560];
	[tilespmem:$0x1FE90] =	vst v34  }
0x89: {  	v40 =	vld [tilespmem:s18+$0x570];
	[tilespmem:$0x1FEA0] =	vst v35  }
0x8a: {  	v41 =	vld [tilespmem:s18+$0x580];
	[tilespmem:$0x1FEB0] =	vst v36  }
0x8b: {  	v42 =	vld [tilespmem:s18+$0x590];
	[tilespmem:$0x1FEC0] =	vst v37  }
0x8c: {  	v43 =	vld [tilespmem:s18+$0x5A0];
	[tilespmem:$0x1FED0] =	vst v38  }
0x8d: {  	v44 =	vld [tilespmem:s18+$0x5B0];
	[tilespmem:$0x1FEE0] =	vst v39  }
0x8e: {  	v45 =	vld [tilespmem:s18+$0x5C0];
	[tilespmem:$0x1FEF0] =	vst v40  }
0x8f: {  	v53 =	vld [tilespmem:s18+$0x5D0];
	[tilespmem:$0x1FF00] =	vst v41  }
0x90: {  	v54 =	vld [tilespmem:s18+$0x5E0];
	[tilespmem:$0x1FF10] =	vst v42  }
0x91: {  	v55 =	vld [tilespmem:s18+$0x5F0];
	s18 =	sshrl.u32 s18, $0x2;
	[tilespmem:$0x1FF20] =	vst v43  }
0x92: {  	v56 =	vld [tilespmem:s18+$0x1400];
	[tilespmem:$0x1FF30] =	vst v44  }
0x93: {  	v57 =	vld [tilespmem:s18+$0x1410];
	[tilespmem:$0x1FF40] =	vst v45  }
0x94: {  	v58 =	vld [tilespmem:s18+$0x1420];
	[tilespmem:$0x1FF50] =	vst v53  }
0x95: {  	v59 =	vld [tilespmem:s18+$0x1430];
	[tilespmem:$0x1FF60] =	vst v54  }
0x96: {  	v60 =	vld [tilespmem:s18+$0x1440];
	[tilespmem:$0x1FF70] =	vst v55  }
0x97: {  	v61 =	vld [tilespmem:s18+$0x1450];
	[tilespmem:$0x1FF80] =	vst v56  }
0x98: {  	v62 =	vld [tilespmem:s18+$0x1460];
	[tilespmem:$0x1FF90] =	vst v57  }
0x99: {  	v63 =	vld [tilespmem:s18+$0x1470];
	[tilespmem:$0x1FFA0] =	vst v58  }
0x9a: {  	[tilespmem:$0x1FFB0] =	vst v59  }
0x9b: {  	[tilespmem:$0x1FFC0] =	vst v60  }
0x9c: {  	[tilespmem:$0x1FFD0] =	vst v61  }
0x9d: {  	[tilespmem:$0x1FFE0] =	vst v62  }
0x9e: {  	s18 =	simm.s32 $0x0;
	[tilespmem:$0x1FFF0] =	vst v63  }
.LBB2_5:
0x9f: {  	s19 =	sshra.s32 s18, $0x2  }
0xa0: {  	v24 =	vld [tilespmem:s19+$0x1800];
	_ =	sdelay $0x1  }
0xa1: {  	v7 =	vld [tilespmem:$0x1FF80];
	_ =	sdelay $0x1  }
0xa2: {  	v11 =	vld [tilespmem:$0x1FE80]  }
0xa3: {  	v39 =	vld [tilespmem:$0x1FD80];
	v53 =	vbroadcast v24, $0x0  }
0xa4: {  	v31 =	vld [tilespmem:$0x1FF00]  }
0xa5: {  	v38 =	vld [tilespmem:$0x1FE00];
	v54 =	vadd.f32 v53, v7  }
0xa6: {  	v42 =	vld [tilespmem:$0x1FF90]  }
0xa7: {  	v16 =	vld [tilespmem:$0x1FFA0];
	(erf) = vrcp.f32 v54  }
0xa8: {  	v15 =	vld [tilespmem:s19+$0x0]  }
0xa9: {  	v28 =	vld [tilespmem:s19+$0x300]  }
0xaa: {  	v25 =	vld [tilespmem:s19+$0x100]  }
0xab: {  	v27 =	vld [tilespmem:s19+$0x200]  }
0xac: {  	v35 =	vld [tilespmem:$0x1FE90]  }
0xad: {  	v19 =	vld [tilespmem:$0x1FD90];
	v44 =	vadd.f32 v53, v42  }
0xae: {  	v34 =	vld [tilespmem:$0x1FF10];
	v55 =	vbroadcast v15, $0x0;
	v56 =	vbroadcast v28, $0x0;
	v45 =	vadd.f32 v53, v16  }
0xaf: {  	v22 =	vld [tilespmem:$0x1FE10];
	v57 =	vbroadcast v25, $0x0;
	(erf) = vrcp.f32 v44  }
0xb0: {  	v36 =	vld [tilespmem:$0x1FEA0];
	v54 =	vbroadcast v27, $0x0;
	(erf) = vrcp.f32 v45;
	v63 =	vpop (erf)  }
0xb1: {  	v59 =	vmax.f32 v39, v55;
	v41 =	vld [tilespmem:$0x1FDA0]  }
0xb2: {  	v60 =	vmin.f32 v31, v56;
	v61 =	vmax.f32 v38, v57;
	v58 =	vmin.f32 v11, v54;
	v6 =	vld [tilespmem:$0x1FF20]  }
0xb3: {  	v37 =	vsub.f32 v60, v61;
	v58 =	vsub.f32 v58, v59;
	v45 =	vld [tilespmem:$0x1FE20]  }
0xb4: {  	v1 =	vmax.f32 v19, v55;
	v33 =	vld [tilespmem:$0x1FEB0]  }
0xb5: {  	v2 =	vmin.f32 v34, v56;
	v59 =	vmax.f32 v37, $0.0e+00;
	v58 =	vmax.f32 v58, $0.0e+00;
	v17 =	vld [tilespmem:$0x1FDB0]  }
0xb6: {  	v3 =	vmax.f32 v22, v57;
	v0 =	vmin.f32 v35, v54;
	v58 =	vmul.f32 v59, v58;
	v13 =	vld [tilespmem:$0x1FF30]  }
0xb7: {  	v60 =	vsub.f32 v2, v3;
	v59 =	vsub.f32 v0, v1;
	v12 =	vld [tilespmem:$0x1FE30]  }
0xb8: {  	v58 =	vmul.f32 v58, v63;
	v37 =	vld [tilespmem:$0x1FEC0]  }
0xb9: {  	v60 =	vmax.f32 v60, $0.0e+00;
	v59 =	vmax.f32 v59, $0.0e+00;
	v44 =	vld [tilespmem:$0x1FDC0]  }
0xba: {  	v59 =	vmul.f32 v60, v59;
	v26 =	vld [tilespmem:$0x1FFB0];
	v0 =	vmax.f32 v52, v58;
	v5 =	vmin.f32 v6, v56  }
0xbb: {  	v52 =	vld [tilespmem:$0x1FFC0];
	v63 =	vmax.f32 v45, v57;
	v9 =	vmin.f32 v33, v54;
	v10 =	vmax.f32 v17, v55  }
0xbc: {  	v18 =	vpop (erf);
	v8 =	vsub.f32 v5, v63;
	v20 =	vsub.f32 v9, v10;
	v10 =	vld [tilespmem:$0x1FF40]  }
0xbd: {  	v4 =	vmin.f32 v36, v54;
	v2 =	vld [tilespmem:$0x1FFD0];
	v59 =	vmul.f32 v59, v18  }
0xbe: {  	v40 =	vmin.f32 v37, v54;
	v5 =	vmax.f32 v44, v55;
	v58 =	vmax.f32 v8, $0.0e+00;
	v8 =	vld [tilespmem:$0x1FFE0]  }
0xbf: {  	v62 =	vmax.f32 v41, v55;
	v1 =	vadd.f32 v53, v26;
	v9 =	vsub.f32 v40, v5;
	v40 =	vld [tilespmem:$0x1FDD0]  }
0xc0: {  	v23 =	vmin.f32 v13, v56;
	v61 =	vsub.f32 v4, v62;
	v30 =	vmax.f32 v20, $0.0e+00;
	v20 =	vld [tilespmem:$0x1FE40]  }
0xc1: {  	(erf) = vrcp.f32 v1;
	v32 =	vadd.f32 v53, v52;
	v18 =	vmin.f32 v10, v56;
	v10 =	vld [tilespmem:$0x1FED0]  }
0xc2: {  	v29 =	vmax.f32 v12, v57;
	v4 =	vadd.f32 v53, v2;
	v61 =	vmax.f32 v61, $0.0e+00  }
0xc3: {  	v3 =	vld [tilespmem:$0x1FF60];
	v21 =	vpop (erf);
	v58 =	vmul.f32 v58, v61;
	(erf) = vrcp.f32 v32;
	v1 =	vadd.f32 v53, v8  }
0xc4: {  	[tilespmem:$0x1FA70] =	vst v0;
	v0 =	vsub.f32 v23, v29;
	(erf) = vrcp.f32 v4;
	v8 =	vld [tilespmem:$0x1FF50]  }
0xc5: {  	v58 =	vmul.f32 v58, v21;
	(erf) = vrcp.f32 v1;
	v1 =	vmax.f32 v9, $0.0e+00;
	v9 =	vld [tilespmem:$0x1FE50]  }
0xc6: {  	v29 =	vmax.f32 v40, v55;
	v21 =	vmax.f32 v20, v57;
	v20 =	vld [tilespmem:$0x1FDE0];
	v23 =	vmin.f32 v10, v54  }
0xc7: {  	v61 =	vsub.f32 v23, v29;
	v29 =	vld [tilespmem:$0x1FEE0]  }
0xc8: {  	v0 =	vmax.f32 v0, $0.0e+00  }
0xc9: {  	v0 =	vmul.f32 v0, v30;
	v4 =	vld [tilespmem:$0x1FE60];
	v60 =	vsub.f32 v18, v21  }
0xca: {  	v3 =	vmin.f32 v3, v56;
	v5 =	vpop (erf);
	v30 =	vmin.f32 v8, v56;
	v32 =	vmax.f32 v9, v57  }
0xcb: {  	v60 =	vmax.f32 v60, $0.0e+00;
	v0 =	vmul.f32 v0, v5;
	v2 =	vsub.f32 v30, v32  }
0xcc: {  	v18 =	vld [tilespmem:$0x1FDF0];
	v23 =	vmax.f32 v20, v55;
	v30 =	vmax.f32 v61, $0.0e+00;
	v43 =	vmin.f32 v29, v54  }
0xcd: {  	v62 =	vsub.f32 v43, v23;
	v2 =	vmax.f32 v2, $0.0e+00;
	v23 =	vmax.f32 v49, v0;
	v0 =	vld [tilespmem:$0x1FF70]  }
0xce: {  	v4 =	vmax.f32 v4, v57;
	v1 =	vmul.f32 v60, v1;
	v2 =	vmul.f32 v2, v30;
	v30 =	vld [tilespmem:$0x1FE70]  }
0xcf: {  	v3 =	vsub.f32 v3, v4;
	v32 =	vpop (erf)  }
0xd0: {  	v51 =	vmax.f32 v51, v59;
	v50 =	vmax.f32 v50, v58;
	v1 =	vmul.f32 v1, v32;
	v32 =	vld [tilespmem:$0x1FEF0]  }
0xd1: {  	v5 =	vbroadcast v15, $0x1;
	v3 =	vmax.f32 v3, $0.0e+00;
	v59 =	vpop (erf);
	v43 =	vmax.f32 v62, $0.0e+00  }
0xd2: {  	v63 =	vmax.f32 v18, v55;
	v3 =	vmul.f32 v3, v43;
	v2 =	vmul.f32 v2, v59  }
0xd3: {  	v55 =	vbroadcast v28, $0x1;
	v61 =	vpop (erf);
	v43 =	vmin.f32 v0, v56;
	v57 =	vmax.f32 v30, v57  }
0xd4: {  	v3 =	vmul.f32 v3, v61;
	v59 =	vmax.f32 v47, v2;
	v58 =	vsub.f32 v43, v57;
	v43 =	vld [tilespmem:$0x1FFF0]  }
0xd5: {  	v2 =	vbroadcast v27, $0x1;
	v56 =	vbroadcast v25, $0x1;
	v62 =	vmin.f32 v32, v54  }
0xd6: {  	v21 =	vmax.f32 v48, v1;
	v4 =	vsub.f32 v62, v63;
	v63 =	vmax.f32 v39, v5  }
0xd7: {  	v60 =	vmax.f32 v46, v3;
	v62 =	vmin.f32 v11, v2;
	v46 =	vmovc v39;
	v39 =	vmax.f32 v38, v56  }
0xd8: {  	v47 =	vmovc v11;
	v11 =	vsub.f32 v62, v63;
	v62 =	vmax.f32 v19, v5;
	v3 =	vmax.f32 v4, $0.0e+00  }
0xd9: {  	v63 =	vmovc v31;
	v31 =	vmin.f32 v31, v55;
	v61 =	vadd.f32 v53, v43;
	v53 =	vbroadcast v24, $0x1  }
0xda: {  	v4 =	vmax.f32 v58, $0.0e+00;
	v48 =	vmax.f32 v11, $0.0e+00;
	v54 =	vsub.f32 v31, v39  }
0xdb: {  	v1 =	vmovc v28;
	v28 =	vmovc v25;
	v11 =	vmin.f32 v34, v55;
	(erf) = vrcp.f32 v61;
	v25 =	vadd.f32 v53, v7  }
0xdc: {  	[tilespmem:$0x1FA90] =	vst v60;
	v3 =	vmul.f32 v4, v3;
	v54 =	vmax.f32 v54, $0.0e+00;
	v60 =	vadd.f32 v53, v42  }
0xdd: {  	v61 =	vmin.f32 v35, v2;
	v31 =	vadd.f32 v53, v16;
	(erf) = vrcp.f32 v25  }
0xde: {  	v4 =	vmul.f32 v54, v48;
	v39 =	vadd.f32 v53, v26;
	(erf) = vrcp.f32 v60  }
0xdf: {  	v49 =	vsub.f32 v61, v62;
	v61 =	vmax.f32 v41, v5;
	(erf) = vrcp.f32 v31  }
0xe0: {  	v62 =	vmin.f32 v6, v55;
	v25 =	vmovc v35;
	v35 =	vmovc v19;
	v19 =	vmax.f32 v22, v56;
	(erf) = vrcp.f32 v39  }
0xe1: {  	v34 =	vmovc v22;
	v49 =	vmax.f32 v49, $0.0e+00;
	v60 =	vmin.f32 v36, v2;
	v36 =	vmin.f32 v13, v55  }
0xe2: {  	v48 =	vsub.f32 v60, v61;
	v22 =	vmin.f32 v33, v2;
	v31 =	vmovc v33;
	v57 =	vsub.f32 v11, v19  }
0xe3: {  	v33 =	vmax.f32 v17, v5;
	v39 =	vmax.f32 v12, v56;
	v19 =	vmovc v6;
	v6 =	vmax.f32 v45, v56  }
0xe4: {  	[tilespmem:$0x1FA80] =	vst v59;
	v59 =	vmax.f32 v57, $0.0e+00;
	v57 =	vsub.f32 v22, v33;
	v16 =	vsub.f32 v62, v6;
	v11 =	vpop (erf)  }
0xe5: {  	v48 =	vmax.f32 v48, $0.0e+00;
	v3 =	vmul.f32 v3, v11;
	v11 =	vsub.f32 v36, v39  }
0xe6: {  	v49 =	vmul.f32 v59, v49;
	v57 =	vmax.f32 v57, $0.0e+00;
	v54 =	vmax.f32 v16, $0.0e+00;
	v26 =	vpop (erf)  }
0xe7: {  	v6 =	vld [tilespmem:$0x1FFD0];
	v36 =	vmin.f32 v37, v2;
	v45 =	vpop (erf);
	v4 =	vmul.f32 v4, v26;
	v16 =	vmax.f32 v11, $0.0e+00  }
0xe8: {  	v26 =	vmov v37;
	v37 =	vmax.f32 v44, v5;
	v44 =	vld [tilespmem:$0x1FA70];
	v22 =	vmul.f32 v16, v57;
	v33 =	vpop (erf)  }
0xe9: {  	v39 =	vadd.f32 v53, v52;
	v3 =	vmax.f32 v14, v3;
	v14 =	vld [tilespmem:$0x1FE40];
	v49 =	vmul.f32 v49, v45;
	v45 =	vpop (erf)  }
0xea: {  	v17 =	vmul.f32 v54, v48;
	v57 =	vsub.f32 v36, v37;
	v48 =	vmul.f32 v22, v45;
	v45 =	vld [tilespmem:$0x1FF40]  }
0xeb: {  	(erf) = vrcp.f32 v39;
	v36 =	vmin.f32 v10, v2;
	v37 =	vmax.f32 v40, v5  }
0xec: {  	v61 =	vmovc v52;
	v39 =	vmin.f32 v8, v55;
	v52 =	vmul.f32 v17, v33;
	v54 =	vsub.f32 v36, v37  }
0xed: {  	v16 =	vmovc v40;
	v40 =	vmax.f32 v9, v56;
	v11 =	vmax.f32 v44, v4;
	v44 =	vadd.f32 v53, v6  }
0xee: {  	v36 =	vmax.f32 v20, v5;
	v62 =	vmax.f32 v57, $0.0e+00;
	v57 =	vsub.f32 v39, v40;
	v4 =	vld [tilespmem:$0x1FF60]  }
0xef: {  	v33 =	vmax.f32 v14, v56;
	(erf) = vrcp.f32 v44;
	v44 =	vld [tilespmem:$0x1FFE0];
	v22 =	vmin.f32 v45, v55  }
0xf0: {  	v5 =	vmax.f32 v18, v5;
	v60 =	vmax.f32 v51, v49;
	v51 =	vsub.f32 v22, v33  }
0xf1: {  	v50 =	vmax.f32 v50, v52;
	v59 =	vmax.f32 v23, v48;
	v17 =	vmax.f32 v57, $0.0e+00;
	v22 =	vld [tilespmem:$0x1FE60]  }
0xf2: {  	v57 =	vbroadcast v24, $0x2;
	v33 =	vmin.f32 v29, v2;
	v51 =	vmax.f32 v51, $0.0e+00  }
0xf3: {  	[tilespmem:$0x1FAA0] =	vst v60;
	v2 =	vmin.f32 v32, v2;
	v52 =	vsub.f32 v33, v36;
	v60 =	vmul.f32 v51, v62  }
0xf4: {  	[tilespmem:$0x1FAB0] =	vst v59;
	v39 =	vmin.f32 v4, v55;
	v59 =	vpop (erf);
	v2 =	vsub.f32 v2, v5;
	v37 =	vadd.f32 v53, v44  }
0xf5: {  	v62 =	vmax.f32 v54, $0.0e+00;
	v48 =	vmul.f32 v60, v59;
	v60 =	vadd.f32 v53, v43  }
0xf6: {  	v49 =	vmul.f32 v17, v62;
	v40 =	vmax.f32 v22, v56;
	(erf) = vrcp.f32 v37  }
0xf7: {  	v17 =	vadd.f32 v57, v7;
	v54 =	vsub.f32 v39, v40;
	(erf) = vrcp.f32 v60  }
0xf8: {  	v36 =	vmovc v32;
	v32 =	vmax.f32 v30, v56;
	v52 =	vmax.f32 v52, $0.0e+00;
	v2 =	vmax.f32 v2, $0.0e+00  }
0xf9: {  	v53 =	vbroadcast v15, $0x2;
	v62 =	vmax.f32 v54, $0.0e+00;
	(erf) = vrcp.f32 v17  }
0xfa: {  	v23 =	vmax.f32 v21, v48;
	v48 =	vmul.f32 v62, v52;
	v52 =	vbroadcast v27, $0x2  }
0xfb: {  	[tilespmem:$0x1FAC0] =	vst v27;
	v56 =	vbroadcast v28, $0x2;
	v21 =	vmin.f32 v0, v55;
	v55 =	vbroadcast v1, $0x2  }
0xfc: {  	v20 =	vmovc v7;
	v7 =	vmax.f32 v46, v53;
	v33 =	vsub.f32 v21, v32;
	v0 =	vmin.f32 v47, v52  }
0xfd: {  	v39 =	vmovc v47;
	v21 =	vmax.f32 v38, v56;
	v17 =	vmin.f32 v63, v55;
	v51 =	vsub.f32 v0, v7;
	v7 =	vld [tilespmem:$0x1FA80]  }
0xfe: {  	[tilespmem:$0x1FB90] =	vst v1;
	v37 =	vmov v1;
	v1 =	vpop (erf);
	v32 =	vsub.f32 v17, v21;
	v5 =	vmax.f32 v33, $0.0e+00  }
0xff: {  	[tilespmem:$0x1FD30] =	vst v28;
	v35 =	vmax.f32 v35, v53;
	v27 =	vmov v28;
	v2 =	vmul.f32 v5, v2;
	v28 =	vpop (erf)  }
0x100: {  	[tilespmem:$0x1FC80] =	vst v15;
	v49 =	vmul.f32 v49, v1;
	v33 =	vmax.f32 v32, $0.0e+00;
	v51 =	vmax.f32 v51, $0.0e+00;
	v17 =	vpop (erf)  }
0x101: {  	v40 =	vmovc v15;
	v15 =	vld [tilespmem:$0x1FFA0];
	v21 =	vmul.f32 v33, v51;
	v33 =	vmin.f32 v25, v52;
	v2 =	vmul.f32 v2, v17  }
0x102: {  	v60 =	vadd.f32 v57, v42;
	v47 =	vmax.f32 v7, v49;
	v32 =	vpop (erf);
	v49 =	vsub.f32 v33, v35;
	v33 =	vld [tilespmem:$0x1FF10]  }
0x103: {  	v7 =	vld [tilespmem:$0x1FA90];
	v5 =	vmul.f32 v21, v32;
	v17 =	vmax.f32 v3, v2  }
0x104: {  	v58 =	vmax.f32 v41, v53;
	(erf) = vrcp.f32 v60;
	[tilespmem:$0x1FAD0] =	vst v17;
	v17 =	vld [tilespmem:$0x1FEA0]  }
0x105: {  	v59 =	vmin.f32 v19, v55;
	v32 =	vmax.f32 v11, v5;
	v11 =	vmovc v41;
	v41 =	vmov v19;
	v19 =	vld [tilespmem:$0x1FFB0]  }
0x106: {  	v62 =	vmov v46;
	v46 =	vmax.f32 v34, v56;
	v60 =	vadd.f32 v57, v15  }
0x107: {  	v48 =	vmul.f32 v48, v28;
	v28 =	vmov v42;
	[tilespmem:$0x1FAE0] =	vst v32;
	v32 =	vld [tilespmem:$0x1FDB0];
	v42 =	vmin.f32 v33, v55  }
0x108: {  	(erf) = vrcp.f32 v60;
	v21 =	vsub.f32 v42, v46  }
0x109: {  	v51 =	vmin.f32 v31, v52;
	v35 =	vmax.f32 v49, $0.0e+00;
	v48 =	vmax.f32 v7, v48;
	v42 =	vld [tilespmem:$0x1FE20]  }
0x10a: {  	v3 =	vmax.f32 v21, $0.0e+00;
	v54 =	vmin.f32 v17, v52;
	v1 =	vadd.f32 v57, v19  }
0x10b: {  	v21 =	vmax.f32 v12, v56;
	v46 =	vsub.f32 v54, v58;
	v3 =	vmul.f32 v3, v35  }
0x10c: {  	v7 =	vmovc v61;
	v54 =	vmax.f32 v32, v53;
	v58 =	vmin.f32 v13, v55;
	v35 =	vadd.f32 v57, v61  }
0x10d: {  	v2 =	vpop (erf);
	v61 =	vadd.f32 v57, v6;
	(erf) = vrcp.f32 v1;
	v51 =	vsub.f32 v51, v54  }
0x10e: {  	v12 =	vmovc v26;
	v60 =	vmax.f32 v42, v56;
	(erf) = vrcp.f32 v35;
	v35 =	vmin.f32 v26, v52;
	v26 =	vld [tilespmem:$0x1FDC0]  }
0x10f: {  	v0 =	vsub.f32 v58, v21;
	v5 =	vsub.f32 v59, v60  }
0x110: {  	v3 =	vmul.f32 v3, v2;
	v46 =	vmax.f32 v46, $0.0e+00;
	v1 =	vmax.f32 v51, $0.0e+00  }
0x111: {  	v21 =	vpop (erf);
	v2 =	vmax.f32 v0, $0.0e+00;
	(erf) = vrcp.f32 v61;
	v5 =	vmax.f32 v5, $0.0e+00  }
0x112: {  	v5 =	vmul.f32 v5, v46;
	v46 =	vmul.f32 v2, v1  }
0x113: {  	v1 =	vmin.f32 v45, v55;
	v2 =	vmax.f32 v14, v56;
	v60 =	vmax.f32 v26, v53  }
0x114: {  	v10 =	vmin.f32 v10, v52;
	v51 =	vsub.f32 v1, v2;
	v0 =	vsub.f32 v35, v60  }
0x115: {  	v59 =	vld [tilespmem:$0x1FAB0];
	v5 =	vmul.f32 v5, v21;
	v35 =	vmax.f32 v16, v53;
	v21 =	vmovc v8;
	v60 =	vmin.f32 v29, v52  }
0x116: {  	v54 =	vsub.f32 v10, v35;
	v10 =	vld [tilespmem:$0x1FAA0];
	v49 =	vmax.f32 v0, $0.0e+00;
	v0 =	vmin.f32 v8, v55;
	v8 =	vpop (erf)  }
0x117: {  	v2 =	vmovc v16;
	v16 =	vmax.f32 v50, v5;
	v46 =	vmul.f32 v46, v8;
	v8 =	vmov v29;
	v29 =	vld [tilespmem:$0x1FDE0]  }
0x118: {  	v13 =	vmovc v45;
	v45 =	vmov v9;
	v1 =	vmax.f32 v9, v56;
	v51 =	vmax.f32 v51, $0.0e+00  }
0x119: {  	v9 =	vsub.f32 v0, v1;
	v49 =	vmul.f32 v51, v49;
	v35 =	vpop (erf);
	v1 =	vadd.f32 v57, v44  }
0x11a: {  	[tilespmem:$0x1FAF0] =	vst v16;
	v54 =	vmax.f32 v54, $0.0e+00;
	v51 =	vbroadcast v24, $0x3;
	v0 =	vmax.f32 v59, v46;
	v16 =	vmovc v44;
	v44 =	vmovc v22  }
0x11b: {  	v3 =	vmax.f32 v10, v3;
	v10 =	vmax.f32 v22, v56;
	v22 =	vpop (erf);
	(erf) = vrcp.f32 v1  }
0x11c: {  	v58 =	vmax.f32 v9, $0.0e+00;
	[tilespmem:$0x1FB00] =	vst v0;
	v0 =	vmul.f32 v49, v35;
	v61 =	vmax.f32 v29, v53  }
0x11d: {  	v5 =	vmul.f32 v58, v54;
	v49 =	vsub.f32 v60, v61;
	v61 =	vadd.f32 v57, v43  }
0x11e: {  	v46 =	vmax.f32 v23, v0;
	v0 =	vadd.f32 v51, v20;
	v53 =	vmax.f32 v18, v53;
	v18 =	vld [tilespmem:$0x1FF70]  }
0x11f: {  	v9 =	vmin.f32 v4, v55;
	(erf) = vrcp.f32 v61  }
0x120: {  	v50 =	vsub.f32 v9, v10;
	v60 =	vmul.f32 v5, v22;
	(erf) = vrcp.f32 v0;
	v0 =	vld [tilespmem:$0x1FAC0]  }
0x121: {  	[tilespmem:$0x1FC70] =	vst v24;
	v52 =	vmin.f32 v36, v52;
	v24 =	vmax.f32 v30, v56;
	v56 =	vbroadcast v27, $0x3  }
0x122: {  	v50 =	vmax.f32 v50, $0.0e+00;
	v10 =	vsub.f32 v52, v53;
	v49 =	vmax.f32 v49, $0.0e+00  }
0x123: {  	v53 =	vbroadcast v40, $0x3;
	v9 =	vmul.f32 v50, v49;
	v22 =	vmin.f32 v18, v55  }
0x124: {  	v40 =	vmax.f32 v38, v56;
	v50 =	vsub.f32 v22, v24;
	v24 =	vmax.f32 v47, v60;
	v60 =	vpop (erf)  }
0x125: {  	v61 =	vadd.f32 v51, v28;
	v22 =	vld [tilespmem:$0x1FD90];
	v5 =	vmul.f32 v9, v60;
	v52 =	vbroadcast v0, $0x3  }
0x126: {  	v23 =	vmovc v36;
	v36 =	vmax.f32 v62, v53;
	v62 =	vmax.f32 v10, $0.0e+00;
	v55 =	vbroadcast v37, $0x3  }
0x127: {  	(erf) = vrcp.f32 v61;
	v9 =	vmax.f32 v48, v5;
	v27 =	vmin.f32 v39, v52  }
0x128: {  	v37 =	vmovc v39;
	v39 =	vmin.f32 v63, v55;
	v63 =	vmax.f32 v50, $0.0e+00;
	v38 =	vmin.f32 v25, v52  }
0x129: {  	v5 =	vmin.f32 v17, v52;
	v54 =	vsub.f32 v27, v36;
	v57 =	vsub.f32 v39, v40  }
0x12a: {  	v47 =	vmul.f32 v63, v62;
	v39 =	vmax.f32 v22, v53;
	v40 =	vadd.f32 v51, v15  }
0x12b: {  	v35 =	vmovc v4;
	v59 =	vsub.f32 v38, v39;
	v1 =	vmax.f32 v54, $0.0e+00;
	v4 =	vmax.f32 v57, $0.0e+00  }
0x12c: {  	v10 =	vpop (erf);
	v27 =	vmul.f32 v4, v1;
	v1 =	vmin.f32 v33, v55;
	v4 =	vmax.f32 v34, v56  }
0x12d: {  	v47 =	vmul.f32 v47, v10;
	v10 =	vmax.f32 v11, v53;
	v50 =	vsub.f32 v1, v4  }
0x12e: {  	v36 =	vpop (erf);
	v49 =	vmax.f32 v59, $0.0e+00;
	v54 =	vsub.f32 v5, v10;
	v34 =	vld [tilespmem:$0x1FAD0];
	v10 =	vmin.f32 v31, v52  }
0x12f: {  	v38 =	vld [tilespmem:$0x1FAE0];
	v48 =	vmul.f32 v27, v36;
	v36 =	vmovc v11;
	v11 =	vmax.f32 v32, v53;
	v50 =	vmax.f32 v50, $0.0e+00  }
0x130: {  	(erf) = vrcp.f32 v40;
	v39 =	vmul.f32 v50, v49;
	v50 =	vsub.f32 v10, v11;
	v10 =	vld [tilespmem:$0x1FF30]  }
0x131: {  	v61 =	vadd.f32 v51, v19;
	v11 =	vld [tilespmem:$0x1FE30];
	_ =	sdelay $0x1  }
0x132: {  	v21 =	vmin.f32 v21, v55;
	v63 =	vmovc v33;
	(erf) = vrcp.f32 v61;
	v40 =	vmovc v17;
	v1 =	vmax.f32 v34, v47  }
0x133: {  	v17 =	vmin.f32 v41, v55;
	v27 =	vmax.f32 v42, v56;
	[tilespmem:$0x1FB10] =	vst v1;
	v1 =	vmax.f32 v38, v48  }
0x134: {  	v61 =	vmax.f32 v14, v56;
	v33 =	vsub.f32 v17, v27;
	[tilespmem:$0x1FB20] =	vst v1;
	v1 =	vadd.f32 v51, v7  }
0x135: {  	v58 =	vpop (erf);
	v59 =	vmax.f32 v54, $0.0e+00;
	v17 =	vmin.f32 v10, v55;
	v27 =	vmax.f32 v11, v56  }
0x136: {  	v4 =	vmovc v31;
	v60 =	vmax.f32 v33, $0.0e+00;
	(erf) = vrcp.f32 v1;
	v38 =	vsub.f32 v17, v27;
	v27 =	vld [tilespmem:$0x1FED0]  }
0x137: {  	v31 =	vmin.f32 v12, v52;
	v34 =	vmovc v19;
	v33 =	vmax.f32 v26, v53;
	v62 =	vmul.f32 v60, v59  }
0x138: {  	v26 =	vmax.f32 v45, v56;
	v47 =	vmul.f32 v39, v58;
	v39 =	vsub.f32 v31, v33;
	v19 =	vpop (erf)  }
0x139: {  	v60 =	vmin.f32 v13, v55;
	v48 =	vmul.f32 v62, v19;
	v62 =	vadd.f32 v51, v6  }
0x13a: {  	v50 =	vmax.f32 v50, $0.0e+00;
	v31 =	vadd.f32 v51, v16;
	v57 =	vsub.f32 v60, v61  }
0x13b: {  	v13 =	vmovc v45;
	v45 =	vld [tilespmem:$0x1FAF0];
	v19 =	vmax.f32 v2, v53;
	(erf) = vrcp.f32 v62;
	v17 =	vmin.f32 v27, v52  }
0x13c: {  	v1 =	vmax.f32 v39, $0.0e+00;
	v49 =	vmax.f32 v38, $0.0e+00;
	v39 =	vsub.f32 v17, v19  }
0x13d: {  	v60 =	vsub.f32 v21, v26;
	v49 =	vmul.f32 v49, v50  }
0x13e: {  	v5 =	vmax.f32 v57, $0.0e+00;
	v33 =	vpop (erf);
	v51 =	vadd.f32 v51, v43;
	(erf) = vrcp.f32 v31  }
0x13f: {  	v62 =	vmul.f32 v49, v33;
	v33 =	vmin.f32 v35, v55;
	v17 =	vpop (erf);
	v19 =	vmax.f32 v39, $0.0e+00  }
0x140: {  	(erf) = vrcp.f32 v51;
	v51 =	vmax.f32 v45, v48;
	v48 =	vld [tilespmem:$0x1FB00];
	v39 =	vmovc v35;
	v35 =	vmax.f32 v44, v56  }
0x141: {  	v26 =	vmin.f32 v8, v52;
	v50 =	vmul.f32 v5, v1;
	v43 =	vsub.f32 v33, v35;
	v33 =	vld [tilespmem:$0x1FDF0]  }
0x142: {  	v3 =	vmax.f32 v3, v47;
	v21 =	vmax.f32 v60, $0.0e+00;
	v31 =	vmax.f32 v29, v53  }
0x143: {  	v54 =	vsub.f32 v26, v31;
	v49 =	vmul.f32 v50, v17;
	v50 =	vmul.f32 v21, v19  }
0x144: {  	v38 =	vmov v16;
	v16 =	vmin.f32 v18, v55;
	v18 =	vmax.f32 v30, v56;
	v59 =	vpop (erf)  }
0x145: {  	v20 =	vmovc v15;
	v60 =	vmax.f32 v54, $0.0e+00;
	v58 =	vmax.f32 v46, v49;
	v45 =	vmul.f32 v50, v59  }
0x146: {  	v15 =	vld [tilespmem:$0x1FC80];
	v5 =	vmovc v8;
	v47 =	vmax.f32 v48, v62;
	v62 =	vmin.f32 v23, v52;
	v8 =	vmax.f32 v33, v53  }
0x147: {  	v30 =	vld [tilespmem:$0x1FF80];
	v49 =	vsub.f32 v16, v18;
	v61 =	vmax.f32 v43, $0.0e+00;
	v48 =	vsub.f32 v62, v8  }
0x148: {  	v1 =	vmov v23;
	v16 =	vld [tilespmem:$0x1FD30];
	v46 =	vmul.f32 v61, v60  }
0x149: {  	v19 =	vpop (erf);
	v26 =	vmax.f32 v24, v45;
	v24 =	vld [tilespmem:$0x1FC70];
	v23 =	vmax.f32 v49, $0.0e+00;
	v21 =	vmax.f32 v48, $0.0e+00  }
0x14a: {  	v45 =	vmul.f32 v46, v19;
	v19 =	vld [tilespmem:$0x1FB90];
	v46 =	vmul.f32 v23, v21  }
0x14b: {  	v17 =	vmov v44;
	v44 =	vpop (erf);
	v8 =	vld [tilespmem:$0x1FE00]  }
0x14c: {  	v61 =	vmax.f32 v9, v45;
	v45 =	vmul.f32 v46, v44;
	v44 =	vld [tilespmem:$0x1FF00];
	_ =	sdelay $0x1  }
0x14d: {  	v35 =	vld [tilespmem:$0x1FD80];
	v50 =	vbroadcast v24, $0x4  }
0x14e: {  	v57 =	vbroadcast v16, $0x4;
	v54 =	vbroadcast v19, $0x4  }
0x14f: {  	v52 =	vbroadcast v0, $0x4;
	v49 =	vbroadcast v15, $0x4;
	v31 =	vadd.f32 v50, v30  }
0x150: {  	v23 =	vadd.f32 v50, v28;
	v21 =	vmax.f32 v8, v57;
	v18 =	vmin.f32 v44, v54  }
0x151: {  	(erf) = vrcp.f32 v31;
	v48 =	vsub.f32 v18, v21;
	v21 =	vld [tilespmem:$0x1FE10]  }
0x152: {  	v43 =	vmin.f32 v37, v52;
	v60 =	vmax.f32 v35, v49;
	(erf) = vrcp.f32 v23  }
0x153: {  	v12 =	vmov v2;
	v2 =	vsub.f32 v43, v60  }
0x154: {  	v43 =	vmin.f32 v25, v52;
	v60 =	vmax.f32 v22, v49  }
0x155: {  	[tilespmem:$0x1FB40] =	vst v61;
	v61 =	vsub.f32 v43, v60;
	v46 =	vmax.f32 v2, $0.0e+00  }
0x156: {  	v62 =	vmovc v0;
	v0 =	vmin.f32 v63, v54;
	v48 =	vmax.f32 v48, $0.0e+00;
	v2 =	vmax.f32 v21, v57  }
0x157: {  	v59 =	vld [tilespmem:$0x1FB10];
	v31 =	vadd.f32 v50, v20;
	v46 =	vmul.f32 v48, v46;
	v48 =	vsub.f32 v0, v2  }
0x158: {  	v9 =	vmin.f32 v40, v52  }
0x159: {  	v55 =	vmax.f32 v61, $0.0e+00;
	(erf) = vrcp.f32 v31;
	v48 =	vmax.f32 v48, $0.0e+00  }
0x15a: {  	v23 =	vmin.f32 v41, v54;
	v18 =	vmax.f32 v36, v49;
	v41 =	vpop (erf);
	v48 =	vmul.f32 v48, v55  }
0x15b: {  	v31 =	vmov v40;
	v40 =	vmax.f32 v42, v57;
	v53 =	vsub.f32 v9, v18;
	v9 =	vpop (erf)  }
0x15c: {  	v43 =	vsub.f32 v23, v40;
	v0 =	vmax.f32 v59, v45;
	v48 =	vmul.f32 v48, v9  }
0x15d: {  	v23 =	vmax.f32 v11, v57;
	[tilespmem:$0x1FB50] =	vst v0;
	v0 =	vadd.f32 v50, v34  }
0x15e: {  	v20 =	vmovc v63;
	v63 =	vmax.f32 v43, $0.0e+00;
	v61 =	vmax.f32 v53, $0.0e+00;
	v45 =	vmovc v11;
	v11 =	vmax.f32 v3, v48  }
0x15f: {  	v53 =	vmul.f32 v63, v61;
	v61 =	vadd.f32 v50, v7;
	(erf) = vrcp.f32 v0;
	[tilespmem:$0x1FB60] =	vst v11;
	v11 =	vld [tilespmem:$0x1FDC0]  }
0x160: {  	v56 =	vmin.f32 v4, v52;
	v18 =	vmin.f32 v10, v54;
	v43 =	vmovc v34;
	v63 =	vadd.f32 v50, v6;
	v34 =	vld [tilespmem:$0x1FB20]  }
0x161: {  	v2 =	vmul.f32 v46, v41;
	v41 =	vmovc v4;
	v4 =	vmax.f32 v32, v49;
	(erf) = vrcp.f32 v61;
	v9 =	vld [tilespmem:$0x1FEC0]  }
0x162: {  	v60 =	vsub.f32 v18, v23;
	v40 =	vpop (erf);
	v4 =	vsub.f32 v56, v4;
	(erf) = vrcp.f32 v63;
	v63 =	vld [tilespmem:$0x1FF40]  }
0x163: {  	v56 =	vadd.f32 v50, v38;
	v38 =	vmax.f32 v13, v57  }
0x164: {  	v4 =	vmax.f32 v4, $0.0e+00;
	v55 =	vmax.f32 v60, $0.0e+00;
	v23 =	vmax.f32 v11, v49  }
0x165: {  	v46 =	vmax.f32 v34, v2;
	v2 =	vmul.f32 v53, v40;
	v40 =	vmax.f32 v14, v57  }
0x166: {  	v61 =	vmin.f32 v5, v52;
	v3 =	vmul.f32 v55, v4;
	v18 =	vmin.f32 v9, v52  }
0x167: {  	v34 =	vmin.f32 v63, v54;
	v4 =	vsub.f32 v18, v23;
	v18 =	vmax.f32 v12, v49;
	v23 =	vmovc v12;
	v12 =	vld [tilespmem:$0x1FF50]  }
0x168: {  	v5 =	vmax.f32 v29, v49;
	v48 =	vmin.f32 v27, v52;
	v53 =	vsub.f32 v34, v40;
	v40 =	vpop (erf)  }
0x169: {  	v0 =	vmovc v13;
	v13 =	vld [tilespmem:$0x1FF70];
	v52 =	vmin.f32 v1, v52;
	(erf) = vrcp.f32 v56;
	v3 =	vmul.f32 v3, v40  }
0x16a: {  	[tilespmem:$0x1FB30] =	vst v58;
	v53 =	vmax.f32 v53, $0.0e+00;
	v49 =	vmax.f32 v33, v49;
	v55 =	vsub.f32 v48, v18  }
0x16b: {  	v58 =	vld [tilespmem:$0x1FB30];
	v29 =	vmax.f32 v47, v3;
	v49 =	vsub.f32 v52, v49;
	v4 =	vmax.f32 v4, $0.0e+00  }
0x16c: {  	v3 =	vld [tilespmem:$0x1FE70];
	v4 =	vmul.f32 v53, v4;
	v59 =	vmax.f32 v55, $0.0e+00;
	v34 =	vmin.f32 v12, v54  }
0x16d: {  	v48 =	vsub.f32 v34, v38;
	v34 =	vmin.f32 v39, v54;
	v38 =	vmax.f32 v17, v57  }
0x16e: {  	v18 =	vpop (erf);
	v55 =	vsub.f32 v61, v5;
	v61 =	vmin.f32 v13, v54;
	v40 =	vsub.f32 v34, v38  }
0x16f: {  	v4 =	vmul.f32 v4, v18;
	v60 =	vmax.f32 v48, $0.0e+00;
	v48 =	vmax.f32 v51, v2;
	v2 =	vld [tilespmem:$0x1FFF0]  }
0x170: {  	v56 =	vmax.f32 v55, $0.0e+00;
	v53 =	vmul.f32 v60, v59;
	v51 =	vmax.f32 v40, $0.0e+00  }
0x171: {  	v33 =	vmax.f32 v3, v57;
	v18 =	vmax.f32 v58, v4;
	v39 =	vpop (erf);
	v59 =	vmul.f32 v51, v56  }
0x172: {  	v4 =	vmax.f32 v49, $0.0e+00;
	v51 =	vbroadcast v24, $0x5;
	v47 =	vmul.f32 v53, v39  }
0x173: {  	v49 =	vsub.f32 v61, v33;
	v54 =	vbroadcast v19, $0x5;
	v57 =	vbroadcast v16, $0x5;
	v60 =	vpop (erf)  }
0x174: {  	v47 =	vmax.f32 v26, v47;
	v50 =	vadd.f32 v50, v2;
	v26 =	vmovc v24;
	v24 =	vadd.f32 v51, v30  }
0x175: {  	v33 =	vmin.f32 v20, v54;
	v53 =	vbroadcast v15, $0x5;
	v1 =	vmul.f32 v59, v60  }
0x176: {  	v38 =	vmovc v30;
	v30 =	vadd.f32 v51, v28;
	(erf) = vrcp.f32 v50;
	v50 =	vbroadcast v62, $0x5  }
0x177: {  	v34 =	vmovc v19;
	v19 =	vmovc v35;
	v61 =	vmax.f32 v35, v53;
	v35 =	vmax.f32 v21, v57;
	(erf) = vrcp.f32 v24  }
0x178: {  	v24 =	vmovc v37;
	v60 =	vmin.f32 v37, v50;
	v37 =	vmax.f32 v49, $0.0e+00;
	v49 =	vsub.f32 v33, v35  }
0x179: {  	(erf) = vrcp.f32 v30;
	v52 =	vsub.f32 v60, v61;
	v60 =	vld [tilespmem:$0x1FB40]  }
0x17a: {  	v17 =	vmov v62;
	v5 =	vmax.f32 v8, v57;
	v62 =	vmin.f32 v44, v54  }
0x17b: {  	v39 =	vmovc v16;
	v55 =	vsub.f32 v62, v5;
	v16 =	vmin.f32 v25, v50;
	v30 =	vmax.f32 v22, v53  }
0x17c: {  	v56 =	vsub.f32 v16, v30;
	v30 =	vmin.f32 v31, v50;
	v21 =	vmax.f32 v49, $0.0e+00;
	v49 =	vmovc v31;
	v31 =	vld [tilespmem:$0x1FFA0]  }
0x17d: {  	v35 =	vmax.f32 v36, v53  }
0x17e: {  	v28 =	vmovc v25;
	v16 =	vmax.f32 v55, $0.0e+00;
	v62 =	vmax.f32 v52, $0.0e+00;
	v1 =	vmax.f32 v60, v1  }
0x17f: {  	v20 =	vmax.f32 v56, $0.0e+00;
	[tilespmem:$0x1FB70] =	vst v1;
	v1 =	vmul.f32 v37, v4;
	v25 =	vpop (erf);
	v4 =	vmul.f32 v16, v62;
	v37 =	vld [tilespmem:$0x1FF20]  }
0x180: {  	v52 =	vsub.f32 v30, v35;
	v35 =	vadd.f32 v51, v43;
	v30 =	vmin.f32 v10, v54;
	v33 =	vpop (erf)  }
0x181: {  	v5 =	vmul.f32 v21, v20;
	v4 =	vmul.f32 v4, v33;
	v33 =	vadd.f32 v51, v31  }
0x182: {  	v20 =	vmax.f32 v42, v57;
	v52 =	vmax.f32 v52, $0.0e+00;
	v1 =	vmul.f32 v1, v25;
	v21 =	vpop (erf)  }
0x183: {  	v5 =	vmul.f32 v5, v21;
	v21 =	vadd.f32 v51, v7;
	(erf) = vrcp.f32 v33  }
0x184: {  	v16 =	vmovc v36;
	v33 =	vmax.f32 v45, v57;
	v36 =	vmin.f32 v37, v54;
	(erf) = vrcp.f32 v35  }
0x185: {  	v35 =	vadd.f32 v51, v6;
	v25 =	vsub.f32 v36, v20;
	v20 =	vmin.f32 v41, v50  }
0x186: {  	(erf) = vrcp.f32 v21;
	v41 =	vsub.f32 v30, v33;
	v21 =	vmax.f32 v14, v57  }
0x187: {  	v30 =	vmin.f32 v27, v50;
	v56 =	vmax.f32 v25, $0.0e+00;
	v25 =	vmax.f32 v32, v53  }
0x188: {  	(erf) = vrcp.f32 v35;
	v36 =	vmovc v7;
	v7 =	vmovc v45;
	v45 =	vmin.f32 v9, v50;
	v55 =	vsub.f32 v20, v25  }
0x189: {  	v40 =	vmovc v15;
	v15 =	vmovc v9;
	v9 =	vmax.f32 v11, v53;
	v52 =	vmul.f32 v56, v52;
	v56 =	vmax.f32 v41, $0.0e+00  }
0x18a: {  	v58 =	vsub.f32 v45, v9;
	v20 =	vmin.f32 v63, v54;
	v55 =	vmax.f32 v55, $0.0e+00  }
0x18b: {  	v41 =	vmax.f32 v23, v53;
	v55 =	vmul.f32 v56, v55;
	v56 =	vsub.f32 v20, v21  }
0x18c: {  	v0 =	vmax.f32 v0, v57;
	v45 =	vmin.f32 v12, v54;
	v59 =	vsub.f32 v30, v41;
	v25 =	vmovc v11  }
0x18d: {  	v14 =	vld [tilespmem:$0x1FE60];
	v58 =	vmax.f32 v58, $0.0e+00;
	v11 =	vsub.f32 v45, v0;
	v9 =	vpop (erf);
	v56 =	vmax.f32 v56, $0.0e+00  }
0x18e: {  	v20 =	vld [tilespmem:$0x1FB50];
	v30 =	vmax.f32 v59, $0.0e+00;
	v23 =	vpop (erf);
	v56 =	vmul.f32 v56, v58  }
0x18f: {  	v35 =	vmax.f32 v11, $0.0e+00;
	v21 =	vmul.f32 v52, v9;
	v9 =	vld [tilespmem:$0x1FB60];
	v52 =	vmul.f32 v55, v23;
	v27 =	vpop (erf)  }
0x190: {  	v59 =	vmul.f32 v35, v30;
	v30 =	vld [tilespmem:$0x1FEE0];
	v41 =	vmul.f32 v56, v27  }
0x191: {  	v11 =	vmax.f32 v29, v52;
	v29 =	vld [tilespmem:$0x1FDE0]  }
0x192: {  	v45 =	vmax.f32 v48, v21;
	v21 =	vmax.f32 v18, v41;
	v18 =	vld [tilespmem:$0x1FFE0]  }
0x193: {  	v4 =	vmax.f32 v46, v4;
	v55 =	vbroadcast v26, $0x6  }
0x194: {  	v60 =	vmax.f32 v14, v57;
	v58 =	vbroadcast v39, $0x6;
	v1 =	vmax.f32 v20, v1;
	v20 =	vpop (erf);
	[tilespmem:$0x1FB80] =	vst v11;
	v11 =	vld [tilespmem:$0x1FDF0]  }
0x195: {  	v61 =	vadd.f32 v55, v38;
	v0 =	vmul.f32 v59, v20;
	v63 =	vmax.f32 v9, v5;
	v5 =	vmovc v26;
	v26 =	vld [tilespmem:$0x1FF60]  }
0x196: {  	v23 =	vmin.f32 v30, v50;
	v9 =	vmin.f32 v13, v54;
	[tilespmem:$0x1FBA0] =	vst v21;
	v21 =	vmax.f32 v3, v57  }
0x197: {  	v57 =	vbroadcast v34, $0x6;
	v27 =	vmax.f32 v29, v53;
	v35 =	vadd.f32 v51, v18  }
0x198: {  	v0 =	vmax.f32 v47, v0;
	v46 =	vsub.f32 v23, v27;
	v27 =	vld [tilespmem:$0x1FEF0];
	v51 =	vadd.f32 v51, v2  }
0x199: {  	v34 =	vsub.f32 v9, v21;
	v62 =	vmax.f32 v11, v53;
	(erf) = vrcp.f32 v35  }
0x19a: {  	v53 =	vbroadcast v17, $0x6;
	v41 =	vmin.f32 v26, v54;
	(erf) = vrcp.f32 v51  }
0x19b: {  	v33 =	vmovc v12;
	v12 =	vmovc v2;
	v54 =	vbroadcast v40, $0x6;
	v46 =	vmax.f32 v46, $0.0e+00;
	v48 =	vsub.f32 v41, v60  }
0x19c: {  	v2 =	vmovc v39;
	v39 =	vmin.f32 v24, v53;
	v41 =	vmin.f32 v44, v57;
	v44 =	vmax.f32 v8, v58  }
0x19d: {  	v35 =	vmovc v38;
	v50 =	vmin.f32 v27, v50;
	(erf) = vrcp.f32 v61;
	v38 =	vmovc v40;
	v40 =	vmax.f32 v19, v54  }
0x19e: {  	v48 =	vmax.f32 v48, $0.0e+00;
	v50 =	vsub.f32 v50, v62;
	v52 =	vsub.f32 v39, v40  }
0x19f: {  	v62 =	vsub.f32 v41, v44;
	v39 =	vmin.f32 v28, v53;
	v40 =	vmax.f32 v22, v54  }
0x1a0: {  	v20 =	vmovc v24;
	v13 =	vmovc v3;
	v9 =	vmax.f32 v34, $0.0e+00;
	v46 =	vmul.f32 v48, v46;
	v60 =	vsub.f32 v39, v40;
	v40 =	vld [tilespmem:$0x1FF90]  }
0x1a1: {  	v21 =	vmovc v19;
	v28 =	vmovc v22;
	v22 =	vld [tilespmem:$0x1FE10];
	v3 =	vmax.f32 v50, $0.0e+00;
	v19 =	vmax.f32 v52, $0.0e+00;
	v24 =	vmax.f32 v62, $0.0e+00  }
0x1a2: {  	v23 =	vmov v17;
	v48 =	vmul.f32 v9, v3;
	v50 =	vmul.f32 v24, v19;
	v19 =	vld [tilespmem:$0x1FF10];
	v17 =	vpop (erf)  }
0x1a3: {  	v39 =	vmax.f32 v42, v58;
	v3 =	vadd.f32 v55, v31;
	v9 =	vmin.f32 v49, v53;
	v34 =	vpop (erf)  }
0x1a4: {  	v24 =	vmax.f32 v16, v54;
	v31 =	vadd.f32 v55, v43;
	v48 =	vmul.f32 v48, v34;
	v34 =	vld [tilespmem:$0x1FB70]  }
0x1a5: {  	v51 =	vmax.f32 v60, $0.0e+00;
	v56 =	vsub.f32 v9, v24;
	v61 =	vadd.f32 v55, v40  }
0x1a6: {  	[tilespmem:$0x1FBB0] =	vst v0;
	v24 =	vadd.f32 v55, v36;
	v0 =	vmax.f32 v22, v58;
	v46 =	vmul.f32 v46, v17;
	v41 =	vpop (erf)  }
0x1a7: {  	v62 =	vmin.f32 v19, v57;
	(erf) = vrcp.f32 v61;
	v50 =	vmul.f32 v50, v41  }
0x1a8: {  	v52 =	vsub.f32 v62, v0;
	(erf) = vrcp.f32 v3;
	v41 =	vmovc v37;
	v37 =	vmin.f32 v37, v57  }
0x1a9: {  	v0 =	vmin.f32 v10, v57;
	v3 =	vmax.f32 v7, v58;
	v46 =	vmax.f32 v34, v46;
	v34 =	vld [tilespmem:$0x1FEB0]  }
0x1aa: {  	(erf) = vrcp.f32 v31;
	v47 =	vsub.f32 v37, v39;
	v52 =	vmax.f32 v52, $0.0e+00  }
0x1ab: {  	v17 =	vmovc v49;
	v37 =	vsub.f32 v0, v3;
	v49 =	vmul.f32 v52, v51;
	v51 =	vmax.f32 v56, $0.0e+00  }
0x1ac: {  	v9 =	vmovc v36;
	v36 =	vmax.f32 v47, $0.0e+00;
	v47 =	vmax.f32 v1, v48;
	v48 =	vmin.f32 v15, v53;
	v0 =	vmovc v15;
	v15 =	vld [tilespmem:$0x1FE40]  }
0x1ad: {  	v1 =	vmul.f32 v36, v51;
	v36 =	vld [tilespmem:$0x1FF40]  }
0x1ae: {  	v44 =	vmax.f32 v32, v54;
	v43 =	vmin.f32 v34, v53  }
0x1af: {  	v52 =	vsub.f32 v43, v44  }
0x1b0: {  	v3 =	vmin.f32 v33, v57  }
0x1b1: {  	v31 =	vmovc v7;
	v7 =	vmovc v25;
	(erf) = vrcp.f32 v24;
	v43 =	vmax.f32 v37, $0.0e+00;
	v39 =	vmax.f32 v52, $0.0e+00  }
0x1b2: {  	v60 =	vld [tilespmem:$0x1FB80];
	v44 =	vpop (erf);
	v51 =	vmul.f32 v43, v39;
	v39 =	vmin.f32 v36, v57;
	v43 =	vmax.f32 v15, v58  }
0x1b3: {  	v24 =	vmax.f32 v25, v54;
	v62 =	vmax.f32 v4, v50;
	v25 =	vpop (erf);
	v61 =	vsub.f32 v39, v43;
	v39 =	vld [tilespmem:$0x1FDD0]  }
0x1b4: {  	v48 =	vsub.f32 v48, v24;
	v24 =	vmax.f32 v29, v54;
	v49 =	vmul.f32 v49, v44;
	v44 =	vpop (erf);
	v43 =	vld [tilespmem:$0x1FE50]  }
0x1b5: {  	v52 =	vadd.f32 v55, v6;
	v1 =	vmul.f32 v1, v25;
	v4 =	vmul.f32 v51, v44;
	v44 =	vld [tilespmem:$0x1FED0]  }
0x1b6: {  	v50 =	vmax.f32 v48, $0.0e+00;
	v25 =	vmovc v33;
	v33 =	vmax.f32 v14, v58;
	v48 =	vmax.f32 v63, v49  }
0x1b7: {  	(erf) = vrcp.f32 v52;
	v1 =	vmax.f32 v45, v1;
	v51 =	vmax.f32 v61, $0.0e+00  }
0x1b8: {  	v45 =	vmin.f32 v27, v53;
	[tilespmem:$0x1FBD0] =	vst v1;
	v50 =	vmul.f32 v51, v50;
	v1 =	vmax.f32 v60, v4  }
0x1b9: {  	[tilespmem:$0x1FBE0] =	vst v1;
	v1 =	vmin.f32 v30, v53;
	v56 =	vmax.f32 v39, v54;
	v37 =	vmax.f32 v43, v58  }
0x1ba: {  	v49 =	vsub.f32 v1, v24;
	v52 =	vmin.f32 v44, v53;
	v59 =	vsub.f32 v3, v37  }
0x1bb: {  	v61 =	vpop (erf);
	v30 =	vmin.f32 v26, v57;
	v37 =	vadd.f32 v55, v18;
	v56 =	vsub.f32 v52, v56  }
0x1bc: {  	v1 =	vld [tilespmem:$0x1FB90];
	v3 =	vmul.f32 v50, v61;
	v50 =	vsub.f32 v30, v33;
	v53 =	vbroadcast v23, $0x7  }
0x1bd: {  	[tilespmem:$0x1FBC0] =	vst v62;
	v33 =	vld [tilespmem:$0x1FF70];
	v63 =	vmax.f32 v59, $0.0e+00;
	(erf) = vrcp.f32 v37;
	v62 =	vmax.f32 v56, $0.0e+00  }
0x1be: {  	v60 =	vadd.f32 v55, v12;
	v24 =	vmovc v2;
	v56 =	vbroadcast v38, $0x7;
	v4 =	vmul.f32 v63, v62  }
0x1bf: {  	v37 =	vmovc v38;
	v63 =	vmax.f32 v13, v58;
	v58 =	vbroadcast v2, $0x7;
	v2 =	vmin.f32 v20, v53;
	v38 =	vmovc v20;
	v20 =	vld [tilespmem:$0x1FF00]  }
0x1c0: {  	v59 =	vmax.f32 v11, v54;
	v54 =	vbroadcast v5, $0x7  }
0x1c1: {  	v49 =	vmax.f32 v49, $0.0e+00;
	v29 =	vpop (erf);
	v52 =	vsub.f32 v45, v59;
	(erf) = vrcp.f32 v60  }
0x1c2: {  	v18 =	vmovc v12;
	v61 =	vadd.f32 v54, v35;
	v62 =	vmin.f32 v33, v57;
	v57 =	vbroadcast v1, $0x7  }
0x1c3: {  	v12 =	vmovc v23;
	v5 =	vmax.f32 v21, v56;
	v4 =	vmul.f32 v4, v29;
	v51 =	vsub.f32 v62, v63;
	v62 =	vld [tilespmem:$0x1FBA0]  }
0x1c4: {  	v30 =	vmovc v11;
	(erf) = vrcp.f32 v61;
	v23 =	vmax.f32 v8, v58;
	v29 =	vmovc v8;
	v8 =	vld [tilespmem:$0x1FE90];
	v11 =	vmin.f32 v20, v57  }
0x1c5: {  	v50 =	vmax.f32 v50, $0.0e+00;
	v55 =	vsub.f32 v2, v5;
	v59 =	vsub.f32 v11, v23  }
0x1c6: {  	v45 =	vmul.f32 v50, v49;
	v35 =	vadd.f32 v54, v40;
	v52 =	vmax.f32 v52, $0.0e+00  }
0x1c7: {  	v26 =	vmovc v14;
	v14 =	vld [tilespmem:$0x1FFA0];
	v5 =	vmax.f32 v28, v56;
	v63 =	vmax.f32 v55, $0.0e+00;
	v2 =	vmax.f32 v59, $0.0e+00  }
0x1c8: {  	(erf) = vrcp.f32 v35;
	v35 =	vmax.f32 v22, v58;
	v50 =	vmul.f32 v2, v63;
	v63 =	vld [tilespmem:$0x1FBB0]  }
0x1c9: {  	v51 =	vmax.f32 v51, $0.0e+00;
	v11 =	vmax.f32 v62, v3;
	v3 =	vmin.f32 v8, v53  }
0x1ca: {  	v49 =	vmul.f32 v51, v52;
	v23 =	vmin.f32 v19, v57;
	v51 =	vsub.f32 v3, v5  }
0x1cb: {  	v52 =	vpop (erf);
	v5 =	vsub.f32 v23, v35  }
0x1cc: {  	v55 =	vadd.f32 v54, v14;
	v59 =	vpop (erf);
	v23 =	vmax.f32 v51, $0.0e+00  }
0x1cd: {  	v35 =	vmax.f32 v5, $0.0e+00;
	v3 =	vpop (erf);
	v2 =	vmax.f32 v63, v4;
	v4 =	vmul.f32 v45, v52  }
0x1ce: {  	v60 =	vmin.f32 v17, v53;
	v45 =	vmul.f32 v50, v3;
	v50 =	vmul.f32 v35, v23;
	v35 =	vld [tilespmem:$0x1FFB0]  }
0x1cf: {  	v61 =	vmax.f32 v16, v56;
	v62 =	vmin.f32 v41, v57;
	(erf) = vrcp.f32 v55  }
0x1d0: {  	v49 =	vmul.f32 v49, v59;
	v5 =	vmovc v17;
	v17 =	vmin.f32 v34, v53;
	v63 =	vmax.f32 v42, v58  }
0x1d1: {  	v52 =	vsub.f32 v60, v61;
	v23 =	vmax.f32 v32, v56;
	v51 =	vsub.f32 v62, v63  }
0x1d2: {  	v3 =	vmov v42;
	v42 =	vpop (erf);
	v17 =	vsub.f32 v17, v23;
	v23 =	vadd.f32 v54, v9  }
0x1d3: {  	[tilespmem:$0x1FBF0] =	vst v2;
	v50 =	vmul.f32 v50, v42;
	v52 =	vmax.f32 v52, $0.0e+00;
	v2 =	vmovc v41;
	v41 =	vadd.f32 v54, v35  }
0x1d4: {  	v42 =	vmax.f32 v31, v58;
	v4 =	vmax.f32 v46, v4;
	v51 =	vmax.f32 v51, $0.0e+00  }
0x1d5: {  	v55 =	vmax.f32 v17, $0.0e+00;
	v17 =	vadd.f32 v54, v6;
	(erf) = vrcp.f32 v41  }
0x1d6: {  	v46 =	vmul.f32 v51, v52;
	v41 =	vmin.f32 v10, v57;
	(erf) = vrcp.f32 v23  }
0x1d7: {  	v59 =	vsub.f32 v41, v42;
	v23 =	vmin.f32 v0, v53;
	(erf) = vrcp.f32 v17  }
0x1d8: {  	v41 =	vmax.f32 v7, v56;
	v42 =	vmin.f32 v36, v57;
	v0 =	vmax.f32 v15, v58  }
0x1d9: {  	v10 =	vmin.f32 v44, v53;
	v60 =	vsub.f32 v23, v41;
	v61 =	vsub.f32 v42, v0  }
0x1da: {  	v36 =	vmax.f32 v39, v56;
	v41 =	vmin.f32 v25, v57;
	v42 =	vmax.f32 v43, v58  }
0x1db: {  	v32 =	vmovc v9;
	v9 =	vmovc v6;
	v59 =	vmax.f32 v59, $0.0e+00;
	v6 =	vmax.f32 v60, $0.0e+00;
	v7 =	vmax.f32 v61, $0.0e+00  }
0x1dc: {  	v61 =	vld [tilespmem:$0x1FBD0];
	v52 =	vmul.f32 v7, v6;
	v6 =	vsub.f32 v10, v36;
	v10 =	vsub.f32 v41, v42  }
0x1dd: {  	v62 =	vld [tilespmem:$0x1FBE0];
	v17 =	vpop (erf);
	v51 =	vmul.f32 v59, v55  }
0x1de: {  	v0 =	vmov v43;
	v42 =	vmax.f32 v6, $0.0e+00;
	v43 =	vmax.f32 v10, $0.0e+00;
	v7 =	vpop (erf)  }
0x1df: {  	v46 =	vmul.f32 v46, v17;
	v60 =	vmul.f32 v43, v42;
	v41 =	vpop (erf)  }
0x1e0: {  	v17 =	vmul.f32 v51, v7;
	v51 =	vmul.f32 v52, v41;
	v7 =	vpop (erf)  }
0x1e1: {  	v23 =	vmov v25;
	v25 =	vmax.f32 v61, v46;
	v46 =	vmul.f32 v60, v7;
	v7 =	vld [tilespmem:$0x1FDE0]  }
0x1e2: {  	v6 =	vmax.f32 v62, v17;
	v63 =	vmax.f32 v11, v51;
	v11 =	vld [tilespmem:$0x1FEE0]  }
0x1e3: {  	[tilespmem:$0x1FC00] =	vst v6;
	v6 =	vld [tilespmem:$0x1FF60]  }
0x1e4: {  	v59 =	vld [tilespmem:$0x1FBC0];
	_ =	sdelay $0x1  }
0x1e5: {  	v47 =	vmax.f32 v47, v49;
	v36 =	vmax.f32 v48, v50  }
0x1e6: {  	v42 =	vmax.f32 v26, v58;
	v17 =	vmax.f32 v7, v56;
	v10 =	vmin.f32 v11, v53  }
0x1e7: {  	v43 =	vmin.f32 v27, v53;
	v41 =	vmin.f32 v6, v57;
	v48 =	vsub.f32 v10, v17;
	v10 =	vld [tilespmem:$0x1FFE0]  }
0x1e8: {  	v45 =	vmax.f32 v59, v45;
	v59 =	vmax.f32 v30, v56;
	v49 =	vsub.f32 v41, v42;
	v41 =	vld [tilespmem:$0x1FC70]  }
0x1e9: {  	v50 =	vsub.f32 v43, v59;
	v62 =	vmin.f32 v33, v57;
	[tilespmem:$0x1FC10] =	vst v63;
	v63 =	vmax.f32 v13, v58  }
0x1ea: {  	v51 =	vbroadcast v12, $0x8;
	v52 =	vsub.f32 v62, v63;
	v17 =	vmov v12;
	v12 =	vld [tilespmem:$0x1FF80]  }
0x1eb: {  	v55 =	vbroadcast v24, $0x8;
	v61 =	vadd.f32 v54, v18;
	v50 =	vmax.f32 v50, $0.0e+00  }
0x1ec: {  	v56 =	vbroadcast v37, $0x8;
	v52 =	vmax.f32 v52, $0.0e+00;
	v57 =	vbroadcast v1, $0x8  }
0x1ed: {  	v43 =	vmovc v1;
	v1 =	vmin.f32 v38, v51;
	v60 =	vadd.f32 v54, v10;
	v53 =	vbroadcast v41, $0x8  }
0x1ee: {  	v63 =	vmovc v24;
	v24 =	vmax.f32 v21, v56;
	v48 =	vmax.f32 v48, $0.0e+00;
	v49 =	vmax.f32 v49, $0.0e+00  }
0x1ef: {  	v48 =	vmul.f32 v49, v48;
	(erf) = vrcp.f32 v60;
	v54 =	vadd.f32 v53, v12  }
0x1f0: {  	v42 =	vmovc v37;
	v37 =	vmin.f32 v20, v57;
	v49 =	vmul.f32 v52, v50;
	(erf) = vrcp.f32 v61  }
0x1f1: {  	v59 =	vadd.f32 v53, v40;
	(erf) = vrcp.f32 v54;
	v54 =	vsub.f32 v1, v24  }
0x1f2: {  	v24 =	vmovc v20;
	v1 =	vmax.f32 v29, v55;
	v20 =	vmin.f32 v8, v51;
	v8 =	vmax.f32 v22, v55  }
0x1f3: {  	v58 =	vsub.f32 v37, v1;
	(erf) = vrcp.f32 v59;
	v37 =	vmax.f32 v28, v56;
	v28 =	vld [tilespmem:$0x1FBF0]  }
0x1f4: {  	v1 =	vmin.f32 v19, v57;
	v50 =	vmax.f32 v54, $0.0e+00;
	v54 =	vsub.f32 v20, v37  }
0x1f5: {  	v34 =	vmovc v15;
	v20 =	vsub.f32 v1, v8;
	v52 =	vmax.f32 v58, $0.0e+00;
	v58 =	vadd.f32 v53, v14  }
0x1f6: {  	v15 =	vmovc v32;
	v1 =	vmin.f32 v5, v51;
	v8 =	vmax.f32 v16, v56;
	v5 =	vadd.f32 v53, v35  }
0x1f7: {  	v40 =	vmovc v29;
	v29 =	vmovc v14;
	v50 =	vmul.f32 v52, v50;
	v61 =	vmax.f32 v54, $0.0e+00;
	v62 =	vmax.f32 v20, $0.0e+00  }
0x1f8: {  	v20 =	vmax.f32 v3, v55;
	v52 =	vsub.f32 v1, v8;
	v14 =	vmax.f32 v28, v46;
	v19 =	vpop (erf)  }
0x1f9: {  	v28 =	vmov v16;
	(erf) = vrcp.f32 v58;
	v37 =	vmul.f32 v48, v19;
	v58 =	vpop (erf)  }
0x1fa: {  	v16 =	vadd.f32 v53, v32;
	v32 =	vld [tilespmem:$0x1FDB0];
	(erf) = vrcp.f32 v5;
	v48 =	vmul.f32 v49, v58;
	v60 =	vpop (erf)  }
0x1fb: {  	v19 =	vmin.f32 v2, v57;
	v49 =	vmul.f32 v50, v60;
	v50 =	vmul.f32 v62, v61;
	v62 =	vld [tilespmem:$0x1FEB0]  }
0x1fc: {  	v1 =	vsub.f32 v19, v20;
	(erf) = vrcp.f32 v16;
	v16 =	vld [tilespmem:$0x1FF30]  }
0x1fd: {  	v2 =	vmax.f32 v52, $0.0e+00  }
0x1fe: {  	v4 =	vmax.f32 v4, v37;
	v48 =	vmax.f32 v47, v48;
	v3 =	vmax.f32 v1, $0.0e+00;
	v1 =	vld [tilespmem:$0x1FDC0]  }
0x1ff: {  	v20 =	vmax.f32 v32, v56;
	v37 =	vpop (erf);
	v46 =	vmax.f32 v45, v49;
	v47 =	vmul.f32 v3, v2  }
0x200: {  	v2 =	vmovc v9;
	v45 =	vmul.f32 v50, v37;
	v37 =	vadd.f32 v53, v9;
	v9 =	vld [tilespmem:$0x1FF40];
	v8 =	vmin.f32 v62, v51  }
0x201: {  	v60 =	vmax.f32 v31, v55;
	v59 =	vmin.f32 v16, v57;
	v49 =	vsub.f32 v8, v20;
	v8 =	vld [tilespmem:$0x1FEC0]  }
0x202: {  	(erf) = vrcp.f32 v37;
	v50 =	vsub.f32 v59, v60;
	v37 =	vmax.f32 v39, v56  }
0x203: {  	v39 =	vmin.f32 v23, v57;
	v60 =	vmax.f32 v36, v45;
	v19 =	vpop (erf);
	v3 =	vmax.f32 v1, v56  }
0x204: {  	v20 =	vmin.f32 v44, v51;
	v47 =	vmul.f32 v47, v19;
	v19 =	vmax.f32 v34, v55  }
0x205: {  	v50 =	vmax.f32 v50, $0.0e+00;
	v58 =	vsub.f32 v20, v37;
	v5 =	vmin.f32 v9, v57  }
0x206: {  	v49 =	vmax.f32 v49, $0.0e+00;
	v54 =	vsub.f32 v5, v19;
	v61 =	vmin.f32 v8, v51  }
0x207: {  	v49 =	vmul.f32 v50, v49;
	v52 =	vsub.f32 v61, v3;
	v3 =	vmax.f32 v0, v55  }
0x208: {  	[tilespmem:$0x1FC20] =	vst v60;
	v60 =	vmin.f32 v6, v57;
	v23 =	vpop (erf);
	v37 =	vmax.f32 v58, $0.0e+00;
	v5 =	vsub.f32 v39, v3  }
0x209: {  	v20 =	vmax.f32 v54, $0.0e+00;
	v49 =	vmul.f32 v49, v23;
	v23 =	vadd.f32 v53, v10  }
0x20a: {  	v61 =	vmax.f32 v25, v47;
	v25 =	vmin.f32 v11, v51;
	v39 =	vmax.f32 v5, $0.0e+00  }
0x20b: {  	v0 =	vbroadcast v41, $0x9;
	[tilespmem:$0x1FC30] =	vst v61;
	v61 =	vmax.f32 v26, v55;
	v19 =	vmax.f32 v52, $0.0e+00  }
0x20c: {  	v13 =	vmovc v7;
	(erf) = vrcp.f32 v23;
	v10 =	vsub.f32 v60, v61;
	v50 =	vmul.f32 v20, v19  }
0x20d: {  	v19 =	vmul.f32 v39, v37;
	v37 =	vmax.f32 v7, v56;
	v5 =	vpop (erf);
	v39 =	vmov v11;
	v11 =	vld [tilespmem:$0x1FC10]  }
0x20e: {  	v36 =	vmin.f32 v27, v51;
	v23 =	vmax.f32 v10, $0.0e+00;
	v7 =	vsub.f32 v25, v37;
	v20 =	vpop (erf)  }
0x20f: {  	v6 =	vld [tilespmem:$0x1FC00];
	v54 =	vbroadcast v42, $0x9;
	v60 =	vadd.f32 v0, v12;
	v47 =	vmul.f32 v19, v20  }
0x210: {  	v45 =	vmul.f32 v50, v5;
	v50 =	vbroadcast v17, $0x9;
	v20 =	vmax.f32 v7, $0.0e+00  }
0x211: {  	v25 =	vadd.f32 v53, v18;
	v19 =	vmax.f32 v14, v47;
	v47 =	vmul.f32 v23, v20;
	v23 =	vmovc v17;
	v17 =	vld [tilespmem:$0x1FE70]  }
0x212: {  	v7 =	vmin.f32 v38, v50;
	v37 =	vmax.f32 v11, v45;
	v11 =	vmax.f32 v21, v54  }
0x213: {  	v61 =	vmax.f32 v30, v56;
	(erf) = vrcp.f32 v25;
	v52 =	vsub.f32 v7, v11;
	v7 =	vld [tilespmem:$0x1FF90]  }
0x214: {  	v3 =	vmax.f32 v6, v49;
	v49 =	vsub.f32 v36, v61;
	(erf) = vrcp.f32 v60  }
0x215: {  	v56 =	vbroadcast v63, $0x9;
	v5 =	vmin.f32 v33, v57;
	v57 =	vmax.f32 v32, v54  }
0x216: {  	v53 =	vmin.f32 v62, v50;
	v10 =	vpop (erf);
	v6 =	vmax.f32 v17, v55;
	v55 =	vbroadcast v43, $0x9  }
0x217: {  	v49 =	vmax.f32 v49, $0.0e+00;
	v14 =	vmovc v40;
	[tilespmem:$0x1FC40] =	vst v19;
	v47 =	vmul.f32 v47, v10;
	v51 =	vsub.f32 v5, v6;
	v5 =	vld [tilespmem:$0x1FF10]  }
0x218: {  	v45 =	vmovc v27;
	v27 =	vmax.f32 v40, v56;
	v19 =	vmin.f32 v24, v55;
	v40 =	vadd.f32 v0, v7  }
0x219: {  	v11 =	vmax.f32 v22, v56;
	v47 =	vmax.f32 v4, v47;
	v36 =	vsub.f32 v19, v27;
	v19 =	vld [tilespmem:$0x1FD90]  }
0x21a: {  	v51 =	vmax.f32 v51, $0.0e+00;
	(erf) = vrcp.f32 v40;
	v40 =	vadd.f32 v0, v29  }
0x21b: {  	v20 =	vmovc v12;
	v12 =	vmovc v24;
	v58 =	vmax.f32 v52, $0.0e+00;
	v49 =	vmul.f32 v51, v49;
	v59 =	vmax.f32 v36, $0.0e+00;
	v36 =	vld [tilespmem:$0x1FE90]  }
0x21c: {  	v61 =	vpop (erf);
	v51 =	vmul.f32 v59, v58;
	v10 =	vmin.f32 v5, v55;
	(erf) = vrcp.f32 v40;
	v40 =	vld [tilespmem:$0x1FEA0]  }
0x21d: {  	v24 =	vpop (erf);
	v49 =	vmul.f32 v49, v61;
	v27 =	vsub.f32 v10, v11;
	v11 =	vmov v29;
	v29 =	vld [tilespmem:$0x1FE20]  }
0x21e: {  	v25 =	vmovc v63;
	v10 =	vadd.f32 v0, v35;
	v63 =	vmax.f32 v19, v54;
	v4 =	vmul.f32 v51, v24;
	v24 =	vld [tilespmem:$0x1FF20]  }
0x21f: {  	v53 =	vsub.f32 v53, v57;
	v59 =	vmax.f32 v28, v54;
	v49 =	vmax.f32 v48, v49  }
0x220: {  	(erf) = vrcp.f32 v10;
	v10 =	vmin.f32 v16, v55;
	v60 =	vmin.f32 v36, v50  }
0x221: {  	v6 =	vmax.f32 v27, $0.0e+00;
	v16 =	vmax.f32 v31, v56;
	v52 =	vsub.f32 v60, v63;
	v63 =	vmovc v35;
	v27 =	vmovc v28  }
0x222: {  	v28 =	vmovc v31;
	v35 =	vadd.f32 v0, v15;
	v31 =	vmax.f32 v34, v56;
	v58 =	vmin.f32 v40, v50  }
0x223: {  	v61 =	vmax.f32 v29, v56;
	v52 =	vmax.f32 v52, $0.0e+00;
	v60 =	vmin.f32 v24, v55  }
0x224: {  	v51 =	vsub.f32 v58, v59;
	v48 =	vmul.f32 v6, v52;
	v52 =	vsub.f32 v60, v61  }
0x225: {  	v6 =	vpop (erf);
	v60 =	vsub.f32 v10, v16;
	(erf) = vrcp.f32 v35;
	v61 =	vmax.f32 v53, $0.0e+00  }
0x226: {  	v53 =	vmin.f32 v8, v50;
	v10 =	vmin.f32 v9, v55;
	v51 =	vmax.f32 v51, $0.0e+00  }
0x227: {  	v35 =	vmovc v8;
	v8 =	vmax.f32 v1, v54;
	v48 =	vmul.f32 v48, v6;
	v52 =	vmax.f32 v52, $0.0e+00  }
0x228: {  	v62 =	vmax.f32 v60, $0.0e+00;
	v6 =	vmovc v1;
	v53 =	vsub.f32 v53, v8;
	v1 =	vmin.f32 v44, v50;
	v8 =	vld [tilespmem:$0x1FF50]  }
0x229: {  	v51 =	vmul.f32 v52, v51;
	v52 =	vmul.f32 v62, v61;
	v61 =	vsub.f32 v10, v31;
	v10 =	vmovc v44;
	v44 =	vld [tilespmem:$0x1FE50];
	_ =	sdelay $0x2  }
0x22a: {  	v57 =	vadd.f32 v0, v2;
	v16 =	vmov v2;
	v2 =	vpop (erf)  }
0x22b: {  	v4 =	vmax.f32 v46, v4;
	v34 =	vpop (erf);
	v46 =	vmul.f32 v51, v2  }
0x22c: {  	v15 =	vld [tilespmem:$0x1FDD0];
	v51 =	vmul.f32 v52, v34;
	v31 =	vmin.f32 v8, v55;
	v34 =	vmax.f32 v44, v56  }
0x22d: {  	v52 =	vmax.f32 v53, $0.0e+00;
	v53 =	vmax.f32 v61, $0.0e+00;
	v61 =	vsub.f32 v31, v34;
	v31 =	vld [tilespmem:$0x1FC30];
	_ =	sdelay $0x3  }
0x22e: {  	v62 =	vld [tilespmem:$0x1FC20];
	(erf) = vrcp.f32 v57;
	v2 =	vmax.f32 v15, v54  }
0x22f: {  	v52 =	vmul.f32 v53, v52;
	v53 =	vsub.f32 v1, v2;
	v1 =	vmax.f32 v31, v46  }
0x230: {  	[tilespmem:$0x1FC50] =	vst v1;
	v1 =	vld [tilespmem:$0x1FF60];
	_ =	sdelay $0x2  }
0x231: {  	v60 =	vmin.f32 v39, v50;
	v34 =	vmax.f32 v62, v48;
	v48 =	vmax.f32 v3, v51;
	v51 =	vpop (erf)  }
0x232: {  	v58 =	vmax.f32 v53, $0.0e+00;
	v2 =	vmul.f32 v52, v51;
	v59 =	vmax.f32 v61, $0.0e+00  }
0x233: {  	v61 =	vmax.f32 v13, v54;
	v31 =	vmovc v39;
	v39 =	vmax.f32 v26, v56;
	v62 =	vmin.f32 v1, v55  }
0x234: {  	v51 =	vmul.f32 v59, v58;
	v52 =	vsub.f32 v60, v61;
	v57 =	vsub.f32 v62, v39;
	v39 =	vld [tilespmem:$0x1FFE0]  }
0x235: {  	v50 =	vmin.f32 v45, v50;
	[tilespmem:$0x1FC60] =	vst v48;
	v48 =	vmax.f32 v37, v2;
	v59 =	vmax.f32 v30, v54;
	v46 =	vpop (erf)  }
0x236: {  	v2 =	vmul.f32 v51, v46;
	v51 =	vmax.f32 v52, $0.0e+00;
	v52 =	vbroadcast v41, $0xA  }
0x237: {  	v50 =	vsub.f32 v50, v59  }
0x238: {  	v61 =	vmin.f32 v33, v55;
	v60 =	vadd.f32 v52, v20  }
0x239: {  	v50 =	vmax.f32 v50, $0.0e+00;
	v37 =	vadd.f32 v52, v7;
	v58 =	vadd.f32 v0, v39  }
0x23a: {  	v55 =	vbroadcast v42, $0xA;
	v62 =	vmax.f32 v17, v56;
	v0 =	vadd.f32 v0, v18  }
0x23b: {  	v56 =	vbroadcast v43, $0xA;
	v53 =	vsub.f32 v61, v62;
	(erf) = vrcp.f32 v58  }
0x23c: {  	v3 =	vmax.f32 v57, $0.0e+00;
	v57 =	vbroadcast v25, $0xA;
	(erf) = vrcp.f32 v0  }
0x23d: {  	v20 =	vmax.f32 v21, v55;
	v0 =	vbroadcast v23, $0xA;
	(erf) = vrcp.f32 v60  }
0x23e: {  	v25 =	vmin.f32 v12, v56;
	v3 =	vmul.f32 v3, v51;
	v53 =	vmax.f32 v53, $0.0e+00  }
0x23f: {  	v42 =	vmovc v17;
	v33 =	vmax.f32 v14, v57;
	v50 =	vmul.f32 v53, v50;
	v17 =	vmin.f32 v38, v0  }
0x240: {  	v60 =	vsub.f32 v25, v33;
	v25 =	vmin.f32 v5, v56;
	v58 =	vsub.f32 v17, v20  }
0x241: {  	(erf) = vrcp.f32 v37;
	v36 =	vmin.f32 v36, v0;
	v37 =	vmax.f32 v19, v55  }
0x242: {  	v33 =	vmax.f32 v22, v57;
	v53 =	vsub.f32 v36, v37;
	v51 =	vmax.f32 v58, $0.0e+00  }
0x243: {  	v46 =	vmovc v7;
	v58 =	vsub.f32 v25, v33;
	v25 =	vmin.f32 v40, v0;
	v33 =	vmax.f32 v27, v55  }
0x244: {  	v62 =	vmax.f32 v60, $0.0e+00;
	v17 =	vmax.f32 v53, $0.0e+00;
	v53 =	vsub.f32 v25, v33;
	v25 =	vld [tilespmem:$0x1FF30];
	v7 =	vpop (erf)  }
0x245: {  	v41 =	vmov v18;
	v18 =	vmov v45;
	v51 =	vmul.f32 v62, v51;
	v45 =	vpop (erf)  }
0x246: {  	v37 =	vadd.f32 v52, v11;
	v3 =	vmul.f32 v3, v7;
	v36 =	vpop (erf);
	v7 =	vmul.f32 v50, v45  }
0x247: {  	v62 =	vld [tilespmem:$0x1FC40];
	v20 =	vmax.f32 v58, $0.0e+00;
	v11 =	vmul.f32 v51, v36  }
0x248: {  	(erf) = vrcp.f32 v37;
	v51 =	vmul.f32 v20, v17;
	v45 =	vmax.f32 v49, v7  }
0x249: {  	v20 =	vld [tilespmem:$0x1FEB0];
	v7 =	vmin.f32 v25, v56;
	v4 =	vmax.f32 v4, v11;
	v11 =	vmax.f32 v28, v57  }
0x24a: {  	v37 =	vmovc v27;
	v27 =	vmov v24;
	v36 =	vmin.f32 v24, v56;
	v24 =	vsub.f32 v7, v11;
	v11 =	vld [tilespmem:$0x1FFC0]  }
0x24b: {  	v19 =	vmov v5  }
0x24c: {  	v5 =	vmax.f32 v32, v55;
	v2 =	vmax.f32 v62, v2;
	v17 =	vmovc v40;
	v40 =	vmax.f32 v29, v57  }
0x24d: {  	v3 =	vmax.f32 v47, v3;
	v60 =	vsub.f32 v36, v40;
	v40 =	vmax.f32 v6, v55  }
0x24e: {  	v59 =	vpop (erf);
	v28 =	vadd.f32 v52, v63;
	v7 =	vadd.f32 v52, v16;
	v62 =	vmin.f32 v20, v0  }
0x24f: {  	v47 =	vmul.f32 v51, v59;
	v51 =	vsub.f32 v62, v5;
	v5 =	vadd.f32 v52, v11  }
0x250: {  	v36 =	vmin.f32 v35, v0;
	(erf) = vrcp.f32 v28  }
0x251: {  	v6 =	vsub.f32 v36, v40;
	v49 =	vmax.f32 v60, $0.0e+00;
	v40 =	vmovc v16;
	(erf) = vrcp.f32 v5  }
0x252: {  	v16 =	vmin.f32 v9, v56;
	v60 =	vpop (erf);
	(erf) = vrcp.f32 v7;
	v7 =	vmov v9;
	v9 =	vld [tilespmem:$0x1FE40];
	_ =	sdelay $0x1  }
0x253: {  	v1 =	vmin.f32 v1, v56;
	v61 =	vmax.f32 v53, $0.0e+00;
	v36 =	vmin.f32 v10, v0  }
0x254: {  	v33 =	vmovc v63;
	v63 =	vmovc v10;
	v10 =	vmin.f32 v8, v56;
	v49 =	vmul.f32 v49, v61;
	v53 =	vmax.f32 v6, $0.0e+00  }
0x255: {  	v28 =	vadd.f32 v52, v39;
	v39 =	vmax.f32 v15, v55;
	v50 =	vmax.f32 v24, $0.0e+00  }
0x256: {  	v58 =	vsub.f32 v36, v39;
	v39 =	vmax.f32 v13, v55;
	v24 =	vmax.f32 v9, v57  }
0x257: {  	(erf) = vrcp.f32 v28;
	v54 =	vsub.f32 v16, v24;
	v16 =	vmax.f32 v44, v57  }
0x258: {  	v24 =	vsub.f32 v10, v16;
	v10 =	vmax.f32 v34, v47;
	v34 =	vmin.f32 v31, v0  }
0x259: {  	v51 =	vmax.f32 v51, $0.0e+00;
	v5 =	vmovc v44;
	v44 =	vmovc v26;
	v16 =	vmax.f32 v26, v57;
	v31 =	vld [tilespmem:$0x1FC50];
	v26 =	vsub.f32 v34, v39  }
0x25a: {  	v49 =	vmul.f32 v49, v60;
	v47 =	vmul.f32 v50, v51;
	v54 =	vmax.f32 v54, $0.0e+00  }
0x25b: {  	v36 =	vpop (erf);
	v51 =	vmax.f32 v58, $0.0e+00;
	v50 =	vmul.f32 v54, v53;
	v28 =	vmax.f32 v24, $0.0e+00  }
0x25c: {  	v61 =	vld [tilespmem:$0x1FC60];
	v60 =	vmax.f32 v30, v55;
	v51 =	vmul.f32 v28, v51;
	v28 =	vsub.f32 v1, v16;
	v24 =	vpop (erf)  }
0x25d: {  	v58 =	vmax.f32 v26, $0.0e+00;
	v34 =	vmul.f32 v50, v24;
	v26 =	vmovc v30;
	v30 =	vmovc v42;
	v24 =	vmax.f32 v42, v57;
	v42 =	vld [tilespmem:$0x1FC80]  }
0x25e: {  	v15 =	vmax.f32 v31, v49;
	v39 =	vpop (erf);
	v59 =	vmax.f32 v28, $0.0e+00;
	v31 =	vld [tilespmem:$0x1FF70]  }
0x25f: {  	v50 =	vmul.f32 v51, v39;
	v51 =	vmul.f32 v59, v58  }
0x260: {  	v52 =	vadd.f32 v52, v41;
	v0 =	vmin.f32 v18, v0;
	v62 =	vpop (erf)  }
0x261: {  	v47 =	vmul.f32 v47, v36;
	v39 =	vmovc v41;
	v41 =	vld [tilespmem:$0x1FC70];
	v16 =	vmax.f32 v2, v50;
	v2 =	vmul.f32 v51, v62  }
0x262: {  	v12 =	vld [tilespmem:$0x1FF80];
	v0 =	vsub.f32 v0, v60;
	v51 =	vbroadcast v23, $0xB;
	v50 =	vbroadcast v42, $0xB  }
0x263: {  	v14 =	vld [tilespmem:$0x1FD30];
	v36 =	vmovc v18;
	v54 =	vmax.f32 v61, v47;
	v48 =	vmax.f32 v48, v34;
	v18 =	vmin.f32 v31, v56  }
0x264: {  	v34 =	vmin.f32 v38, v51;
	v47 =	vsub.f32 v18, v24;
	v18 =	vld [tilespmem:$0x1FE00];
	v60 =	vmax.f32 v21, v50  }
0x265: {  	v61 =	vsub.f32 v34, v60;
	v34 =	vld [tilespmem:$0x1FF00]  }
0x266: {  	v49 =	vbroadcast v41, $0xB  }
0x267: {  	v55 =	vbroadcast v43, $0xB  }
0x268: {  	(erf) = vrcp.f32 v52;
	v58 =	vbroadcast v14, $0xB;
	v28 =	vadd.f32 v49, v12  }
0x269: {  	v0 =	vmax.f32 v0, $0.0e+00;
	v47 =	vmax.f32 v47, $0.0e+00  }
0x26a: {  	(erf) = vrcp.f32 v28;
	v28 =	vmax.f32 v18, v58;
	v24 =	vmin.f32 v34, v55  }
0x26b: {  	v0 =	vmul.f32 v47, v0;
	v47 =	vsub.f32 v24, v28;
	v24 =	vld [tilespmem:$0x1FE90]  }
0x26c: {  	v28 =	vld [tilespmem:$0x1FD90]  }
0x26d: {  	v62 =	vmov v38;
	v38 =	vadd.f32 v49, v46  }
0x26e: {  	v57 =	vmin.f32 v19, v55  }
0x26f: {  	v52 =	vmax.f32 v61, $0.0e+00;
	(erf) = vrcp.f32 v38;
	v38 =	vmax.f32 v22, v58  }
0x270: {  	[tilespmem:$0x1FC90] =	vst v16;
	v38 =	vsub.f32 v57, v38;
	v16 =	vmax.f32 v47, $0.0e+00;
	v47 =	vmax.f32 v3, v2  }
0x271: {  	v1 =	vpop (erf);
	v2 =	vmul.f32 v16, v52;
	v16 =	vld [tilespmem:$0x1FFA0];
	v53 =	vmin.f32 v24, v51;
	v56 =	vmax.f32 v28, v50  }
0x272: {  	v0 =	vmul.f32 v0, v1;
	v1 =	vmax.f32 v38, $0.0e+00;
	v53 =	vsub.f32 v53, v56;
	_ =	sdelay $0x1  }
0x273: {  	v38 =	vmax.f32 v29, v58;
	v61 =	vmax.f32 v53, $0.0e+00  }
0x274: {  	v56 =	vmax.f32 v37, v50;
	v3 =	vmul.f32 v1, v61;
	v1 =	vmovc v37;
	v37 =	vmin.f32 v27, v55  }
0x275: {  	v53 =	vadd.f32 v49, v16;
	v37 =	vsub.f32 v37, v38;
	_ =	sdelay $0x1  }
0x276: {  	v57 =	vpop (erf);
	(erf) = vrcp.f32 v53;
	v53 =	vmax.f32 v37, $0.0e+00;
	v37 =	vld [tilespmem:$0x1FE30];
	_ =	sdelay $0x2  }
0x277: {  	v52 =	vmin.f32 v17, v51  }
0x278: {  	v2 =	vmul.f32 v2, v57;
	v52 =	vsub.f32 v52, v56;
	v38 =	vadd.f32 v49, v33  }
0x279: {  	v0 =	vmax.f32 v45, v0;
	v45 =	vadd.f32 v49, v11;
	v11 =	vmax.f32 v37, v58  }
0x27a: {  	v2 =	vmax.f32 v4, v2;
	v52 =	vmax.f32 v52, $0.0e+00  }
0x27b: {  	v59 =	vmin.f32 v20, v51;
	[tilespmem:$0x1FCA0] =	vst v2;
	v61 =	vmin.f32 v25, v55;
	v2 =	vmul.f32 v53, v52  }
0x27c: {  	(erf) = vrcp.f32 v38;
	v38 =	vmovc v20;
	v20 =	vadd.f32 v49, v40;
	v52 =	vsub.f32 v61, v11;
	v11 =	vmovc v40;
	v40 =	vld [tilespmem:$0x1FDC0]  }
0x27d: {  	v6 =	vmov v13;
	v60 =	vmax.f32 v32, v50  }
0x27e: {  	v13 =	vmov v17;
	v17 =	vmov v27;
	v4 =	vsub.f32 v59, v60;
	v27 =	vpop (erf)  }
0x27f: {  	v33 =	vmax.f32 v9, v58;
	v3 =	vmul.f32 v3, v27;
	v27 =	vmin.f32 v7, v55  }
0x280: {  	v9 =	vsub.f32 v27, v33;
	(erf) = vrcp.f32 v45  }
0x281: {  	v4 =	vmax.f32 v4, $0.0e+00;
	v45 =	vmovc v25;
	v53 =	vmin.f32 v35, v51;
	v25 =	vmax.f32 v40, v50  }
0x282: {  	v27 =	vmin.f32 v63, v51;
	v35 =	vpop (erf);
	v53 =	vsub.f32 v53, v25;
	v25 =	vmax.f32 v9, $0.0e+00  }
0x283: {  	v61 =	vmin.f32 v8, v55;
	(erf) = vrcp.f32 v20;
	v2 =	vmul.f32 v2, v35;
	v9 =	vld [tilespmem:$0x1FDD0]  }
0x284: {  	v52 =	vmax.f32 v52, $0.0e+00;
	v35 =	vmovc v63;
	v63 =	vmax.f32 v5, v58;
	v20 =	vmax.f32 v53, $0.0e+00  }
0x285: {  	v4 =	vmul.f32 v52, v4;
	v52 =	vmul.f32 v25, v20;
	v25 =	vmovc v5;
	v5 =	vsub.f32 v61, v63;
	v63 =	vld [tilespmem:$0x1FEE0]  }
0x286: {  	v60 =	vpop (erf)  }
0x287: {  	v57 =	vmin.f32 v31, v55;
	v4 =	vmul.f32 v4, v60  }
0x288: {  	v56 =	vbroadcast v14, $0xC;
	v3 =	vmax.f32 v10, v3;
	v33 =	vmax.f32 v9, v50  }
0x289: {  	v2 =	vmax.f32 v15, v2;
	v10 =	vpop (erf);
	v4 =	vmax.f32 v54, v4;
	v53 =	vsub.f32 v27, v33  }
0x28a: {  	[tilespmem:$0x1FCB0] =	vst v2;
	v2 =	vmul.f32 v52, v10;
	v33 =	vmax.f32 v6, v50;
	v27 =	vmin.f32 v63, v51  }
0x28b: {  	v5 =	vmax.f32 v5, $0.0e+00;
	v20 =	vmax.f32 v53, $0.0e+00;
	v59 =	vsub.f32 v27, v33;
	v27 =	vld [tilespmem:$0x1FFE0]  }
0x28c: {  	v50 =	vmax.f32 v26, v50;
	v2 =	vmax.f32 v48, v2;
	v5 =	vmul.f32 v5, v20;
	v33 =	vld [tilespmem:$0x1FF60]  }
0x28d: {  	v60 =	vpop (erf);
	v51 =	vmin.f32 v36, v51;
	v10 =	vmax.f32 v59, $0.0e+00;
	v59 =	vmax.f32 v30, v58  }
0x28e: {  	v50 =	vsub.f32 v51, v50;
	v5 =	vmul.f32 v5, v60;
	v60 =	vsub.f32 v57, v59  }
0x28f: {  	v54 =	vbroadcast v43, $0xC;
	[tilespmem:$0x1FCD0] =	vst v2;
	v2 =	vmax.f32 v44, v58;
	v53 =	vbroadcast v42, $0xC  }
0x290: {  	v50 =	vmax.f32 v50, $0.0e+00;
	v44 =	vadd.f32 v49, v27;
	v51 =	vmax.f32 v60, $0.0e+00  }
0x291: {  	v61 =	vmin.f32 v33, v55;
	v49 =	vadd.f32 v49, v39;
	v50 =	vmul.f32 v51, v50  }
0x292: {  	v20 =	vsub.f32 v61, v2;
	v51 =	vbroadcast v23, $0xC;
	(erf) = vrcp.f32 v44  }
0x293: {  	[tilespmem:$0x1FCC0] =	vst v4;
	v4 =	vmax.f32 v18, v56;
	(erf) = vrcp.f32 v49;
	v49 =	vbroadcast v41, $0xC  }
0x294: {  	v2 =	vmin.f32 v34, v54;
	v52 =	vmax.f32 v20, $0.0e+00;
	v6 =	vmin.f32 v24, v51  }
0x295: {  	v36 =	vmovc v23;
	v48 =	vmul.f32 v52, v10;
	v52 =	vsub.f32 v2, v4;
	v61 =	vadd.f32 v49, v12  }
0x296: {  	v44 =	vmovc v18;
	v18 =	vmin.f32 v19, v54;
	v2 =	vmax.f32 v22, v56;
	v10 =	vadd.f32 v49, v46  }
0x297: {  	v23 =	vmovc v24;
	v20 =	vmovc v62;
	(erf) = vrcp.f32 v61;
	v61 =	vmin.f32 v62, v51;
	v62 =	vmax.f32 v21, v53  }
0x298: {  	v34 =	vmovc v16;
	v57 =	vadd.f32 v49, v16;
	v16 =	vmax.f32 v28, v53;
	v46 =	vsub.f32 v61, v62  }
0x299: {  	v24 =	vmovc v19;
	v19 =	vmax.f32 v29, v56;
	v55 =	vsub.f32 v6, v16;
	v6 =	vsub.f32 v18, v2  }
0x29a: {  	v52 =	vmax.f32 v52, $0.0e+00;
	v16 =	vmax.f32 v1, v53;
	v46 =	vmax.f32 v46, $0.0e+00  }
0x29b: {  	v18 =	vmin.f32 v17, v54;
	(erf) = vrcp.f32 v10;
	v10 =	vpop (erf);
	v52 =	vmul.f32 v52, v46  }
0x29c: {  	v46 =	vmin.f32 v13, v51;
	v48 =	vmul.f32 v48, v10;
	v10 =	vmax.f32 v6, $0.0e+00  }
0x29d: {  	v59 =	vsub.f32 v18, v19;
	v4 =	vpop (erf);
	(erf) = vrcp.f32 v57;
	v58 =	vsub.f32 v46, v16  }
0x29e: {  	v55 =	vmax.f32 v55, $0.0e+00;
	v50 =	vmul.f32 v50, v4  }
0x29f: {  	v16 =	vld [tilespmem:$0x1FFB0];
	v55 =	vmul.f32 v10, v55;
	v6 =	vmax.f32 v58, $0.0e+00;
	v10 =	vmovc v29;
	v29 =	vmax.f32 v59, $0.0e+00  }
0x2a0: {  	v0 =	vmax.f32 v0, v50;
	v50 =	vmul.f32 v29, v6;
	v29 =	vld [tilespmem:$0x1FFC0];
	_ =	sdelay $0x3  }
0x2a1: {  	v60 =	vld [tilespmem:$0x1FC90];
	v57 =	vpop (erf);
	v6 =	vadd.f32 v49, v11;
	v46 =	vadd.f32 v49, v16  }
0x2a2: {  	v62 =	vpop (erf);
	v61 =	vadd.f32 v49, v29  }
0x2a3: {  	v48 =	vmax.f32 v47, v48;
	v47 =	vmul.f32 v55, v62;
	v62 =	vpop (erf);
	(erf) = vrcp.f32 v46  }
0x2a4: {  	v4 =	vmov v17;
	v17 =	vld [tilespmem:$0x1FEC0];
	(erf) = vrcp.f32 v61  }
0x2a5: {  	v46 =	vmovc v11;
	v11 =	vmin.f32 v7, v54;
	(erf) = vrcp.f32 v6;
	v6 =	vmov v7;
	v7 =	vld [tilespmem:$0x1FE40]  }
0x2a6: {  	v5 =	vmax.f32 v60, v5  }
0x2a7: {  	v15 =	vmovc v45;
	v60 =	vmin.f32 v38, v51;
	v18 =	vmin.f32 v45, v54;
	v19 =	vmax.f32 v37, v56  }
0x2a8: {  	v2 =	vmovc v13;
	v13 =	vmov v1;
	v1 =	vmax.f32 v32, v53;
	[tilespmem:$0x1FCE0] =	vst v0;
	v0 =	vmul.f32 v52, v57  }
0x2a9: {  	v45 =	vmovc v37;
	v52 =	vsub.f32 v60, v1;
	v1 =	vmax.f32 v40, v53;
	v37 =	vmin.f32 v17, v51  }
0x2aa: {  	v55 =	vsub.f32 v18, v19;
	v57 =	vsub.f32 v37, v1;
	v19 =	vmax.f32 v7, v56  }
0x2ab: {  	v1 =	vmin.f32 v8, v54;
	v58 =	vsub.f32 v11, v19;
	v11 =	vmax.f32 v25, v56  }
0x2ac: {  	v19 =	vsub.f32 v1, v11  }
0x2ad: {  	v18 =	vmov v40;
	v40 =	vmax.f32 v9, v53;
	v37 =	vmin.f32 v35, v51  }
0x2ae: {  	v59 =	vsub.f32 v37, v40;
	v60 =	vmax.f32 v19, $0.0e+00;
	v19 =	vld [tilespmem:$0x1FCB0]  }
0x2af: {  	v52 =	vmax.f32 v52, $0.0e+00;
	v55 =	vmax.f32 v55, $0.0e+00  }
0x2b0: {  	v52 =	vmul.f32 v55, v52;
	v50 =	vmul.f32 v50, v62;
	v40 =	vmax.f32 v59, $0.0e+00;
	v37 =	vpop (erf)  }
0x2b1: {  	v61 =	vld [tilespmem:$0x1FCA0];
	v25 =	vmax.f32 v57, $0.0e+00;
	v35 =	vmax.f32 v58, $0.0e+00;
	v11 =	vpop (erf);
	v57 =	vmul.f32 v60, v40  }
0x2b2: {  	v55 =	vmul.f32 v35, v25;
	v25 =	vmul.f32 v52, v37;
	v37 =	vpop (erf)  }
0x2b3: {  	v62 =	vmax.f32 v3, v47;
	v1 =	vmax.f32 v19, v50;
	v50 =	vmul.f32 v57, v37;
	v37 =	vld [tilespmem:$0x1FDE0]  }
0x2b4: {  	[tilespmem:$0x1FCF0] =	vst v62;
	v62 =	vadd.f32 v49, v27;
	v57 =	vld [tilespmem:$0x1FCC0]  }
0x2b5: {  	v49 =	vadd.f32 v49, v39  }
0x2b6: {  	v0 =	vmax.f32 v61, v0;
	(erf) = vrcp.f32 v62;
	v58 =	vld [tilespmem:$0x1FCD0]  }
0x2b7: {  	(erf) = vrcp.f32 v49;
	v40 =	vmin.f32 v63, v51;
	v60 =	vmin.f32 v33, v54  }
0x2b8: {  	v3 =	vmul.f32 v55, v11;
	v11 =	vmovc v33;
	v33 =	vmin.f32 v31, v54;
	v54 =	vbroadcast v36, $0xD;
	v19 =	vmovc v26  }
0x2b9: {  	v26 =	vmax.f32 v26, v53;
	[tilespmem:$0x1FD00] =	vst v1;
	v47 =	vmax.f32 v37, v53;
	v1 =	vmax.f32 v57, v25;
	v25 =	vld [tilespmem:$0x1FE60]  }
0x2ba: {  	v53 =	vbroadcast v41, $0xD;
	v57 =	vmax.f32 v30, v56;
	v59 =	vsub.f32 v40, v47;
	v40 =	vld [tilespmem:$0x1FEF0]  }
0x2bb: {  	v55 =	vbroadcast v42, $0xD;
	v3 =	vmax.f32 v58, v3;
	v58 =	vsub.f32 v33, v57  }
0x2bc: {  	[tilespmem:$0x1FD10] =	vst v3;
	v57 =	vbroadcast v14, $0xD;
	v14 =	vld [tilespmem:$0x1FF00];
	v3 =	vmax.f32 v59, $0.0e+00;
	v59 =	vadd.f32 v53, v12  }
0x2bd: {  	v35 =	vmovc v63;
	v5 =	vmax.f32 v5, v50;
	v49 =	vmax.f32 v58, $0.0e+00;
	v58 =	vmax.f32 v28, v55  }
0x2be: {  	v63 =	vmovc v27;
	[tilespmem:$0x1FD20] =	vst v5;
	v33 =	vmovc v44;
	v61 =	vmax.f32 v25, v56;
	(erf) = vrcp.f32 v59;
	v56 =	vbroadcast v43, $0xD  }
0x2bf: {  	v47 =	vmovc v31;
	v5 =	vsub.f32 v60, v61;
	v51 =	vmin.f32 v40, v51;
	v60 =	vmin.f32 v20, v54  }
0x2c0: {  	v31 =	vmovc v20;
	v61 =	vmax.f32 v21, v55;
	v20 =	vmax.f32 v44, v57;
	v44 =	vld [tilespmem:$0x1FF90];
	v27 =	vsub.f32 v51, v26  }
0x2c1: {  	v62 =	vmin.f32 v14, v56;
	v51 =	vmin.f32 v23, v54;
	v5 =	vmax.f32 v5, $0.0e+00  }
0x2c2: {  	v51 =	vsub.f32 v51, v58;
	v50 =	vmax.f32 v27, $0.0e+00;
	v3 =	vmul.f32 v5, v3  }
0x2c3: {  	v27 =	vmin.f32 v24, v56;
	v5 =	vmul.f32 v49, v50;
	v49 =	vsub.f32 v60, v61  }
0x2c4: {  	v26 =	vpop (erf);
	v50 =	vsub.f32 v62, v20;
	v20 =	vmax.f32 v22, v57;
	v61 =	vmin.f32 v4, v56  }
0x2c5: {  	v62 =	vmax.f32 v10, v57;
	v21 =	vadd.f32 v53, v44;
	v3 =	vmul.f32 v3, v26  }
0x2c6: {  	v26 =	vsub.f32 v27, v20;
	v49 =	vmax.f32 v49, $0.0e+00;
	v50 =	vmax.f32 v50, $0.0e+00  }
0x2c7: {  	v4 =	vmax.f32 v32, v55;
	(erf) = vrcp.f32 v21;
	v49 =	vmul.f32 v50, v49  }
0x2c8: {  	v50 =	vmax.f32 v51, $0.0e+00;
	v51 =	vmax.f32 v26, $0.0e+00;
	v26 =	vadd.f32 v53, v34  }
0x2c9: {  	v10 =	vmin.f32 v15, v56;
	v32 =	vadd.f32 v53, v16;
	v20 =	vmin.f32 v2, v54;
	v21 =	vpop (erf)  }
0x2ca: {  	v52 =	vsub.f32 v61, v62;
	v3 =	vmax.f32 v48, v3;
	v48 =	vld [tilespmem:$0x1FCE0];
	v27 =	vpop (erf);
	(erf) = vrcp.f32 v26  }
0x2cb: {  	v2 =	vmin.f32 v38, v54;
	v5 =	vmul.f32 v5, v21;
	v21 =	vmax.f32 v13, v55  }
0x2cc: {  	v58 =	vsub.f32 v2, v4;
	v49 =	vmul.f32 v49, v27;
	v27 =	vsub.f32 v20, v21  }
0x2cd: {  	v2 =	vmax.f32 v18, v55;
	v52 =	vmax.f32 v52, $0.0e+00;
	v20 =	vmax.f32 v45, v57  }
0x2ce: {  	v50 =	vmul.f32 v51, v50;
	v26 =	vsub.f32 v10, v20;
	v51 =	vmax.f32 v27, $0.0e+00  }
0x2cf: {  	v4 =	vadd.f32 v53, v29;
	v48 =	vmax.f32 v48, v5;
	v51 =	vmul.f32 v52, v51  }
0x2d0: {  	v52 =	vmax.f32 v58, $0.0e+00;
	v58 =	vmax.f32 v26, $0.0e+00;
	v26 =	vmax.f32 v7, v57  }
0x2d1: {  	v27 =	vmov v45;
	v45 =	vmin.f32 v17, v54;
	v21 =	vpop (erf);
	(erf) = vrcp.f32 v32  }
0x2d2: {  	v15 =	vmovc v9;
	v20 =	vmovc v17;
	v17 =	vadd.f32 v53, v46;
	v59 =	vsub.f32 v45, v2;
	(erf) = vrcp.f32 v4  }
0x2d3: {  	v2 =	vmax.f32 v9, v55;
	v9 =	vld [tilespmem:$0x1FE50];
	v50 =	vmul.f32 v50, v21;
	v21 =	vmin.f32 v6, v56;
	v29 =	vpop (erf)  }
0x2d4: {  	v32 =	vadd.f32 v53, v63;
	v60 =	vsub.f32 v21, v26;
	v5 =	vmul.f32 v51, v29;
	v29 =	vld [tilespmem:$0x1FED0]  }
0x2d5: {  	(erf) = vrcp.f32 v17;
	v59 =	vmax.f32 v59, $0.0e+00;
	v21 =	vmin.f32 v35, v54  }
0x2d6: {  	(erf) = vrcp.f32 v32;
	v32 =	vmax.f32 v37, v55;
	v61 =	vmax.f32 v60, $0.0e+00  }
0x2d7: {  	v10 =	vmovc v46;
	v46 =	vmul.f32 v58, v52;
	v51 =	vmul.f32 v61, v59;
	v59 =	vsub.f32 v21, v32;
	v32 =	vld [tilespmem:$0x1FCF0]  }
0x2d8: {  	v45 =	vmax.f32 v25, v57;
	v26 =	vmovc v37;
	v37 =	vmin.f32 v11, v56;
	v17 =	vmax.f32 v9, v57  }
0x2d9: {  	v4 =	vmin.f32 v8, v56;
	v60 =	vsub.f32 v37, v45;
	v62 =	vmin.f32 v29, v54  }
0x2da: {  	v58 =	vsub.f32 v4, v17;
	v52 =	vsub.f32 v62, v2;
	v2 =	vpop (erf)  }
0x2db: {  	v60 =	vmax.f32 v60, $0.0e+00;
	v59 =	vmax.f32 v59, $0.0e+00;
	v4 =	vmul.f32 v46, v2;
	v17 =	vpop (erf)  }
0x2dc: {  	v46 =	vmul.f32 v51, v17;
	v51 =	vmax.f32 v32, v50;
	v50 =	vmul.f32 v60, v59;
	v60 =	vld [tilespmem:$0x1FD00];
	_ =	sdelay $0x1  }
0x2dd: {  	v58 =	vmax.f32 v58, $0.0e+00;
	v52 =	vmax.f32 v52, $0.0e+00  }
0x2de: {  	v52 =	vmul.f32 v58, v52  }
0x2df: {  	v21 =	vpop (erf)  }
0x2e0: {  	v37 =	vmul.f32 v52, v21;
	v52 =	vmax.f32 v60, v5;
	v5 =	vld [tilespmem:$0x1FD10]  }
0x2e1: {  	v17 =	vld [tilespmem:$0x1FD20];
	_ =	sdelay $0x1  }
0x2e2: {  	v21 =	vmin.f32 v40, v54;
	_ =	sdelay $0x1  }
0x2e3: {  	v56 =	vmin.f32 v47, v56;
	v32 =	vmax.f32 v19, v55;
	v2 =	vmax.f32 v5, v46  }
0x2e4: {  	[tilespmem:$0x1FD50] =	vst v2;
	v2 =	vmax.f32 v17, v37;
	v37 =	vsub.f32 v21, v32;
	v21 =	vmov v47;
	v47 =	vld [tilespmem:$0x1FD30]  }
0x2e5: {  	v62 =	vadd.f32 v53, v39  }
0x2e6: {  	v49 =	vmax.f32 v0, v49;
	v55 =	vbroadcast v41, $0xE;
	v32 =	vld [tilespmem:$0x1FD80]  }
0x2e7: {  	v0 =	vmax.f32 v1, v4;
	v61 =	vpop (erf);
	(erf) = vrcp.f32 v62;
	v1 =	vbroadcast v36, $0xE  }
0x2e8: {  	v4 =	vbroadcast v42, $0xE;
	[tilespmem:$0x1FD40] =	vst v0;
	v0 =	vmul.f32 v50, v61  }
0x2e9: {  	v57 =	vmax.f32 v30, v57;
	v5 =	vbroadcast v43, $0xE;
	v54 =	vbroadcast v47, $0xE  }
0x2ea: {  	v62 =	vadd.f32 v55, v12;
	v58 =	vmin.f32 v31, v1;
	[tilespmem:$0x1FD60] =	vst v2;
	v2 =	vsub.f32 v56, v57  }
0x2eb: {  	v60 =	vmin.f32 v14, v5;
	v59 =	vmax.f32 v32, v4;
	v61 =	vmax.f32 v33, v54  }
0x2ec: {  	v0 =	vmax.f32 v3, v0;
	v50 =	vmovc v31;
	v3 =	vsub.f32 v58, v59;
	v31 =	vsub.f32 v60, v61  }
0x2ed: {  	(erf) = vrcp.f32 v62;
	v62 =	vadd.f32 v55, v44;
	[tilespmem:$0x1FD70] =	vst v0;
	v0 =	vmax.f32 v37, $0.0e+00  }
0x2ee: {  	v2 =	vmax.f32 v2, $0.0e+00;
	v17 =	vmax.f32 v3, $0.0e+00;
	v3 =	vmax.f32 v31, $0.0e+00  }
0x2ef: {  	v0 =	vmul.f32 v2, v0;
	v2 =	vmul.f32 v3, v17;
	v17 =	vadd.f32 v55, v34  }
0x2f0: {  	(erf) = vrcp.f32 v62;
	v31 =	vadd.f32 v55, v16  }
0x2f1: {  	(erf) = vrcp.f32 v17;
	v17 =	vld [tilespmem:$0x1FF20]  }
0x2f2: {  	v61 =	vpop (erf);
	(erf) = vrcp.f32 v31;
	v31 =	vld [tilespmem:$0x1FE20];
	_ =	sdelay $0x1  }
0x2f3: {  	v45 =	vmov v28;
	v37 =	vmin.f32 v23, v1;
	v60 =	vmax.f32 v28, v4  }
0x2f4: {  	v28 =	vmovc v34;
	v53 =	vsub.f32 v37, v60;
	v37 =	vmax.f32 v22, v54;
	v34 =	vmin.f32 v24, v5  }
0x2f5: {  	v46 =	vmov v14;
	v3 =	vsub.f32 v34, v37;
	v37 =	vld [tilespmem:$0x1FEA0]  }
0x2f6: {  	v14 =	vmovc v44;
	v44 =	vmul.f32 v0, v61;
	v34 =	vld [tilespmem:$0x1FDB0];
	v62 =	vmin.f32 v17, v5;
	v0 =	vmax.f32 v31, v54  }
0x2f7: {  	v57 =	vsub.f32 v62, v0;
	v0 =	vld [tilespmem:$0x1FF30]  }
0x2f8: {  	v41 =	vbroadcast v41, $0xF  }
0x2f9: {  	v42 =	vbroadcast v42, $0xF;
	v43 =	vbroadcast v43, $0xF  }
0x2fa: {  	v58 =	vmin.f32 v38, v1;
	v53 =	vmax.f32 v53, $0.0e+00;
	v61 =	vmax.f32 v13, v4  }
0x2fb: {  	v33 =	vmovc v12;
	v3 =	vmax.f32 v3, $0.0e+00;
	v60 =	vmin.f32 v37, v1;
	v59 =	vmax.f32 v34, v4  }
0x2fc: {  	v12 =	vmovc v27;
	v56 =	vsub.f32 v60, v61;
	v61 =	vmax.f32 v27, v54;
	v60 =	vmin.f32 v0, v5  }
0x2fd: {  	v3 =	vmul.f32 v3, v53;
	v27 =	vpop (erf);
	v58 =	vsub.f32 v58, v59;
	v59 =	vsub.f32 v60, v61  }
0x2fe: {  	v2 =	vmul.f32 v2, v27;
	v27 =	vmax.f32 v56, $0.0e+00;
	v60 =	vmax.f32 v57, $0.0e+00  }
0x2ff: {  	v61 =	vmax.f32 v58, $0.0e+00;
	v57 =	vmin.f32 v20, v1;
	v62 =	vmax.f32 v59, $0.0e+00  }
0x300: {  	v53 =	vmul.f32 v60, v27;
	v27 =	vmax.f32 v18, v4;
	v56 =	vmul.f32 v62, v61;
	v62 =	vld [tilespmem:$0x1FFC0]  }
0x301: {  	v20 =	vmax.f32 v7, v54;
	v57 =	vsub.f32 v57, v27;
	v61 =	vmin.f32 v6, v5;
	v59 =	vpop (erf)  }
0x302: {  	v2 =	vmax.f32 v49, v2;
	v6 =	vmin.f32 v6, v43;
	v20 =	vsub.f32 v61, v20;
	v58 =	vpop (erf)  }
0x303: {  	v57 =	vmax.f32 v57, $0.0e+00;
	v3 =	vmul.f32 v3, v59;
	v53 =	vmul.f32 v53, v58  }
0x304: {  	v27 =	vpop (erf);
	v59 =	vmax.f32 v20, $0.0e+00;
	v20 =	vadd.f32 v55, v10;
	v58 =	vmin.f32 v29, v1  }
0x305: {  	v10 =	vadd.f32 v41, v10;
	v56 =	vmul.f32 v56, v27;
	v27 =	vadd.f32 v55, v62  }
0x306: {  	v57 =	vmul.f32 v59, v57;
	v59 =	vmin.f32 v35, v1;
	v1 =	vmin.f32 v40, v1  }
0x307: {  	v3 =	vmax.f32 v51, v3;
	(erf) = vrcp.f32 v27;
	v27 =	vadd.f32 v55, v63  }
0x308: {  	v55 =	vadd.f32 v55, v39;
	(erf) = vrcp.f32 v20;
	v20 =	vmax.f32 v15, v4  }
0x309: {  	v49 =	vmax.f32 v52, v53;
	v58 =	vsub.f32 v58, v20;
	(erf) = vrcp.f32 v27  }
0x30a: {  	v27 =	vmin.f32 v8, v5;
	v20 =	vmax.f32 v9, v54;
	(erf) = vrcp.f32 v55  }
0x30b: {  	v55 =	vsub.f32 v27, v20;
	v27 =	vmax.f32 v26, v4;
	v4 =	vmax.f32 v19, v4  }
0x30c: {  	v59 =	vsub.f32 v59, v27;
	v27 =	vmax.f32 v25, v54;
	v58 =	vmax.f32 v58, $0.0e+00  }
0x30d: {  	v54 =	vmax.f32 v30, v54;
	v1 =	vsub.f32 v1, v4;
	v20 =	vmovc v26;
	v26 =	vmin.f32 v11, v5  }
0x30e: {  	v5 =	vmin.f32 v21, v5;
	v55 =	vmax.f32 v55, $0.0e+00;
	v60 =	vsub.f32 v26, v27  }
0x30f: {  	v4 =	vsub.f32 v5, v54;
	v54 =	vmul.f32 v55, v58;
	v61 =	vmax.f32 v59, $0.0e+00  }
0x310: {  	v1 =	vmax.f32 v1, $0.0e+00;
	v58 =	vmin.f32 v46, v43;
	v26 =	vmovc v19;
	v19 =	vmax.f32 v60, $0.0e+00  }
0x311: {  	v59 =	vld [tilespmem:$0x1FE00];
	v27 =	vmov v40;
	v4 =	vmax.f32 v4, $0.0e+00;
	v5 =	vpop (erf);
	v55 =	vmul.f32 v19, v61  }
0x312: {  	v19 =	vmax.f32 v48, v44;
	v1 =	vmul.f32 v4, v1;
	v61 =	vadd.f32 v41, v14;
	v40 =	vpop (erf)  }
0x313: {  	v5 =	vmul.f32 v57, v5;
	v57 =	vadd.f32 v41, v33;
	v44 =	vpop (erf);
	v4 =	vmul.f32 v54, v40  }
0x314: {  	v33 =	vadd.f32 v41, v28;
	v40 =	vbroadcast v47, $0xF;
	v48 =	vmul.f32 v55, v44  }
0x315: {  	v54 =	vpop (erf);
	v44 =	vbroadcast v36, $0xF;
	(erf) = vrcp.f32 v57;
	v36 =	vadd.f32 v41, v16  }
0x316: {  	v1 =	vmul.f32 v1, v54;
	v60 =	vmax.f32 v59, v40;
	(erf) = vrcp.f32 v61  }
0x317: {  	v46 =	vmax.f32 v22, v40;
	v61 =	vmin.f32 v17, v43;
	v16 =	vmax.f32 v31, v40  }
0x318: {  	v55 =	vld [tilespmem:$0x1FD40];
	v28 =	vmax.f32 v12, v40;
	v7 =	vmax.f32 v7, v40;
	v50 =	vmin.f32 v50, v44  }
0x319: {  	v51 =	vsub.f32 v58, v60;
	v23 =	vmin.f32 v23, v44;
	(erf) = vrcp.f32 v33  }
0x31a: {  	v47 =	vmin.f32 v37, v44;
	v60 =	vmax.f32 v13, v42;
	v17 =	vsub.f32 v61, v16  }
0x31b: {  	v22 =	vmin.f32 v38, v44;
	v61 =	vmax.f32 v18, v42;
	v16 =	vmin.f32 v29, v44  }
0x31c: {  	v18 =	vadd.f32 v41, v63;
	v29 =	vmin.f32 v11, v43;
	(erf) = vrcp.f32 v36  }
0x31d: {  	v59 =	vld [tilespmem:$0x1FEC0];
	v52 =	vsub.f32 v47, v60;
	v51 =	vmax.f32 v51, $0.0e+00;
	v53 =	vmax.f32 v55, v56  }
0x31e: {  	v56 =	vmax.f32 v32, v42;
	v32 =	vmax.f32 v45, v42;
	v45 =	vmin.f32 v24, v43  }
0x31f: {  	v24 =	vmin.f32 v0, v43;
	v0 =	vadd.f32 v41, v62;
	v41 =	vadd.f32 v41, v39  }
0x320: {  	v52 =	vmax.f32 v52, $0.0e+00;
	v50 =	vsub.f32 v50, v56;
	v54 =	vsub.f32 v23, v32  }
0x321: {  	v55 =	vsub.f32 v45, v46;
	v23 =	vmax.f32 v34, v42;
	v31 =	vsub.f32 v24, v28  }
0x322: {  	v56 =	vmax.f32 v17, $0.0e+00;
	v60 =	vmin.f32 v59, v44;
	v17 =	vmax.f32 v15, v42  }
0x323: {  	v24 =	vmin.f32 v35, v44;
	v28 =	vmax.f32 v20, v42;
	v44 =	vmin.f32 v27, v44  }
0x324: {  	v42 =	vmax.f32 v26, v42;
	v57 =	vsub.f32 v22, v23;
	v36 =	vmul.f32 v56, v52  }
0x325: {  	v52 =	vsub.f32 v6, v7;
	v22 =	vmin.f32 v8, v43;
	v23 =	vmax.f32 v9, v40  }
0x326: {  	v42 =	vsub.f32 v44, v42;
	v43 =	vmin.f32 v21, v43;
	v50 =	vmax.f32 v50, $0.0e+00  }
0x327: {  	v34 =	vld [tilespmem:$0x1FD50];
	v54 =	vmax.f32 v54, $0.0e+00;
	v55 =	vmax.f32 v55, $0.0e+00;
	v58 =	vmax.f32 v31, $0.0e+00  }
0x328: {  	v46 =	vld [tilespmem:$0x1FD60];
	v31 =	vmax.f32 v25, v40;
	v32 =	vpop (erf);
	v57 =	vmax.f32 v57, $0.0e+00;
	(erf) = vrcp.f32 v0  }
0x329: {  	v40 =	vmax.f32 v30, v40;
	v50 =	vmul.f32 v51, v50;
	v33 =	vpop (erf);
	(erf) = vrcp.f32 v10  }
0x32a: {  	v54 =	vmul.f32 v55, v54;
	v51 =	vsub.f32 v60, v61;
	v37 =	vpop (erf);
	(erf) = vrcp.f32 v18  }
0x32b: {  	v55 =	vsub.f32 v16, v17;
	v38 =	vmul.f32 v58, v57;
	v57 =	vpop (erf);
	(erf) = vrcp.f32 v41  }
0x32c: {  	v56 =	vsub.f32 v29, v31;
	v40 =	vsub.f32 v43, v40;
	v42 =	vmax.f32 v42, $0.0e+00  }
0x32d: {  	v58 =	vld [tilespmem:$0x1FD70];
	v5 =	vmax.f32 v34, v5;
	v4 =	vmax.f32 v46, v4;
	v45 =	vmul.f32 v50, v32  }
0x32e: {  	v50 =	vmul.f32 v54, v33;
	v54 =	vsub.f32 v22, v23;
	v32 =	vmax.f32 v51, $0.0e+00  }
0x32f: {  	v33 =	vmax.f32 v52, $0.0e+00;
	v34 =	vmax.f32 v55, $0.0e+00;
	v41 =	vsub.f32 v24, v28  }
0x330: {  	v40 =	vmax.f32 v40, $0.0e+00;
	v47 =	vmul.f32 v36, v37;
	v54 =	vmax.f32 v54, $0.0e+00  }
0x331: {  	v44 =	vmul.f32 v33, v32;
	v36 =	vmul.f32 v54, v34;
	v41 =	vmax.f32 v41, $0.0e+00;
	v35 =	vpop (erf)  }
0x332: {  	p0 =	sne.s32 s18, $0x240;
	v46 =	vmax.f32 v58, v48;
	v48 =	vmul.f32 v38, v57;
	v38 =	vmax.f32 v56, $0.0e+00;
	v37 =	vpop (erf)  }
.Ltmp1:
0x333: {  	v40 =	vmul.f32 v40, v42;
	v52 =	vmax.f32 v2, v45;
	v59 =	vmul.f32 v38, v41;
	v57 =	vpop (erf);
	(pc) =	sbr.rel @p0 .LBB2_5-.Ltmp1, $4  }
0x334: {  	v51 =	vmax.f32 v3, v50;
	v60 =	vmul.f32 v44, v35;
	v61 =	vmul.f32 v36, v37;
	v62 =	vpop (erf)  }
0x335: {  	v58 =	vmax.f32 v19, v1;
	v1 =	vmul.f32 v59, v57;
	v63 =	vmul.f32 v40, v62  }
0x336: {  	v50 =	vmax.f32 v49, v47;
	v49 =	vmax.f32 v53, v48;
	v48 =	vmax.f32 v5, v60  }
0x337: {  	s18 =	sadd.s32 $0x40, s18;
	v47 =	vmax.f32 v4, v61;
	v46 =	vmax.f32 v46, v1;
	v14 =	vmax.f32 v58, v63  }
0x338: {  	s17 =	sadd.s32 $0x1, s17  }
0x339: {  	p0 =	sne.s32 s17, $0x8  }
.Ltmp2:
0x33a: {  	_ = 	snop;
	(pc) =	sbr.rel @p0 .LBB2_4-.Ltmp2, $1  }
0x33b: {  	_ =	sdelay $0x3  }
0x33c: {  	v0 =	vmax.f32 v52, v51  }
0x33d: {  	v0 =	vmax.f32 v0, v50  }
0x33e: {  	v0 =	vmax.f32 v0, v49  }
0x33f: {  	v0 =	vmax.f32 v0, v48  }
0x340: {  	v0 =	vmax.f32 v0, v47  }
0x341: {  	s16 =	sadd.s32 $0x1, s16;
	v0 =	vmax.f32 v0, v46  }
0x342: {  	p0 =	sne.s32 s16, s9;
	v0 =	vmax.f32 v0, v14  }
.Ltmp3:
0x343: {  	[tilespmem:$0x1900] =	vst v0;
	(pc) =	sbr.rel @p0 .LBB2_1-.Ltmp3, $4  }
0x344: {  	[hbm4b:s8+s2] =	stream.linear.scatter [tilespmem:s15], [sflag:$0x1], $0x80, $0x38;
	[tilespmem:$0x1980] =	vst v63  }
0x345: {  	_ =	swait.ge [sflag:s10], $0x80  }
0x346: {  	[sflag:s10] =	ssyncset.done $0x0  }
0x347: {  	[sflag:s10] =	ssyncadd.s32 $0xFFFFFF80  }
0x348: {  	_ =	sfence.sel $0x180000  }
0x349: {  	[bflag:$0x0] =	sbarrier.arrive $0xFFFF  }
0x34a: {  	p0 =	sne.s32 s0, $0x0;
	_ =	strace $0x90000047  }
0x34b: {  	s0 =	sadd.s32 @!p0 $0x100000, s1;
	[bflag:$0x2] =	sbarrier.arrive $0xFFFF  }
0x34c: {  	[sflag:s0] =	ssyncadd.tile.s32 @!p0 $0x1;
	_ =	shalt  }
.Lfunc_end2:
_tile_overlayer_lowered:
.L_overlay_start_2:
0x34d: {  	(tag) =	ssettag $0x2  }
0x34e: {  	s0 =	rddreg [dreg:$0x0];
	s2 =	stileid.u32  }
0x34f: {  	s1 =	rddreg [dreg:$0x1];
	p0 =	sne.s32 s2, $0x0  }
0x350: {  	s3 =	rddreg [dreg:$0x2];
	[bflag:$0x3] =	sbarrier.arrive $0xFFFF;
	s2 =	simm.s32 @!p0 $0x1C01  }
0x351: {  	[timem:s3], [sflag:s2] =	dma.local @!p0 [hbm:s0], s1  }
0x352: {  	s0 =	simm.s32 @!p0 $0x1  }
0x353: {  	_ =	swait.ge @!p0 [sflag:s0], s1  }
0x354: {  	s1 =	ssub.s32 @!p0 $0x0, s1;
	[sflag:s0] =	ssyncset.done @!p0 $0x0  }
0x355: {  	[sflag:s0] =	ssyncadd.s32 @!p0 s1  }
0x356: {  	[bflag:$0x3] =	sbarrier.arrive $0xFFFF  }
0x357: {  	_ =	shalt  }

</sc_bundles>
